<compile_context>
chip_gen: v7x
topology: tpu7x:2x2x1
jax: 0.10.2.dev20260603
libtpu: 0.0.44.dev20260713+nightly
codegen_flags: <defaults>
</compile_context>

<pallas_src>
import functools

import jax
import jax.numpy as jnp
from jax import lax
from jax.experimental import pallas as pl
from jax.experimental.pallas import tpu as pltpu
from jax.experimental.pallas import tpu_sc as plsc

N = 10000
E = 320000
IN_DIM = 128
H0_DIM = 128
H1_DIM = 64
K_CAT = 7
H2_DIM = 32
B_PAIRS = 16384

NC = 2
NS = 16
NW = NC * NS
EPT = E // NW
CHUNK = 80
NCHUNK = EPT // CHUNK
NBUF = 4
ROW_BASE = 624

_mesh = plsc.VectorSubcoreMesh(core_axis_name="c", subcore_axis_name="s")


def _tile_coords():
    c = lax.axis_index("c")
    s = lax.axis_index("s")
    return c, s


@functools.partial(
    pl.kernel,
    out_type=jax.ShapeDtypeStruct((NC, N), jnp.float32),
    mesh=_mesh,
    scratch_types=[
        pltpu.VMEM((NCHUNK, CHUNK), jnp.int32),
        pltpu.VMEM((CHUNK,), jnp.float32),
        pltpu.VMEM((16,), jnp.float32),
        pltpu.VMEM_SHARED((N,), jnp.float32),
    ] + [pltpu.SemaphoreType.DMA] * 5,
)
def _deg_kernel(dst_hbm, out_hbm, idx_v, ones_v, st_v, acc_sh, *sems):
    c, s = _tile_coords()
    w = c * NS + s
    for i in range(CHUNK // 16):
        ones_v[pl.ds(i * 16, 16)] = jnp.ones((16,), jnp.float32)
    st_v[...] = jnp.zeros((16,), jnp.float32)
    row0 = s * ROW_BASE
    n16 = jnp.where(s == NS - 1, 40, 39)

    def zero(k, _):
        pltpu.sync_copy(st_v, acc_sh.at[pl.ds(row0 + k * 16, 16)])
        return 0

    lax.fori_loop(0, n16, zero, 0)
    pltpu.sync_copy(dst_hbm.at[w], idx_v)
    plsc.subcore_barrier()

    def body(g, _):
        for b in range(5):
            pltpu.async_copy(ones_v, acc_sh.at[idx_v.at[g * 5 + b]],
                             sems[b], add=True)
        for b in range(5):
            pltpu.make_async_copy(ones_v, acc_sh.at[idx_v.at[0]],
                                  sems[b]).wait()
        return 0

    lax.fori_loop(0, NCHUNK // 5, body, 0)
    plsc.subcore_barrier()

    def export(k, _):
        off = row0 + k * 16
        pltpu.sync_copy(acc_sh.at[pl.ds(off, 16)], st_v)
        pltpu.sync_copy(st_v, out_hbm.at[c, pl.ds(off, 16)])
        return 0

    lax.fori_loop(0, n16, export, 0)


def _make_edge_pass(D):
    params = (None if D % 128 == 0
              else pltpu.CompilerParams(use_tc_tiling_on_sc=False))

    @functools.partial(
        pl.kernel,
        out_type=jax.ShapeDtypeStruct((NC, N, D), jnp.float32),
        mesh=_mesh,
        compiler_params=params,
        scratch_types=[
            pltpu.VMEM((NBUF, CHUNK), jnp.int32),
            pltpu.VMEM((NBUF, CHUNK), jnp.int32),
            pltpu.VMEM((NBUF, CHUNK, D), jnp.float32),
            pltpu.VMEM((8, D), jnp.float32),
            pltpu.VMEM_SHARED((N, D), jnp.float32),
        ] + [pltpu.SemaphoreType.DMA] * (2 * NBUF),
    )
    def edge_pass(tab_hbm, src_hbm, dst_hbm, out_hbm,
                  src_v, dst_v, rows_v, st_v, acc_sh, *sems):
        gsems, isems = sems[:NBUF], sems[NBUF:]
        c, s = _tile_coords()
        w = c * NS + s
        for i in range(8 * D // 16):
            st_v[i // (D // 16), pl.ds((i % (D // 16)) * 16, 16)] = (
                jnp.zeros((16,), jnp.float32))
        row0 = s * ROW_BASE
        n8 = jnp.where(s == NS - 1, 80, 78)

        def zero(k, _):
            pltpu.sync_copy(st_v, acc_sh.at[pl.ds(row0 + k * 8, 8)])
            return 0

        lax.fori_loop(0, n8, zero, 0)
        plsc.subcore_barrier()

        def idx_load(j, b):
            pltpu.async_copy(src_hbm.at[w, j], src_v.at[b], isems[b])
            pltpu.async_copy(dst_hbm.at[w, j], dst_v.at[b], isems[b])

        def idx_wait(b):
            pltpu.make_async_copy(src_hbm.at[w, 0], src_v.at[b],
                                  isems[b]).wait()
            pltpu.make_async_copy(dst_hbm.at[w, 0], dst_v.at[b],
                                  isems[b]).wait()

        def gather(j_slot, b):
            pltpu.async_copy(tab_hbm.at[src_v.at[j_slot]], rows_v.at[j_slot],
                             gsems[j_slot])

        for b in range(NBUF):
            idx_load(b, b)
        for b in range(3):
            idx_wait(b)
            gather(b, b)

        def body(g, _):
            for b in range(NBUF):
                i = g * NBUF + b
                bg = (b + 3) % NBUF
                pltpu.make_async_copy(tab_hbm.at[src_v.at[0]], rows_v.at[b],
                                      gsems[b]).wait()
                pltpu.sync_copy(rows_v.at[b], acc_sh.at[dst_v.at[b]],
                                add=True)

                @pl.when(i + NBUF < NCHUNK)
                def _():
                    idx_load(i + NBUF, b)

                @pl.when(i + 3 < NCHUNK)
                def _():
                    idx_wait(bg)
                    gather(bg, bg)
            return 0

        lax.fori_loop(0, NCHUNK // NBUF, body, 0)
        tb = (NCHUNK - 1) % NBUF
        pltpu.make_async_copy(tab_hbm.at[src_v.at[0]], rows_v.at[tb],
                              gsems[tb]).wait()
        pltpu.sync_copy(rows_v.at[tb], acc_sh.at[dst_v.at[tb]], add=True)
        plsc.subcore_barrier()

        def export(k, _):
            off = row0 + k * 8
            pltpu.sync_copy(acc_sh.at[pl.ds(off, 8)], st_v)
            pltpu.sync_copy(st_v, out_hbm.at[c, pl.ds(off, 8)])
            return 0

        lax.fori_loop(0, n8, export, 0)

    return edge_pass


_edge_pass_128 = _make_edge_pass(H0_DIM)
_edge_pass_64 = _make_edge_pass(H1_DIM)


PPT = B_PAIRS // NW
PCHUNK = 128


@functools.partial(
    pl.kernel,
    out_type=[jax.ShapeDtypeStruct((B_PAIRS, H1_DIM), jnp.float32),
              jax.ShapeDtypeStruct((B_PAIRS, H1_DIM), jnp.float32)],
    mesh=_mesh,
    compiler_params=pltpu.CompilerParams(use_tc_tiling_on_sc=False),
    scratch_types=[
        pltpu.VMEM((PCHUNK,), jnp.int32),
        pltpu.VMEM((PCHUNK,), jnp.int32),
        pltpu.VMEM((PCHUNK, H1_DIM), jnp.float32),
        pltpu.VMEM((PCHUNK, H1_DIM), jnp.float32),
        pltpu.SemaphoreType.DMA,
        pltpu.SemaphoreType.DMA,
    ],
)
def _pair_gather(tab_hbm, p0_hbm, p1_hbm, r0_hbm, r1_hbm,
                 i0_v, i1_v, rows0_v, rows1_v, sem0, sem1):
    c, s = _tile_coords()
    base = (c * NS + s) * PPT

    def body(i, _):
        off = base + i * PCHUNK
        pltpu.sync_copy(p0_hbm.at[pl.ds(off, PCHUNK)], i0_v)
        pltpu.sync_copy(p1_hbm.at[pl.ds(off, PCHUNK)], i1_v)
        g0 = pltpu.async_copy(tab_hbm.at[i0_v], rows0_v, sem0)
        g1 = pltpu.async_copy(tab_hbm.at[i1_v], rows1_v, sem1)
        g0.wait()
        pltpu.sync_copy(rows0_v, r0_hbm.at[pl.ds(off, PCHUNK)])
        g1.wait()
        pltpu.sync_copy(rows1_v, r1_hbm.at[pl.ds(off, PCHUNK)])
        return 0

    lax.fori_loop(0, PPT // PCHUNK, body, 0)


def _dinv_tc(deg2):
    def body(deg_ref, dinv_ref):
        deg = deg_ref[0, :] + deg_ref[1, :]
        safe = jnp.maximum(deg, 1.0)
        dinv_ref[...] = jnp.where(deg > 0, 1.0 / jnp.sqrt(safe), 0.0)

    return pl.pallas_call(
        body, out_shape=jax.ShapeDtypeStruct((N,), jnp.float32))(deg2)


_GB = 1000


def _proj_scale_tc(x, W, dinv_col):
    def body(x_ref, w_ref, dv_ref, o_ref):
        o_ref[...] = dv_ref[...] * jnp.dot(
            x_ref[...], w_ref[...], preferred_element_type=jnp.float32)

    return pl.pallas_call(
        body,
        grid=(N // _GB,),
        in_specs=[
            pl.BlockSpec((_GB, IN_DIM), lambda i: (i, 0)),
            pl.BlockSpec((IN_DIM, H0_DIM), lambda i: (0, 0)),
            pl.BlockSpec((_GB, 1), lambda i: (i, 0)),
        ],
        out_specs=pl.BlockSpec((_GB, H0_DIM), lambda i: (i, 0)),
        out_shape=jax.ShapeDtypeStruct((N, H0_DIM), jnp.float32),
    )(x, W, dinv_col)


def _mid_tc(pparts, dinv_col, b_pe, W_se):
    def body(p_ref, dv_ref, b_ref, w_ref, o_ref):
        agg = dv_ref[...] * (p_ref[0] + p_ref[1])
        h1 = jnp.maximum(agg + b_ref[...], 0.0)
        o_ref[...] = dv_ref[...] * jnp.dot(
            h1, w_ref[...], preferred_element_type=jnp.float32)

    return pl.pallas_call(
        body,
        grid=(N // _GB,),
        in_specs=[
            pl.BlockSpec((NC, _GB, H0_DIM), lambda i: (0, i, 0)),
            pl.BlockSpec((_GB, 1), lambda i: (i, 0)),
            pl.BlockSpec((H0_DIM,), lambda i: (0,)),
            pl.BlockSpec((H0_DIM, H1_DIM), lambda i: (0, 0)),
        ],
        out_specs=pl.BlockSpec((_GB, H1_DIM), lambda i: (i, 0)),
        out_shape=jax.ShapeDtypeStruct((N, H1_DIM), jnp.float32),
    )(pparts, dinv_col, b_pe, W_se)


def _final_node_tc(qparts, dinv_col, b_se):
    def body(q_ref, dv_ref, b_ref, o_ref):
        agg = dv_ref[...] * (q_ref[0] + q_ref[1])
        o_ref[...] = jnp.maximum(agg + b_ref[...], 0.0)

    return pl.pallas_call(
        body,
        grid=(N // _GB,),
        in_specs=[
            pl.BlockSpec((NC, _GB, H1_DIM), lambda i: (0, i, 0)),
            pl.BlockSpec((_GB, 1), lambda i: (i, 0)),
            pl.BlockSpec((H1_DIM,), lambda i: (0,)),
        ],
        out_specs=pl.BlockSpec((_GB, H1_DIM), lambda i: (i, 0)),
        out_shape=jax.ShapeDtypeStruct((N, H1_DIM), jnp.float32),
    )(qparts, dinv_col, b_se)


_BB = 2048


def _head_tc(r0, r1, g, W_log, b_log, W_h, b_h, W_c1, b_c1, W_c2, b_c2):
    def body(r0_ref, r1_ref, g_ref, wl, bl, wh, bh, wc1, bc1, wc2, bc2,
             out_ref, h0_ref, z_ref):
        hadd = r0_ref[...] + r1_ref[...]
        logits = jnp.dot(hadd, wl[...],
                         preferred_element_type=jnp.float32) + bl[...]
        sm = (logits + g_ref[...]) * 2.0
        m = jnp.max(sm, axis=-1, keepdims=True)
        e = jnp.exp(sm - m)
        z = e / jnp.sum(e, axis=-1, keepdims=True)
        H0 = jnp.dot(z, wh[...], preferred_element_type=jnp.float32) + bh[...]
        t = jnp.maximum(
            jnp.dot(H0, wc1[...], preferred_element_type=jnp.float32)
            + bc1[...], 0.0)
        out_ref[...] = jnp.dot(
            t, wc2[...], preferred_element_type=jnp.float32) + bc2[...]
        h0_ref[...] = H0
        z_ref[...] = z

    full = lambda *shape: pl.BlockSpec(shape, lambda i: (0,) * len(shape))
    return pl.pallas_call(
        body,
        grid=(B_PAIRS // _BB,),
        in_specs=[
            pl.BlockSpec((_BB, H1_DIM), lambda i: (i, 0)),
            pl.BlockSpec((_BB, H1_DIM), lambda i: (i, 0)),
            pl.BlockSpec((_BB, K_CAT), lambda i: (i, 0)),
            full(H1_DIM, K_CAT), full(K_CAT),
            full(K_CAT, H2_DIM), full(H2_DIM),
            full(H2_DIM, H2_DIM // 2), full(H2_DIM // 2),
            full(H2_DIM // 2, K_CAT), full(K_CAT),
        ],
        out_specs=[
            pl.BlockSpec((_BB, K_CAT), lambda i: (i, 0)),
            pl.BlockSpec((_BB, H2_DIM), lambda i: (i, 0)),
            pl.BlockSpec((_BB, K_CAT), lambda i: (i, 0)),
        ],
        out_shape=[
            jax.ShapeDtypeStruct((B_PAIRS, K_CAT), jnp.float32),
            jax.ShapeDtypeStruct((B_PAIRS, H2_DIM), jnp.float32),
            jax.ShapeDtypeStruct((B_PAIRS, K_CAT), jnp.float32),
        ],
    )(r0, r1, g, W_log, b_log, W_h, b_h, W_c1, b_c1, W_c2, b_c2)


def kernel(x, edge_index, node_pair, W_pe, b_pe, W_se, b_se, W_log, b_log,
           W_h, b_h, W_c1, b_c1, W_c2, b_c2):
    src2 = edge_index[0].astype(jnp.int32).reshape(NW, NCHUNK, CHUNK)
    dst2 = edge_index[1].astype(jnp.int32).reshape(NW, NCHUNK, CHUNK)
    p0 = node_pair[:, 0].astype(jnp.int32)
    p1 = node_pair[:, 1].astype(jnp.int32)

    deg2 = _deg_kernel(dst2)
    dinv = _dinv_tc(deg2)
    dinv_col = dinv.reshape(N, 1)

    xps = _proj_scale_tc(x, W_pe, dinv_col)
    pparts = _edge_pass_128(xps, src2, dst2)
    hs = _mid_tc(pparts, dinv_col, b_pe, W_se)
    qparts = _edge_pass_64(hs, src2, dst2)
    h2 = _final_node_tc(qparts, dinv_col, b_se)
    r0, r1 = _pair_gather(h2, p0, p1)

    u = jax.random.uniform(jax.random.key(42), (B_PAIRS, K_CAT),
                           dtype=jnp.float32)
    g = -jnp.log(-jnp.log(u + 1e-20) + 1e-20)

    out, H0, z = _head_tc(r0, r1, g, W_log, b_log, W_h, b_h,
                          W_c1, b_c1, W_c2, b_c2)
    return (out, H0, z)

# --- scband reference (transcript-rebuilt; emitter-appended) ---
"""Pipeline reference for scband-mrvaeda-30631706755724 (READ-ONLY COPY).

The authoritative reference and input builder live on the scoring server;
editing this copy changes nothing except your own understanding.
"""

import jax, jax.numpy as jnp
import numpy as np

N_NODES = 10000
N_EDGES = 320000
IN_DIM = 128
H0_DIM = 128
H1_DIM = 64
H2_DIM = 32
K_CAT = 7
B_PAIRS = 16384
TEMP = 0.5


def _gcn_conv(x, edge_index, W, b, n_nodes):
    # GCN-style symmetric-normalized message passing (gather -> scale -> scatter-add -> linear)
    src = edge_index[0]
    dst = edge_index[1]
    deg = jnp.zeros((n_nodes,), dtype=x.dtype).at[dst].add(1.0)
    dinv = jnp.where(deg > 0, 1.0 / jnp.sqrt(jnp.maximum(deg, 1.0)), 0.0)
    norm = dinv[src] * dinv[dst]
    msgs = x[src] * norm[:, None]
    agg = jnp.zeros((n_nodes, x.shape[1]), dtype=x.dtype).at[dst].add(msgs)
    return agg @ W + b


def setup_inputs(seed: int = 0) -> dict:
    key = jax.random.key(seed)
    ks = jax.random.split(key, 16)
    x = jax.random.normal(ks[0], (N_NODES, IN_DIM), dtype=jnp.float32)
    edge_index = jax.random.randint(ks[1], (2, N_EDGES), 0, N_NODES, dtype=jnp.int64)
    node_pair = jax.random.randint(ks[2], (B_PAIRS, 2), 0, N_NODES, dtype=jnp.int64)
    s = lambda k, shape, fan_in: jax.random.normal(k, shape, dtype=jnp.float32) * (1.0 / np.sqrt(fan_in))
    W_pe = s(ks[3], (IN_DIM, H0_DIM), IN_DIM)
    b_pe = jnp.zeros((H0_DIM,), dtype=jnp.float32)
    W_se = s(ks[4], (H0_DIM, H1_DIM), H0_DIM)
    b_se = jnp.zeros((H1_DIM,), dtype=jnp.float32)
    W_log = s(ks[5], (H1_DIM, K_CAT), H1_DIM)
    b_log = jnp.zeros((K_CAT,), dtype=jnp.float32)
    W_h = s(ks[6], (K_CAT, H2_DIM), K_CAT)
    b_h = jnp.zeros((H2_DIM,), dtype=jnp.float32)
    W_c1 = s(ks[7], (H2_DIM, H2_DIM // 2), H2_DIM)
    b_c1 = jnp.zeros((H2_DIM // 2,), dtype=jnp.float32)
    W_c2 = s(ks[8], (H2_DIM // 2, K_CAT), H2_DIM // 2)
    b_c2 = jnp.zeros((K_CAT,), dtype=jnp.float32)
    return {
        "x": x, "edge_index": edge_index, "node_pair": node_pair,
        "W_pe": W_pe, "b_pe": b_pe, "W_se": W_se, "b_se": b_se,
        "W_log": W_log, "b_log": b_log, "W_h": W_h, "b_h": b_h,
        "W_c1": W_c1, "b_c1": b_c1, "W_c2": W_c2, "b_c2": b_c2,
    }


def reference(x, edge_index, node_pair, W_pe, b_pe, W_se, b_se, W_log, b_log, W_h, b_h, W_c1, b_c1, W_c2, b_c2):
    # domain='source', mode='link', rate unused
    h = jax.nn.relu(_gcn_conv(x, edge_index, W_pe, b_pe, N_NODES))        # private_encoder_source
    h = jax.nn.relu(_gcn_conv(h, edge_index, W_se, b_se, N_NODES))        # shared_encoder
    hadd = h[node_pair[:, 0]] + h[node_pair[:, 1]]                        # pairwise node gather + add
    logits = hadd @ W_log + b_log                                         # VI_relearn: categorical logits
    gkey = jax.random.key(42)
    u = jax.random.uniform(gkey, logits.shape, dtype=logits.dtype)
    g = -jnp.log(-jnp.log(u + 1e-20) + 1e-20)
    z = jax.nn.softmax((logits + g) / TEMP, axis=-1)                      # gumbel-softmax, temp=0.5
    H0 = z @ W_h + b_h
    out = jax.nn.relu(H0 @ W_c1 + b_c1) @ W_c2 + b_c2                     # relation_classifier (mode='link')
    return (out, H0, z)

if __name__ == "__main__":
    import jax
    _d = setup_inputs()
    print(jax.jit(kernel)(*tuple(_d.values())))

</pallas_src>

<mosaic_0001>
#map = affine_map<(d0, d1) -> (0, 0, 0)>
#map1 = affine_map<(d0, d1) -> (0, 0)>
module attributes {stable_mosaic.version = 14 : i64} {
  func.func @_deg_kernel(%arg0: i32, %arg1: i32, %arg2: memref<32x125x80xi32, #tpu.memory_space<hbm>>, %arg3: memref<2x10000xf32, #tpu.memory_space<hbm>>, %arg4: memref<125x80xi32, #tpu.memory_space<vmem>>, %arg5: memref<80xf32, #tpu.memory_space<vmem>>, %arg6: memref<16xf32, #tpu.memory_space<vmem>>, %arg7: memref<10000xf32, #tpu.memory_space<vmem_shared>>, %arg8: memref<!tpu.dma_semaphore, #tpu.memory_space<semaphore_mem>>, %arg9: memref<!tpu.dma_semaphore, #tpu.memory_space<semaphore_mem>>, %arg10: memref<!tpu.dma_semaphore, #tpu.memory_space<semaphore_mem>>, %arg11: memref<!tpu.dma_semaphore, #tpu.memory_space<semaphore_mem>>, %arg12: memref<!tpu.dma_semaphore, #tpu.memory_space<semaphore_mem>>) attributes {dimension_semantics = [#tpu.dimension_semantics<core_parallel>, #tpu.dimension_semantics<subcore_parallel>], iteration_bounds = array<i64: 2, 16>, scalar_prefetch = 0 : i64, scratch_operands = 9 : i64, tpu.core_type = #tpu.core_type<sc_vector_subcore>, window_params = [{transform_indices = #map}, {transform_indices = #map1}]} {
    %mul3A = arith.constant 16 : i32
    %mul3A_0 = arith.muli %arg0, %mul3A : i32
    %add3A = arith.addi %mul3A_0, %arg1 : i32
    %broadcast_in_dim3A = arith.constant 1.000000e+00 : f32
    %broadcast_in_dim3A_1 = vector.broadcast %broadcast_in_dim3A : f32 to vector<16xf32>
    %swap3A = arith.constant 0 : index
    %swap3A_2 = tpu.vector_load %arg5[%swap3A] {strides = array<i32>} : memref<80xf32, #tpu.memory_space<vmem>>, vector<16xf32>,
    %swap3A_3 = vector.shape_cast %swap3A_2 : vector<16xf32> to vector<16xf32>
    %swap3A_4 = vector.shape_cast %broadcast_in_dim3A_1 : vector<16xf32> to vector<16xf32>
    tpu.vector_store %arg5[%swap3A], %swap3A_4 {strides = array<i32>} : memref<80xf32, #tpu.memory_space<vmem>>, vector<16xf32>,
    %broadcast_in_dim3A_5 = arith.constant 1.000000e+00 : f32
    %broadcast_in_dim3A_6 = vector.broadcast %broadcast_in_dim3A_5 : f32 to vector<16xf32>
    %swap3A_7 = arith.constant 16 : index
    %swap3A_8 = tpu.vector_load %arg5[%swap3A_7] {strides = array<i32>} : memref<80xf32, #tpu.memory_space<vmem>>, vector<16xf32>,
    %swap3A_9 = vector.shape_cast %swap3A_8 : vector<16xf32> to vector<16xf32>
    %swap3A_10 = vector.shape_cast %broadcast_in_dim3A_6 : vector<16xf32> to vector<16xf32>
    tpu.vector_store %arg5[%swap3A_7], %swap3A_10 {strides = array<i32>} : memref<80xf32, #tpu.memory_space<vmem>>, vector<16xf32>,
    %broadcast_in_dim3A_11 = arith.constant 1.000000e+00 : f32
    %broadcast_in_dim3A_12 = vector.broadcast %broadcast_in_dim3A_11 : f32 to vector<16xf32>
    %swap3A_13 = arith.constant 32 : index
    %swap3A_14 = tpu.vector_load %arg5[%swap3A_13] {strides = array<i32>} : memref<80xf32, #tpu.memory_space<vmem>>, vector<16xf32>,
    %swap3A_15 = vector.shape_cast %swap3A_14 : vector<16xf32> to vector<16xf32>
    %swap3A_16 = vector.shape_cast %broadcast_in_dim3A_12 : vector<16xf32> to vector<16xf32>
    tpu.vector_store %arg5[%swap3A_13], %swap3A_16 {strides = array<i32>} : memref<80xf32, #tpu.memory_space<vmem>>, vector<16xf32>,
    %broadcast_in_dim3A_17 = arith.constant 1.000000e+00 : f32
    %broadcast_in_dim3A_18 = vector.broadcast %broadcast_in_dim3A_17 : f32 to vector<16xf32>
    %swap3A_19 = arith.constant 48 : index
    %swap3A_20 = tpu.vector_load %arg5[%swap3A_19] {strides = array<i32>} : memref<80xf32, #tpu.memory_space<vmem>>, vector<16xf32>,
    %swap3A_21 = vector.shape_cast %swap3A_20 : vector<16xf32> to vector<16xf32>
    %swap3A_22 = vector.shape_cast %broadcast_in_dim3A_18 : vector<16xf32> to vector<16xf32>
    tpu.vector_store %arg5[%swap3A_19], %swap3A_22 {strides = array<i32>} : memref<80xf32, #tpu.memory_space<vmem>>, vector<16xf32>,
    %broadcast_in_dim3A_23 = arith.constant 1.000000e+00 : f32
    %broadcast_in_dim3A_24 = vector.broadcast %broadcast_in_dim3A_23 : f32 to vector<16xf32>
    %swap3A_25 = arith.constant 64 : index
    %swap3A_26 = tpu.vector_load %arg5[%swap3A_25] {strides = array<i32>} : memref<80xf32, #tpu.memory_space<vmem>>, vector<16xf32>,
    %swap3A_27 = vector.shape_cast %swap3A_26 : vector<16xf32> to vector<16xf32>
    %swap3A_28 = vector.shape_cast %broadcast_in_dim3A_24 : vector<16xf32> to vector<16xf32>
    tpu.vector_store %arg5[%swap3A_25], %swap3A_28 {strides = array<i32>} : memref<80xf32, #tpu.memory_space<vmem>>, vector<16xf32>,
    %broadcast_in_dim3A_29 = arith.constant 0.000000e+00 : f32
    %broadcast_in_dim3A_30 = vector.broadcast %broadcast_in_dim3A_29 : f32 to vector<16xf32>
    %swap3A_31 = arith.constant 0 : index
    %swap3A_32 = tpu.vector_load %arg6[%swap3A_31] {strides = array<i32>} : memref<16xf32, #tpu.memory_space<vmem>>, vector<16xf32>,
    %swap3A_33 = vector.shape_cast %swap3A_32 : vector<16xf32> to vector<16xf32>
    %swap3A_34 = vector.shape_cast %broadcast_in_dim3A_30 : vector<16xf32> to vector<16xf32>
    tpu.vector_store %arg6[%swap3A_31], %swap3A_34 {strides = array<i32>} : memref<16xf32, #tpu.memory_space<vmem>>, vector<16xf32>,
    %mul3A_35 = arith.constant 624 : i32
    %mul3A_36 = arith.muli %arg1, %mul3A_35 : i32
    %eq3A = arith.constant 15 : i32
    %eq3A_37 = arith.cmpi eq, %arg1, %eq3A : i32
    %jit3A = arith.constant 40 : i32
    %jit3A_38 = arith.constant 39 : i32
    %select_n3A = arith.select %eq3A_37, %jit3A, %jit3A_38 : i32
    %while3A = arith.constant 0 : i32
    %while3A_39 = arith.constant 0 : i32
    %while3A_40 = arith.subi %select_n3A, %while3A : i32
    %while3A_41 = arith.addi %while3A, %while3A_40 : i32
    %while3A_42 = arith.constant 1 : i32
    %while3A_43 = arith.divsi %while3A_40, %while3A_42 : i32
    %while3A_44 = arith.muli %while3A_43, %while3A_42 : i32
    %while3A_45 = arith.addi %while3A, %while3A_44 : i32
    %while3A_46 = arith.constant 1 : i32
    %while3A_47 = scf.for %while3A_69 = %while3A to %while3A_45 step %while3A_46 iter_args(%while3A_70 = %while3A_39) -> (i32)  : i32 {
      %mul3A_71 = arith.constant 16 : i32
      %mul3A_72 = arith.muli %while3A_69, %mul3A_71 : i32
      %add3A_73 = arith.addi %mul3A_36, %mul3A_72 : i32
      "tpu.region"() ({
        %run_scoped3A = tpu.sem_alloc : memref<!tpu.dma_semaphore, #tpu.memory_space<semaphore_mem>>
        %dma_start3A = tpu.memref_slice %arg7[%add3A_73] : memref<10000xf32, #tpu.memory_space<vmem_shared>> -> memref<16xf32, #tpu.memory_space<vmem_shared>>
        %dma_start3A_75 = tpu.memref_slice %arg7[%add3A_73] : memref<10000xf32, #tpu.memory_space<vmem_shared>> -> memref<16xf32, #tpu.memory_space<vmem_shared>>
        tpu.enqueue_dma source(%arg6 : memref<16xf32, #tpu.memory_space<vmem>>) target(%dma_start3A_75 : memref<16xf32, #tpu.memory_space<vmem_shared>>) target_semaphore(%run_scoped3A : memref<!tpu.dma_semaphore, #tpu.memory_space<semaphore_mem>>)
        %dma_wait3A = tpu.memref_slice %arg7[%add3A_73] : memref<10000xf32, #tpu.memory_space<vmem_shared>> -> memref<16xf32, #tpu.memory_space<vmem_shared>>
        %dma_wait3A_76 = tpu.memref_slice %arg7[%add3A_73] : memref<10000xf32, #tpu.memory_space<vmem_shared>> -> memref<16xf32, #tpu.memory_space<vmem_shared>>
        tpu.wait_dma2 semaphore(%run_scoped3A : memref<!tpu.dma_semaphore, #tpu.memory_space<semaphore_mem>>) src(%arg6 : memref<16xf32, #tpu.memory_space<vmem>>) dst(%dma_wait3A_76 : memref<16xf32, #tpu.memory_space<vmem_shared>>)
        tpu.yield
      }) : () -> ()
      %while3A_74 = arith.constant 0 : i32
      scf.yield %while3A_74 : i32
    }
    %while3A_48 = arith.constant 1 : i32
    %while3A_49 = scf.for %while3A_69 = %while3A_45 to %while3A_41 step %while3A_48 iter_args(%while3A_70 = %while3A_47) -> (i32)  : i32 {
      %mul3A_71 = arith.constant 16 : i32
      %mul3A_72 = arith.muli %while3A_69, %mul3A_71 : i32
      %add3A_73 = arith.addi %mul3A_36, %mul3A_72 : i32
      "tpu.region"() ({
        %run_scoped3A = tpu.sem_alloc : memref<!tpu.dma_semaphore, #tpu.memory_space<semaphore_mem>>
        %dma_start3A = tpu.memref_slice %arg7[%add3A_73] : memref<10000xf32, #tpu.memory_space<vmem_shared>> -> memref<16xf32, #tpu.memory_space<vmem_shared>>
        %dma_start3A_75 = tpu.memref_slice %arg7[%add3A_73] : memref<10000xf32, #tpu.memory_space<vmem_shared>> -> memref<16xf32, #tpu.memory_space<vmem_shared>>
        tpu.enqueue_dma source(%arg6 : memref<16xf32, #tpu.memory_space<vmem>>) target(%dma_start3A_75 : memref<16xf32, #tpu.memory_space<vmem_shared>>) target_semaphore(%run_scoped3A : memref<!tpu.dma_semaphore, #tpu.memory_space<semaphore_mem>>)
        %dma_wait3A = tpu.memref_slice %arg7[%add3A_73] : memref<10000xf32, #tpu.memory_space<vmem_shared>> -> memref<16xf32, #tpu.memory_space<vmem_shared>>
        %dma_wait3A_76 = tpu.memref_slice %arg7[%add3A_73] : memref<10000xf32, #tpu.memory_space<vmem_shared>> -> memref<16xf32, #tpu.memory_space<vmem_shared>>
        tpu.wait_dma2 semaphore(%run_scoped3A : memref<!tpu.dma_semaphore, #tpu.memory_space<semaphore_mem>>) src(%arg6 : memref<16xf32, #tpu.memory_space<vmem>>) dst(%dma_wait3A_76 : memref<16xf32, #tpu.memory_space<vmem_shared>>)
        tpu.yield
      }) : () -> ()
      %while3A_74 = arith.constant 0 : i32
      scf.yield %while3A_74 : i32
    }
    "tpu.region"() ({
      %run_scoped3A = tpu.sem_alloc : memref<!tpu.dma_semaphore, #tpu.memory_space<semaphore_mem>>
      %dma_start3A = arith.constant 0 : i32
      %dma_start3A_69 = arith.constant 0 : i32
      %dma_start3A_70 = tpu.memref_slice %arg2[%add3A, %dma_start3A, %dma_start3A_69] : memref<32x125x80xi32, #tpu.memory_space<hbm>> -> memref<1x125x80xi32, #tpu.memory_space<hbm>>
      %dma_start3A_71 = tpu.memref_squeeze %dma_start3A_70 : memref<1x125x80xi32, #tpu.memory_space<hbm>> -> memref<125x80xi32, #tpu.memory_space<hbm>>
      %dma_start3A_72 = arith.constant 0 : i32
      %dma_start3A_73 = arith.constant 0 : i32
      %dma_start3A_74 = tpu.memref_slice %arg2[%add3A, %dma_start3A_72, %dma_start3A_73] : memref<32x125x80xi32, #tpu.memory_space<hbm>> -> memref<1x125x80xi32, #tpu.memory_space<hbm>>
      %dma_start3A_75 = tpu.memref_squeeze %dma_start3A_74 : memref<1x125x80xi32, #tpu.memory_space<hbm>> -> memref<125x80xi32, #tpu.memory_space<hbm>>
      tpu.enqueue_dma source(%dma_start3A_75 : memref<125x80xi32, #tpu.memory_space<hbm>>) target(%arg4 : memref<125x80xi32, #tpu.memory_space<vmem>>) target_semaphore(%run_scoped3A : memref<!tpu.dma_semaphore, #tpu.memory_space<semaphore_mem>>)
      %dma_wait3A = arith.constant 0 : i32
      %dma_wait3A_76 = arith.constant 0 : i32
      %dma_wait3A_77 = tpu.memref_slice %arg2[%add3A, %dma_wait3A, %dma_wait3A_76] : memref<32x125x80xi32, #tpu.memory_space<hbm>> -> memref<1x125x80xi32, #tpu.memory_space<hbm>>
      %dma_wait3A_78 = tpu.memref_squeeze %dma_wait3A_77 : memref<1x125x80xi32, #tpu.memory_space<hbm>> -> memref<125x80xi32, #tpu.memory_space<hbm>>
      %dma_wait3A_79 = arith.constant 0 : i32
      %dma_wait3A_80 = arith.constant 0 : i32
      %dma_wait3A_81 = tpu.memref_slice %arg2[%add3A, %dma_wait3A_79, %dma_wait3A_80] : memref<32x125x80xi32, #tpu.memory_space<hbm>> -> memref<1x125x80xi32, #tpu.memory_space<hbm>>
      %dma_wait3A_82 = tpu.memref_squeeze %dma_wait3A_81 : memref<1x125x80xi32, #tpu.memory_space<hbm>> -> memref<125x80xi32, #tpu.memory_space<hbm>>
      tpu.wait_dma2 semaphore(%run_scoped3A : memref<!tpu.dma_semaphore, #tpu.memory_space<semaphore_mem>>) src(%dma_wait3A_82 : memref<125x80xi32, #tpu.memory_space<hbm>>) dst(%arg4 : memref<125x80xi32, #tpu.memory_space<vmem>>)
      tpu.yield
    }) : () -> ()
    %barrier3A = arith.constant 0 : index
    tpu.barrier barrier_id(%barrier3A)
    %scan3A = arith.constant 0 : i32
    %scan3A_50 = arith.constant 0 : i32
    %scan3A_51 = arith.constant 25 : i32
    %scan3A_52 = arith.addi %scan3A_50, %scan3A_51 : i32
    %scan3A_53 = arith.constant 1 : i32
    %scan3A_54 = scf.for %scan3A_69 = %scan3A_50 to %scan3A_52 step %scan3A_53 iter_args(%scan3A_70 = %scan3A) -> (i32)  : i32 {
      %mul3A_71 = arith.constant 5 : i32
      %mul3A_72 = arith.muli %scan3A_69, %mul3A_71 : i32
      %add3A_73 = arith.constant 0 : i32
      %add3A_74 = arith.addi %mul3A_72, %add3A_73 : i32
      %dma_start3A = arith.constant 0 : i32
      %dma_start3A_75 = tpu.memref_slice %arg4[%add3A_74, %dma_start3A] : memref<125x80xi32, #tpu.memory_space<vmem>> -> memref<1x80xi32, #tpu.memory_space<vmem>>
      %dma_start3A_76 = tpu.memref_squeeze %dma_start3A_75 : memref<1x80xi32, #tpu.memory_space<vmem>> -> memref<80xi32, #tpu.memory_space<vmem>>
      %dma_start3A_77 = arith.constant 0 : i32
      %dma_start3A_78 = tpu.memref_slice %arg7[%dma_start3A_77] : memref<10000xf32, #tpu.memory_space<vmem_shared>> -> memref<10000xf32, #tpu.memory_space<vmem_shared>>
      tpu.enqueue_indirect_dma source(%arg5 : memref<80xf32, #tpu.memory_space<vmem>>) target(%dma_start3A_78 : memref<10000xf32, #tpu.memory_space<vmem_shared>>) offsets(%dma_start3A_76 : memref<80xi32, #tpu.memory_space<vmem>>) semaphore(%arg8 : memref<!tpu.dma_semaphore, #tpu.memory_space<semaphore_mem>>) {add = true}
      %mul3A_79 = arith.constant 5 : i32
      %mul3A_80 = arith.muli %scan3A_69, %mul3A_79 : i32
      %add3A_81 = arith.constant 1 : i32
      %add3A_82 = arith.addi %mul3A_80, %add3A_81 : i32
      %dma_start3A_83 = arith.constant 0 : i32
      %dma_start3A_84 = tpu.memref_slice %arg4[%add3A_82, %dma_start3A_83] : memref<125x80xi32, #tpu.memory_space<vmem>> -> memref<1x80xi32, #tpu.memory_space<vmem>>
      %dma_start3A_85 = tpu.memref_squeeze %dma_start3A_84 : memref<1x80xi32, #tpu.memory_space<vmem>> -> memref<80xi32, #tpu.memory_space<vmem>>
      %dma_start3A_86 = arith.constant 0 : i32
      %dma_start3A_87 = tpu.memref_slice %arg7[%dma_start3A_86] : memref<10000xf32, #tpu.memory_space<vmem_shared>> -> memref<10000xf32, #tpu.memory_space<vmem_shared>>
      tpu.enqueue_indirect_dma source(%arg5 : memref<80xf32, #tpu.memory_space<vmem>>) target(%dma_start3A_87 : memref<10000xf32, #tpu.memory_space<vmem_shared>>) offsets(%dma_start3A_85 : memref<80xi32, #tpu.memory_space<vmem>>) semaphore(%arg9 : memref<!tpu.dma_semaphore, #tpu.memory_space<semaphore_mem>>) {add = true}
      %mul3A_88 = arith.constant 5 : i32
      %mul3A_89 = arith.muli %scan3A_69, %mul3A_88 : i32
      %add3A_90 = arith.constant 2 : i32
      %add3A_91 = arith.addi %mul3A_89, %add3A_90 : i32
      %dma_start3A_92 = arith.constant 0 : i32
      %dma_start3A_93 = tpu.memref_slice %arg4[%add3A_91, %dma_start3A_92] : memref<125x80xi32, #tpu.memory_space<vmem>> -> memref<1x80xi32, #tpu.memory_space<vmem>>
      %dma_start3A_94 = tpu.memref_squeeze %dma_start3A_93 : memref<1x80xi32, #tpu.memory_space<vmem>> -> memref<80xi32, #tpu.memory_space<vmem>>
      %dma_start3A_95 = arith.constant 0 : i32
      %dma_start3A_96 = tpu.memref_slice %arg7[%dma_start3A_95] : memref<10000xf32, #tpu.memory_space<vmem_shared>> -> memref<10000xf32, #tpu.memory_space<vmem_shared>>
      tpu.enqueue_indirect_dma source(%arg5 : memref<80xf32, #tpu.memory_space<vmem>>) target(%dma_start3A_96 : memref<10000xf32, #tpu.memory_space<vmem_shared>>) offsets(%dma_start3A_94 : memref<80xi32, #tpu.memory_space<vmem>>) semaphore(%arg10 : memref<!tpu.dma_semaphore, #tpu.memory_space<semaphore_mem>>) {add = true}
      %mul3A_97 = arith.constant 5 : i32
      %mul3A_98 = arith.muli %scan3A_69, %mul3A_97 : i32
      %add3A_99 = arith.constant 3 : i32
      %add3A_100 = arith.addi %mul3A_98, %add3A_99 : i32
      %dma_start3A_101 = arith.constant 0 : i32
      %dma_start3A_102 = tpu.memref_slice %arg4[%add3A_100, %dma_start3A_101] : memref<125x80xi32, #tpu.memory_space<vmem>> -> memref<1x80xi32, #tpu.memory_space<vmem>>
      %dma_start3A_103 = tpu.memref_squeeze %dma_start3A_102 : memref<1x80xi32, #tpu.memory_space<vmem>> -> memref<80xi32, #tpu.memory_space<vmem>>
      %dma_start3A_104 = arith.constant 0 : i32
      %dma_start3A_105 = tpu.memref_slice %arg7[%dma_start3A_104] : memref<10000xf32, #tpu.memory_space<vmem_shared>> -> memref<10000xf32, #tpu.memory_space<vmem_shared>>
      tpu.enqueue_indirect_dma source(%arg5 : memref<80xf32, #tpu.memory_space<vmem>>) target(%dma_start3A_105 : memref<10000xf32, #tpu.memory_space<vmem_shared>>) offsets(%dma_start3A_103 : memref<80xi32, #tpu.memory_space<vmem>>) semaphore(%arg11 : memref<!tpu.dma_semaphore, #tpu.memory_space<semaphore_mem>>) {add = true}
      %mul3A_106 = arith.constant 5 : i32
      %mul3A_107 = arith.muli %scan3A_69, %mul3A_106 : i32
      %add3A_108 = arith.constant 4 : i32
      %add3A_109 = arith.addi %mul3A_107, %add3A_108 : i32
      %dma_start3A_110 = arith.constant 0 : i32
      %dma_start3A_111 = tpu.memref_slice %arg4[%add3A_109, %dma_start3A_110] : memref<125x80xi32, #tpu.memory_space<vmem>> -> memref<1x80xi32, #tpu.memory_space<vmem>>
      %dma_start3A_112 = tpu.memref_squeeze %dma_start3A_111 : memref<1x80xi32, #tpu.memory_space<vmem>> -> memref<80xi32, #tpu.memory_space<vmem>>
      %dma_start3A_113 = arith.constant 0 : i32
      %dma_start3A_114 = tpu.memref_slice %arg7[%dma_start3A_113] : memref<10000xf32, #tpu.memory_space<vmem_shared>> -> memref<10000xf32, #tpu.memory_space<vmem_shared>>
      tpu.enqueue_indirect_dma source(%arg5 : memref<80xf32, #tpu.memory_space<vmem>>) target(%dma_start3A_114 : memref<10000xf32, #tpu.memory_space<vmem_shared>>) offsets(%dma_start3A_112 : memref<80xi32, #tpu.memory_space<vmem>>) semaphore(%arg12 : memref<!tpu.dma_semaphore, #tpu.memory_space<semaphore_mem>>) {add = true}
      %dma_wait3A = arith.constant 0 : i32
      %dma_wait3A_115 = arith.constant 0 : i32
      %dma_wait3A_116 = tpu.memref_slice %arg4[%dma_wait3A, %dma_wait3A_115] : memref<125x80xi32, #tpu.memory_space<vmem>> -> memref<1x80xi32, #tpu.memory_space<vmem>>
      %dma_wait3A_117 = tpu.memref_squeeze %dma_wait3A_116 : memref<1x80xi32, #tpu.memory_space<vmem>> -> memref<80xi32, #tpu.memory_space<vmem>>
      %dma_wait3A_118 = arith.constant 0 : i32
      %dma_wait3A_119 = tpu.memref_slice %arg7[%dma_wait3A_118] : memref<10000xf32, #tpu.memory_space<vmem_shared>> -> memref<10000xf32, #tpu.memory_space<vmem_shared>>
      tpu.wait_indirect_dma semaphore(%arg8 : memref<!tpu.dma_semaphore, #tpu.memory_space<semaphore_mem>>) src(%arg5 : memref<80xf32, #tpu.memory_space<vmem>>) dst(%dma_wait3A_119 : memref<10000xf32, #tpu.memory_space<vmem_shared>>)
      %dma_wait3A_120 = arith.constant 0 : i32
      %dma_wait3A_121 = arith.constant 0 : i32
      %dma_wait3A_122 = tpu.memref_slice %arg4[%dma_wait3A_120, %dma_wait3A_121] : memref<125x80xi32, #tpu.memory_space<vmem>> -> memref<1x80xi32, #tpu.memory_space<vmem>>
      %dma_wait3A_123 = tpu.memref_squeeze %dma_wait3A_122 : memref<1x80xi32, #tpu.memory_space<vmem>> -> memref<80xi32, #tpu.memory_space<vmem>>
      %dma_wait3A_124 = arith.constant 0 : i32
      %dma_wait3A_125 = tpu.memref_slice %arg7[%dma_wait3A_124] : memref<10000xf32, #tpu.memory_space<vmem_shared>> -> memref<10000xf32, #tpu.memory_space<vmem_shared>>
      tpu.wait_indirect_dma semaphore(%arg9 : memref<!tpu.dma_semaphore, #tpu.memory_space<semaphore_mem>>) src(%arg5 : memref<80xf32, #tpu.memory_space<vmem>>) dst(%dma_wait3A_125 : memref<10000xf32, #tpu.memory_space<vmem_shared>>)
      %dma_wait3A_126 = arith.constant 0 : i32
      %dma_wait3A_127 = arith.constant 0 : i32
      %dma_wait3A_128 = tpu.memref_slice %arg4[%dma_wait3A_126, %dma_wait3A_127] : memref<125x80xi32, #tpu.memory_space<vmem>> -> memref<1x80xi32, #tpu.memory_space<vmem>>
      %dma_wait3A_129 = tpu.memref_squeeze %dma_wait3A_128 : memref<1x80xi32, #tpu.memory_space<vmem>> -> memref<80xi32, #tpu.memory_space<vmem>>
      %dma_wait3A_130 = arith.constant 0 : i32
      %dma_wait3A_131 = tpu.memref_slice %arg7[%dma_wait3A_130] : memref<10000xf32, #tpu.memory_space<vmem_shared>> -> memref<10000xf32, #tpu.memory_space<vmem_shared>>
      tpu.wait_indirect_dma semaphore(%arg10 : memref<!tpu.dma_semaphore, #tpu.memory_space<semaphore_mem>>) src(%arg5 : memref<80xf32, #tpu.memory_space<vmem>>) dst(%dma_wait3A_131 : memref<10000xf32, #tpu.memory_space<vmem_shared>>)
      %dma_wait3A_132 = arith.constant 0 : i32
      %dma_wait3A_133 = arith.constant 0 : i32
      %dma_wait3A_134 = tpu.memref_slice %arg4[%dma_wait3A_132, %dma_wait3A_133] : memref<125x80xi32, #tpu.memory_space<vmem>> -> memref<1x80xi32, #tpu.memory_space<vmem>>
      %dma_wait3A_135 = tpu.memref_squeeze %dma_wait3A_134 : memref<1x80xi32, #tpu.memory_space<vmem>> -> memref<80xi32, #tpu.memory_space<vmem>>
      %dma_wait3A_136 = arith.constant 0 : i32
      %dma_wait3A_137 = tpu.memref_slice %arg7[%dma_wait3A_136] : memref<10000xf32, #tpu.memory_space<vmem_shared>> -> memref<10000xf32, #tpu.memory_space<vmem_shared>>
      tpu.wait_indirect_dma semaphore(%arg11 : memref<!tpu.dma_semaphore, #tpu.memory_space<semaphore_mem>>) src(%arg5 : memref<80xf32, #tpu.memory_space<vmem>>) dst(%dma_wait3A_137 : memref<10000xf32, #tpu.memory_space<vmem_shared>>)
      %dma_wait3A_138 = arith.constant 0 : i32
      %dma_wait3A_139 = arith.constant 0 : i32
      %dma_wait3A_140 = tpu.memref_slice %arg4[%dma_wait3A_138, %dma_wait3A_139] : memref<125x80xi32, #tpu.memory_space<vmem>> -> memref<1x80xi32, #tpu.memory_space<vmem>>
      %dma_wait3A_141 = tpu.memref_squeeze %dma_wait3A_140 : memref<1x80xi32, #tpu.memory_space<vmem>> -> memref<80xi32, #tpu.memory_space<vmem>>
      %dma_wait3A_142 = arith.constant 0 : i32
      %dma_wait3A_143 = tpu.memref_slice %arg7[%dma_wait3A_142] : memref<10000xf32, #tpu.memory_space<vmem_shared>> -> memref<10000xf32, #tpu.memory_space<vmem_shared>>
      tpu.wait_indirect_dma semaphore(%arg12 : memref<!tpu.dma_semaphore, #tpu.memory_space<semaphore_mem>>) src(%arg5 : memref<80xf32, #tpu.memory_space<vmem>>) dst(%dma_wait3A_143 : memref<10000xf32, #tpu.memory_space<vmem_shared>>)
      %scan3A_144 = arith.constant 0 : i32
      scf.yield %scan3A_144 : i32
    }
    %scan3A_55 = arith.constant 25 : i32
    %barrier3A_56 = arith.constant 0 : index
    tpu.barrier barrier_id(%barrier3A_56)
    %while3A_57 = arith.constant 0 : i32
    %while3A_58 = arith.constant 0 : i32
    %while3A_59 = arith.subi %select_n3A, %while3A_57 : i32
    %while3A_60 = arith.addi %while3A_57, %while3A_59 : i32
    %while3A_61 = arith.constant 1 : i32
    %while3A_62 = arith.divsi %while3A_59, %while3A_61 : i32
    %while3A_63 = arith.muli %while3A_62, %while3A_61 : i32
    %while3A_64 = arith.addi %while3A_57, %while3A_63 : i32
    %while3A_65 = arith.constant 1 : i32
    %while3A_66 = scf.for %while3A_69 = %while3A_57 to %while3A_64 step %while3A_65 iter_args(%while3A_70 = %while3A_58) -> (i32)  : i32 {
      %mul3A_71 = arith.constant 16 : i32
      %mul3A_72 = arith.muli %while3A_69, %mul3A_71 : i32
      %add3A_73 = arith.addi %mul3A_36, %mul3A_72 : i32
      "tpu.region"() ({
        %run_scoped3A = tpu.sem_alloc : memref<!tpu.dma_semaphore, #tpu.memory_space<semaphore_mem>>
        %dma_start3A = tpu.memref_slice %arg7[%add3A_73] : memref<10000xf32, #tpu.memory_space<vmem_shared>> -> memref<16xf32, #tpu.memory_space<vmem_shared>>
        %dma_start3A_75 = tpu.memref_slice %arg7[%add3A_73] : memref<10000xf32, #tpu.memory_space<vmem_shared>> -> memref<16xf32, #tpu.memory_space<vmem_shared>>
        tpu.enqueue_dma source(%dma_start3A_75 : memref<16xf32, #tpu.memory_space<vmem_shared>>) target(%arg6 : memref<16xf32, #tpu.memory_space<vmem>>) target_semaphore(%run_scoped3A : memref<!tpu.dma_semaphore, #tpu.memory_space<semaphore_mem>>)
        %dma_wait3A = tpu.memref_slice %arg7[%add3A_73] : memref<10000xf32, #tpu.memory_space<vmem_shared>> -> memref<16xf32, #tpu.memory_space<vmem_shared>>
        %dma_wait3A_76 = tpu.memref_slice %arg7[%add3A_73] : memref<10000xf32, #tpu.memory_space<vmem_shared>> -> memref<16xf32, #tpu.memory_space<vmem_shared>>
        tpu.wait_dma2 semaphore(%run_scoped3A : memref<!tpu.dma_semaphore, #tpu.memory_space<semaphore_mem>>) src(%dma_wait3A_76 : memref<16xf32, #tpu.memory_space<vmem_shared>>) dst(%arg6 : memref<16xf32, #tpu.memory_space<vmem>>)
        tpu.yield
      }) : () -> ()
      "tpu.region"() ({
        %run_scoped3A = tpu.sem_alloc : memref<!tpu.dma_semaphore, #tpu.memory_space<semaphore_mem>>
        %dma_start3A = tpu.memref_slice %arg3[%arg0, %add3A_73] : memref<2x10000xf32, #tpu.memory_space<hbm>> -> memref<1x16xf32, #tpu.memory_space<hbm>>
        %dma_start3A_75 = tpu.memref_squeeze %dma_start3A : memref<1x16xf32, #tpu.memory_space<hbm>> -> memref<16xf32, #tpu.memory_space<hbm>>
        %dma_start3A_76 = tpu.memref_slice %arg3[%arg0, %add3A_73] : memref<2x10000xf32, #tpu.memory_space<hbm>> -> memref<1x16xf32, #tpu.memory_space<hbm>>
        %dma_start3A_77 = tpu.memref_squeeze %dma_start3A_76 : memref<1x16xf32, #tpu.memory_space<hbm>> -> memref<16xf32, #tpu.memory_space<hbm>>
        tpu.enqueue_dma source(%arg6 : memref<16xf32, #tpu.memory_space<vmem>>) target(%dma_start3A_77 : memref<16xf32, #tpu.memory_space<hbm>>) target_semaphore(%run_scoped3A : memref<!tpu.dma_semaphore, #tpu.memory_space<semaphore_mem>>)
        %dma_wait3A = tpu.memref_slice %arg3[%arg0, %add3A_73] : memref<2x10000xf32, #tpu.memory_space<hbm>> -> memref<1x16xf32, #tpu.memory_space<hbm>>
        %dma_wait3A_78 = tpu.memref_squeeze %dma_wait3A : memref<1x16xf32, #tpu.memory_space<hbm>> -> memref<16xf32, #tpu.memory_space<hbm>>
        %dma_wait3A_79 = tpu.memref_slice %arg3[%arg0, %add3A_73] : memref<2x10000xf32, #tpu.memory_space<hbm>> -> memref<1x16xf32, #tpu.memory_space<hbm>>
        %dma_wait3A_80 = tpu.memref_squeeze %dma_wait3A_79 : memref<1x16xf32, #tpu.memory_space<hbm>> -> memref<16xf32, #tpu.memory_space<hbm>>
        tpu.wait_dma2 semaphore(%run_scoped3A : memref<!tpu.dma_semaphore, #tpu.memory_space<semaphore_mem>>) src(%arg6 : memref<16xf32, #tpu.memory_space<vmem>>) dst(%dma_wait3A_80 : memref<16xf32, #tpu.memory_space<hbm>>)
        tpu.yield
      }) : () -> ()
      %while3A_74 = arith.constant 0 : i32
      scf.yield %while3A_74 : i32
    }
    %while3A_67 = arith.constant 1 : i32
    %while3A_68 = scf.for %while3A_69 = %while3A_64 to %while3A_60 step %while3A_67 iter_args(%while3A_70 = %while3A_66) -> (i32)  : i32 {
      %mul3A_71 = arith.constant 16 : i32
      %mul3A_72 = arith.muli %while3A_69, %mul3A_71 : i32
      %add3A_73 = arith.addi %mul3A_36, %mul3A_72 : i32
      "tpu.region"() ({
        %run_scoped3A = tpu.sem_alloc : memref<!tpu.dma_semaphore, #tpu.memory_space<semaphore_mem>>
        %dma_start3A = tpu.memref_slice %arg7[%add3A_73] : memref<10000xf32, #tpu.memory_space<vmem_shared>> -> memref<16xf32, #tpu.memory_space<vmem_shared>>
        %dma_start3A_75 = tpu.memref_slice %arg7[%add3A_73] : memref<10000xf32, #tpu.memory_space<vmem_shared>> -> memref<16xf32, #tpu.memory_space<vmem_shared>>
        tpu.enqueue_dma source(%dma_start3A_75 : memref<16xf32, #tpu.memory_space<vmem_shared>>) target(%arg6 : memref<16xf32, #tpu.memory_space<vmem>>) target_semaphore(%run_scoped3A : memref<!tpu.dma_semaphore, #tpu.memory_space<semaphore_mem>>)
        %dma_wait3A = tpu.memref_slice %arg7[%add3A_73] : memref<10000xf32, #tpu.memory_space<vmem_shared>> -> memref<16xf32, #tpu.memory_space<vmem_shared>>
        %dma_wait3A_76 = tpu.memref_slice %arg7[%add3A_73] : memref<10000xf32, #tpu.memory_space<vmem_shared>> -> memref<16xf32, #tpu.memory_space<vmem_shared>>
        tpu.wait_dma2 semaphore(%run_scoped3A : memref<!tpu.dma_semaphore, #tpu.memory_space<semaphore_mem>>) src(%dma_wait3A_76 : memref<16xf32, #tpu.memory_space<vmem_shared>>) dst(%arg6 : memref<16xf32, #tpu.memory_space<vmem>>)
        tpu.yield
      }) : () -> ()
      "tpu.region"() ({
        %run_scoped3A = tpu.sem_alloc : memref<!tpu.dma_semaphore, #tpu.memory_space<semaphore_mem>>
        %dma_start3A = tpu.memref_slice %arg3[%arg0, %add3A_73] : memref<2x10000xf32, #tpu.memory_space<hbm>> -> memref<1x16xf32, #tpu.memory_space<hbm>>
        %dma_start3A_75 = tpu.memref_squeeze %dma_start3A : memref<1x16xf32, #tpu.memory_space<hbm>> -> memref<16xf32, #tpu.memory_space<hbm>>
        %dma_start3A_76 = tpu.memref_slice %arg3[%arg0, %add3A_73] : memref<2x10000xf32, #tpu.memory_space<hbm>> -> memref<1x16xf32, #tpu.memory_space<hbm>>
        %dma_start3A_77 = tpu.memref_squeeze %dma_start3A_76 : memref<1x16xf32, #tpu.memory_space<hbm>> -> memref<16xf32, #tpu.memory_space<hbm>>
        tpu.enqueue_dma source(%arg6 : memref<16xf32, #tpu.memory_space<vmem>>) target(%dma_start3A_77 : memref<16xf32, #tpu.memory_space<hbm>>) target_semaphore(%run_scoped3A : memref<!tpu.dma_semaphore, #tpu.memory_space<semaphore_mem>>)
        %dma_wait3A = tpu.memref_slice %arg3[%arg0, %add3A_73] : memref<2x10000xf32, #tpu.memory_space<hbm>> -> memref<1x16xf32, #tpu.memory_space<hbm>>
        %dma_wait3A_78 = tpu.memref_squeeze %dma_wait3A : memref<1x16xf32, #tpu.memory_space<hbm>> -> memref<16xf32, #tpu.memory_space<hbm>>
        %dma_wait3A_79 = tpu.memref_slice %arg3[%arg0, %add3A_73] : memref<2x10000xf32, #tpu.memory_space<hbm>> -> memref<1x16xf32, #tpu.memory_space<hbm>>
        %dma_wait3A_80 = tpu.memref_squeeze %dma_wait3A_79 : memref<1x16xf32, #tpu.memory_space<hbm>> -> memref<16xf32, #tpu.memory_space<hbm>>
        tpu.wait_dma2 semaphore(%run_scoped3A : memref<!tpu.dma_semaphore, #tpu.memory_space<semaphore_mem>>) src(%arg6 : memref<16xf32, #tpu.memory_space<vmem>>) dst(%dma_wait3A_80 : memref<16xf32, #tpu.memory_space<hbm>>)
        tpu.yield
      }) : () -> ()
      %while3A_74 = arith.constant 0 : i32
      scf.yield %while3A_74 : i32
    }
    return
  }
}

#map = affine_map<(d0, d1) -> (0, 0)>
#map1 = affine_map<(d0, d1) -> (0, 0, 0)>
module attributes {stable_mosaic.version = 14 : i64} {
  func.func @edge_pass(%arg0: i32, %arg1: i32, %arg2: memref<10000x64xf32, #tpu.memory_space<hbm>>, %arg3: memref<32x125x80xi32, #tpu.memory_space<hbm>>, %arg4: memref<32x125x80xi32, #tpu.memory_space<hbm>>, %arg5: memref<2x10000x64xf32, #tpu.memory_space<hbm>>, %arg6: memref<4x80xi32, #tpu.memory_space<vmem>>, %arg7: memref<4x80xi32, #tpu.memory_space<vmem>>, %arg8: memref<4x80x64xf32, #tpu.memory_space<vmem>>, %arg9: memref<8x64xf32, #tpu.memory_space<vmem>>, %arg10: memref<10000x64xf32, #tpu.memory_space<vmem_shared>>, %arg11: memref<!tpu.dma_semaphore, #tpu.memory_space<semaphore_mem>>, %arg12: memref<!tpu.dma_semaphore, #tpu.memory_space<semaphore_mem>>, %arg13: memref<!tpu.dma_semaphore, #tpu.memory_space<semaphore_mem>>, %arg14: memref<!tpu.dma_semaphore, #tpu.memory_space<semaphore_mem>>, %arg15: memref<!tpu.dma_semaphore, #tpu.memory_space<semaphore_mem>>, %arg16: memref<!tpu.dma_semaphore, #tpu.memory_space<semaphore_mem>>, %arg17: memref<!tpu.dma_semaphore, #tpu.memory_space<semaphore_mem>>, %arg18: memref<!tpu.dma_semaphore, #tpu.memory_space<semaphore_mem>>) attributes {dimension_semantics = [#tpu.dimension_semantics<core_parallel>, #tpu.dimension_semantics<subcore_parallel>], iteration_bounds = array<i64: 2, 16>, scalar_prefetch = 0 : i64, scratch_operands = 13 : i64, tpu.core_type = #tpu.core_type<sc_vector_subcore>, window_params = [{transform_indices = #map}, {transform_indices = #map1}, {transform_indices = #map1}, {transform_indices = #map1}]} {
    %mul3A = arith.constant 16 : i32
    %mul3A_0 = arith.muli %arg0, %mul3A : i32
    %add3A = arith.addi %mul3A_0, %arg1 : i32
    %broadcast_in_dim3A = arith.constant 0.000000e+00 : f32
    %broadcast_in_dim3A_1 = vector.broadcast %broadcast_in_dim3A : f32 to vector<16xf32>
    %swap3A = arith.constant 0 : i32
    %swap3A_2 = arith.index_cast %swap3A : i32 to index
    %swap3A_3 = arith.constant 0 : index
    %swap3A_4 = tpu.vector_load %arg9[%swap3A_2, %swap3A_3] {strides = array<i32>} : memref<8x64xf32, #tpu.memory_space<vmem>>, vector<1x16xf32>,
    %swap3A_5 = vector.shape_cast %swap3A_4 : vector<1x16xf32> to vector<16xf32>
    %swap3A_6 = vector.shape_cast %broadcast_in_dim3A_1 : vector<16xf32> to vector<1x16xf32>
    tpu.vector_store %arg9[%swap3A_2, %swap3A_3], %swap3A_6 {strides = array<i32>} : memref<8x64xf32, #tpu.memory_space<vmem>>, vector<1x16xf32>,
    %broadcast_in_dim3A_7 = arith.constant 0.000000e+00 : f32
    %broadcast_in_dim3A_8 = vector.broadcast %broadcast_in_dim3A_7 : f32 to vector<16xf32>
    %swap3A_9 = arith.constant 0 : i32
    %swap3A_10 = arith.index_cast %swap3A_9 : i32 to index
    %swap3A_11 = arith.constant 16 : index
    %swap3A_12 = tpu.vector_load %arg9[%swap3A_10, %swap3A_11] {strides = array<i32>} : memref<8x64xf32, #tpu.memory_space<vmem>>, vector<1x16xf32>,
    %swap3A_13 = vector.shape_cast %swap3A_12 : vector<1x16xf32> to vector<16xf32>
    %swap3A_14 = vector.shape_cast %broadcast_in_dim3A_8 : vector<16xf32> to vector<1x16xf32>
    tpu.vector_store %arg9[%swap3A_10, %swap3A_11], %swap3A_14 {strides = array<i32>} : memref<8x64xf32, #tpu.memory_space<vmem>>, vector<1x16xf32>,
    %broadcast_in_dim3A_15 = arith.constant 0.000000e+00 : f32
    %broadcast_in_dim3A_16 = vector.broadcast %broadcast_in_dim3A_15 : f32 to vector<16xf32>
    %swap3A_17 = arith.constant 0 : i32
    %swap3A_18 = arith.index_cast %swap3A_17 : i32 to index
    %swap3A_19 = arith.constant 32 : index
    %swap3A_20 = tpu.vector_load %arg9[%swap3A_18, %swap3A_19] {strides = array<i32>} : memref<8x64xf32, #tpu.memory_space<vmem>>, vector<1x16xf32>,
    %swap3A_21 = vector.shape_cast %swap3A_20 : vector<1x16xf32> to vector<16xf32>
    %swap3A_22 = vector.shape_cast %broadcast_in_dim3A_16 : vector<16xf32> to vector<1x16xf32>
    tpu.vector_store %arg9[%swap3A_18, %swap3A_19], %swap3A_22 {strides = array<i32>} : memref<8x64xf32, #tpu.memory_space<vmem>>, vector<1x16xf32>,
    %broadcast_in_dim3A_23 = arith.constant 0.000000e+00 : f32
    %broadcast_in_dim3A_24 = vector.broadcast %broadcast_in_dim3A_23 : f32 to vector<16xf32>
    %swap3A_25 = arith.constant 0 : i32
    %swap3A_26 = arith.index_cast %swap3A_25 : i32 to index
    %swap3A_27 = arith.constant 48 : index
    %swap3A_28 = tpu.vector_load %arg9[%swap3A_26, %swap3A_27] {strides = array<i32>} : memref<8x64xf32, #tpu.memory_space<vmem>>, vector<1x16xf32>,
    %swap3A_29 = vector.shape_cast %swap3A_28 : vector<1x16xf32> to vector<16xf32>
    %swap3A_30 = vector.shape_cast %broadcast_in_dim3A_24 : vector<16xf32> to vector<1x16xf32>
    tpu.vector_store %arg9[%swap3A_26, %swap3A_27], %swap3A_30 {strides = array<i32>} : memref<8x64xf32, #tpu.memory_space<vmem>>, vector<1x16xf32>,
    %broadcast_in_dim3A_31 = arith.constant 0.000000e+00 : f32
    %broadcast_in_dim3A_32 = vector.broadcast %broadcast_in_dim3A_31 : f32 to vector<16xf32>
    %swap3A_33 = arith.constant 1 : i32
    %swap3A_34 = arith.index_cast %swap3A_33 : i32 to index
    %swap3A_35 = arith.constant 0 : index
    %swap3A_36 = tpu.vector_load %arg9[%swap3A_34, %swap3A_35] {strides = array<i32>} : memref<8x64xf32, #tpu.memory_space<vmem>>, vector<1x16xf32>,
    %swap3A_37 = vector.shape_cast %swap3A_36 : vector<1x16xf32> to vector<16xf32>
    %swap3A_38 = vector.shape_cast %broadcast_in_dim3A_32 : vector<16xf32> to vector<1x16xf32>
    tpu.vector_store %arg9[%swap3A_34, %swap3A_35], %swap3A_38 {strides = array<i32>} : memref<8x64xf32, #tpu.memory_space<vmem>>, vector<1x16xf32>,
    %broadcast_in_dim3A_39 = arith.constant 0.000000e+00 : f32
    %broadcast_in_dim3A_40 = vector.broadcast %broadcast_in_dim3A_39 : f32 to vector<16xf32>
    %swap3A_41 = arith.constant 1 : i32
    %swap3A_42 = arith.index_cast %swap3A_41 : i32 to index
    %swap3A_43 = arith.constant 16 : index
    %swap3A_44 = tpu.vector_load %arg9[%swap3A_42, %swap3A_43] {strides = array<i32>} : memref<8x64xf32, #tpu.memory_space<vmem>>, vector<1x16xf32>,
    %swap3A_45 = vector.shape_cast %swap3A_44 : vector<1x16xf32> to vector<16xf32>
    %swap3A_46 = vector.shape_cast %broadcast_in_dim3A_40 : vector<16xf32> to vector<1x16xf32>
    tpu.vector_store %arg9[%swap3A_42, %swap3A_43], %swap3A_46 {strides = array<i32>} : memref<8x64xf32, #tpu.memory_space<vmem>>, vector<1x16xf32>,
    %broadcast_in_dim3A_47 = arith.constant 0.000000e+00 : f32
    %broadcast_in_dim3A_48 = vector.broadcast %broadcast_in_dim3A_47 : f32 to vector<16xf32>
    %swap3A_49 = arith.constant 1 : i32
    %swap3A_50 = arith.index_cast %swap3A_49 : i32 to index
    %swap3A_51 = arith.constant 32 : index
    %swap3A_52 = tpu.vector_load %arg9[%swap3A_50, %swap3A_51] {strides = array<i32>} : memref<8x64xf32, #tpu.memory_space<vmem>>, vector<1x16xf32>,
    %swap3A_53 = vector.shape_cast %swap3A_52 : vector<1x16xf32> to vector<16xf32>
    %swap3A_54 = vector.shape_cast %broadcast_in_dim3A_48 : vector<16xf32> to vector<1x16xf32>
    tpu.vector_store %arg9[%swap3A_50, %swap3A_51], %swap3A_54 {strides = array<i32>} : memref<8x64xf32, #tpu.memory_space<vmem>>, vector<1x16xf32>,
    %broadcast_in_dim3A_55 = arith.constant 0.000000e+00 : f32
    %broadcast_in_dim3A_56 = vector.broadcast %broadcast_in_dim3A_55 : f32 to vector<16xf32>
    %swap3A_57 = arith.constant 1 : i32
    %swap3A_58 = arith.index_cast %swap3A_57 : i32 to index
    %swap3A_59 = arith.constant 48 : index
    %swap3A_60 = tpu.vector_load %arg9[%swap3A_58, %swap3A_59] {strides = array<i32>} : memref<8x64xf32, #tpu.memory_space<vmem>>, vector<1x16xf32>,
    %swap3A_61 = vector.shape_cast %swap3A_60 : vector<1x16xf32> to vector<16xf32>
    %swap3A_62 = vector.shape_cast %broadcast_in_dim3A_56 : vector<16xf32> to vector<1x16xf32>
    tpu.vector_store %arg9[%swap3A_58, %swap3A_59], %swap3A_62 {strides = array<i32>} : memref<8x64xf32, #tpu.memory_space<vmem>>, vector<1x16xf32>,
    %broadcast_in_dim3A_63 = arith.constant 0.000000e+00 : f32
    %broadcast_in_dim3A_64 = vector.broadcast %broadcast_in_dim3A_63 : f32 to vector<16xf32>
    %swap3A_65 = arith.constant 2 : i32
    %swap3A_66 = arith.index_cast %swap3A_65 : i32 to index
    %swap3A_67 = arith.constant 0 : index
    %swap3A_68 = tpu.vector_load %arg9[%swap3A_66, %swap3A_67] {strides = array<i32>} : memref<8x64xf32, #tpu.memory_space<vmem>>, vector<1x16xf32>,
    %swap3A_69 = vector.shape_cast %swap3A_68 : vector<1x16xf32> to vector<16xf32>
    %swap3A_70 = vector.shape_cast %broadcast_in_dim3A_64 : vector<16xf32> to vector<1x16xf32>
    tpu.vector_store %arg9[%swap3A_66, %swap3A_67], %swap3A_70 {strides = array<i32>} : memref<8x64xf32, #tpu.memory_space<vmem>>, vector<1x16xf32>,
    %broadcast_in_dim3A_71 = arith.constant 0.000000e+00 : f32
    %broadcast_in_dim3A_72 = vector.broadcast %broadcast_in_dim3A_71 : f32 to vector<16xf32>
    %swap3A_73 = arith.constant 2 : i32
    %swap3A_74 = arith.index_cast %swap3A_73 : i32 to index
    %swap3A_75 = arith.constant 16 : index
    %swap3A_76 = tpu.vector_load %arg9[%swap3A_74, %swap3A_75] {strides = array<i32>} : memref<8x64xf32, #tpu.memory_space<vmem>>, vector<1x16xf32>,
    %swap3A_77 = vector.shape_cast %swap3A_76 : vector<1x16xf32> to vector<16xf32>
    %swap3A_78 = vector.shape_cast %broadcast_in_dim3A_72 : vector<16xf32> to vector<1x16xf32>
    tpu.vector_store %arg9[%swap3A_74, %swap3A_75], %swap3A_78 {strides = array<i32>} : memref<8x64xf32, #tpu.memory_space<vmem>>, vector<1x16xf32>,
    %broadcast_in_dim3A_79 = arith.constant 0.000000e+00 : f32
    %broadcast_in_dim3A_80 = vector.broadcast %broadcast_in_dim3A_79 : f32 to vector<16xf32>
    %swap3A_81 = arith.constant 2 : i32
    %swap3A_82 = arith.index_cast %swap3A_81 : i32 to index
    %swap3A_83 = arith.constant 32 : index
    %swap3A_84 = tpu.vector_load %arg9[%swap3A_82, %swap3A_83] {strides = array<i32>} : memref<8x64xf32, #tpu.memory_space<vmem>>, vector<1x16xf32>,
    %swap3A_85 = vector.shape_cast %swap3A_84 : vector<1x16xf32> to vector<16xf32>
    %swap3A_86 = vector.shape_cast %broadcast_in_dim3A_80 : vector<16xf32> to vector<1x16xf32>
    tpu.vector_store %arg9[%swap3A_82, %swap3A_83], %swap3A_86 {strides = array<i32>} : memref<8x64xf32, #tpu.memory_space<vmem>>, vector<1x16xf32>,
    %broadcast_in_dim3A_87 = arith.constant 0.000000e+00 : f32
    %broadcast_in_dim3A_88 = vector.broadcast %broadcast_in_dim3A_87 : f32 to vector<16xf32>
    %swap3A_89 = arith.constant 2 : i32
    %swap3A_90 = arith.index_cast %swap3A_89 : i32 to index
    %swap3A_91 = arith.constant 48 : index
    %swap3A_92 = tpu.vector_load %arg9[%swap3A_90, %swap3A_91] {strides = array<i32>} : memref<8x64xf32, #tpu.memory_space<vmem>>, vector<1x16xf32>,
    %swap3A_93 = vector.shape_cast %swap3A_92 : vector<1x16xf32> to vector<16xf32>
    %swap3A_94 = vector.shape_cast %broadcast_in_dim3A_88 : vector<16xf32> to vector<1x16xf32>
    tpu.vector_store %arg9[%swap3A_90, %swap3A_91], %swap3A_94 {strides = array<i32>} : memref<8x64xf32, #tpu.memory_space<vmem>>, vector<1x16xf32>,
    %broadcast_in_dim3A_95 = arith.constant 0.000000e+00 : f32
    %broadcast_in_dim3A_96 = vector.broadcast %broadcast_in_dim3A_95 : f32 to vector<16xf32>
    %swap3A_97 = arith.constant 3 : i32
    %swap3A_98 = arith.index_cast %swap3A_97 : i32 to index
    %swap3A_99 = arith.constant 0 : index
    %swap3A_100 = tpu.vector_load %arg9[%swap3A_98, %swap3A_99] {strides = array<i32>} : memref<8x64xf32, #tpu.memory_space<vmem>>, vector<1x16xf32>,
    %swap3A_101 = vector.shape_cast %swap3A_100 : vector<1x16xf32> to vector<16xf32>
    %swap3A_102 = vector.shape_cast %broadcast_in_dim3A_96 : vector<16xf32> to vector<1x16xf32>
    tpu.vector_store %arg9[%swap3A_98, %swap3A_99], %swap3A_102 {strides = array<i32>} : memref<8x64xf32, #tpu.memory_space<vmem>>, vector<1x16xf32>,
    %broadcast_in_dim3A_103 = arith.constant 0.000000e+00 : f32
    %broadcast_in_dim3A_104 = vector.broadcast %broadcast_in_dim3A_103 : f32 to vector<16xf32>
    %swap3A_105 = arith.constant 3 : i32
    %swap3A_106 = arith.index_cast %swap3A_105 : i32 to index
    %swap3A_107 = arith.constant 16 : index
    %swap3A_108 = tpu.vector_load %arg9[%swap3A_106, %swap3A_107] {strides = array<i32>} : memref<8x64xf32, #tpu.memory_space<vmem>>, vector<1x16xf32>,
    %swap3A_109 = vector.shape_cast %swap3A_108 : vector<1x16xf32> to vector<16xf32>
    %swap3A_110 = vector.shape_cast %broadcast_in_dim3A_104 : vector<16xf32> to vector<1x16xf32>
    tpu.vector_store %arg9[%swap3A_106, %swap3A_107], %swap3A_110 {strides = array<i32>} : memref<8x64xf32, #tpu.memory_space<vmem>>, vector<1x16xf32>,
    %broadcast_in_dim3A_111 = arith.constant 0.000000e+00 : f32
    %broadcast_in_dim3A_112 = vector.broadcast %broadcast_in_dim3A_111 : f32 to vector<16xf32>
    %swap3A_113 = arith.constant 3 : i32
    %swap3A_114 = arith.index_cast %swap3A_113 : i32 to index
    %swap3A_115 = arith.constant 32 : index
    %swap3A_116 = tpu.vector_load %arg9[%swap3A_114, %swap3A_115] {strides = array<i32>} : memref<8x64xf32, #tpu.memory_space<vmem>>, vector<1x16xf32>,
    %swap3A_117 = vector.shape_cast %swap3A_116 : vector<1x16xf32> to vector<16xf32>
    %swap3A_118 = vector.shape_cast %broadcast_in_dim3A_112 : vector<16xf32> to vector<1x16xf32>
    tpu.vector_store %arg9[%swap3A_114, %swap3A_115], %swap3A_118 {strides = array<i32>} : memref<8x64xf32, #tpu.memory_space<vmem>>, vector<1x16xf32>,
    %broadcast_in_dim3A_119 = arith.constant 0.000000e+00 : f32
    %broadcast_in_dim3A_120 = vector.broadcast %broadcast_in_dim3A_119 : f32 to vector<16xf32>
    %swap3A_121 = arith.constant 3 : i32
    %swap3A_122 = arith.index_cast %swap3A_121 : i32 to index
    %swap3A_123 = arith.constant 48 : index
    %swap3A_124 = tpu.vector_load %arg9[%swap3A_122, %swap3A_123] {strides = array<i32>} : memref<8x64xf32, #tpu.memory_space<vmem>>, vector<1x16xf32>,
    %swap3A_125 = vector.shape_cast %swap3A_124 : vector<1x16xf32> to vector<16xf32>
    %swap3A_126 = vector.shape_cast %broadcast_in_dim3A_120 : vector<16xf32> to vector<1x16xf32>
    tpu.vector_store %arg9[%swap3A_122, %swap3A_123], %swap3A_126 {strides = array<i32>} : memref<8x64xf32, #tpu.memory_space<vmem>>, vector<1x16xf32>,
    %broadcast_in_dim3A_127 = arith.constant 0.000000e+00 : f32
    %broadcast_in_dim3A_128 = vector.broadcast %broadcast_in_dim3A_127 : f32 to vector<16xf32>
    %swap3A_129 = arith.constant 4 : i32
    %swap3A_130 = arith.index_cast %swap3A_129 : i32 to index
    %swap3A_131 = arith.constant 0 : index
    %swap3A_132 = tpu.vector_load %arg9[%swap3A_130, %swap3A_131] {strides = array<i32>} : memref<8x64xf32, #tpu.memory_space<vmem>>, vector<1x16xf32>,
    %swap3A_133 = vector.shape_cast %swap3A_132 : vector<1x16xf32> to vector<16xf32>
    %swap3A_134 = vector.shape_cast %broadcast_in_dim3A_128 : vector<16xf32> to vector<1x16xf32>
    tpu.vector_store %arg9[%swap3A_130, %swap3A_131], %swap3A_134 {strides = array<i32>} : memref<8x64xf32, #tpu.memory_space<vmem>>, vector<1x16xf32>,
    %broadcast_in_dim3A_135 = arith.constant 0.000000e+00 : f32
    %broadcast_in_dim3A_136 = vector.broadcast %broadcast_in_dim3A_135 : f32 to vector<16xf32>
    %swap3A_137 = arith.constant 4 : i32
    %swap3A_138 = arith.index_cast %swap3A_137 : i32 to index
    %swap3A_139 = arith.constant 16 : index
    %swap3A_140 = tpu.vector_load %arg9[%swap3A_138, %swap3A_139] {strides = array<i32>} : memref<8x64xf32, #tpu.memory_space<vmem>>, vector<1x16xf32>,
    %swap3A_141 = vector.shape_cast %swap3A_140 : vector<1x16xf32> to vector<16xf32>
    %swap3A_142 = vector.shape_cast %broadcast_in_dim3A_136 : vector<16xf32> to vector<1x16xf32>
    tpu.vector_store %arg9[%swap3A_138, %swap3A_139], %swap3A_142 {strides = array<i32>} : memref<8x64xf32, #tpu.memory_space<vmem>>, vector<1x16xf32>,
    %broadcast_in_dim3A_143 = arith.constant 0.000000e+00 : f32
    %broadcast_in_dim3A_144 = vector.broadcast %broadcast_in_dim3A_143 : f32 to vector<16xf32>
    %swap3A_145 = arith.constant 4 : i32
    %swap3A_146 = arith.index_cast %swap3A_145 : i32 to index
    %swap3A_147 = arith.constant 32 : index
    %swap3A_148 = tpu.vector_load %arg9[%swap3A_146, %swap3A_147] {strides = array<i32>} : memref<8x64xf32, #tpu.memory_space<vmem>>, vector<1x16xf32>,
    %swap3A_149 = vector.shape_cast %swap3A_148 : vector<1x16xf32> to vector<16xf32>
    %swap3A_150 = vector.shape_cast %broadcast_in_dim3A_144 : vector<16xf32> to vector<1x16xf32>
    tpu.vector_store %arg9[%swap3A_146, %swap3A_147], %swap3A_150 {strides = array<i32>} : memref<8x64xf32, #tpu.memory_space<vmem>>, vector<1x16xf32>,
    %broadcast_in_dim3A_151 = arith.constant 0.000000e+00 : f32
    %broadcast_in_dim3A_152 = vector.broadcast %broadcast_in_dim3A_151 : f32 to vector<16xf32>
    %swap3A_153 = arith.constant 4 : i32
    %swap3A_154 = arith.index_cast %swap3A_153 : i32 to index
    %swap3A_155 = arith.constant 48 : index
    %swap3A_156 = tpu.vector_load %arg9[%swap3A_154, %swap3A_155] {strides = array<i32>} : memref<8x64xf32, #tpu.memory_space<vmem>>, vector<1x16xf32>,
    %swap3A_157 = vector.shape_cast %swap3A_156 : vector<1x16xf32> to vector<16xf32>
    %swap3A_158 = vector.shape_cast %broadcast_in_dim3A_152 : vector<16xf32> to vector<1x16xf32>
    tpu.vector_store %arg9[%swap3A_154, %swap3A_155], %swap3A_158 {strides = array<i32>} : memref<8x64xf32, #tpu.memory_space<vmem>>, vector<1x16xf32>,
    %broadcast_in_dim3A_159 = arith.constant 0.000000e+00 : f32
    %broadcast_in_dim3A_160 = vector.broadcast %broadcast_in_dim3A_159 : f32 to vector<16xf32>
    %swap3A_161 = arith.constant 5 : i32
    %swap3A_162 = arith.index_cast %swap3A_161 : i32 to index
    %swap3A_163 = arith.constant 0 : index
    %swap3A_164 = tpu.vector_load %arg9[%swap3A_162, %swap3A_163] {strides = array<i32>} : memref<8x64xf32, #tpu.memory_space<vmem>>, vector<1x16xf32>,
    %swap3A_165 = vector.shape_cast %swap3A_164 : vector<1x16xf32> to vector<16xf32>
    %swap3A_166 = vector.shape_cast %broadcast_in_dim3A_160 : vector<16xf32> to vector<1x16xf32>
    tpu.vector_store %arg9[%swap3A_162, %swap3A_163], %swap3A_166 {strides = array<i32>} : memref<8x64xf32, #tpu.memory_space<vmem>>, vector<1x16xf32>,
    %broadcast_in_dim3A_167 = arith.constant 0.000000e+00 : f32
    %broadcast_in_dim3A_168 = vector.broadcast %broadcast_in_dim3A_167 : f32 to vector<16xf32>
    %swap3A_169 = arith.constant 5 : i32
    %swap3A_170 = arith.index_cast %swap3A_169 : i32 to index
    %swap3A_171 = arith.constant 16 : index
    %swap3A_172 = tpu.vector_load %arg9[%swap3A_170, %swap3A_171] {strides = array<i32>} : memref<8x64xf32, #tpu.memory_space<vmem>>, vector<1x16xf32>,
    %swap3A_173 = vector.shape_cast %swap3A_172 : vector<1x16xf32> to vector<16xf32>
    %swap3A_174 = vector.shape_cast %broadcast_in_dim3A_168 : vector<16xf32> to vector<1x16xf32>
    tpu.vector_store %arg9[%swap3A_170, %swap3A_171], %swap3A_174 {strides = array<i32>} : memref<8x64xf32, #tpu.memory_space<vmem>>, vector<1x16xf32>,
    %broadcast_in_dim3A_175 = arith.constant 0.000000e+00 : f32
    %broadcast_in_dim3A_176 = vector.broadcast %broadcast_in_dim3A_175 : f32 to vector<16xf32>
    %swap3A_177 = arith.constant 5 : i32
    %swap3A_178 = arith.index_cast %swap3A_177 : i32 to index
    %swap3A_179 = arith.constant 32 : index
    %swap3A_180 = tpu.vector_load %arg9[%swap3A_178, %swap3A_179] {strides = array<i32>} : memref<8x64xf32, #tpu.memory_space<vmem>>, vector<1x16xf32>,
    %swap3A_181 = vector.shape_cast %swap3A_180 : vector<1x16xf32> to vector<16xf32>
    %swap3A_182 = vector.shape_cast %broadcast_in_dim3A_176 : vector<16xf32> to vector<1x16xf32>
    tpu.vector_store %arg9[%swap3A_178, %swap3A_179], %swap3A_182 {strides = array<i32>} : memref<8x64xf32, #tpu.memory_space<vmem>>, vector<1x16xf32>,
    %broadcast_in_dim3A_183 = arith.constant 0.000000e+00 : f32
    %broadcast_in_dim3A_184 = vector.broadcast %broadcast_in_dim3A_183 : f32 to vector<16xf32>
    %swap3A_185 = arith.constant 5 : i32
    %swap3A_186 = arith.index_cast %swap3A_185 : i32 to index
    %swap3A_187 = arith.constant 48 : index
    %swap3A_188 = tpu.vector_load %arg9[%swap3A_186, %swap3A_187] {strides = array<i32>} : memref<8x64xf32, #tpu.memory_space<vmem>>, vector<1x16xf32>,
    %swap3A_189 = vector.shape_cast %swap3A_188 : vector<1x16xf32> to vector<16xf32>
    %swap3A_190 = vector.shape_cast %broadcast_in_dim3A_184 : vector<16xf32> to vector<1x16xf32>
    tpu.vector_store %arg9[%swap3A_186, %swap3A_187], %swap3A_190 {strides = array<i32>} : memref<8x64xf32, #tpu.memory_space<vmem>>, vector<1x16xf32>,
    %broadcast_in_dim3A_191 = arith.constant 0.000000e+00 : f32
    %broadcast_in_dim3A_192 = vector.broadcast %broadcast_in_dim3A_191 : f32 to vector<16xf32>
    %swap3A_193 = arith.constant 6 : i32
    %swap3A_194 = arith.index_cast %swap3A_193 : i32 to index
    %swap3A_195 = arith.constant 0 : index
    %swap3A_196 = tpu.vector_load %arg9[%swap3A_194, %swap3A_195] {strides = array<i32>} : memref<8x64xf32, #tpu.memory_space<vmem>>, vector<1x16xf32>,
    %swap3A_197 = vector.shape_cast %swap3A_196 : vector<1x16xf32> to vector<16xf32>
    %swap3A_198 = vector.shape_cast %broadcast_in_dim3A_192 : vector<16xf32> to vector<1x16xf32>
    tpu.vector_store %arg9[%swap3A_194, %swap3A_195], %swap3A_198 {strides = array<i32>} : memref<8x64xf32, #tpu.memory_space<vmem>>, vector<1x16xf32>,
    %broadcast_in_dim3A_199 = arith.constant 0.000000e+00 : f32
    %broadcast_in_dim3A_200 = vector.broadcast %broadcast_in_dim3A_199 : f32 to vector<16xf32>
    %swap3A_201 = arith.constant 6 : i32
    %swap3A_202 = arith.index_cast %swap3A_201 : i32 to index
    %swap3A_203 = arith.constant 16 : index
    %swap3A_204 = tpu.vector_load %arg9[%swap3A_202, %swap3A_203] {strides = array<i32>} : memref<8x64xf32, #tpu.memory_space<vmem>>, vector<1x16xf32>,
    %swap3A_205 = vector.shape_cast %swap3A_204 : vector<1x16xf32> to vector<16xf32>
    %swap3A_206 = vector.shape_cast %broadcast_in_dim3A_200 : vector<16xf32> to vector<1x16xf32>
    tpu.vector_store %arg9[%swap3A_202, %swap3A_203], %swap3A_206 {strides = array<i32>} : memref<8x64xf32, #tpu.memory_space<vmem>>, vector<1x16xf32>,
    %broadcast_in_dim3A_207 = arith.constant 0.000000e+00 : f32
    %broadcast_in_dim3A_208 = vector.broadcast %broadcast_in_dim3A_207 : f32 to vector<16xf32>
    %swap3A_209 = arith.constant 6 : i32
    %swap3A_210 = arith.index_cast %swap3A_209 : i32 to index
    %swap3A_211 = arith.constant 32 : index
    %swap3A_212 = tpu.vector_load %arg9[%swap3A_210, %swap3A_211] {strides = array<i32>} : memref<8x64xf32, #tpu.memory_space<vmem>>, vector<1x16xf32>,
    %swap3A_213 = vector.shape_cast %swap3A_212 : vector<1x16xf32> to vector<16xf32>
    %swap3A_214 = vector.shape_cast %broadcast_in_dim3A_208 : vector<16xf32> to vector<1x16xf32>
    tpu.vector_store %arg9[%swap3A_210, %swap3A_211], %swap3A_214 {strides = array<i32>} : memref<8x64xf32, #tpu.memory_space<vmem>>, vector<1x16xf32>,
    %broadcast_in_dim3A_215 = arith.constant 0.000000e+00 : f32
    %broadcast_in_dim3A_216 = vector.broadcast %broadcast_in_dim3A_215 : f32 to vector<16xf32>
    %swap3A_217 = arith.constant 6 : i32
    %swap3A_218 = arith.index_cast %swap3A_217 : i32 to index
    %swap3A_219 = arith.constant 48 : index
    %swap3A_220 = tpu.vector_load %arg9[%swap3A_218, %swap3A_219] {strides = array<i32>} : memref<8x64xf32, #tpu.memory_space<vmem>>, vector<1x16xf32>,
    %swap3A_221 = vector.shape_cast %swap3A_220 : vector<1x16xf32> to vector<16xf32>
    %swap3A_222 = vector.shape_cast %broadcast_in_dim3A_216 : vector<16xf32> to vector<1x16xf32>
    tpu.vector_store %arg9[%swap3A_218, %swap3A_219], %swap3A_222 {strides = array<i32>} : memref<8x64xf32, #tpu.memory_space<vmem>>, vector<1x16xf32>,
    %broadcast_in_dim3A_223 = arith.constant 0.000000e+00 : f32
    %broadcast_in_dim3A_224 = vector.broadcast %broadcast_in_dim3A_223 : f32 to vector<16xf32>
    %swap3A_225 = arith.constant 7 : i32
    %swap3A_226 = arith.index_cast %swap3A_225 : i32 to index
    %swap3A_227 = arith.constant 0 : index
    %swap3A_228 = tpu.vector_load %arg9[%swap3A_226, %swap3A_227] {strides = array<i32>} : memref<8x64xf32, #tpu.memory_space<vmem>>, vector<1x16xf32>,
    %swap3A_229 = vector.shape_cast %swap3A_228 : vector<1x16xf32> to vector<16xf32>
    %swap3A_230 = vector.shape_cast %broadcast_in_dim3A_224 : vector<16xf32> to vector<1x16xf32>
    tpu.vector_store %arg9[%swap3A_226, %swap3A_227], %swap3A_230 {strides = array<i32>} : memref<8x64xf32, #tpu.memory_space<vmem>>, vector<1x16xf32>,
    %broadcast_in_dim3A_231 = arith.constant 0.000000e+00 : f32
    %broadcast_in_dim3A_232 = vector.broadcast %broadcast_in_dim3A_231 : f32 to vector<16xf32>
    %swap3A_233 = arith.constant 7 : i32
    %swap3A_234 = arith.index_cast %swap3A_233 : i32 to index
    %swap3A_235 = arith.constant 16 : index
    %swap3A_236 = tpu.vector_load %arg9[%swap3A_234, %swap3A_235] {strides = array<i32>} : memref<8x64xf32, #tpu.memory_space<vmem>>, vector<1x16xf32>,
    %swap3A_237 = vector.shape_cast %swap3A_236 : vector<1x16xf32> to vector<16xf32>
    %swap3A_238 = vector.shape_cast %broadcast_in_dim3A_232 : vector<16xf32> to vector<1x16xf32>
    tpu.vector_store %arg9[%swap3A_234, %swap3A_235], %swap3A_238 {strides = array<i32>} : memref<8x64xf32, #tpu.memory_space<vmem>>, vector<1x16xf32>,
    %broadcast_in_dim3A_239 = arith.constant 0.000000e+00 : f32
    %broadcast_in_dim3A_240 = vector.broadcast %broadcast_in_dim3A_239 : f32 to vector<16xf32>
    %swap3A_241 = arith.constant 7 : i32
    %swap3A_242 = arith.index_cast %swap3A_241 : i32 to index
    %swap3A_243 = arith.constant 32 : index
    %swap3A_244 = tpu.vector_load %arg9[%swap3A_242, %swap3A_243] {strides = array<i32>} : memref<8x64xf32, #tpu.memory_space<vmem>>, vector<1x16xf32>,
    %swap3A_245 = vector.shape_cast %swap3A_244 : vector<1x16xf32> to vector<16xf32>
    %swap3A_246 = vector.shape_cast %broadcast_in_dim3A_240 : vector<16xf32> to vector<1x16xf32>
    tpu.vector_store %arg9[%swap3A_242, %swap3A_243], %swap3A_246 {strides = array<i32>} : memref<8x64xf32, #tpu.memory_space<vmem>>, vector<1x16xf32>,
    %broadcast_in_dim3A_247 = arith.constant 0.000000e+00 : f32
    %broadcast_in_dim3A_248 = vector.broadcast %broadcast_in_dim3A_247 : f32 to vector<16xf32>
    %swap3A_249 = arith.constant 7 : i32
    %swap3A_250 = arith.index_cast %swap3A_249 : i32 to index
    %swap3A_251 = arith.constant 48 : index
    %swap3A_252 = tpu.vector_load %arg9[%swap3A_250, %swap3A_251] {strides = array<i32>} : memref<8x64xf32, #tpu.memory_space<vmem>>, vector<1x16xf32>,
    %swap3A_253 = vector.shape_cast %swap3A_252 : vector<1x16xf32> to vector<16xf32>
    %swap3A_254 = vector.shape_cast %broadcast_in_dim3A_248 : vector<16xf32> to vector<1x16xf32>
    tpu.vector_store %arg9[%swap3A_250, %swap3A_251], %swap3A_254 {strides = array<i32>} : memref<8x64xf32, #tpu.memory_space<vmem>>, vector<1x16xf32>,
    %mul3A_255 = arith.constant 624 : i32
    %mul3A_256 = arith.muli %arg1, %mul3A_255 : i32
    %eq3A = arith.constant 15 : i32
    %eq3A_257 = arith.cmpi eq, %arg1, %eq3A : i32
    %jit3A = arith.constant 80 : i32
    %jit3A_258 = arith.constant 78 : i32
    %select_n3A = arith.select %eq3A_257, %jit3A, %jit3A_258 : i32
    %while3A = arith.constant 0 : i32
    %while3A_259 = arith.constant 0 : i32
    %while3A_260 = arith.subi %select_n3A, %while3A : i32
    %while3A_261 = arith.addi %while3A, %while3A_260 : i32
    %while3A_262 = arith.constant 1 : i32
    %while3A_263 = arith.divsi %while3A_260, %while3A_262 : i32
    %while3A_264 = arith.muli %while3A_263, %while3A_262 : i32
    %while3A_265 = arith.addi %while3A, %while3A_264 : i32
    %while3A_266 = arith.constant 1 : i32
    %while3A_267 = scf.for %while3A_532 = %while3A to %while3A_265 step %while3A_266 iter_args(%while3A_533 = %while3A_259) -> (i32)  : i32 {
      %mul3A_534 = arith.constant 8 : i32
      %mul3A_535 = arith.muli %while3A_532, %mul3A_534 : i32
      %add3A_536 = arith.addi %mul3A_256, %mul3A_535 : i32
      "tpu.region"() ({
        %run_scoped3A_538 = tpu.sem_alloc : memref<!tpu.dma_semaphore, #tpu.memory_space<semaphore_mem>>
        %dma_start3A_539 = arith.constant 0 : i32
        %dma_start3A_540 = tpu.memref_slice %arg10[%add3A_536, %dma_start3A_539] : memref<10000x64xf32, #tpu.memory_space<vmem_shared>> -> memref<8x64xf32, #tpu.memory_space<vmem_shared>>
        %dma_start3A_541 = arith.constant 0 : i32
        %dma_start3A_542 = tpu.memref_slice %arg10[%add3A_536, %dma_start3A_541] : memref<10000x64xf32, #tpu.memory_space<vmem_shared>> -> memref<8x64xf32, #tpu.memory_space<vmem_shared>>
        tpu.enqueue_dma source(%arg9 : memref<8x64xf32, #tpu.memory_space<vmem>>) target(%dma_start3A_542 : memref<8x64xf32, #tpu.memory_space<vmem_shared>>) target_semaphore(%run_scoped3A_538 : memref<!tpu.dma_semaphore, #tpu.memory_space<semaphore_mem>>)
        %dma_wait3A_543 = arith.constant 0 : i32
        %dma_wait3A_544 = tpu.memref_slice %arg10[%add3A_536, %dma_wait3A_543] : memref<10000x64xf32, #tpu.memory_space<vmem_shared>> -> memref<8x64xf32, #tpu.memory_space<vmem_shared>>
        %dma_wait3A_545 = arith.constant 0 : i32
        %dma_wait3A_546 = tpu.memref_slice %arg10[%add3A_536, %dma_wait3A_545] : memref<10000x64xf32, #tpu.memory_space<vmem_shared>> -> memref<8x64xf32, #tpu.memory_space<vmem_shared>>
        tpu.wait_dma2 semaphore(%run_scoped3A_538 : memref<!tpu.dma_semaphore, #tpu.memory_space<semaphore_mem>>) src(%arg9 : memref<8x64xf32, #tpu.memory_space<vmem>>) dst(%dma_wait3A_546 : memref<8x64xf32, #tpu.memory_space<vmem_shared>>)
        tpu.yield
      }) : () -> ()
      %while3A_537 = arith.constant 0 : i32
      scf.yield %while3A_537 : i32
    }
    %while3A_268 = arith.constant 1 : i32
    %while3A_269 = scf.for %while3A_532 = %while3A_265 to %while3A_261 step %while3A_268 iter_args(%while3A_533 = %while3A_267) -> (i32)  : i32 {
      %mul3A_534 = arith.constant 8 : i32
      %mul3A_535 = arith.muli %while3A_532, %mul3A_534 : i32
      %add3A_536 = arith.addi %mul3A_256, %mul3A_535 : i32
      "tpu.region"() ({
        %run_scoped3A_538 = tpu.sem_alloc : memref<!tpu.dma_semaphore, #tpu.memory_space<semaphore_mem>>
        %dma_start3A_539 = arith.constant 0 : i32
        %dma_start3A_540 = tpu.memref_slice %arg10[%add3A_536, %dma_start3A_539] : memref<10000x64xf32, #tpu.memory_space<vmem_shared>> -> memref<8x64xf32, #tpu.memory_space<vmem_shared>>
        %dma_start3A_541 = arith.constant 0 : i32
        %dma_start3A_542 = tpu.memref_slice %arg10[%add3A_536, %dma_start3A_541] : memref<10000x64xf32, #tpu.memory_space<vmem_shared>> -> memref<8x64xf32, #tpu.memory_space<vmem_shared>>
        tpu.enqueue_dma source(%arg9 : memref<8x64xf32, #tpu.memory_space<vmem>>) target(%dma_start3A_542 : memref<8x64xf32, #tpu.memory_space<vmem_shared>>) target_semaphore(%run_scoped3A_538 : memref<!tpu.dma_semaphore, #tpu.memory_space<semaphore_mem>>)
        %dma_wait3A_543 = arith.constant 0 : i32
        %dma_wait3A_544 = tpu.memref_slice %arg10[%add3A_536, %dma_wait3A_543] : memref<10000x64xf32, #tpu.memory_space<vmem_shared>> -> memref<8x64xf32, #tpu.memory_space<vmem_shared>>
        %dma_wait3A_545 = arith.constant 0 : i32
        %dma_wait3A_546 = tpu.memref_slice %arg10[%add3A_536, %dma_wait3A_545] : memref<10000x64xf32, #tpu.memory_space<vmem_shared>> -> memref<8x64xf32, #tpu.memory_space<vmem_shared>>
        tpu.wait_dma2 semaphore(%run_scoped3A_538 : memref<!tpu.dma_semaphore, #tpu.memory_space<semaphore_mem>>) src(%arg9 : memref<8x64xf32, #tpu.memory_space<vmem>>) dst(%dma_wait3A_546 : memref<8x64xf32, #tpu.memory_space<vmem_shared>>)
        tpu.yield
      }) : () -> ()
      %while3A_537 = arith.constant 0 : i32
      scf.yield %while3A_537 : i32
    }
    %barrier3A = arith.constant 0 : index
    tpu.barrier barrier_id(%barrier3A)
    %dma_start3A = arith.constant 0 : i32
    %dma_start3A_270 = arith.constant 0 : i32
    %dma_start3A_271 = arith.constant 0 : i32
    %dma_start3A_272 = tpu.memref_slice %arg6[%dma_start3A_270, %dma_start3A_271] : memref<4x80xi32, #tpu.memory_space<vmem>> -> memref<1x80xi32, #tpu.memory_space<vmem>>
    %dma_start3A_273 = tpu.memref_squeeze %dma_start3A_272 : memref<1x80xi32, #tpu.memory_space<vmem>> -> memref<80xi32, #tpu.memory_space<vmem>>
    %dma_start3A_274 = arith.constant 0 : i32
    %dma_start3A_275 = tpu.memref_slice %arg3[%add3A, %dma_start3A, %dma_start3A_274] : memref<32x125x80xi32, #tpu.memory_space<hbm>> -> memref<1x1x80xi32, #tpu.memory_space<hbm>>
    %dma_start3A_276 = tpu.memref_squeeze %dma_start3A_275 : memref<1x1x80xi32, #tpu.memory_space<hbm>> -> memref<80xi32, #tpu.memory_space<hbm>>
    %dma_start3A_277 = arith.constant 0 : i32
    %dma_start3A_278 = tpu.memref_slice %arg6[%dma_start3A_270, %dma_start3A_277] : memref<4x80xi32, #tpu.memory_space<vmem>> -> memref<1x80xi32, #tpu.memory_space<vmem>>
    %dma_start3A_279 = tpu.memref_squeeze %dma_start3A_278 : memref<1x80xi32, #tpu.memory_space<vmem>> -> memref<80xi32, #tpu.memory_space<vmem>>
    %dma_start3A_280 = arith.constant 0 : i32
    %dma_start3A_281 = tpu.memref_slice %arg3[%add3A, %dma_start3A, %dma_start3A_280] : memref<32x125x80xi32, #tpu.memory_space<hbm>> -> memref<1x1x80xi32, #tpu.memory_space<hbm>>
    %dma_start3A_282 = tpu.memref_squeeze %dma_start3A_281 : memref<1x1x80xi32, #tpu.memory_space<hbm>> -> memref<80xi32, #tpu.memory_space<hbm>>
    tpu.enqueue_dma source(%dma_start3A_282 : memref<80xi32, #tpu.memory_space<hbm>>) target(%dma_start3A_279 : memref<80xi32, #tpu.memory_space<vmem>>) target_semaphore(%arg15 : memref<!tpu.dma_semaphore, #tpu.memory_space<semaphore_mem>>)
    %dma_start3A_283 = arith.constant 0 : i32
    %dma_start3A_284 = arith.constant 0 : i32
    %dma_start3A_285 = arith.constant 0 : i32
    %dma_start3A_286 = tpu.memref_slice %arg7[%dma_start3A_284, %dma_start3A_285] : memref<4x80xi32, #tpu.memory_space<vmem>> -> memref<1x80xi32, #tpu.memory_space<vmem>>
    %dma_start3A_287 = tpu.memref_squeeze %dma_start3A_286 : memref<1x80xi32, #tpu.memory_space<vmem>> -> memref<80xi32, #tpu.memory_space<vmem>>
    %dma_start3A_288 = arith.constant 0 : i32
    %dma_start3A_289 = tpu.memref_slice %arg4[%add3A, %dma_start3A_283, %dma_start3A_288] : memref<32x125x80xi32, #tpu.memory_space<hbm>> -> memref<1x1x80xi32, #tpu.memory_space<hbm>>
    %dma_start3A_290 = tpu.memref_squeeze %dma_start3A_289 : memref<1x1x80xi32, #tpu.memory_space<hbm>> -> memref<80xi32, #tpu.memory_space<hbm>>
    %dma_start3A_291 = arith.constant 0 : i32
    %dma_start3A_292 = tpu.memref_slice %arg7[%dma_start3A_284, %dma_start3A_291] : memref<4x80xi32, #tpu.memory_space<vmem>> -> memref<1x80xi32, #tpu.memory_space<vmem>>
    %dma_start3A_293 = tpu.memref_squeeze %dma_start3A_292 : memref<1x80xi32, #tpu.memory_space<vmem>> -> memref<80xi32, #tpu.memory_space<vmem>>
    %dma_start3A_294 = arith.constant 0 : i32
    %dma_start3A_295 = tpu.memref_slice %arg4[%add3A, %dma_start3A_283, %dma_start3A_294] : memref<32x125x80xi32, #tpu.memory_space<hbm>> -> memref<1x1x80xi32, #tpu.memory_space<hbm>>
    %dma_start3A_296 = tpu.memref_squeeze %dma_start3A_295 : memref<1x1x80xi32, #tpu.memory_space<hbm>> -> memref<80xi32, #tpu.memory_space<hbm>>
    tpu.enqueue_dma source(%dma_start3A_296 : memref<80xi32, #tpu.memory_space<hbm>>) target(%dma_start3A_293 : memref<80xi32, #tpu.memory_space<vmem>>) target_semaphore(%arg15 : memref<!tpu.dma_semaphore, #tpu.memory_space<semaphore_mem>>)
    %dma_start3A_297 = arith.constant 1 : i32
    %dma_start3A_298 = arith.constant 1 : i32
    %dma_start3A_299 = arith.constant 0 : i32
    %dma_start3A_300 = tpu.memref_slice %arg6[%dma_start3A_298, %dma_start3A_299] : memref<4x80xi32, #tpu.memory_space<vmem>> -> memref<1x80xi32, #tpu.memory_space<vmem>>
    %dma_start3A_301 = tpu.memref_squeeze %dma_start3A_300 : memref<1x80xi32, #tpu.memory_space<vmem>> -> memref<80xi32, #tpu.memory_space<vmem>>
    %dma_start3A_302 = arith.constant 0 : i32
    %dma_start3A_303 = tpu.memref_slice %arg3[%add3A, %dma_start3A_297, %dma_start3A_302] : memref<32x125x80xi32, #tpu.memory_space<hbm>> -> memref<1x1x80xi32, #tpu.memory_space<hbm>>
    %dma_start3A_304 = tpu.memref_squeeze %dma_start3A_303 : memref<1x1x80xi32, #tpu.memory_space<hbm>> -> memref<80xi32, #tpu.memory_space<hbm>>
    %dma_start3A_305 = arith.constant 0 : i32
    %dma_start3A_306 = tpu.memref_slice %arg6[%dma_start3A_298, %dma_start3A_305] : memref<4x80xi32, #tpu.memory_space<vmem>> -> memref<1x80xi32, #tpu.memory_space<vmem>>
    %dma_start3A_307 = tpu.memref_squeeze %dma_start3A_306 : memref<1x80xi32, #tpu.memory_space<vmem>> -> memref<80xi32, #tpu.memory_space<vmem>>
    %dma_start3A_308 = arith.constant 0 : i32
    %dma_start3A_309 = tpu.memref_slice %arg3[%add3A, %dma_start3A_297, %dma_start3A_308] : memref<32x125x80xi32, #tpu.memory_space<hbm>> -> memref<1x1x80xi32, #tpu.memory_space<hbm>>
    %dma_start3A_310 = tpu.memref_squeeze %dma_start3A_309 : memref<1x1x80xi32, #tpu.memory_space<hbm>> -> memref<80xi32, #tpu.memory_space<hbm>>
    tpu.enqueue_dma source(%dma_start3A_310 : memref<80xi32, #tpu.memory_space<hbm>>) target(%dma_start3A_307 : memref<80xi32, #tpu.memory_space<vmem>>) target_semaphore(%arg16 : memref<!tpu.dma_semaphore, #tpu.memory_space<semaphore_mem>>)
    %dma_start3A_311 = arith.constant 1 : i32
    %dma_start3A_312 = arith.constant 1 : i32
    %dma_start3A_313 = arith.constant 0 : i32
    %dma_start3A_314 = tpu.memref_slice %arg7[%dma_start3A_312, %dma_start3A_313] : memref<4x80xi32, #tpu.memory_space<vmem>> -> memref<1x80xi32, #tpu.memory_space<vmem>>
    %dma_start3A_315 = tpu.memref_squeeze %dma_start3A_314 : memref<1x80xi32, #tpu.memory_space<vmem>> -> memref<80xi32, #tpu.memory_space<vmem>>
    %dma_start3A_316 = arith.constant 0 : i32
    %dma_start3A_317 = tpu.memref_slice %arg4[%add3A, %dma_start3A_311, %dma_start3A_316] : memref<32x125x80xi32, #tpu.memory_space<hbm>> -> memref<1x1x80xi32, #tpu.memory_space<hbm>>
    %dma_start3A_318 = tpu.memref_squeeze %dma_start3A_317 : memref<1x1x80xi32, #tpu.memory_space<hbm>> -> memref<80xi32, #tpu.memory_space<hbm>>
    %dma_start3A_319 = arith.constant 0 : i32
    %dma_start3A_320 = tpu.memref_slice %arg7[%dma_start3A_312, %dma_start3A_319] : memref<4x80xi32, #tpu.memory_space<vmem>> -> memref<1x80xi32, #tpu.memory_space<vmem>>
    %dma_start3A_321 = tpu.memref_squeeze %dma_start3A_320 : memref<1x80xi32, #tpu.memory_space<vmem>> -> memref<80xi32, #tpu.memory_space<vmem>>
    %dma_start3A_322 = arith.constant 0 : i32
    %dma_start3A_323 = tpu.memref_slice %arg4[%add3A, %dma_start3A_311, %dma_start3A_322] : memref<32x125x80xi32, #tpu.memory_space<hbm>> -> memref<1x1x80xi32, #tpu.memory_space<hbm>>
    %dma_start3A_324 = tpu.memref_squeeze %dma_start3A_323 : memref<1x1x80xi32, #tpu.memory_space<hbm>> -> memref<80xi32, #tpu.memory_space<hbm>>
    tpu.enqueue_dma source(%dma_start3A_324 : memref<80xi32, #tpu.memory_space<hbm>>) target(%dma_start3A_321 : memref<80xi32, #tpu.memory_space<vmem>>) target_semaphore(%arg16 : memref<!tpu.dma_semaphore, #tpu.memory_space<semaphore_mem>>)
    %dma_start3A_325 = arith.constant 2 : i32
    %dma_start3A_326 = arith.constant 2 : i32
    %dma_start3A_327 = arith.constant 0 : i32
    %dma_start3A_328 = tpu.memref_slice %arg6[%dma_start3A_326, %dma_start3A_327] : memref<4x80xi32, #tpu.memory_space<vmem>> -> memref<1x80xi32, #tpu.memory_space<vmem>>
    %dma_start3A_329 = tpu.memref_squeeze %dma_start3A_328 : memref<1x80xi32, #tpu.memory_space<vmem>> -> memref<80xi32, #tpu.memory_space<vmem>>
    %dma_start3A_330 = arith.constant 0 : i32
    %dma_start3A_331 = tpu.memref_slice %arg3[%add3A, %dma_start3A_325, %dma_start3A_330] : memref<32x125x80xi32, #tpu.memory_space<hbm>> -> memref<1x1x80xi32, #tpu.memory_space<hbm>>
    %dma_start3A_332 = tpu.memref_squeeze %dma_start3A_331 : memref<1x1x80xi32, #tpu.memory_space<hbm>> -> memref<80xi32, #tpu.memory_space<hbm>>
    %dma_start3A_333 = arith.constant 0 : i32
    %dma_start3A_334 = tpu.memref_slice %arg6[%dma_start3A_326, %dma_start3A_333] : memref<4x80xi32, #tpu.memory_space<vmem>> -> memref<1x80xi32, #tpu.memory_space<vmem>>
    %dma_start3A_335 = tpu.memref_squeeze %dma_start3A_334 : memref<1x80xi32, #tpu.memory_space<vmem>> -> memref<80xi32, #tpu.memory_space<vmem>>
    %dma_start3A_336 = arith.constant 0 : i32
    %dma_start3A_337 = tpu.memref_slice %arg3[%add3A, %dma_start3A_325, %dma_start3A_336] : memref<32x125x80xi32, #tpu.memory_space<hbm>> -> memref<1x1x80xi32, #tpu.memory_space<hbm>>
    %dma_start3A_338 = tpu.memref_squeeze %dma_start3A_337 : memref<1x1x80xi32, #tpu.memory_space<hbm>> -> memref<80xi32, #tpu.memory_space<hbm>>
    tpu.enqueue_dma source(%dma_start3A_338 : memref<80xi32, #tpu.memory_space<hbm>>) target(%dma_start3A_335 : memref<80xi32, #tpu.memory_space<vmem>>) target_semaphore(%arg17 : memref<!tpu.dma_semaphore, #tpu.memory_space<semaphore_mem>>)
    %dma_start3A_339 = arith.constant 2 : i32
    %dma_start3A_340 = arith.constant 2 : i32
    %dma_start3A_341 = arith.constant 0 : i32
    %dma_start3A_342 = tpu.memref_slice %arg7[%dma_start3A_340, %dma_start3A_341] : memref<4x80xi32, #tpu.memory_space<vmem>> -> memref<1x80xi32, #tpu.memory_space<vmem>>
    %dma_start3A_343 = tpu.memref_squeeze %dma_start3A_342 : memref<1x80xi32, #tpu.memory_space<vmem>> -> memref<80xi32, #tpu.memory_space<vmem>>
    %dma_start3A_344 = arith.constant 0 : i32
    %dma_start3A_345 = tpu.memref_slice %arg4[%add3A, %dma_start3A_339, %dma_start3A_344] : memref<32x125x80xi32, #tpu.memory_space<hbm>> -> memref<1x1x80xi32, #tpu.memory_space<hbm>>
    %dma_start3A_346 = tpu.memref_squeeze %dma_start3A_345 : memref<1x1x80xi32, #tpu.memory_space<hbm>> -> memref<80xi32, #tpu.memory_space<hbm>>
    %dma_start3A_347 = arith.constant 0 : i32
    %dma_start3A_348 = tpu.memref_slice %arg7[%dma_start3A_340, %dma_start3A_347] : memref<4x80xi32, #tpu.memory_space<vmem>> -> memref<1x80xi32, #tpu.memory_space<vmem>>
    %dma_start3A_349 = tpu.memref_squeeze %dma_start3A_348 : memref<1x80xi32, #tpu.memory_space<vmem>> -> memref<80xi32, #tpu.memory_space<vmem>>
    %dma_start3A_350 = arith.constant 0 : i32
    %dma_start3A_351 = tpu.memref_slice %arg4[%add3A, %dma_start3A_339, %dma_start3A_350] : memref<32x125x80xi32, #tpu.memory_space<hbm>> -> memref<1x1x80xi32, #tpu.memory_space<hbm>>
    %dma_start3A_352 = tpu.memref_squeeze %dma_start3A_351 : memref<1x1x80xi32, #tpu.memory_space<hbm>> -> memref<80xi32, #tpu.memory_space<hbm>>
    tpu.enqueue_dma source(%dma_start3A_352 : memref<80xi32, #tpu.memory_space<hbm>>) target(%dma_start3A_349 : memref<80xi32, #tpu.memory_space<vmem>>) target_semaphore(%arg17 : memref<!tpu.dma_semaphore, #tpu.memory_space<semaphore_mem>>)
    %dma_start3A_353 = arith.constant 3 : i32
    %dma_start3A_354 = arith.constant 3 : i32
    %dma_start3A_355 = arith.constant 0 : i32
    %dma_start3A_356 = tpu.memref_slice %arg6[%dma_start3A_354, %dma_start3A_355] : memref<4x80xi32, #tpu.memory_space<vmem>> -> memref<1x80xi32, #tpu.memory_space<vmem>>
    %dma_start3A_357 = tpu.memref_squeeze %dma_start3A_356 : memref<1x80xi32, #tpu.memory_space<vmem>> -> memref<80xi32, #tpu.memory_space<vmem>>
    %dma_start3A_358 = arith.constant 0 : i32
    %dma_start3A_359 = tpu.memref_slice %arg3[%add3A, %dma_start3A_353, %dma_start3A_358] : memref<32x125x80xi32, #tpu.memory_space<hbm>> -> memref<1x1x80xi32, #tpu.memory_space<hbm>>
    %dma_start3A_360 = tpu.memref_squeeze %dma_start3A_359 : memref<1x1x80xi32, #tpu.memory_space<hbm>> -> memref<80xi32, #tpu.memory_space<hbm>>
    %dma_start3A_361 = arith.constant 0 : i32
    %dma_start3A_362 = tpu.memref_slice %arg6[%dma_start3A_354, %dma_start3A_361] : memref<4x80xi32, #tpu.memory_space<vmem>> -> memref<1x80xi32, #tpu.memory_space<vmem>>
    %dma_start3A_363 = tpu.memref_squeeze %dma_start3A_362 : memref<1x80xi32, #tpu.memory_space<vmem>> -> memref<80xi32, #tpu.memory_space<vmem>>
    %dma_start3A_364 = arith.constant 0 : i32
    %dma_start3A_365 = tpu.memref_slice %arg3[%add3A, %dma_start3A_353, %dma_start3A_364] : memref<32x125x80xi32, #tpu.memory_space<hbm>> -> memref<1x1x80xi32, #tpu.memory_space<hbm>>
    %dma_start3A_366 = tpu.memref_squeeze %dma_start3A_365 : memref<1x1x80xi32, #tpu.memory_space<hbm>> -> memref<80xi32, #tpu.memory_space<hbm>>
    tpu.enqueue_dma source(%dma_start3A_366 : memref<80xi32, #tpu.memory_space<hbm>>) target(%dma_start3A_363 : memref<80xi32, #tpu.memory_space<vmem>>) target_semaphore(%arg18 : memref<!tpu.dma_semaphore, #tpu.memory_space<semaphore_mem>>)
    %dma_start3A_367 = arith.constant 3 : i32
    %dma_start3A_368 = arith.constant 3 : i32
    %dma_start3A_369 = arith.constant 0 : i32
    %dma_start3A_370 = tpu.memref_slice %arg7[%dma_start3A_368, %dma_start3A_369] : memref<4x80xi32, #tpu.memory_space<vmem>> -> memref<1x80xi32, #tpu.memory_space<vmem>>
    %dma_start3A_371 = tpu.memref_squeeze %dma_start3A_370 : memref<1x80xi32, #tpu.memory_space<vmem>> -> memref<80xi32, #tpu.memory_space<vmem>>
    %dma_start3A_372 = arith.constant 0 : i32
    %dma_start3A_373 = tpu.memref_slice %arg4[%add3A, %dma_start3A_367, %dma_start3A_372] : memref<32x125x80xi32, #tpu.memory_space<hbm>> -> memref<1x1x80xi32, #tpu.memory_space<hbm>>
    %dma_start3A_374 = tpu.memref_squeeze %dma_start3A_373 : memref<1x1x80xi32, #tpu.memory_space<hbm>> -> memref<80xi32, #tpu.memory_space<hbm>>
    %dma_start3A_375 = arith.constant 0 : i32
    %dma_start3A_376 = tpu.memref_slice %arg7[%dma_start3A_368, %dma_start3A_375] : memref<4x80xi32, #tpu.memory_space<vmem>> -> memref<1x80xi32, #tpu.memory_space<vmem>>
    %dma_start3A_377 = tpu.memref_squeeze %dma_start3A_376 : memref<1x80xi32, #tpu.memory_space<vmem>> -> memref<80xi32, #tpu.memory_space<vmem>>
    %dma_start3A_378 = arith.constant 0 : i32
    %dma_start3A_379 = tpu.memref_slice %arg4[%add3A, %dma_start3A_367, %dma_start3A_378] : memref<32x125x80xi32, #tpu.memory_space<hbm>> -> memref<1x1x80xi32, #tpu.memory_space<hbm>>
    %dma_start3A_380 = tpu.memref_squeeze %dma_start3A_379 : memref<1x1x80xi32, #tpu.memory_space<hbm>> -> memref<80xi32, #tpu.memory_space<hbm>>
    tpu.enqueue_dma source(%dma_start3A_380 : memref<80xi32, #tpu.memory_space<hbm>>) target(%dma_start3A_377 : memref<80xi32, #tpu.memory_space<vmem>>) target_semaphore(%arg18 : memref<!tpu.dma_semaphore, #tpu.memory_space<semaphore_mem>>)
    %dma_wait3A = arith.constant 0 : i32
    %dma_wait3A_381 = arith.constant 0 : i32
    %dma_wait3A_382 = arith.constant 0 : i32
    %dma_wait3A_383 = tpu.memref_slice %arg6[%dma_wait3A_381, %dma_wait3A_382] : memref<4x80xi32, #tpu.memory_space<vmem>> -> memref<1x80xi32, #tpu.memory_space<vmem>>
    %dma_wait3A_384 = tpu.memref_squeeze %dma_wait3A_383 : memref<1x80xi32, #tpu.memory_space<vmem>> -> memref<80xi32, #tpu.memory_space<vmem>>
    %dma_wait3A_385 = arith.constant 0 : i32
    %dma_wait3A_386 = tpu.memref_slice %arg3[%add3A, %dma_wait3A, %dma_wait3A_385] : memref<32x125x80xi32, #tpu.memory_space<hbm>> -> memref<1x1x80xi32, #tpu.memory_space<hbm>>
    %dma_wait3A_387 = tpu.memref_squeeze %dma_wait3A_386 : memref<1x1x80xi32, #tpu.memory_space<hbm>> -> memref<80xi32, #tpu.memory_space<hbm>>
    %dma_wait3A_388 = arith.constant 0 : i32
    %dma_wait3A_389 = tpu.memref_slice %arg6[%dma_wait3A_381, %dma_wait3A_388] : memref<4x80xi32, #tpu.memory_space<vmem>> -> memref<1x80xi32, #tpu.memory_space<vmem>>
    %dma_wait3A_390 = tpu.memref_squeeze %dma_wait3A_389 : memref<1x80xi32, #tpu.memory_space<vmem>> -> memref<80xi32, #tpu.memory_space<vmem>>
    %dma_wait3A_391 = arith.constant 0 : i32
    %dma_wait3A_392 = tpu.memref_slice %arg3[%add3A, %dma_wait3A, %dma_wait3A_391] : memref<32x125x80xi32, #tpu.memory_space<hbm>> -> memref<1x1x80xi32, #tpu.memory_space<hbm>>
    %dma_wait3A_393 = tpu.memref_squeeze %dma_wait3A_392 : memref<1x1x80xi32, #tpu.memory_space<hbm>> -> memref<80xi32, #tpu.memory_space<hbm>>
    tpu.wait_dma2 semaphore(%arg15 : memref<!tpu.dma_semaphore, #tpu.memory_space<semaphore_mem>>) src(%dma_wait3A_393 : memref<80xi32, #tpu.memory_space<hbm>>) dst(%dma_wait3A_390 : memref<80xi32, #tpu.memory_space<vmem>>)
    %dma_wait3A_394 = arith.constant 0 : i32
    %dma_wait3A_395 = arith.constant 0 : i32
    %dma_wait3A_396 = arith.constant 0 : i32
    %dma_wait3A_397 = tpu.memref_slice %arg7[%dma_wait3A_395, %dma_wait3A_396] : memref<4x80xi32, #tpu.memory_space<vmem>> -> memref<1x80xi32, #tpu.memory_space<vmem>>
    %dma_wait3A_398 = tpu.memref_squeeze %dma_wait3A_397 : memref<1x80xi32, #tpu.memory_space<vmem>> -> memref<80xi32, #tpu.memory_space<vmem>>
    %dma_wait3A_399 = arith.constant 0 : i32
    %dma_wait3A_400 = tpu.memref_slice %arg4[%add3A, %dma_wait3A_394, %dma_wait3A_399] : memref<32x125x80xi32, #tpu.memory_space<hbm>> -> memref<1x1x80xi32, #tpu.memory_space<hbm>>
    %dma_wait3A_401 = tpu.memref_squeeze %dma_wait3A_400 : memref<1x1x80xi32, #tpu.memory_space<hbm>> -> memref<80xi32, #tpu.memory_space<hbm>>
    %dma_wait3A_402 = arith.constant 0 : i32
    %dma_wait3A_403 = tpu.memref_slice %arg7[%dma_wait3A_395, %dma_wait3A_402] : memref<4x80xi32, #tpu.memory_space<vmem>> -> memref<1x80xi32, #tpu.memory_space<vmem>>
    %dma_wait3A_404 = tpu.memref_squeeze %dma_wait3A_403 : memref<1x80xi32, #tpu.memory_space<vmem>> -> memref<80xi32, #tpu.memory_space<vmem>>
    %dma_wait3A_405 = arith.constant 0 : i32
    %dma_wait3A_406 = tpu.memref_slice %arg4[%add3A, %dma_wait3A_394, %dma_wait3A_405] : memref<32x125x80xi32, #tpu.memory_space<hbm>> -> memref<1x1x80xi32, #tpu.memory_space<hbm>>
    %dma_wait3A_407 = tpu.memref_squeeze %dma_wait3A_406 : memref<1x1x80xi32, #tpu.memory_space<hbm>> -> memref<80xi32, #tpu.memory_space<hbm>>
    tpu.wait_dma2 semaphore(%arg15 : memref<!tpu.dma_semaphore, #tpu.memory_space<semaphore_mem>>) src(%dma_wait3A_407 : memref<80xi32, #tpu.memory_space<hbm>>) dst(%dma_wait3A_404 : memref<80xi32, #tpu.memory_space<vmem>>)
    %dma_start3A_408 = arith.constant 0 : i32
    %dma_start3A_409 = arith.constant 0 : i32
    %dma_start3A_410 = arith.constant 0 : i32
    %dma_start3A_411 = arith.constant 0 : i32
    %dma_start3A_412 = tpu.memref_slice %arg8[%dma_start3A_409, %dma_start3A_410, %dma_start3A_411] : memref<4x80x64xf32, #tpu.memory_space<vmem>> -> memref<1x80x64xf32, #tpu.memory_space<vmem>>
    %dma_start3A_413 = tpu.memref_squeeze %dma_start3A_412 : memref<1x80x64xf32, #tpu.memory_space<vmem>> -> memref<80x64xf32, #tpu.memory_space<vmem>>
    %dma_start3A_414 = arith.constant 0 : i32
    %dma_start3A_415 = tpu.memref_slice %arg6[%dma_start3A_408, %dma_start3A_414] : memref<4x80xi32, #tpu.memory_space<vmem>> -> memref<1x80xi32, #tpu.memory_space<vmem>>
    %dma_start3A_416 = tpu.memref_squeeze %dma_start3A_415 : memref<1x80xi32, #tpu.memory_space<vmem>> -> memref<80xi32, #tpu.memory_space<vmem>>
    %dma_start3A_417 = arith.constant 0 : i32
    %dma_start3A_418 = arith.constant 0 : i32
    %dma_start3A_419 = tpu.memref_slice %arg2[%dma_start3A_417, %dma_start3A_418] : memref<10000x64xf32, #tpu.memory_space<hbm>> -> memref<10000x64xf32, #tpu.memory_space<hbm>>
    tpu.enqueue_indirect_dma source(%dma_start3A_419 : memref<10000x64xf32, #tpu.memory_space<hbm>>) target(%dma_start3A_413 : memref<80x64xf32, #tpu.memory_space<vmem>>) offsets(%dma_start3A_416 : memref<80xi32, #tpu.memory_space<vmem>>) semaphore(%arg11 : memref<!tpu.dma_semaphore, #tpu.memory_space<semaphore_mem>>)
    %dma_wait3A_420 = arith.constant 0 : i32
    %dma_wait3A_421 = arith.constant 1 : i32
    %dma_wait3A_422 = arith.constant 0 : i32
    %dma_wait3A_423 = tpu.memref_slice %arg6[%dma_wait3A_421, %dma_wait3A_422] : memref<4x80xi32, #tpu.memory_space<vmem>> -> memref<1x80xi32, #tpu.memory_space<vmem>>
    %dma_wait3A_424 = tpu.memref_squeeze %dma_wait3A_423 : memref<1x80xi32, #tpu.memory_space<vmem>> -> memref<80xi32, #tpu.memory_space<vmem>>
    %dma_wait3A_425 = arith.constant 0 : i32
    %dma_wait3A_426 = tpu.memref_slice %arg3[%add3A, %dma_wait3A_420, %dma_wait3A_425] : memref<32x125x80xi32, #tpu.memory_space<hbm>> -> memref<1x1x80xi32, #tpu.memory_space<hbm>>
    %dma_wait3A_427 = tpu.memref_squeeze %dma_wait3A_426 : memref<1x1x80xi32, #tpu.memory_space<hbm>> -> memref<80xi32, #tpu.memory_space<hbm>>
    %dma_wait3A_428 = arith.constant 0 : i32
    %dma_wait3A_429 = tpu.memref_slice %arg6[%dma_wait3A_421, %dma_wait3A_428] : memref<4x80xi32, #tpu.memory_space<vmem>> -> memref<1x80xi32, #tpu.memory_space<vmem>>
    %dma_wait3A_430 = tpu.memref_squeeze %dma_wait3A_429 : memref<1x80xi32, #tpu.memory_space<vmem>> -> memref<80xi32, #tpu.memory_space<vmem>>
    %dma_wait3A_431 = arith.constant 0 : i32
    %dma_wait3A_432 = tpu.memref_slice %arg3[%add3A, %dma_wait3A_420, %dma_wait3A_431] : memref<32x125x80xi32, #tpu.memory_space<hbm>> -> memref<1x1x80xi32, #tpu.memory_space<hbm>>
    %dma_wait3A_433 = tpu.memref_squeeze %dma_wait3A_432 : memref<1x1x80xi32, #tpu.memory_space<hbm>> -> memref<80xi32, #tpu.memory_space<hbm>>
    tpu.wait_dma2 semaphore(%arg16 : memref<!tpu.dma_semaphore, #tpu.memory_space<semaphore_mem>>) src(%dma_wait3A_433 : memref<80xi32, #tpu.memory_space<hbm>>) dst(%dma_wait3A_430 : memref<80xi32, #tpu.memory_space<vmem>>)
    %dma_wait3A_434 = arith.constant 0 : i32
    %dma_wait3A_435 = arith.constant 1 : i32
    %dma_wait3A_436 = arith.constant 0 : i32
    %dma_wait3A_437 = tpu.memref_slice %arg7[%dma_wait3A_435, %dma_wait3A_436] : memref<4x80xi32, #tpu.memory_space<vmem>> -> memref<1x80xi32, #tpu.memory_space<vmem>>
    %dma_wait3A_438 = tpu.memref_squeeze %dma_wait3A_437 : memref<1x80xi32, #tpu.memory_space<vmem>> -> memref<80xi32, #tpu.memory_space<vmem>>
    %dma_wait3A_439 = arith.constant 0 : i32
    %dma_wait3A_440 = tpu.memref_slice %arg4[%add3A, %dma_wait3A_434, %dma_wait3A_439] : memref<32x125x80xi32, #tpu.memory_space<hbm>> -> memref<1x1x80xi32, #tpu.memory_space<hbm>>
    %dma_wait3A_441 = tpu.memref_squeeze %dma_wait3A_440 : memref<1x1x80xi32, #tpu.memory_space<hbm>> -> memref<80xi32, #tpu.memory_space<hbm>>
    %dma_wait3A_442 = arith.constant 0 : i32
    %dma_wait3A_443 = tpu.memref_slice %arg7[%dma_wait3A_435, %dma_wait3A_442] : memref<4x80xi32, #tpu.memory_space<vmem>> -> memref<1x80xi32, #tpu.memory_space<vmem>>
    %dma_wait3A_444 = tpu.memref_squeeze %dma_wait3A_443 : memref<1x80xi32, #tpu.memory_space<vmem>> -> memref<80xi32, #tpu.memory_space<vmem>>
    %dma_wait3A_445 = arith.constant 0 : i32
    %dma_wait3A_446 = tpu.memref_slice %arg4[%add3A, %dma_wait3A_434, %dma_wait3A_445] : memref<32x125x80xi32, #tpu.memory_space<hbm>> -> memref<1x1x80xi32, #tpu.memory_space<hbm>>
    %dma_wait3A_447 = tpu.memref_squeeze %dma_wait3A_446 : memref<1x1x80xi32, #tpu.memory_space<hbm>> -> memref<80xi32, #tpu.memory_space<hbm>>
    tpu.wait_dma2 semaphore(%arg16 : memref<!tpu.dma_semaphore, #tpu.memory_space<semaphore_mem>>) src(%dma_wait3A_447 : memref<80xi32, #tpu.memory_space<hbm>>) dst(%dma_wait3A_444 : memref<80xi32, #tpu.memory_space<vmem>>)
    %dma_start3A_448 = arith.constant 1 : i32
    %dma_start3A_449 = arith.constant 1 : i32
    %dma_start3A_450 = arith.constant 0 : i32
    %dma_start3A_451 = arith.constant 0 : i32
    %dma_start3A_452 = tpu.memref_slice %arg8[%dma_start3A_449, %dma_start3A_450, %dma_start3A_451] : memref<4x80x64xf32, #tpu.memory_space<vmem>> -> memref<1x80x64xf32, #tpu.memory_space<vmem>>
    %dma_start3A_453 = tpu.memref_squeeze %dma_start3A_452 : memref<1x80x64xf32, #tpu.memory_space<vmem>> -> memref<80x64xf32, #tpu.memory_space<vmem>>
    %dma_start3A_454 = arith.constant 0 : i32
    %dma_start3A_455 = tpu.memref_slice %arg6[%dma_start3A_448, %dma_start3A_454] : memref<4x80xi32, #tpu.memory_space<vmem>> -> memref<1x80xi32, #tpu.memory_space<vmem>>
    %dma_start3A_456 = tpu.memref_squeeze %dma_start3A_455 : memref<1x80xi32, #tpu.memory_space<vmem>> -> memref<80xi32, #tpu.memory_space<vmem>>
    %dma_start3A_457 = arith.constant 0 : i32
    %dma_start3A_458 = arith.constant 0 : i32
    %dma_start3A_459 = tpu.memref_slice %arg2[%dma_start3A_457, %dma_start3A_458] : memref<10000x64xf32, #tpu.memory_space<hbm>> -> memref<10000x64xf32, #tpu.memory_space<hbm>>
    tpu.enqueue_indirect_dma source(%dma_start3A_459 : memref<10000x64xf32, #tpu.memory_space<hbm>>) target(%dma_start3A_453 : memref<80x64xf32, #tpu.memory_space<vmem>>) offsets(%dma_start3A_456 : memref<80xi32, #tpu.memory_space<vmem>>) semaphore(%arg12 : memref<!tpu.dma_semaphore, #tpu.memory_space<semaphore_mem>>)
    %dma_wait3A_460 = arith.constant 0 : i32
    %dma_wait3A_461 = arith.constant 2 : i32
    %dma_wait3A_462 = arith.constant 0 : i32
    %dma_wait3A_463 = tpu.memref_slice %arg6[%dma_wait3A_461, %dma_wait3A_462] : memref<4x80xi32, #tpu.memory_space<vmem>> -> memref<1x80xi32, #tpu.memory_space<vmem>>
    %dma_wait3A_464 = tpu.memref_squeeze %dma_wait3A_463 : memref<1x80xi32, #tpu.memory_space<vmem>> -> memref<80xi32, #tpu.memory_space<vmem>>
    %dma_wait3A_465 = arith.constant 0 : i32
    %dma_wait3A_466 = tpu.memref_slice %arg3[%add3A, %dma_wait3A_460, %dma_wait3A_465] : memref<32x125x80xi32, #tpu.memory_space<hbm>> -> memref<1x1x80xi32, #tpu.memory_space<hbm>>
    %dma_wait3A_467 = tpu.memref_squeeze %dma_wait3A_466 : memref<1x1x80xi32, #tpu.memory_space<hbm>> -> memref<80xi32, #tpu.memory_space<hbm>>
    %dma_wait3A_468 = arith.constant 0 : i32
    %dma_wait3A_469 = tpu.memref_slice %arg6[%dma_wait3A_461, %dma_wait3A_468] : memref<4x80xi32, #tpu.memory_space<vmem>> -> memref<1x80xi32, #tpu.memory_space<vmem>>
    %dma_wait3A_470 = tpu.memref_squeeze %dma_wait3A_469 : memref<1x80xi32, #tpu.memory_space<vmem>> -> memref<80xi32, #tpu.memory_space<vmem>>
    %dma_wait3A_471 = arith.constant 0 : i32
    %dma_wait3A_472 = tpu.memref_slice %arg3[%add3A, %dma_wait3A_460, %dma_wait3A_471] : memref<32x125x80xi32, #tpu.memory_space<hbm>> -> memref<1x1x80xi32, #tpu.memory_space<hbm>>
    %dma_wait3A_473 = tpu.memref_squeeze %dma_wait3A_472 : memref<1x1x80xi32, #tpu.memory_space<hbm>> -> memref<80xi32, #tpu.memory_space<hbm>>
    tpu.wait_dma2 semaphore(%arg17 : memref<!tpu.dma_semaphore, #tpu.memory_space<semaphore_mem>>) src(%dma_wait3A_473 : memref<80xi32, #tpu.memory_space<hbm>>) dst(%dma_wait3A_470 : memref<80xi32, #tpu.memory_space<vmem>>)
    %dma_wait3A_474 = arith.constant 0 : i32
    %dma_wait3A_475 = arith.constant 2 : i32
    %dma_wait3A_476 = arith.constant 0 : i32
    %dma_wait3A_477 = tpu.memref_slice %arg7[%dma_wait3A_475, %dma_wait3A_476] : memref<4x80xi32, #tpu.memory_space<vmem>> -> memref<1x80xi32, #tpu.memory_space<vmem>>
    %dma_wait3A_478 = tpu.memref_squeeze %dma_wait3A_477 : memref<1x80xi32, #tpu.memory_space<vmem>> -> memref<80xi32, #tpu.memory_space<vmem>>
    %dma_wait3A_479 = arith.constant 0 : i32
    %dma_wait3A_480 = tpu.memref_slice %arg4[%add3A, %dma_wait3A_474, %dma_wait3A_479] : memref<32x125x80xi32, #tpu.memory_space<hbm>> -> memref<1x1x80xi32, #tpu.memory_space<hbm>>
    %dma_wait3A_481 = tpu.memref_squeeze %dma_wait3A_480 : memref<1x1x80xi32, #tpu.memory_space<hbm>> -> memref<80xi32, #tpu.memory_space<hbm>>
    %dma_wait3A_482 = arith.constant 0 : i32
    %dma_wait3A_483 = tpu.memref_slice %arg7[%dma_wait3A_475, %dma_wait3A_482] : memref<4x80xi32, #tpu.memory_space<vmem>> -> memref<1x80xi32, #tpu.memory_space<vmem>>
    %dma_wait3A_484 = tpu.memref_squeeze %dma_wait3A_483 : memref<1x80xi32, #tpu.memory_space<vmem>> -> memref<80xi32, #tpu.memory_space<vmem>>
    %dma_wait3A_485 = arith.constant 0 : i32
    %dma_wait3A_486 = tpu.memref_slice %arg4[%add3A, %dma_wait3A_474, %dma_wait3A_485] : memref<32x125x80xi32, #tpu.memory_space<hbm>> -> memref<1x1x80xi32, #tpu.memory_space<hbm>>
    %dma_wait3A_487 = tpu.memref_squeeze %dma_wait3A_486 : memref<1x1x80xi32, #tpu.memory_space<hbm>> -> memref<80xi32, #tpu.memory_space<hbm>>
    tpu.wait_dma2 semaphore(%arg17 : memref<!tpu.dma_semaphore, #tpu.memory_space<semaphore_mem>>) src(%dma_wait3A_487 : memref<80xi32, #tpu.memory_space<hbm>>) dst(%dma_wait3A_484 : memref<80xi32, #tpu.memory_space<vmem>>)
    %dma_start3A_488 = arith.constant 2 : i32
    %dma_start3A_489 = arith.constant 2 : i32
    %dma_start3A_490 = arith.constant 0 : i32
    %dma_start3A_491 = arith.constant 0 : i32
    %dma_start3A_492 = tpu.memref_slice %arg8[%dma_start3A_489, %dma_start3A_490, %dma_start3A_491] : memref<4x80x64xf32, #tpu.memory_space<vmem>> -> memref<1x80x64xf32, #tpu.memory_space<vmem>>
    %dma_start3A_493 = tpu.memref_squeeze %dma_start3A_492 : memref<1x80x64xf32, #tpu.memory_space<vmem>> -> memref<80x64xf32, #tpu.memory_space<vmem>>
    %dma_start3A_494 = arith.constant 0 : i32
    %dma_start3A_495 = tpu.memref_slice %arg6[%dma_start3A_488, %dma_start3A_494] : memref<4x80xi32, #tpu.memory_space<vmem>> -> memref<1x80xi32, #tpu.memory_space<vmem>>
    %dma_start3A_496 = tpu.memref_squeeze %dma_start3A_495 : memref<1x80xi32, #tpu.memory_space<vmem>> -> memref<80xi32, #tpu.memory_space<vmem>>
    %dma_start3A_497 = arith.constant 0 : i32
    %dma_start3A_498 = arith.constant 0 : i32
    %dma_start3A_499 = tpu.memref_slice %arg2[%dma_start3A_497, %dma_start3A_498] : memref<10000x64xf32, #tpu.memory_space<hbm>> -> memref<10000x64xf32, #tpu.memory_space<hbm>>
    tpu.enqueue_indirect_dma source(%dma_start3A_499 : memref<10000x64xf32, #tpu.memory_space<hbm>>) target(%dma_start3A_493 : memref<80x64xf32, #tpu.memory_space<vmem>>) offsets(%dma_start3A_496 : memref<80xi32, #tpu.memory_space<vmem>>) semaphore(%arg13 : memref<!tpu.dma_semaphore, #tpu.memory_space<semaphore_mem>>)
    %scan3A = arith.constant 0 : i32
    %scan3A_500 = arith.constant 0 : i32
    %scan3A_501 = arith.constant 31 : i32
    %scan3A_502 = arith.addi %scan3A_500, %scan3A_501 : i32
    %scan3A_503 = arith.constant 1 : i32
    %scan3A_504 = scf.for %scan3A_532 = %scan3A_500 to %scan3A_502 step %scan3A_503 iter_args(%scan3A_533 = %scan3A) -> (i32)  : i32 {
      %mul3A_534 = arith.constant 4 : i32
      %mul3A_535 = arith.muli %scan3A_532, %mul3A_534 : i32
      %add3A_536 = arith.constant 0 : i32
      %add3A_537 = arith.addi %mul3A_535, %add3A_536 : i32
      %dma_wait3A_538 = arith.constant 0 : i32
      %dma_wait3A_539 = arith.constant 0 : i32
      %dma_wait3A_540 = arith.constant 0 : i32
      %dma_wait3A_541 = arith.constant 0 : i32
      %dma_wait3A_542 = tpu.memref_slice %arg8[%dma_wait3A_539, %dma_wait3A_540, %dma_wait3A_541] : memref<4x80x64xf32, #tpu.memory_space<vmem>> -> memref<1x80x64xf32, #tpu.memory_space<vmem>>
      %dma_wait3A_543 = tpu.memref_squeeze %dma_wait3A_542 : memref<1x80x64xf32, #tpu.memory_space<vmem>> -> memref<80x64xf32, #tpu.memory_space<vmem>>
      %dma_wait3A_544 = arith.constant 0 : i32
      %dma_wait3A_545 = tpu.memref_slice %arg6[%dma_wait3A_538, %dma_wait3A_544] : memref<4x80xi32, #tpu.memory_space<vmem>> -> memref<1x80xi32, #tpu.memory_space<vmem>>
      %dma_wait3A_546 = tpu.memref_squeeze %dma_wait3A_545 : memref<1x80xi32, #tpu.memory_space<vmem>> -> memref<80xi32, #tpu.memory_space<vmem>>
      %dma_wait3A_547 = arith.constant 0 : i32
      %dma_wait3A_548 = arith.constant 0 : i32
      %dma_wait3A_549 = tpu.memref_slice %arg2[%dma_wait3A_547, %dma_wait3A_548] : memref<10000x64xf32, #tpu.memory_space<hbm>> -> memref<10000x64xf32, #tpu.memory_space<hbm>>
      tpu.wait_indirect_dma semaphore(%arg11 : memref<!tpu.dma_semaphore, #tpu.memory_space<semaphore_mem>>) src(%dma_wait3A_549 : memref<10000x64xf32, #tpu.memory_space<hbm>>) dst(%dma_wait3A_543 : memref<80x64xf32, #tpu.memory_space<vmem>>)
      %run_scoped3A_550 = arith.constant 0 : i32
      %run_scoped3A_551 = arith.constant 0 : i32
      "tpu.region"() ({
        %run_scoped3A_660 = tpu.sem_alloc : memref<!tpu.dma_semaphore, #tpu.memory_space<semaphore_mem>>
        %dma_start3A_661 = arith.constant 0 : i32
        %dma_start3A_662 = arith.constant 0 : i32
        %dma_start3A_663 = tpu.memref_slice %arg8[%run_scoped3A_550, %dma_start3A_661, %dma_start3A_662] : memref<4x80x64xf32, #tpu.memory_space<vmem>> -> memref<1x80x64xf32, #tpu.memory_space<vmem>>
        %dma_start3A_664 = tpu.memref_squeeze %dma_start3A_663 : memref<1x80x64xf32, #tpu.memory_space<vmem>> -> memref<80x64xf32, #tpu.memory_space<vmem>>
        %dma_start3A_665 = arith.constant 0 : i32
        %dma_start3A_666 = tpu.memref_slice %arg7[%run_scoped3A_551, %dma_start3A_665] : memref<4x80xi32, #tpu.memory_space<vmem>> -> memref<1x80xi32, #tpu.memory_space<vmem>>
        %dma_start3A_667 = tpu.memref_squeeze %dma_start3A_666 : memref<1x80xi32, #tpu.memory_space<vmem>> -> memref<80xi32, #tpu.memory_space<vmem>>
        %dma_start3A_668 = arith.constant 0 : i32
        %dma_start3A_669 = arith.constant 0 : i32
        %dma_start3A_670 = tpu.memref_slice %arg10[%dma_start3A_668, %dma_start3A_669] : memref<10000x64xf32, #tpu.memory_space<vmem_shared>> -> memref<10000x64xf32, #tpu.memory_space<vmem_shared>>
        tpu.enqueue_indirect_dma source(%dma_start3A_664 : memref<80x64xf32, #tpu.memory_space<vmem>>) target(%dma_start3A_670 : memref<10000x64xf32, #tpu.memory_space<vmem_shared>>) offsets(%dma_start3A_667 : memref<80xi32, #tpu.memory_space<vmem>>) semaphore(%run_scoped3A_660 : memref<!tpu.dma_semaphore, #tpu.memory_space<semaphore_mem>>) {add = true}
        %dma_wait3A_671 = arith.constant 0 : i32
        %dma_wait3A_672 = arith.constant 0 : i32
        %dma_wait3A_673 = tpu.memref_slice %arg8[%run_scoped3A_550, %dma_wait3A_671, %dma_wait3A_672] : memref<4x80x64xf32, #tpu.memory_space<vmem>> -> memref<1x80x64xf32, #tpu.memory_space<vmem>>
        %dma_wait3A_674 = tpu.memref_squeeze %dma_wait3A_673 : memref<1x80x64xf32, #tpu.memory_space<vmem>> -> memref<80x64xf32, #tpu.memory_space<vmem>>
        %dma_wait3A_675 = arith.constant 0 : i32
        %dma_wait3A_676 = tpu.memref_slice %arg7[%run_scoped3A_551, %dma_wait3A_675] : memref<4x80xi32, #tpu.memory_space<vmem>> -> memref<1x80xi32, #tpu.memory_space<vmem>>
        %dma_wait3A_677 = tpu.memref_squeeze %dma_wait3A_676 : memref<1x80xi32, #tpu.memory_space<vmem>> -> memref<80xi32, #tpu.memory_space<vmem>>
        %dma_wait3A_678 = arith.constant 0 : i32
        %dma_wait3A_679 = arith.constant 0 : i32
        %dma_wait3A_680 = tpu.memref_slice %arg10[%dma_wait3A_678, %dma_wait3A_679] : memref<10000x64xf32, #tpu.memory_space<vmem_shared>> -> memref<10000x64xf32, #tpu.memory_space<vmem_shared>>
        tpu.wait_indirect_dma semaphore(%run_scoped3A_660 : memref<!tpu.dma_semaphore, #tpu.memory_space<semaphore_mem>>) src(%dma_wait3A_674 : memref<80x64xf32, #tpu.memory_space<vmem>>) dst(%dma_wait3A_680 : memref<10000x64xf32, #tpu.memory_space<vmem_shared>>)
        tpu.yield
      }) : () -> ()
      %add3A_552 = arith.constant 4 : i32
      %add3A_553 = arith.addi %add3A_537, %add3A_552 : i32
      %lt3A = arith.constant 125 : i32
      %lt3A_554 = arith.cmpi slt, %add3A_553, %lt3A : i32
      %convert_element_type3A = arith.extui %lt3A_554 : i1 to i32
      %cond3A = arith.constant 0 : i32
      %cond3A_555 = arith.cmpi ne, %convert_element_type3A, %cond3A : i32
      scf.if %cond3A_555 {
        %add3A_660 = arith.constant 4 : i32
        %add3A_661 = arith.addi %add3A_537, %add3A_660 : i32
        %dma_start3A_662 = arith.constant 0 : i32
        %dma_start3A_663 = arith.constant 0 : i32
        %dma_start3A_664 = tpu.memref_slice %arg6[%dma_start3A_662, %dma_start3A_663] : memref<4x80xi32, #tpu.memory_space<vmem>> -> memref<1x80xi32, #tpu.memory_space<vmem>>
        %dma_start3A_665 = tpu.memref_squeeze %dma_start3A_664 : memref<1x80xi32, #tpu.memory_space<vmem>> -> memref<80xi32, #tpu.memory_space<vmem>>
        %dma_start3A_666 = arith.constant 0 : i32
        %dma_start3A_667 = tpu.memref_slice %arg3[%add3A, %add3A_661, %dma_start3A_666] : memref<32x125x80xi32, #tpu.memory_space<hbm>> -> memref<1x1x80xi32, #tpu.memory_space<hbm>>
        %dma_start3A_668 = tpu.memref_squeeze %dma_start3A_667 : memref<1x1x80xi32, #tpu.memory_space<hbm>> -> memref<80xi32, #tpu.memory_space<hbm>>
        %dma_start3A_669 = arith.constant 0 : i32
        %dma_start3A_670 = tpu.memref_slice %arg6[%dma_start3A_662, %dma_start3A_669] : memref<4x80xi32, #tpu.memory_space<vmem>> -> memref<1x80xi32, #tpu.memory_space<vmem>>
        %dma_start3A_671 = tpu.memref_squeeze %dma_start3A_670 : memref<1x80xi32, #tpu.memory_space<vmem>> -> memref<80xi32, #tpu.memory_space<vmem>>
        %dma_start3A_672 = arith.constant 0 : i32
        %dma_start3A_673 = tpu.memref_slice %arg3[%add3A, %add3A_661, %dma_start3A_672] : memref<32x125x80xi32, #tpu.memory_space<hbm>> -> memref<1x1x80xi32, #tpu.memory_space<hbm>>
        %dma_start3A_674 = tpu.memref_squeeze %dma_start3A_673 : memref<1x1x80xi32, #tpu.memory_space<hbm>> -> memref<80xi32, #tpu.memory_space<hbm>>
        tpu.enqueue_dma source(%dma_start3A_674 : memref<80xi32, #tpu.memory_space<hbm>>) target(%dma_start3A_671 : memref<80xi32, #tpu.memory_space<vmem>>) target_semaphore(%arg15 : memref<!tpu.dma_semaphore, #tpu.memory_space<semaphore_mem>>)
        %dma_start3A_675 = arith.constant 0 : i32
        %dma_start3A_676 = arith.constant 0 : i32
        %dma_start3A_677 = tpu.memref_slice %arg7[%dma_start3A_675, %dma_start3A_676] : memref<4x80xi32, #tpu.memory_space<vmem>> -> memref<1x80xi32, #tpu.memory_space<vmem>>
        %dma_start3A_678 = tpu.memref_squeeze %dma_start3A_677 : memref<1x80xi32, #tpu.memory_space<vmem>> -> memref<80xi32, #tpu.memory_space<vmem>>
        %dma_start3A_679 = arith.constant 0 : i32
        %dma_start3A_680 = tpu.memref_slice %arg4[%add3A, %add3A_661, %dma_start3A_679] : memref<32x125x80xi32, #tpu.memory_space<hbm>> -> memref<1x1x80xi32, #tpu.memory_space<hbm>>
        %dma_start3A_681 = tpu.memref_squeeze %dma_start3A_680 : memref<1x1x80xi32, #tpu.memory_space<hbm>> -> memref<80xi32, #tpu.memory_space<hbm>>
        %dma_start3A_682 = arith.constant 0 : i32
        %dma_start3A_683 = tpu.memref_slice %arg7[%dma_start3A_675, %dma_start3A_682] : memref<4x80xi32, #tpu.memory_space<vmem>> -> memref<1x80xi32, #tpu.memory_space<vmem>>
        %dma_start3A_684 = tpu.memref_squeeze %dma_start3A_683 : memref<1x80xi32, #tpu.memory_space<vmem>> -> memref<80xi32, #tpu.memory_space<vmem>>
        %dma_start3A_685 = arith.constant 0 : i32
        %dma_start3A_686 = tpu.memref_slice %arg4[%add3A, %add3A_661, %dma_start3A_685] : memref<32x125x80xi32, #tpu.memory_space<hbm>> -> memref<1x1x80xi32, #tpu.memory_space<hbm>>
        %dma_start3A_687 = tpu.memref_squeeze %dma_start3A_686 : memref<1x1x80xi32, #tpu.memory_space<hbm>> -> memref<80xi32, #tpu.memory_space<hbm>>
        tpu.enqueue_dma source(%dma_start3A_687 : memref<80xi32, #tpu.memory_space<hbm>>) target(%dma_start3A_684 : memref<80xi32, #tpu.memory_space<vmem>>) target_semaphore(%arg15 : memref<!tpu.dma_semaphore, #tpu.memory_space<semaphore_mem>>)
      } else {
      }
      %add3A_556 = arith.constant 3 : i32
      %add3A_557 = arith.addi %add3A_537, %add3A_556 : i32
      %lt3A_558 = arith.constant 125 : i32
      %lt3A_559 = arith.cmpi slt, %add3A_557, %lt3A_558 : i32
      %convert_element_type3A_560 = arith.extui %lt3A_559 : i1 to i32
      %cond3A_561 = arith.constant 0 : i32
      %cond3A_562 = arith.cmpi ne, %convert_element_type3A_560, %cond3A_561 : i32
      scf.if %cond3A_562 {
        %dma_wait3A_660 = arith.constant 0 : i32
        %dma_wait3A_661 = arith.constant 3 : i32
        %dma_wait3A_662 = arith.constant 0 : i32
        %dma_wait3A_663 = tpu.memref_slice %arg6[%dma_wait3A_661, %dma_wait3A_662] : memref<4x80xi32, #tpu.memory_space<vmem>> -> memref<1x80xi32, #tpu.memory_space<vmem>>
        %dma_wait3A_664 = tpu.memref_squeeze %dma_wait3A_663 : memref<1x80xi32, #tpu.memory_space<vmem>> -> memref<80xi32, #tpu.memory_space<vmem>>
        %dma_wait3A_665 = arith.constant 0 : i32
        %dma_wait3A_666 = tpu.memref_slice %arg3[%add3A, %dma_wait3A_660, %dma_wait3A_665] : memref<32x125x80xi32, #tpu.memory_space<hbm>> -> memref<1x1x80xi32, #tpu.memory_space<hbm>>
        %dma_wait3A_667 = tpu.memref_squeeze %dma_wait3A_666 : memref<1x1x80xi32, #tpu.memory_space<hbm>> -> memref<80xi32, #tpu.memory_space<hbm>>
        %dma_wait3A_668 = arith.constant 0 : i32
        %dma_wait3A_669 = tpu.memref_slice %arg6[%dma_wait3A_661, %dma_wait3A_668] : memref<4x80xi32, #tpu.memory_space<vmem>> -> memref<1x80xi32, #tpu.memory_space<vmem>>
        %dma_wait3A_670 = tpu.memref_squeeze %dma_wait3A_669 : memref<1x80xi32, #tpu.memory_space<vmem>> -> memref<80xi32, #tpu.memory_space<vmem>>
        %dma_wait3A_671 = arith.constant 0 : i32
        %dma_wait3A_672 = tpu.memref_slice %arg3[%add3A, %dma_wait3A_660, %dma_wait3A_671] : memref<32x125x80xi32, #tpu.memory_space<hbm>> -> memref<1x1x80xi32, #tpu.memory_space<hbm>>
        %dma_wait3A_673 = tpu.memref_squeeze %dma_wait3A_672 : memref<1x1x80xi32, #tpu.memory_space<hbm>> -> memref<80xi32, #tpu.memory_space<hbm>>
        tpu.wait_dma2 semaphore(%arg18 : memref<!tpu.dma_semaphore, #tpu.memory_space<semaphore_mem>>) src(%dma_wait3A_673 : memref<80xi32, #tpu.memory_space<hbm>>) dst(%dma_wait3A_670 : memref<80xi32, #tpu.memory_space<vmem>>)
        %dma_wait3A_674 = arith.constant 0 : i32
        %dma_wait3A_675 = arith.constant 3 : i32
        %dma_wait3A_676 = arith.constant 0 : i32
        %dma_wait3A_677 = tpu.memref_slice %arg7[%dma_wait3A_675, %dma_wait3A_676] : memref<4x80xi32, #tpu.memory_space<vmem>> -> memref<1x80xi32, #tpu.memory_space<vmem>>
        %dma_wait3A_678 = tpu.memref_squeeze %dma_wait3A_677 : memref<1x80xi32, #tpu.memory_space<vmem>> -> memref<80xi32, #tpu.memory_space<vmem>>
        %dma_wait3A_679 = arith.constant 0 : i32
        %dma_wait3A_680 = tpu.memref_slice %arg4[%add3A, %dma_wait3A_674, %dma_wait3A_679] : memref<32x125x80xi32, #tpu.memory_space<hbm>> -> memref<1x1x80xi32, #tpu.memory_space<hbm>>
        %dma_wait3A_681 = tpu.memref_squeeze %dma_wait3A_680 : memref<1x1x80xi32, #tpu.memory_space<hbm>> -> memref<80xi32, #tpu.memory_space<hbm>>
        %dma_wait3A_682 = arith.constant 0 : i32
        %dma_wait3A_683 = tpu.memref_slice %arg7[%dma_wait3A_675, %dma_wait3A_682] : memref<4x80xi32, #tpu.memory_space<vmem>> -> memref<1x80xi32, #tpu.memory_space<vmem>>
        %dma_wait3A_684 = tpu.memref_squeeze %dma_wait3A_683 : memref<1x80xi32, #tpu.memory_space<vmem>> -> memref<80xi32, #tpu.memory_space<vmem>>
        %dma_wait3A_685 = arith.constant 0 : i32
        %dma_wait3A_686 = tpu.memref_slice %arg4[%add3A, %dma_wait3A_674, %dma_wait3A_685] : memref<32x125x80xi32, #tpu.memory_space<hbm>> -> memref<1x1x80xi32, #tpu.memory_space<hbm>>
        %dma_wait3A_687 = tpu.memref_squeeze %dma_wait3A_686 : memref<1x1x80xi32, #tpu.memory_space<hbm>> -> memref<80xi32, #tpu.memory_space<hbm>>
        tpu.wait_dma2 semaphore(%arg18 : memref<!tpu.dma_semaphore, #tpu.memory_space<semaphore_mem>>) src(%dma_wait3A_687 : memref<80xi32, #tpu.memory_space<hbm>>) dst(%dma_wait3A_684 : memref<80xi32, #tpu.memory_space<vmem>>)
        %dma_start3A_688 = arith.constant 3 : i32
        %dma_start3A_689 = arith.constant 3 : i32
        %dma_start3A_690 = arith.constant 0 : i32
        %dma_start3A_691 = arith.constant 0 : i32
        %dma_start3A_692 = tpu.memref_slice %arg8[%dma_start3A_689, %dma_start3A_690, %dma_start3A_691] : memref<4x80x64xf32, #tpu.memory_space<vmem>> -> memref<1x80x64xf32, #tpu.memory_space<vmem>>
        %dma_start3A_693 = tpu.memref_squeeze %dma_start3A_692 : memref<1x80x64xf32, #tpu.memory_space<vmem>> -> memref<80x64xf32, #tpu.memory_space<vmem>>
        %dma_start3A_694 = arith.constant 0 : i32
        %dma_start3A_695 = tpu.memref_slice %arg6[%dma_start3A_688, %dma_start3A_694] : memref<4x80xi32, #tpu.memory_space<vmem>> -> memref<1x80xi32, #tpu.memory_space<vmem>>
        %dma_start3A_696 = tpu.memref_squeeze %dma_start3A_695 : memref<1x80xi32, #tpu.memory_space<vmem>> -> memref<80xi32, #tpu.memory_space<vmem>>
        %dma_start3A_697 = arith.constant 0 : i32
        %dma_start3A_698 = arith.constant 0 : i32
        %dma_start3A_699 = tpu.memref_slice %arg2[%dma_start3A_697, %dma_start3A_698] : memref<10000x64xf32, #tpu.memory_space<hbm>> -> memref<10000x64xf32, #tpu.memory_space<hbm>>
        tpu.enqueue_indirect_dma source(%dma_start3A_699 : memref<10000x64xf32, #tpu.memory_space<hbm>>) target(%dma_start3A_693 : memref<80x64xf32, #tpu.memory_space<vmem>>) offsets(%dma_start3A_696 : memref<80xi32, #tpu.memory_space<vmem>>) semaphore(%arg14 : memref<!tpu.dma_semaphore, #tpu.memory_space<semaphore_mem>>)
      } else {
      }
      %mul3A_563 = arith.constant 4 : i32
      %mul3A_564 = arith.muli %scan3A_532, %mul3A_563 : i32
      %add3A_565 = arith.constant 1 : i32
      %add3A_566 = arith.addi %mul3A_564, %add3A_565 : i32
      %dma_wait3A_567 = arith.constant 0 : i32
      %dma_wait3A_568 = arith.constant 1 : i32
      %dma_wait3A_569 = arith.constant 0 : i32
      %dma_wait3A_570 = arith.constant 0 : i32
      %dma_wait3A_571 = tpu.memref_slice %arg8[%dma_wait3A_568, %dma_wait3A_569, %dma_wait3A_570] : memref<4x80x64xf32, #tpu.memory_space<vmem>> -> memref<1x80x64xf32, #tpu.memory_space<vmem>>
      %dma_wait3A_572 = tpu.memref_squeeze %dma_wait3A_571 : memref<1x80x64xf32, #tpu.memory_space<vmem>> -> memref<80x64xf32, #tpu.memory_space<vmem>>
      %dma_wait3A_573 = arith.constant 0 : i32
      %dma_wait3A_574 = tpu.memref_slice %arg6[%dma_wait3A_567, %dma_wait3A_573] : memref<4x80xi32, #tpu.memory_space<vmem>> -> memref<1x80xi32, #tpu.memory_space<vmem>>
      %dma_wait3A_575 = tpu.memref_squeeze %dma_wait3A_574 : memref<1x80xi32, #tpu.memory_space<vmem>> -> memref<80xi32, #tpu.memory_space<vmem>>
      %dma_wait3A_576 = arith.constant 0 : i32
      %dma_wait3A_577 = arith.constant 0 : i32
      %dma_wait3A_578 = tpu.memref_slice %arg2[%dma_wait3A_576, %dma_wait3A_577] : memref<10000x64xf32, #tpu.memory_space<hbm>> -> memref<10000x64xf32, #tpu.memory_space<hbm>>
      tpu.wait_indirect_dma semaphore(%arg12 : memref<!tpu.dma_semaphore, #tpu.memory_space<semaphore_mem>>) src(%dma_wait3A_578 : memref<10000x64xf32, #tpu.memory_space<hbm>>) dst(%dma_wait3A_572 : memref<80x64xf32, #tpu.memory_space<vmem>>)
      %run_scoped3A_579 = arith.constant 1 : i32
      %run_scoped3A_580 = arith.constant 1 : i32
      "tpu.region"() ({
        %run_scoped3A_660 = tpu.sem_alloc : memref<!tpu.dma_semaphore, #tpu.memory_space<semaphore_mem>>
        %dma_start3A_661 = arith.constant 0 : i32
        %dma_start3A_662 = arith.constant 0 : i32
        %dma_start3A_663 = tpu.memref_slice %arg8[%run_scoped3A_579, %dma_start3A_661, %dma_start3A_662] : memref<4x80x64xf32, #tpu.memory_space<vmem>> -> memref<1x80x64xf32, #tpu.memory_space<vmem>>
        %dma_start3A_664 = tpu.memref_squeeze %dma_start3A_663 : memref<1x80x64xf32, #tpu.memory_space<vmem>> -> memref<80x64xf32, #tpu.memory_space<vmem>>
        %dma_start3A_665 = arith.constant 0 : i32
        %dma_start3A_666 = tpu.memref_slice %arg7[%run_scoped3A_580, %dma_start3A_665] : memref<4x80xi32, #tpu.memory_space<vmem>> -> memref<1x80xi32, #tpu.memory_space<vmem>>
        %dma_start3A_667 = tpu.memref_squeeze %dma_start3A_666 : memref<1x80xi32, #tpu.memory_space<vmem>> -> memref<80xi32, #tpu.memory_space<vmem>>
        %dma_start3A_668 = arith.constant 0 : i32
        %dma_start3A_669 = arith.constant 0 : i32
        %dma_start3A_670 = tpu.memref_slice %arg10[%dma_start3A_668, %dma_start3A_669] : memref<10000x64xf32, #tpu.memory_space<vmem_shared>> -> memref<10000x64xf32, #tpu.memory_space<vmem_shared>>
        tpu.enqueue_indirect_dma source(%dma_start3A_664 : memref<80x64xf32, #tpu.memory_space<vmem>>) target(%dma_start3A_670 : memref<10000x64xf32, #tpu.memory_space<vmem_shared>>) offsets(%dma_start3A_667 : memref<80xi32, #tpu.memory_space<vmem>>) semaphore(%run_scoped3A_660 : memref<!tpu.dma_semaphore, #tpu.memory_space<semaphore_mem>>) {add = true}
        %dma_wait3A_671 = arith.constant 0 : i32
        %dma_wait3A_672 = arith.constant 0 : i32
        %dma_wait3A_673 = tpu.memref_slice %arg8[%run_scoped3A_579, %dma_wait3A_671, %dma_wait3A_672] : memref<4x80x64xf32, #tpu.memory_space<vmem>> -> memref<1x80x64xf32, #tpu.memory_space<vmem>>
        %dma_wait3A_674 = tpu.memref_squeeze %dma_wait3A_673 : memref<1x80x64xf32, #tpu.memory_space<vmem>> -> memref<80x64xf32, #tpu.memory_space<vmem>>
        %dma_wait3A_675 = arith.constant 0 : i32
        %dma_wait3A_676 = tpu.memref_slice %arg7[%run_scoped3A_580, %dma_wait3A_675] : memref<4x80xi32, #tpu.memory_space<vmem>> -> memref<1x80xi32, #tpu.memory_space<vmem>>
        %dma_wait3A_677 = tpu.memref_squeeze %dma_wait3A_676 : memref<1x80xi32, #tpu.memory_space<vmem>> -> memref<80xi32, #tpu.memory_space<vmem>>
        %dma_wait3A_678 = arith.constant 0 : i32
        %dma_wait3A_679 = arith.constant 0 : i32
        %dma_wait3A_680 = tpu.memref_slice %arg10[%dma_wait3A_678, %dma_wait3A_679] : memref<10000x64xf32, #tpu.memory_space<vmem_shared>> -> memref<10000x64xf32, #tpu.memory_space<vmem_shared>>
        tpu.wait_indirect_dma semaphore(%run_scoped3A_660 : memref<!tpu.dma_semaphore, #tpu.memory_space<semaphore_mem>>) src(%dma_wait3A_674 : memref<80x64xf32, #tpu.memory_space<vmem>>) dst(%dma_wait3A_680 : memref<10000x64xf32, #tpu.memory_space<vmem_shared>>)
        tpu.yield
      }) : () -> ()
      %add3A_581 = arith.constant 4 : i32
      %add3A_582 = arith.addi %add3A_566, %add3A_581 : i32
      %lt3A_583 = arith.constant 125 : i32
      %lt3A_584 = arith.cmpi slt, %add3A_582, %lt3A_583 : i32
      %convert_element_type3A_585 = arith.extui %lt3A_584 : i1 to i32
      %cond3A_586 = arith.constant 0 : i32
      %cond3A_587 = arith.cmpi ne, %convert_element_type3A_585, %cond3A_586 : i32
      scf.if %cond3A_587 {
        %add3A_660 = arith.constant 4 : i32
        %add3A_661 = arith.addi %add3A_566, %add3A_660 : i32
        %dma_start3A_662 = arith.constant 1 : i32
        %dma_start3A_663 = arith.constant 0 : i32
        %dma_start3A_664 = tpu.memref_slice %arg6[%dma_start3A_662, %dma_start3A_663] : memref<4x80xi32, #tpu.memory_space<vmem>> -> memref<1x80xi32, #tpu.memory_space<vmem>>
        %dma_start3A_665 = tpu.memref_squeeze %dma_start3A_664 : memref<1x80xi32, #tpu.memory_space<vmem>> -> memref<80xi32, #tpu.memory_space<vmem>>
        %dma_start3A_666 = arith.constant 0 : i32
        %dma_start3A_667 = tpu.memref_slice %arg3[%add3A, %add3A_661, %dma_start3A_666] : memref<32x125x80xi32, #tpu.memory_space<hbm>> -> memref<1x1x80xi32, #tpu.memory_space<hbm>>
        %dma_start3A_668 = tpu.memref_squeeze %dma_start3A_667 : memref<1x1x80xi32, #tpu.memory_space<hbm>> -> memref<80xi32, #tpu.memory_space<hbm>>
        %dma_start3A_669 = arith.constant 0 : i32
        %dma_start3A_670 = tpu.memref_slice %arg6[%dma_start3A_662, %dma_start3A_669] : memref<4x80xi32, #tpu.memory_space<vmem>> -> memref<1x80xi32, #tpu.memory_space<vmem>>
        %dma_start3A_671 = tpu.memref_squeeze %dma_start3A_670 : memref<1x80xi32, #tpu.memory_space<vmem>> -> memref<80xi32, #tpu.memory_space<vmem>>
        %dma_start3A_672 = arith.constant 0 : i32
        %dma_start3A_673 = tpu.memref_slice %arg3[%add3A, %add3A_661, %dma_start3A_672] : memref<32x125x80xi32, #tpu.memory_space<hbm>> -> memref<1x1x80xi32, #tpu.memory_space<hbm>>
        %dma_start3A_674 = tpu.memref_squeeze %dma_start3A_673 : memref<1x1x80xi32, #tpu.memory_space<hbm>> -> memref<80xi32, #tpu.memory_space<hbm>>
        tpu.enqueue_dma source(%dma_start3A_674 : memref<80xi32, #tpu.memory_space<hbm>>) target(%dma_start3A_671 : memref<80xi32, #tpu.memory_space<vmem>>) target_semaphore(%arg16 : memref<!tpu.dma_semaphore, #tpu.memory_space<semaphore_mem>>)
        %dma_start3A_675 = arith.constant 1 : i32
        %dma_start3A_676 = arith.constant 0 : i32
        %dma_start3A_677 = tpu.memref_slice %arg7[%dma_start3A_675, %dma_start3A_676] : memref<4x80xi32, #tpu.memory_space<vmem>> -> memref<1x80xi32, #tpu.memory_space<vmem>>
        %dma_start3A_678 = tpu.memref_squeeze %dma_start3A_677 : memref<1x80xi32, #tpu.memory_space<vmem>> -> memref<80xi32, #tpu.memory_space<vmem>>
        %dma_start3A_679 = arith.constant 0 : i32
        %dma_start3A_680 = tpu.memref_slice %arg4[%add3A, %add3A_661, %dma_start3A_679] : memref<32x125x80xi32, #tpu.memory_space<hbm>> -> memref<1x1x80xi32, #tpu.memory_space<hbm>>
        %dma_start3A_681 = tpu.memref_squeeze %dma_start3A_680 : memref<1x1x80xi32, #tpu.memory_space<hbm>> -> memref<80xi32, #tpu.memory_space<hbm>>
        %dma_start3A_682 = arith.constant 0 : i32
        %dma_start3A_683 = tpu.memref_slice %arg7[%dma_start3A_675, %dma_start3A_682] : memref<4x80xi32, #tpu.memory_space<vmem>> -> memref<1x80xi32, #tpu.memory_space<vmem>>
        %dma_start3A_684 = tpu.memref_squeeze %dma_start3A_683 : memref<1x80xi32, #tpu.memory_space<vmem>> -> memref<80xi32, #tpu.memory_space<vmem>>
        %dma_start3A_685 = arith.constant 0 : i32
        %dma_start3A_686 = tpu.memref_slice %arg4[%add3A, %add3A_661, %dma_start3A_685] : memref<32x125x80xi32, #tpu.memory_space<hbm>> -> memref<1x1x80xi32, #tpu.memory_space<hbm>>
        %dma_start3A_687 = tpu.memref_squeeze %dma_start3A_686 : memref<1x1x80xi32, #tpu.memory_space<hbm>> -> memref<80xi32, #tpu.memory_space<hbm>>
        tpu.enqueue_dma source(%dma_start3A_687 : memref<80xi32, #tpu.memory_space<hbm>>) target(%dma_start3A_684 : memref<80xi32, #tpu.memory_space<vmem>>) target_semaphore(%arg16 : memref<!tpu.dma_semaphore, #tpu.memory_space<semaphore_mem>>)
      } else {
      }
      %add3A_588 = arith.constant 3 : i32
      %add3A_589 = arith.addi %add3A_566, %add3A_588 : i32
      %lt3A_590 = arith.constant 125 : i32
      %lt3A_591 = arith.cmpi slt, %add3A_589, %lt3A_590 : i32
      %convert_element_type3A_592 = arith.extui %lt3A_591 : i1 to i32
      %cond3A_593 = arith.constant 0 : i32
      %cond3A_594 = arith.cmpi ne, %convert_element_type3A_592, %cond3A_593 : i32
      scf.if %cond3A_594 {
        %dma_wait3A_660 = arith.constant 0 : i32
        %dma_wait3A_661 = arith.constant 0 : i32
        %dma_wait3A_662 = arith.constant 0 : i32
        %dma_wait3A_663 = tpu.memref_slice %arg6[%dma_wait3A_661, %dma_wait3A_662] : memref<4x80xi32, #tpu.memory_space<vmem>> -> memref<1x80xi32, #tpu.memory_space<vmem>>
        %dma_wait3A_664 = tpu.memref_squeeze %dma_wait3A_663 : memref<1x80xi32, #tpu.memory_space<vmem>> -> memref<80xi32, #tpu.memory_space<vmem>>
        %dma_wait3A_665 = arith.constant 0 : i32
        %dma_wait3A_666 = tpu.memref_slice %arg3[%add3A, %dma_wait3A_660, %dma_wait3A_665] : memref<32x125x80xi32, #tpu.memory_space<hbm>> -> memref<1x1x80xi32, #tpu.memory_space<hbm>>
        %dma_wait3A_667 = tpu.memref_squeeze %dma_wait3A_666 : memref<1x1x80xi32, #tpu.memory_space<hbm>> -> memref<80xi32, #tpu.memory_space<hbm>>
        %dma_wait3A_668 = arith.constant 0 : i32
        %dma_wait3A_669 = tpu.memref_slice %arg6[%dma_wait3A_661, %dma_wait3A_668] : memref<4x80xi32, #tpu.memory_space<vmem>> -> memref<1x80xi32, #tpu.memory_space<vmem>>
        %dma_wait3A_670 = tpu.memref_squeeze %dma_wait3A_669 : memref<1x80xi32, #tpu.memory_space<vmem>> -> memref<80xi32, #tpu.memory_space<vmem>>
        %dma_wait3A_671 = arith.constant 0 : i32
        %dma_wait3A_672 = tpu.memref_slice %arg3[%add3A, %dma_wait3A_660, %dma_wait3A_671] : memref<32x125x80xi32, #tpu.memory_space<hbm>> -> memref<1x1x80xi32, #tpu.memory_space<hbm>>
        %dma_wait3A_673 = tpu.memref_squeeze %dma_wait3A_672 : memref<1x1x80xi32, #tpu.memory_space<hbm>> -> memref<80xi32, #tpu.memory_space<hbm>>
        tpu.wait_dma2 semaphore(%arg15 : memref<!tpu.dma_semaphore, #tpu.memory_space<semaphore_mem>>) src(%dma_wait3A_673 : memref<80xi32, #tpu.memory_space<hbm>>) dst(%dma_wait3A_670 : memref<80xi32, #tpu.memory_space<vmem>>)
        %dma_wait3A_674 = arith.constant 0 : i32
        %dma_wait3A_675 = arith.constant 0 : i32
        %dma_wait3A_676 = arith.constant 0 : i32
        %dma_wait3A_677 = tpu.memref_slice %arg7[%dma_wait3A_675, %dma_wait3A_676] : memref<4x80xi32, #tpu.memory_space<vmem>> -> memref<1x80xi32, #tpu.memory_space<vmem>>
        %dma_wait3A_678 = tpu.memref_squeeze %dma_wait3A_677 : memref<1x80xi32, #tpu.memory_space<vmem>> -> memref<80xi32, #tpu.memory_space<vmem>>
        %dma_wait3A_679 = arith.constant 0 : i32
        %dma_wait3A_680 = tpu.memref_slice %arg4[%add3A, %dma_wait3A_674, %dma_wait3A_679] : memref<32x125x80xi32, #tpu.memory_space<hbm>> -> memref<1x1x80xi32, #tpu.memory_space<hbm>>
        %dma_wait3A_681 = tpu.memref_squeeze %dma_wait3A_680 : memref<1x1x80xi32, #tpu.memory_space<hbm>> -> memref<80xi32, #tpu.memory_space<hbm>>
        %dma_wait3A_682 = arith.constant 0 : i32
        %dma_wait3A_683 = tpu.memref_slice %arg7[%dma_wait3A_675, %dma_wait3A_682] : memref<4x80xi32, #tpu.memory_space<vmem>> -> memref<1x80xi32, #tpu.memory_space<vmem>>
        %dma_wait3A_684 = tpu.memref_squeeze %dma_wait3A_683 : memref<1x80xi32, #tpu.memory_space<vmem>> -> memref<80xi32, #tpu.memory_space<vmem>>
        %dma_wait3A_685 = arith.constant 0 : i32
        %dma_wait3A_686 = tpu.memref_slice %arg4[%add3A, %dma_wait3A_674, %dma_wait3A_685] : memref<32x125x80xi32, #tpu.memory_space<hbm>> -> memref<1x1x80xi32, #tpu.memory_space<hbm>>
        %dma_wait3A_687 = tpu.memref_squeeze %dma_wait3A_686 : memref<1x1x80xi32, #tpu.memory_space<hbm>> -> memref<80xi32, #tpu.memory_space<hbm>>
        tpu.wait_dma2 semaphore(%arg15 : memref<!tpu.dma_semaphore, #tpu.memory_space<semaphore_mem>>) src(%dma_wait3A_687 : memref<80xi32, #tpu.memory_space<hbm>>) dst(%dma_wait3A_684 : memref<80xi32, #tpu.memory_space<vmem>>)
        %dma_start3A_688 = arith.constant 0 : i32
        %dma_start3A_689 = arith.constant 0 : i32
        %dma_start3A_690 = arith.constant 0 : i32
        %dma_start3A_691 = arith.constant 0 : i32
        %dma_start3A_692 = tpu.memref_slice %arg8[%dma_start3A_689, %dma_start3A_690, %dma_start3A_691] : memref<4x80x64xf32, #tpu.memory_space<vmem>> -> memref<1x80x64xf32, #tpu.memory_space<vmem>>
        %dma_start3A_693 = tpu.memref_squeeze %dma_start3A_692 : memref<1x80x64xf32, #tpu.memory_space<vmem>> -> memref<80x64xf32, #tpu.memory_space<vmem>>
        %dma_start3A_694 = arith.constant 0 : i32
        %dma_start3A_695 = tpu.memref_slice %arg6[%dma_start3A_688, %dma_start3A_694] : memref<4x80xi32, #tpu.memory_space<vmem>> -> memref<1x80xi32, #tpu.memory_space<vmem>>
        %dma_start3A_696 = tpu.memref_squeeze %dma_start3A_695 : memref<1x80xi32, #tpu.memory_space<vmem>> -> memref<80xi32, #tpu.memory_space<vmem>>
        %dma_start3A_697 = arith.constant 0 : i32
        %dma_start3A_698 = arith.constant 0 : i32
        %dma_start3A_699 = tpu.memref_slice %arg2[%dma_start3A_697, %dma_start3A_698] : memref<10000x64xf32, #tpu.memory_space<hbm>> -> memref<10000x64xf32, #tpu.memory_space<hbm>>
        tpu.enqueue_indirect_dma source(%dma_start3A_699 : memref<10000x64xf32, #tpu.memory_space<hbm>>) target(%dma_start3A_693 : memref<80x64xf32, #tpu.memory_space<vmem>>) offsets(%dma_start3A_696 : memref<80xi32, #tpu.memory_space<vmem>>) semaphore(%arg11 : memref<!tpu.dma_semaphore, #tpu.memory_space<semaphore_mem>>)
      } else {
      }
      %mul3A_595 = arith.constant 4 : i32
      %mul3A_596 = arith.muli %scan3A_532, %mul3A_595 : i32
      %add3A_597 = arith.constant 2 : i32
      %add3A_598 = arith.addi %mul3A_596, %add3A_597 : i32
      %dma_wait3A_599 = arith.constant 0 : i32
      %dma_wait3A_600 = arith.constant 2 : i32
      %dma_wait3A_601 = arith.constant 0 : i32
      %dma_wait3A_602 = arith.constant 0 : i32
      %dma_wait3A_603 = tpu.memref_slice %arg8[%dma_wait3A_600, %dma_wait3A_601, %dma_wait3A_602] : memref<4x80x64xf32, #tpu.memory_space<vmem>> -> memref<1x80x64xf32, #tpu.memory_space<vmem>>
      %dma_wait3A_604 = tpu.memref_squeeze %dma_wait3A_603 : memref<1x80x64xf32, #tpu.memory_space<vmem>> -> memref<80x64xf32, #tpu.memory_space<vmem>>
      %dma_wait3A_605 = arith.constant 0 : i32
      %dma_wait3A_606 = tpu.memref_slice %arg6[%dma_wait3A_599, %dma_wait3A_605] : memref<4x80xi32, #tpu.memory_space<vmem>> -> memref<1x80xi32, #tpu.memory_space<vmem>>
      %dma_wait3A_607 = tpu.memref_squeeze %dma_wait3A_606 : memref<1x80xi32, #tpu.memory_space<vmem>> -> memref<80xi32, #tpu.memory_space<vmem>>
      %dma_wait3A_608 = arith.constant 0 : i32
      %dma_wait3A_609 = arith.constant 0 : i32
      %dma_wait3A_610 = tpu.memref_slice %arg2[%dma_wait3A_608, %dma_wait3A_609] : memref<10000x64xf32, #tpu.memory_space<hbm>> -> memref<10000x64xf32, #tpu.memory_space<hbm>>
      tpu.wait_indirect_dma semaphore(%arg13 : memref<!tpu.dma_semaphore, #tpu.memory_space<semaphore_mem>>) src(%dma_wait3A_610 : memref<10000x64xf32, #tpu.memory_space<hbm>>) dst(%dma_wait3A_604 : memref<80x64xf32, #tpu.memory_space<vmem>>)
      %run_scoped3A_611 = arith.constant 2 : i32
      %run_scoped3A_612 = arith.constant 2 : i32
      "tpu.region"() ({
        %run_scoped3A_660 = tpu.sem_alloc : memref<!tpu.dma_semaphore, #tpu.memory_space<semaphore_mem>>
        %dma_start3A_661 = arith.constant 0 : i32
        %dma_start3A_662 = arith.constant 0 : i32
        %dma_start3A_663 = tpu.memref_slice %arg8[%run_scoped3A_611, %dma_start3A_661, %dma_start3A_662] : memref<4x80x64xf32, #tpu.memory_space<vmem>> -> memref<1x80x64xf32, #tpu.memory_space<vmem>>
        %dma_start3A_664 = tpu.memref_squeeze %dma_start3A_663 : memref<1x80x64xf32, #tpu.memory_space<vmem>> -> memref<80x64xf32, #tpu.memory_space<vmem>>
        %dma_start3A_665 = arith.constant 0 : i32
        %dma_start3A_666 = tpu.memref_slice %arg7[%run_scoped3A_612, %dma_start3A_665] : memref<4x80xi32, #tpu.memory_space<vmem>> -> memref<1x80xi32, #tpu.memory_space<vmem>>
        %dma_start3A_667 = tpu.memref_squeeze %dma_start3A_666 : memref<1x80xi32, #tpu.memory_space<vmem>> -> memref<80xi32, #tpu.memory_space<vmem>>
        %dma_start3A_668 = arith.constant 0 : i32
        %dma_start3A_669 = arith.constant 0 : i32
        %dma_start3A_670 = tpu.memref_slice %arg10[%dma_start3A_668, %dma_start3A_669] : memref<10000x64xf32, #tpu.memory_space<vmem_shared>> -> memref<10000x64xf32, #tpu.memory_space<vmem_shared>>
        tpu.enqueue_indirect_dma source(%dma_start3A_664 : memref<80x64xf32, #tpu.memory_space<vmem>>) target(%dma_start3A_670 : memref<10000x64xf32, #tpu.memory_space<vmem_shared>>) offsets(%dma_start3A_667 : memref<80xi32, #tpu.memory_space<vmem>>) semaphore(%run_scoped3A_660 : memref<!tpu.dma_semaphore, #tpu.memory_space<semaphore_mem>>) {add = true}
        %dma_wait3A_671 = arith.constant 0 : i32
        %dma_wait3A_672 = arith.constant 0 : i32
        %dma_wait3A_673 = tpu.memref_slice %arg8[%run_scoped3A_611, %dma_wait3A_671, %dma_wait3A_672] : memref<4x80x64xf32, #tpu.memory_space<vmem>> -> memref<1x80x64xf32, #tpu.memory_space<vmem>>
        %dma_wait3A_674 = tpu.memref_squeeze %dma_wait3A_673 : memref<1x80x64xf32, #tpu.memory_space<vmem>> -> memref<80x64xf32, #tpu.memory_space<vmem>>
        %dma_wait3A_675 = arith.constant 0 : i32
        %dma_wait3A_676 = tpu.memref_slice %arg7[%run_scoped3A_612, %dma_wait3A_675] : memref<4x80xi32, #tpu.memory_space<vmem>> -> memref<1x80xi32, #tpu.memory_space<vmem>>
        %dma_wait3A_677 = tpu.memref_squeeze %dma_wait3A_676 : memref<1x80xi32, #tpu.memory_space<vmem>> -> memref<80xi32, #tpu.memory_space<vmem>>
        %dma_wait3A_678 = arith.constant 0 : i32
        %dma_wait3A_679 = arith.constant 0 : i32
        %dma_wait3A_680 = tpu.memref_slice %arg10[%dma_wait3A_678, %dma_wait3A_679] : memref<10000x64xf32, #tpu.memory_space<vmem_shared>> -> memref<10000x64xf32, #tpu.memory_space<vmem_shared>>
        tpu.wait_indirect_dma semaphore(%run_scoped3A_660 : memref<!tpu.dma_semaphore, #tpu.memory_space<semaphore_mem>>) src(%dma_wait3A_674 : memref<80x64xf32, #tpu.memory_space<vmem>>) dst(%dma_wait3A_680 : memref<10000x64xf32, #tpu.memory_space<vmem_shared>>)
        tpu.yield
      }) : () -> ()
      %add3A_613 = arith.constant 4 : i32
      %add3A_614 = arith.addi %add3A_598, %add3A_613 : i32
      %lt3A_615 = arith.constant 125 : i32
      %lt3A_616 = arith.cmpi slt, %add3A_614, %lt3A_615 : i32
      %convert_element_type3A_617 = arith.extui %lt3A_616 : i1 to i32
      %cond3A_618 = arith.constant 0 : i32
      %cond3A_619 = arith.cmpi ne, %convert_element_type3A_617, %cond3A_618 : i32
      scf.if %cond3A_619 {
        %add3A_660 = arith.constant 4 : i32
        %add3A_661 = arith.addi %add3A_598, %add3A_660 : i32
        %dma_start3A_662 = arith.constant 2 : i32
        %dma_start3A_663 = arith.constant 0 : i32
        %dma_start3A_664 = tpu.memref_slice %arg6[%dma_start3A_662, %dma_start3A_663] : memref<4x80xi32, #tpu.memory_space<vmem>> -> memref<1x80xi32, #tpu.memory_space<vmem>>
        %dma_start3A_665 = tpu.memref_squeeze %dma_start3A_664 : memref<1x80xi32, #tpu.memory_space<vmem>> -> memref<80xi32, #tpu.memory_space<vmem>>
        %dma_start3A_666 = arith.constant 0 : i32
        %dma_start3A_667 = tpu.memref_slice %arg3[%add3A, %add3A_661, %dma_start3A_666] : memref<32x125x80xi32, #tpu.memory_space<hbm>> -> memref<1x1x80xi32, #tpu.memory_space<hbm>>
        %dma_start3A_668 = tpu.memref_squeeze %dma_start3A_667 : memref<1x1x80xi32, #tpu.memory_space<hbm>> -> memref<80xi32, #tpu.memory_space<hbm>>
        %dma_start3A_669 = arith.constant 0 : i32
        %dma_start3A_670 = tpu.memref_slice %arg6[%dma_start3A_662, %dma_start3A_669] : memref<4x80xi32, #tpu.memory_space<vmem>> -> memref<1x80xi32, #tpu.memory_space<vmem>>
        %dma_start3A_671 = tpu.memref_squeeze %dma_start3A_670 : memref<1x80xi32, #tpu.memory_space<vmem>> -> memref<80xi32, #tpu.memory_space<vmem>>
        %dma_start3A_672 = arith.constant 0 : i32
        %dma_start3A_673 = tpu.memref_slice %arg3[%add3A, %add3A_661, %dma_start3A_672] : memref<32x125x80xi32, #tpu.memory_space<hbm>> -> memref<1x1x80xi32, #tpu.memory_space<hbm>>
        %dma_start3A_674 = tpu.memref_squeeze %dma_start3A_673 : memref<1x1x80xi32, #tpu.memory_space<hbm>> -> memref<80xi32, #tpu.memory_space<hbm>>
        tpu.enqueue_dma source(%dma_start3A_674 : memref<80xi32, #tpu.memory_space<hbm>>) target(%dma_start3A_671 : memref<80xi32, #tpu.memory_space<vmem>>) target_semaphore(%arg17 : memref<!tpu.dma_semaphore, #tpu.memory_space<semaphore_mem>>)
        %dma_start3A_675 = arith.constant 2 : i32
        %dma_start3A_676 = arith.constant 0 : i32
        %dma_start3A_677 = tpu.memref_slice %arg7[%dma_start3A_675, %dma_start3A_676] : memref<4x80xi32, #tpu.memory_space<vmem>> -> memref<1x80xi32, #tpu.memory_space<vmem>>
        %dma_start3A_678 = tpu.memref_squeeze %dma_start3A_677 : memref<1x80xi32, #tpu.memory_space<vmem>> -> memref<80xi32, #tpu.memory_space<vmem>>
        %dma_start3A_679 = arith.constant 0 : i32
        %dma_start3A_680 = tpu.memref_slice %arg4[%add3A, %add3A_661, %dma_start3A_679] : memref<32x125x80xi32, #tpu.memory_space<hbm>> -> memref<1x1x80xi32, #tpu.memory_space<hbm>>
        %dma_start3A_681 = tpu.memref_squeeze %dma_start3A_680 : memref<1x1x80xi32, #tpu.memory_space<hbm>> -> memref<80xi32, #tpu.memory_space<hbm>>
        %dma_start3A_682 = arith.constant 0 : i32
        %dma_start3A_683 = tpu.memref_slice %arg7[%dma_start3A_675, %dma_start3A_682] : memref<4x80xi32, #tpu.memory_space<vmem>> -> memref<1x80xi32, #tpu.memory_space<vmem>>
        %dma_start3A_684 = tpu.memref_squeeze %dma_start3A_683 : memref<1x80xi32, #tpu.memory_space<vmem>> -> memref<80xi32, #tpu.memory_space<vmem>>
        %dma_start3A_685 = arith.constant 0 : i32
        %dma_start3A_686 = tpu.memref_slice %arg4[%add3A, %add3A_661, %dma_start3A_685] : memref<32x125x80xi32, #tpu.memory_space<hbm>> -> memref<1x1x80xi32, #tpu.memory_space<hbm>>
        %dma_start3A_687 = tpu.memref_squeeze %dma_start3A_686 : memref<1x1x80xi32, #tpu.memory_space<hbm>> -> memref<80xi32, #tpu.memory_space<hbm>>
        tpu.enqueue_dma source(%dma_start3A_687 : memref<80xi32, #tpu.memory_space<hbm>>) target(%dma_start3A_684 : memref<80xi32, #tpu.memory_space<vmem>>) target_semaphore(%arg17 : memref<!tpu.dma_semaphore, #tpu.memory_space<semaphore_mem>>)
      } else {
      }
      %add3A_620 = arith.constant 3 : i32
      %add3A_621 = arith.addi %add3A_598, %add3A_620 : i32
      %lt3A_622 = arith.constant 125 : i32
      %lt3A_623 = arith.cmpi slt, %add3A_621, %lt3A_622 : i32
      %convert_element_type3A_624 = arith.extui %lt3A_623 : i1 to i32
      %cond3A_625 = arith.constant 0 : i32
      %cond3A_626 = arith.cmpi ne, %convert_element_type3A_624, %cond3A_625 : i32
      scf.if %cond3A_626 {
        %dma_wait3A_660 = arith.constant 0 : i32
        %dma_wait3A_661 = arith.constant 1 : i32
        %dma_wait3A_662 = arith.constant 0 : i32
        %dma_wait3A_663 = tpu.memref_slice %arg6[%dma_wait3A_661, %dma_wait3A_662] : memref<4x80xi32, #tpu.memory_space<vmem>> -> memref<1x80xi32, #tpu.memory_space<vmem>>
        %dma_wait3A_664 = tpu.memref_squeeze %dma_wait3A_663 : memref<1x80xi32, #tpu.memory_space<vmem>> -> memref<80xi32, #tpu.memory_space<vmem>>
        %dma_wait3A_665 = arith.constant 0 : i32
        %dma_wait3A_666 = tpu.memref_slice %arg3[%add3A, %dma_wait3A_660, %dma_wait3A_665] : memref<32x125x80xi32, #tpu.memory_space<hbm>> -> memref<1x1x80xi32, #tpu.memory_space<hbm>>
        %dma_wait3A_667 = tpu.memref_squeeze %dma_wait3A_666 : memref<1x1x80xi32, #tpu.memory_space<hbm>> -> memref<80xi32, #tpu.memory_space<hbm>>
        %dma_wait3A_668 = arith.constant 0 : i32
        %dma_wait3A_669 = tpu.memref_slice %arg6[%dma_wait3A_661, %dma_wait3A_668] : memref<4x80xi32, #tpu.memory_space<vmem>> -> memref<1x80xi32, #tpu.memory_space<vmem>>
        %dma_wait3A_670 = tpu.memref_squeeze %dma_wait3A_669 : memref<1x80xi32, #tpu.memory_space<vmem>> -> memref<80xi32, #tpu.memory_space<vmem>>
        %dma_wait3A_671 = arith.constant 0 : i32
        %dma_wait3A_672 = tpu.memref_slice %arg3[%add3A, %dma_wait3A_660, %dma_wait3A_671] : memref<32x125x80xi32, #tpu.memory_space<hbm>> -> memref<1x1x80xi32, #tpu.memory_space<hbm>>
        %dma_wait3A_673 = tpu.memref_squeeze %dma_wait3A_672 : memref<1x1x80xi32, #tpu.memory_space<hbm>> -> memref<80xi32, #tpu.memory_space<hbm>>
        tpu.wait_dma2 semaphore(%arg16 : memref<!tpu.dma_semaphore, #tpu.memory_space<semaphore_mem>>) src(%dma_wait3A_673 : memref<80xi32, #tpu.memory_space<hbm>>) dst(%dma_wait3A_670 : memref<80xi32, #tpu.memory_space<vmem>>)
        %dma_wait3A_674 = arith.constant 0 : i32
        %dma_wait3A_675 = arith.constant 1 : i32
        %dma_wait3A_676 = arith.constant 0 : i32
        %dma_wait3A_677 = tpu.memref_slice %arg7[%dma_wait3A_675, %dma_wait3A_676] : memref<4x80xi32, #tpu.memory_space<vmem>> -> memref<1x80xi32, #tpu.memory_space<vmem>>
        %dma_wait3A_678 = tpu.memref_squeeze %dma_wait3A_677 : memref<1x80xi32, #tpu.memory_space<vmem>> -> memref<80xi32, #tpu.memory_space<vmem>>
        %dma_wait3A_679 = arith.constant 0 : i32
        %dma_wait3A_680 = tpu.memref_slice %arg4[%add3A, %dma_wait3A_674, %dma_wait3A_679] : memref<32x125x80xi32, #tpu.memory_space<hbm>> -> memref<1x1x80xi32, #tpu.memory_space<hbm>>
        %dma_wait3A_681 = tpu.memref_squeeze %dma_wait3A_680 : memref<1x1x80xi32, #tpu.memory_space<hbm>> -> memref<80xi32, #tpu.memory_space<hbm>>
        %dma_wait3A_682 = arith.constant 0 : i32
        %dma_wait3A_683 = tpu.memref_slice %arg7[%dma_wait3A_675, %dma_wait3A_682] : memref<4x80xi32, #tpu.memory_space<vmem>> -> memref<1x80xi32, #tpu.memory_space<vmem>>
        %dma_wait3A_684 = tpu.memref_squeeze %dma_wait3A_683 : memref<1x80xi32, #tpu.memory_space<vmem>> -> memref<80xi32, #tpu.memory_space<vmem>>
        %dma_wait3A_685 = arith.constant 0 : i32
        %dma_wait3A_686 = tpu.memref_slice %arg4[%add3A, %dma_wait3A_674, %dma_wait3A_685] : memref<32x125x80xi32, #tpu.memory_space<hbm>> -> memref<1x1x80xi32, #tpu.memory_space<hbm>>
        %dma_wait3A_687 = tpu.memref_squeeze %dma_wait3A_686 : memref<1x1x80xi32, #tpu.memory_space<hbm>> -> memref<80xi32, #tpu.memory_space<hbm>>
        tpu.wait_dma2 semaphore(%arg16 : memref<!tpu.dma_semaphore, #tpu.memory_space<semaphore_mem>>) src(%dma_wait3A_687 : memref<80xi32, #tpu.memory_space<hbm>>) dst(%dma_wait3A_684 : memref<80xi32, #tpu.memory_space<vmem>>)
        %dma_start3A_688 = arith.constant 1 : i32
        %dma_start3A_689 = arith.constant 1 : i32
        %dma_start3A_690 = arith.constant 0 : i32
        %dma_start3A_691 = arith.constant 0 : i32
        %dma_start3A_692 = tpu.memref_slice %arg8[%dma_start3A_689, %dma_start3A_690, %dma_start3A_691] : memref<4x80x64xf32, #tpu.memory_space<vmem>> -> memref<1x80x64xf32, #tpu.memory_space<vmem>>
        %dma_start3A_693 = tpu.memref_squeeze %dma_start3A_692 : memref<1x80x64xf32, #tpu.memory_space<vmem>> -> memref<80x64xf32, #tpu.memory_space<vmem>>
        %dma_start3A_694 = arith.constant 0 : i32
        %dma_start3A_695 = tpu.memref_slice %arg6[%dma_start3A_688, %dma_start3A_694] : memref<4x80xi32, #tpu.memory_space<vmem>> -> memref<1x80xi32, #tpu.memory_space<vmem>>
        %dma_start3A_696 = tpu.memref_squeeze %dma_start3A_695 : memref<1x80xi32, #tpu.memory_space<vmem>> -> memref<80xi32, #tpu.memory_space<vmem>>
        %dma_start3A_697 = arith.constant 0 : i32
        %dma_start3A_698 = arith.constant 0 : i32
        %dma_start3A_699 = tpu.memref_slice %arg2[%dma_start3A_697, %dma_start3A_698] : memref<10000x64xf32, #tpu.memory_space<hbm>> -> memref<10000x64xf32, #tpu.memory_space<hbm>>
        tpu.enqueue_indirect_dma source(%dma_start3A_699 : memref<10000x64xf32, #tpu.memory_space<hbm>>) target(%dma_start3A_693 : memref<80x64xf32, #tpu.memory_space<vmem>>) offsets(%dma_start3A_696 : memref<80xi32, #tpu.memory_space<vmem>>) semaphore(%arg12 : memref<!tpu.dma_semaphore, #tpu.memory_space<semaphore_mem>>)
      } else {
      }
      %mul3A_627 = arith.constant 4 : i32
      %mul3A_628 = arith.muli %scan3A_532, %mul3A_627 : i32
      %add3A_629 = arith.constant 3 : i32
      %add3A_630 = arith.addi %mul3A_628, %add3A_629 : i32
      %dma_wait3A_631 = arith.constant 0 : i32
      %dma_wait3A_632 = arith.constant 3 : i32
      %dma_wait3A_633 = arith.constant 0 : i32
      %dma_wait3A_634 = arith.constant 0 : i32
      %dma_wait3A_635 = tpu.memref_slice %arg8[%dma_wait3A_632, %dma_wait3A_633, %dma_wait3A_634] : memref<4x80x64xf32, #tpu.memory_space<vmem>> -> memref<1x80x64xf32, #tpu.memory_space<vmem>>
      %dma_wait3A_636 = tpu.memref_squeeze %dma_wait3A_635 : memref<1x80x64xf32, #tpu.memory_space<vmem>> -> memref<80x64xf32, #tpu.memory_space<vmem>>
      %dma_wait3A_637 = arith.constant 0 : i32
      %dma_wait3A_638 = tpu.memref_slice %arg6[%dma_wait3A_631, %dma_wait3A_637] : memref<4x80xi32, #tpu.memory_space<vmem>> -> memref<1x80xi32, #tpu.memory_space<vmem>>
      %dma_wait3A_639 = tpu.memref_squeeze %dma_wait3A_638 : memref<1x80xi32, #tpu.memory_space<vmem>> -> memref<80xi32, #tpu.memory_space<vmem>>
      %dma_wait3A_640 = arith.constant 0 : i32
      %dma_wait3A_641 = arith.constant 0 : i32
      %dma_wait3A_642 = tpu.memref_slice %arg2[%dma_wait3A_640, %dma_wait3A_641] : memref<10000x64xf32, #tpu.memory_space<hbm>> -> memref<10000x64xf32, #tpu.memory_space<hbm>>
      tpu.wait_indirect_dma semaphore(%arg14 : memref<!tpu.dma_semaphore, #tpu.memory_space<semaphore_mem>>) src(%dma_wait3A_642 : memref<10000x64xf32, #tpu.memory_space<hbm>>) dst(%dma_wait3A_636 : memref<80x64xf32, #tpu.memory_space<vmem>>)
      %run_scoped3A_643 = arith.constant 3 : i32
      %run_scoped3A_644 = arith.constant 3 : i32
      "tpu.region"() ({
        %run_scoped3A_660 = tpu.sem_alloc : memref<!tpu.dma_semaphore, #tpu.memory_space<semaphore_mem>>
        %dma_start3A_661 = arith.constant 0 : i32
        %dma_start3A_662 = arith.constant 0 : i32
        %dma_start3A_663 = tpu.memref_slice %arg8[%run_scoped3A_643, %dma_start3A_661, %dma_start3A_662] : memref<4x80x64xf32, #tpu.memory_space<vmem>> -> memref<1x80x64xf32, #tpu.memory_space<vmem>>
        %dma_start3A_664 = tpu.memref_squeeze %dma_start3A_663 : memref<1x80x64xf32, #tpu.memory_space<vmem>> -> memref<80x64xf32, #tpu.memory_space<vmem>>
        %dma_start3A_665 = arith.constant 0 : i32
        %dma_start3A_666 = tpu.memref_slice %arg7[%run_scoped3A_644, %dma_start3A_665] : memref<4x80xi32, #tpu.memory_space<vmem>> -> memref<1x80xi32, #tpu.memory_space<vmem>>
        %dma_start3A_667 = tpu.memref_squeeze %dma_start3A_666 : memref<1x80xi32, #tpu.memory_space<vmem>> -> memref<80xi32, #tpu.memory_space<vmem>>
        %dma_start3A_668 = arith.constant 0 : i32
        %dma_start3A_669 = arith.constant 0 : i32
        %dma_start3A_670 = tpu.memref_slice %arg10[%dma_start3A_668, %dma_start3A_669] : memref<10000x64xf32, #tpu.memory_space<vmem_shared>> -> memref<10000x64xf32, #tpu.memory_space<vmem_shared>>
        tpu.enqueue_indirect_dma source(%dma_start3A_664 : memref<80x64xf32, #tpu.memory_space<vmem>>) target(%dma_start3A_670 : memref<10000x64xf32, #tpu.memory_space<vmem_shared>>) offsets(%dma_start3A_667 : memref<80xi32, #tpu.memory_space<vmem>>) semaphore(%run_scoped3A_660 : memref<!tpu.dma_semaphore, #tpu.memory_space<semaphore_mem>>) {add = true}
        %dma_wait3A_671 = arith.constant 0 : i32
        %dma_wait3A_672 = arith.constant 0 : i32
        %dma_wait3A_673 = tpu.memref_slice %arg8[%run_scoped3A_643, %dma_wait3A_671, %dma_wait3A_672] : memref<4x80x64xf32, #tpu.memory_space<vmem>> -> memref<1x80x64xf32, #tpu.memory_space<vmem>>
        %dma_wait3A_674 = tpu.memref_squeeze %dma_wait3A_673 : memref<1x80x64xf32, #tpu.memory_space<vmem>> -> memref<80x64xf32, #tpu.memory_space<vmem>>
        %dma_wait3A_675 = arith.constant 0 : i32
        %dma_wait3A_676 = tpu.memref_slice %arg7[%run_scoped3A_644, %dma_wait3A_675] : memref<4x80xi32, #tpu.memory_space<vmem>> -> memref<1x80xi32, #tpu.memory_space<vmem>>
        %dma_wait3A_677 = tpu.memref_squeeze %dma_wait3A_676 : memref<1x80xi32, #tpu.memory_space<vmem>> -> memref<80xi32, #tpu.memory_space<vmem>>
        %dma_wait3A_678 = arith.constant 0 : i32
        %dma_wait3A_679 = arith.constant 0 : i32
        %dma_wait3A_680 = tpu.memref_slice %arg10[%dma_wait3A_678, %dma_wait3A_679] : memref<10000x64xf32, #tpu.memory_space<vmem_shared>> -> memref<10000x64xf32, #tpu.memory_space<vmem_shared>>
        tpu.wait_indirect_dma semaphore(%run_scoped3A_660 : memref<!tpu.dma_semaphore, #tpu.memory_space<semaphore_mem>>) src(%dma_wait3A_674 : memref<80x64xf32, #tpu.memory_space<vmem>>) dst(%dma_wait3A_680 : memref<10000x64xf32, #tpu.memory_space<vmem_shared>>)
        tpu.yield
      }) : () -> ()
      %add3A_645 = arith.constant 4 : i32
      %add3A_646 = arith.addi %add3A_630, %add3A_645 : i32
      %lt3A_647 = arith.constant 125 : i32
      %lt3A_648 = arith.cmpi slt, %add3A_646, %lt3A_647 : i32
      %convert_element_type3A_649 = arith.extui %lt3A_648 : i1 to i32
      %cond3A_650 = arith.constant 0 : i32
      %cond3A_651 = arith.cmpi ne, %convert_element_type3A_649, %cond3A_650 : i32
      scf.if %cond3A_651 {
        %add3A_660 = arith.constant 4 : i32
        %add3A_661 = arith.addi %add3A_630, %add3A_660 : i32
        %dma_start3A_662 = arith.constant 3 : i32
        %dma_start3A_663 = arith.constant 0 : i32
        %dma_start3A_664 = tpu.memref_slice %arg6[%dma_start3A_662, %dma_start3A_663] : memref<4x80xi32, #tpu.memory_space<vmem>> -> memref<1x80xi32, #tpu.memory_space<vmem>>
        %dma_start3A_665 = tpu.memref_squeeze %dma_start3A_664 : memref<1x80xi32, #tpu.memory_space<vmem>> -> memref<80xi32, #tpu.memory_space<vmem>>
        %dma_start3A_666 = arith.constant 0 : i32
        %dma_start3A_667 = tpu.memref_slice %arg3[%add3A, %add3A_661, %dma_start3A_666] : memref<32x125x80xi32, #tpu.memory_space<hbm>> -> memref<1x1x80xi32, #tpu.memory_space<hbm>>
        %dma_start3A_668 = tpu.memref_squeeze %dma_start3A_667 : memref<1x1x80xi32, #tpu.memory_space<hbm>> -> memref<80xi32, #tpu.memory_space<hbm>>
        %dma_start3A_669 = arith.constant 0 : i32
        %dma_start3A_670 = tpu.memref_slice %arg6[%dma_start3A_662, %dma_start3A_669] : memref<4x80xi32, #tpu.memory_space<vmem>> -> memref<1x80xi32, #tpu.memory_space<vmem>>
        %dma_start3A_671 = tpu.memref_squeeze %dma_start3A_670 : memref<1x80xi32, #tpu.memory_space<vmem>> -> memref<80xi32, #tpu.memory_space<vmem>>
        %dma_start3A_672 = arith.constant 0 : i32
        %dma_start3A_673 = tpu.memref_slice %arg3[%add3A, %add3A_661, %dma_start3A_672] : memref<32x125x80xi32, #tpu.memory_space<hbm>> -> memref<1x1x80xi32, #tpu.memory_space<hbm>>
        %dma_start3A_674 = tpu.memref_squeeze %dma_start3A_673 : memref<1x1x80xi32, #tpu.memory_space<hbm>> -> memref<80xi32, #tpu.memory_space<hbm>>
        tpu.enqueue_dma source(%dma_start3A_674 : memref<80xi32, #tpu.memory_space<hbm>>) target(%dma_start3A_671 : memref<80xi32, #tpu.memory_space<vmem>>) target_semaphore(%arg18 : memref<!tpu.dma_semaphore, #tpu.memory_space<semaphore_mem>>)
        %dma_start3A_675 = arith.constant 3 : i32
        %dma_start3A_676 = arith.constant 0 : i32
        %dma_start3A_677 = tpu.memref_slice %arg7[%dma_start3A_675, %dma_start3A_676] : memref<4x80xi32, #tpu.memory_space<vmem>> -> memref<1x80xi32, #tpu.memory_space<vmem>>
        %dma_start3A_678 = tpu.memref_squeeze %dma_start3A_677 : memref<1x80xi32, #tpu.memory_space<vmem>> -> memref<80xi32, #tpu.memory_space<vmem>>
        %dma_start3A_679 = arith.constant 0 : i32
        %dma_start3A_680 = tpu.memref_slice %arg4[%add3A, %add3A_661, %dma_start3A_679] : memref<32x125x80xi32, #tpu.memory_space<hbm>> -> memref<1x1x80xi32, #tpu.memory_space<hbm>>
        %dma_start3A_681 = tpu.memref_squeeze %dma_start3A_680 : memref<1x1x80xi32, #tpu.memory_space<hbm>> -> memref<80xi32, #tpu.memory_space<hbm>>
        %dma_start3A_682 = arith.constant 0 : i32
        %dma_start3A_683 = tpu.memref_slice %arg7[%dma_start3A_675, %dma_start3A_682] : memref<4x80xi32, #tpu.memory_space<vmem>> -> memref<1x80xi32, #tpu.memory_space<vmem>>
        %dma_start3A_684 = tpu.memref_squeeze %dma_start3A_683 : memref<1x80xi32, #tpu.memory_space<vmem>> -> memref<80xi32, #tpu.memory_space<vmem>>
        %dma_start3A_685 = arith.constant 0 : i32
        %dma_start3A_686 = tpu.memref_slice %arg4[%add3A, %add3A_661, %dma_start3A_685] : memref<32x125x80xi32, #tpu.memory_space<hbm>> -> memref<1x1x80xi32, #tpu.memory_space<hbm>>
        %dma_start3A_687 = tpu.memref_squeeze %dma_start3A_686 : memref<1x1x80xi32, #tpu.memory_space<hbm>> -> memref<80xi32, #tpu.memory_space<hbm>>
        tpu.enqueue_dma source(%dma_start3A_687 : memref<80xi32, #tpu.memory_space<hbm>>) target(%dma_start3A_684 : memref<80xi32, #tpu.memory_space<vmem>>) target_semaphore(%arg18 : memref<!tpu.dma_semaphore, #tpu.memory_space<semaphore_mem>>)
      } else {
      }
      %add3A_652 = arith.constant 3 : i32
      %add3A_653 = arith.addi %add3A_630, %add3A_652 : i32
      %lt3A_654 = arith.constant 125 : i32
      %lt3A_655 = arith.cmpi slt, %add3A_653, %lt3A_654 : i32
      %convert_element_type3A_656 = arith.extui %lt3A_655 : i1 to i32
      %cond3A_657 = arith.constant 0 : i32
      %cond3A_658 = arith.cmpi ne, %convert_element_type3A_656, %cond3A_657 : i32
      scf.if %cond3A_658 {
        %dma_wait3A_660 = arith.constant 0 : i32
        %dma_wait3A_661 = arith.constant 2 : i32
        %dma_wait3A_662 = arith.constant 0 : i32
        %dma_wait3A_663 = tpu.memref_slice %arg6[%dma_wait3A_661, %dma_wait3A_662] : memref<4x80xi32, #tpu.memory_space<vmem>> -> memref<1x80xi32, #tpu.memory_space<vmem>>
        %dma_wait3A_664 = tpu.memref_squeeze %dma_wait3A_663 : memref<1x80xi32, #tpu.memory_space<vmem>> -> memref<80xi32, #tpu.memory_space<vmem>>
        %dma_wait3A_665 = arith.constant 0 : i32
        %dma_wait3A_666 = tpu.memref_slice %arg3[%add3A, %dma_wait3A_660, %dma_wait3A_665] : memref<32x125x80xi32, #tpu.memory_space<hbm>> -> memref<1x1x80xi32, #tpu.memory_space<hbm>>
        %dma_wait3A_667 = tpu.memref_squeeze %dma_wait3A_666 : memref<1x1x80xi32, #tpu.memory_space<hbm>> -> memref<80xi32, #tpu.memory_space<hbm>>
        %dma_wait3A_668 = arith.constant 0 : i32
        %dma_wait3A_669 = tpu.memref_slice %arg6[%dma_wait3A_661, %dma_wait3A_668] : memref<4x80xi32, #tpu.memory_space<vmem>> -> memref<1x80xi32, #tpu.memory_space<vmem>>
        %dma_wait3A_670 = tpu.memref_squeeze %dma_wait3A_669 : memref<1x80xi32, #tpu.memory_space<vmem>> -> memref<80xi32, #tpu.memory_space<vmem>>
        %dma_wait3A_671 = arith.constant 0 : i32
        %dma_wait3A_672 = tpu.memref_slice %arg3[%add3A, %dma_wait3A_660, %dma_wait3A_671] : memref<32x125x80xi32, #tpu.memory_space<hbm>> -> memref<1x1x80xi32, #tpu.memory_space<hbm>>
        %dma_wait3A_673 = tpu.memref_squeeze %dma_wait3A_672 : memref<1x1x80xi32, #tpu.memory_space<hbm>> -> memref<80xi32, #tpu.memory_space<hbm>>
        tpu.wait_dma2 semaphore(%arg17 : memref<!tpu.dma_semaphore, #tpu.memory_space<semaphore_mem>>) src(%dma_wait3A_673 : memref<80xi32, #tpu.memory_space<hbm>>) dst(%dma_wait3A_670 : memref<80xi32, #tpu.memory_space<vmem>>)
        %dma_wait3A_674 = arith.constant 0 : i32
        %dma_wait3A_675 = arith.constant 2 : i32
        %dma_wait3A_676 = arith.constant 0 : i32
        %dma_wait3A_677 = tpu.memref_slice %arg7[%dma_wait3A_675, %dma_wait3A_676] : memref<4x80xi32, #tpu.memory_space<vmem>> -> memref<1x80xi32, #tpu.memory_space<vmem>>
        %dma_wait3A_678 = tpu.memref_squeeze %dma_wait3A_677 : memref<1x80xi32, #tpu.memory_space<vmem>> -> memref<80xi32, #tpu.memory_space<vmem>>
        %dma_wait3A_679 = arith.constant 0 : i32
        %dma_wait3A_680 = tpu.memref_slice %arg4[%add3A, %dma_wait3A_674, %dma_wait3A_679] : memref<32x125x80xi32, #tpu.memory_space<hbm>> -> memref<1x1x80xi32, #tpu.memory_space<hbm>>
        %dma_wait3A_681 = tpu.memref_squeeze %dma_wait3A_680 : memref<1x1x80xi32, #tpu.memory_space<hbm>> -> memref<80xi32, #tpu.memory_space<hbm>>
        %dma_wait3A_682 = arith.constant 0 : i32
        %dma_wait3A_683 = tpu.memref_slice %arg7[%dma_wait3A_675, %dma_wait3A_682] : memref<4x80xi32, #tpu.memory_space<vmem>> -> memref<1x80xi32, #tpu.memory_space<vmem>>
        %dma_wait3A_684 = tpu.memref_squeeze %dma_wait3A_683 : memref<1x80xi32, #tpu.memory_space<vmem>> -> memref<80xi32, #tpu.memory_space<vmem>>
        %dma_wait3A_685 = arith.constant 0 : i32
        %dma_wait3A_686 = tpu.memref_slice %arg4[%add3A, %dma_wait3A_674, %dma_wait3A_685] : memref<32x125x80xi32, #tpu.memory_space<hbm>> -> memref<1x1x80xi32, #tpu.memory_space<hbm>>
        %dma_wait3A_687 = tpu.memref_squeeze %dma_wait3A_686 : memref<1x1x80xi32, #tpu.memory_space<hbm>> -> memref<80xi32, #tpu.memory_space<hbm>>
        tpu.wait_dma2 semaphore(%arg17 : memref<!tpu.dma_semaphore, #tpu.memory_space<semaphore_mem>>) src(%dma_wait3A_687 : memref<80xi32, #tpu.memory_space<hbm>>) dst(%dma_wait3A_684 : memref<80xi32, #tpu.memory_space<vmem>>)
        %dma_start3A_688 = arith.constant 2 : i32
        %dma_start3A_689 = arith.constant 2 : i32
        %dma_start3A_690 = arith.constant 0 : i32
        %dma_start3A_691 = arith.constant 0 : i32
        %dma_start3A_692 = tpu.memref_slice %arg8[%dma_start3A_689, %dma_start3A_690, %dma_start3A_691] : memref<4x80x64xf32, #tpu.memory_space<vmem>> -> memref<1x80x64xf32, #tpu.memory_space<vmem>>
        %dma_start3A_693 = tpu.memref_squeeze %dma_start3A_692 : memref<1x80x64xf32, #tpu.memory_space<vmem>> -> memref<80x64xf32, #tpu.memory_space<vmem>>
        %dma_start3A_694 = arith.constant 0 : i32
        %dma_start3A_695 = tpu.memref_slice %arg6[%dma_start3A_688, %dma_start3A_694] : memref<4x80xi32, #tpu.memory_space<vmem>> -> memref<1x80xi32, #tpu.memory_space<vmem>>
        %dma_start3A_696 = tpu.memref_squeeze %dma_start3A_695 : memref<1x80xi32, #tpu.memory_space<vmem>> -> memref<80xi32, #tpu.memory_space<vmem>>
        %dma_start3A_697 = arith.constant 0 : i32
        %dma_start3A_698 = arith.constant 0 : i32
        %dma_start3A_699 = tpu.memref_slice %arg2[%dma_start3A_697, %dma_start3A_698] : memref<10000x64xf32, #tpu.memory_space<hbm>> -> memref<10000x64xf32, #tpu.memory_space<hbm>>
        tpu.enqueue_indirect_dma source(%dma_start3A_699 : memref<10000x64xf32, #tpu.memory_space<hbm>>) target(%dma_start3A_693 : memref<80x64xf32, #tpu.memory_space<vmem>>) offsets(%dma_start3A_696 : memref<80xi32, #tpu.memory_space<vmem>>) semaphore(%arg13 : memref<!tpu.dma_semaphore, #tpu.memory_space<semaphore_mem>>)
      } else {
      }
      %scan3A_659 = arith.constant 0 : i32
      scf.yield %scan3A_659 : i32
    }
    %scan3A_505 = arith.constant 31 : i32
    %dma_wait3A_506 = arith.constant 0 : i32
    %dma_wait3A_507 = arith.constant 0 : i32
    %dma_wait3A_508 = arith.constant 0 : i32
    %dma_wait3A_509 = arith.constant 0 : i32
    %dma_wait3A_510 = tpu.memref_slice %arg8[%dma_wait3A_507, %dma_wait3A_508, %dma_wait3A_509] : memref<4x80x64xf32, #tpu.memory_space<vmem>> -> memref<1x80x64xf32, #tpu.memory_space<vmem>>
    %dma_wait3A_511 = tpu.memref_squeeze %dma_wait3A_510 : memref<1x80x64xf32, #tpu.memory_space<vmem>> -> memref<80x64xf32, #tpu.memory_space<vmem>>
    %dma_wait3A_512 = arith.constant 0 : i32
    %dma_wait3A_513 = tpu.memref_slice %arg6[%dma_wait3A_506, %dma_wait3A_512] : memref<4x80xi32, #tpu.memory_space<vmem>> -> memref<1x80xi32, #tpu.memory_space<vmem>>
    %dma_wait3A_514 = tpu.memref_squeeze %dma_wait3A_513 : memref<1x80xi32, #tpu.memory_space<vmem>> -> memref<80xi32, #tpu.memory_space<vmem>>
    %dma_wait3A_515 = arith.constant 0 : i32
    %dma_wait3A_516 = arith.constant 0 : i32
    %dma_wait3A_517 = tpu.memref_slice %arg2[%dma_wait3A_515, %dma_wait3A_516] : memref<10000x64xf32, #tpu.memory_space<hbm>> -> memref<10000x64xf32, #tpu.memory_space<hbm>>
    tpu.wait_indirect_dma semaphore(%arg11 : memref<!tpu.dma_semaphore, #tpu.memory_space<semaphore_mem>>) src(%dma_wait3A_517 : memref<10000x64xf32, #tpu.memory_space<hbm>>) dst(%dma_wait3A_511 : memref<80x64xf32, #tpu.memory_space<vmem>>)
    %run_scoped3A = arith.constant 0 : i32
    %run_scoped3A_518 = arith.constant 0 : i32
    "tpu.region"() ({
      %run_scoped3A_532 = tpu.sem_alloc : memref<!tpu.dma_semaphore, #tpu.memory_space<semaphore_mem>>
      %dma_start3A_533 = arith.constant 0 : i32
      %dma_start3A_534 = arith.constant 0 : i32
      %dma_start3A_535 = tpu.memref_slice %arg8[%run_scoped3A, %dma_start3A_533, %dma_start3A_534] : memref<4x80x64xf32, #tpu.memory_space<vmem>> -> memref<1x80x64xf32, #tpu.memory_space<vmem>>
      %dma_start3A_536 = tpu.memref_squeeze %dma_start3A_535 : memref<1x80x64xf32, #tpu.memory_space<vmem>> -> memref<80x64xf32, #tpu.memory_space<vmem>>
      %dma_start3A_537 = arith.constant 0 : i32
      %dma_start3A_538 = tpu.memref_slice %arg7[%run_scoped3A_518, %dma_start3A_537] : memref<4x80xi32, #tpu.memory_space<vmem>> -> memref<1x80xi32, #tpu.memory_space<vmem>>
      %dma_start3A_539 = tpu.memref_squeeze %dma_start3A_538 : memref<1x80xi32, #tpu.memory_space<vmem>> -> memref<80xi32, #tpu.memory_space<vmem>>
      %dma_start3A_540 = arith.constant 0 : i32
      %dma_start3A_541 = arith.constant 0 : i32
      %dma_start3A_542 = tpu.memref_slice %arg10[%dma_start3A_540, %dma_start3A_541] : memref<10000x64xf32, #tpu.memory_space<vmem_shared>> -> memref<10000x64xf32, #tpu.memory_space<vmem_shared>>
      tpu.enqueue_indirect_dma source(%dma_start3A_536 : memref<80x64xf32, #tpu.memory_space<vmem>>) target(%dma_start3A_542 : memref<10000x64xf32, #tpu.memory_space<vmem_shared>>) offsets(%dma_start3A_539 : memref<80xi32, #tpu.memory_space<vmem>>) semaphore(%run_scoped3A_532 : memref<!tpu.dma_semaphore, #tpu.memory_space<semaphore_mem>>) {add = true}
      %dma_wait3A_543 = arith.constant 0 : i32
      %dma_wait3A_544 = arith.constant 0 : i32
      %dma_wait3A_545 = tpu.memref_slice %arg8[%run_scoped3A, %dma_wait3A_543, %dma_wait3A_544] : memref<4x80x64xf32, #tpu.memory_space<vmem>> -> memref<1x80x64xf32, #tpu.memory_space<vmem>>
      %dma_wait3A_546 = tpu.memref_squeeze %dma_wait3A_545 : memref<1x80x64xf32, #tpu.memory_space<vmem>> -> memref<80x64xf32, #tpu.memory_space<vmem>>
      %dma_wait3A_547 = arith.constant 0 : i32
      %dma_wait3A_548 = tpu.memref_slice %arg7[%run_scoped3A_518, %dma_wait3A_547] : memref<4x80xi32, #tpu.memory_space<vmem>> -> memref<1x80xi32, #tpu.memory_space<vmem>>
      %dma_wait3A_549 = tpu.memref_squeeze %dma_wait3A_548 : memref<1x80xi32, #tpu.memory_space<vmem>> -> memref<80xi32, #tpu.memory_space<vmem>>
      %dma_wait3A_550 = arith.constant 0 : i32
      %dma_wait3A_551 = arith.constant 0 : i32
      %dma_wait3A_552 = tpu.memref_slice %arg10[%dma_wait3A_550, %dma_wait3A_551] : memref<10000x64xf32, #tpu.memory_space<vmem_shared>> -> memref<10000x64xf32, #tpu.memory_space<vmem_shared>>
      tpu.wait_indirect_dma semaphore(%run_scoped3A_532 : memref<!tpu.dma_semaphore, #tpu.memory_space<semaphore_mem>>) src(%dma_wait3A_546 : memref<80x64xf32, #tpu.memory_space<vmem>>) dst(%dma_wait3A_552 : memref<10000x64xf32, #tpu.memory_space<vmem_shared>>)
      tpu.yield
    }) : () -> ()
    %barrier3A_519 = arith.constant 0 : index
    tpu.barrier barrier_id(%barrier3A_519)
    %while3A_520 = arith.constant 0 : i32
    %while3A_521 = arith.constant 0 : i32
    %while3A_522 = arith.subi %select_n3A, %while3A_520 : i32
    %while3A_523 = arith.addi %while3A_520, %while3A_522 : i32
    %while3A_524 = arith.constant 1 : i32
    %while3A_525 = arith.divsi %while3A_522, %while3A_524 : i32
    %while3A_526 = arith.muli %while3A_525, %while3A_524 : i32
    %while3A_527 = arith.addi %while3A_520, %while3A_526 : i32
    %while3A_528 = arith.constant 1 : i32
    %while3A_529 = scf.for %while3A_532 = %while3A_520 to %while3A_527 step %while3A_528 iter_args(%while3A_533 = %while3A_521) -> (i32)  : i32 {
      %mul3A_534 = arith.constant 8 : i32
      %mul3A_535 = arith.muli %while3A_532, %mul3A_534 : i32
      %add3A_536 = arith.addi %mul3A_256, %mul3A_535 : i32
      "tpu.region"() ({
        %run_scoped3A_538 = tpu.sem_alloc : memref<!tpu.dma_semaphore, #tpu.memory_space<semaphore_mem>>
        %dma_start3A_539 = arith.constant 0 : i32
        %dma_start3A_540 = tpu.memref_slice %arg10[%add3A_536, %dma_start3A_539] : memref<10000x64xf32, #tpu.memory_space<vmem_shared>> -> memref<8x64xf32, #tpu.memory_space<vmem_shared>>
        %dma_start3A_541 = arith.constant 0 : i32
        %dma_start3A_542 = tpu.memref_slice %arg10[%add3A_536, %dma_start3A_541] : memref<10000x64xf32, #tpu.memory_space<vmem_shared>> -> memref<8x64xf32, #tpu.memory_space<vmem_shared>>
        tpu.enqueue_dma source(%dma_start3A_542 : memref<8x64xf32, #tpu.memory_space<vmem_shared>>) target(%arg9 : memref<8x64xf32, #tpu.memory_space<vmem>>) target_semaphore(%run_scoped3A_538 : memref<!tpu.dma_semaphore, #tpu.memory_space<semaphore_mem>>)
        %dma_wait3A_543 = arith.constant 0 : i32
        %dma_wait3A_544 = tpu.memref_slice %arg10[%add3A_536, %dma_wait3A_543] : memref<10000x64xf32, #tpu.memory_space<vmem_shared>> -> memref<8x64xf32, #tpu.memory_space<vmem_shared>>
        %dma_wait3A_545 = arith.constant 0 : i32
        %dma_wait3A_546 = tpu.memref_slice %arg10[%add3A_536, %dma_wait3A_545] : memref<10000x64xf32, #tpu.memory_space<vmem_shared>> -> memref<8x64xf32, #tpu.memory_space<vmem_shared>>
        tpu.wait_dma2 semaphore(%run_scoped3A_538 : memref<!tpu.dma_semaphore, #tpu.memory_space<semaphore_mem>>) src(%dma_wait3A_546 : memref<8x64xf32, #tpu.memory_space<vmem_shared>>) dst(%arg9 : memref<8x64xf32, #tpu.memory_space<vmem>>)
        tpu.yield
      }) : () -> ()
      "tpu.region"() ({
        %run_scoped3A_538 = tpu.sem_alloc : memref<!tpu.dma_semaphore, #tpu.memory_space<semaphore_mem>>
        %dma_start3A_539 = arith.constant 0 : i32
        %dma_start3A_540 = tpu.memref_slice %arg5[%arg0, %add3A_536, %dma_start3A_539] : memref<2x10000x64xf32, #tpu.memory_space<hbm>> -> memref<1x8x64xf32, #tpu.memory_space<hbm>>
        %dma_start3A_541 = tpu.memref_squeeze %dma_start3A_540 : memref<1x8x64xf32, #tpu.memory_space<hbm>> -> memref<8x64xf32, #tpu.memory_space<hbm>>
        %dma_start3A_542 = arith.constant 0 : i32
        %dma_start3A_543 = tpu.memref_slice %arg5[%arg0, %add3A_536, %dma_start3A_542] : memref<2x10000x64xf32, #tpu.memory_space<hbm>> -> memref<1x8x64xf32, #tpu.memory_space<hbm>>
        %dma_start3A_544 = tpu.memref_squeeze %dma_start3A_543 : memref<1x8x64xf32, #tpu.memory_space<hbm>> -> memref<8x64xf32, #tpu.memory_space<hbm>>
        tpu.enqueue_dma source(%arg9 : memref<8x64xf32, #tpu.memory_space<vmem>>) target(%dma_start3A_544 : memref<8x64xf32, #tpu.memory_space<hbm>>) target_semaphore(%run_scoped3A_538 : memref<!tpu.dma_semaphore, #tpu.memory_space<semaphore_mem>>)
        %dma_wait3A_545 = arith.constant 0 : i32
        %dma_wait3A_546 = tpu.memref_slice %arg5[%arg0, %add3A_536, %dma_wait3A_545] : memref<2x10000x64xf32, #tpu.memory_space<hbm>> -> memref<1x8x64xf32, #tpu.memory_space<hbm>>
        %dma_wait3A_547 = tpu.memref_squeeze %dma_wait3A_546 : memref<1x8x64xf32, #tpu.memory_space<hbm>> -> memref<8x64xf32, #tpu.memory_space<hbm>>
        %dma_wait3A_548 = arith.constant 0 : i32
        %dma_wait3A_549 = tpu.memref_slice %arg5[%arg0, %add3A_536, %dma_wait3A_548] : memref<2x10000x64xf32, #tpu.memory_space<hbm>> -> memref<1x8x64xf32, #tpu.memory_space<hbm>>
        %dma_wait3A_550 = tpu.memref_squeeze %dma_wait3A_549 : memref<1x8x64xf32, #tpu.memory_space<hbm>> -> memref<8x64xf32, #tpu.memory_space<hbm>>
        tpu.wait_dma2 semaphore(%run_scoped3A_538 : memref<!tpu.dma_semaphore, #tpu.memory_space<semaphore_mem>>) src(%arg9 : memref<8x64xf32, #tpu.memory_space<vmem>>) dst(%dma_wait3A_550 : memref<8x64xf32, #tpu.memory_space<hbm>>)
        tpu.yield
      }) : () -> ()
      %while3A_537 = arith.constant 0 : i32
      scf.yield %while3A_537 : i32
    }
    %while3A_530 = arith.constant 1 : i32
    %while3A_531 = scf.for %while3A_532 = %while3A_527 to %while3A_523 step %while3A_530 iter_args(%while3A_533 = %while3A_529) -> (i32)  : i32 {
      %mul3A_534 = arith.constant 8 : i32
      %mul3A_535 = arith.muli %while3A_532, %mul3A_534 : i32
      %add3A_536 = arith.addi %mul3A_256, %mul3A_535 : i32
      "tpu.region"() ({
        %run_scoped3A_538 = tpu.sem_alloc : memref<!tpu.dma_semaphore, #tpu.memory_space<semaphore_mem>>
        %dma_start3A_539 = arith.constant 0 : i32
        %dma_start3A_540 = tpu.memref_slice %arg10[%add3A_536, %dma_start3A_539] : memref<10000x64xf32, #tpu.memory_space<vmem_shared>> -> memref<8x64xf32, #tpu.memory_space<vmem_shared>>
        %dma_start3A_541 = arith.constant 0 : i32
        %dma_start3A_542 = tpu.memref_slice %arg10[%add3A_536, %dma_start3A_541] : memref<10000x64xf32, #tpu.memory_space<vmem_shared>> -> memref<8x64xf32, #tpu.memory_space<vmem_shared>>
        tpu.enqueue_dma source(%dma_start3A_542 : memref<8x64xf32, #tpu.memory_space<vmem_shared>>) target(%arg9 : memref<8x64xf32, #tpu.memory_space<vmem>>) target_semaphore(%run_scoped3A_538 : memref<!tpu.dma_semaphore, #tpu.memory_space<semaphore_mem>>)
        %dma_wait3A_543 = arith.constant 0 : i32
        %dma_wait3A_544 = tpu.memref_slice %arg10[%add3A_536, %dma_wait3A_543] : memref<10000x64xf32, #tpu.memory_space<vmem_shared>> -> memref<8x64xf32, #tpu.memory_space<vmem_shared>>
        %dma_wait3A_545 = arith.constant 0 : i32
        %dma_wait3A_546 = tpu.memref_slice %arg10[%add3A_536, %dma_wait3A_545] : memref<10000x64xf32, #tpu.memory_space<vmem_shared>> -> memref<8x64xf32, #tpu.memory_space<vmem_shared>>
        tpu.wait_dma2 semaphore(%run_scoped3A_538 : memref<!tpu.dma_semaphore, #tpu.memory_space<semaphore_mem>>) src(%dma_wait3A_546 : memref<8x64xf32, #tpu.memory_space<vmem_shared>>) dst(%arg9 : memref<8x64xf32, #tpu.memory_space<vmem>>)
        tpu.yield
      }) : () -> ()
      "tpu.region"() ({
        %run_scoped3A_538 = tpu.sem_alloc : memref<!tpu.dma_semaphore, #tpu.memory_space<semaphore_mem>>
        %dma_start3A_539 = arith.constant 0 : i32
        %dma_start3A_540 = tpu.memref_slice %arg5[%arg0, %add3A_536, %dma_start3A_539] : memref<2x10000x64xf32, #tpu.memory_space<hbm>> -> memref<1x8x64xf32, #tpu.memory_space<hbm>>
        %dma_start3A_541 = tpu.memref_squeeze %dma_start3A_540 : memref<1x8x64xf32, #tpu.memory_space<hbm>> -> memref<8x64xf32, #tpu.memory_space<hbm>>
        %dma_start3A_542 = arith.constant 0 : i32
        %dma_start3A_543 = tpu.memref_slice %arg5[%arg0, %add3A_536, %dma_start3A_542] : memref<2x10000x64xf32, #tpu.memory_space<hbm>> -> memref<1x8x64xf32, #tpu.memory_space<hbm>>
        %dma_start3A_544 = tpu.memref_squeeze %dma_start3A_543 : memref<1x8x64xf32, #tpu.memory_space<hbm>> -> memref<8x64xf32, #tpu.memory_space<hbm>>
        tpu.enqueue_dma source(%arg9 : memref<8x64xf32, #tpu.memory_space<vmem>>) target(%dma_start3A_544 : memref<8x64xf32, #tpu.memory_space<hbm>>) target_semaphore(%run_scoped3A_538 : memref<!tpu.dma_semaphore, #tpu.memory_space<semaphore_mem>>)
        %dma_wait3A_545 = arith.constant 0 : i32
        %dma_wait3A_546 = tpu.memref_slice %arg5[%arg0, %add3A_536, %dma_wait3A_545] : memref<2x10000x64xf32, #tpu.memory_space<hbm>> -> memref<1x8x64xf32, #tpu.memory_space<hbm>>
        %dma_wait3A_547 = tpu.memref_squeeze %dma_wait3A_546 : memref<1x8x64xf32, #tpu.memory_space<hbm>> -> memref<8x64xf32, #tpu.memory_space<hbm>>
        %dma_wait3A_548 = arith.constant 0 : i32
        %dma_wait3A_549 = tpu.memref_slice %arg5[%arg0, %add3A_536, %dma_wait3A_548] : memref<2x10000x64xf32, #tpu.memory_space<hbm>> -> memref<1x8x64xf32, #tpu.memory_space<hbm>>
        %dma_wait3A_550 = tpu.memref_squeeze %dma_wait3A_549 : memref<1x8x64xf32, #tpu.memory_space<hbm>> -> memref<8x64xf32, #tpu.memory_space<hbm>>
        tpu.wait_dma2 semaphore(%run_scoped3A_538 : memref<!tpu.dma_semaphore, #tpu.memory_space<semaphore_mem>>) src(%arg9 : memref<8x64xf32, #tpu.memory_space<vmem>>) dst(%dma_wait3A_550 : memref<8x64xf32, #tpu.memory_space<hbm>>)
        tpu.yield
      }) : () -> ()
      %while3A_537 = arith.constant 0 : i32
      scf.yield %while3A_537 : i32
    }
    return
  }
}

#map = affine_map<(d0, d1) -> (0, 0)>
#map1 = affine_map<(d0, d1) -> (0, 0, 0)>
module attributes {stable_mosaic.version = 14 : i64} {
  func.func @edge_pass(%arg0: i32, %arg1: i32, %arg2: memref<10000x128xf32, #tpu.memory_space<hbm>>, %arg3: memref<32x125x80xi32, #tpu.memory_space<hbm>>, %arg4: memref<32x125x80xi32, #tpu.memory_space<hbm>>, %arg5: memref<2x10000x128xf32, #tpu.memory_space<hbm>>, %arg6: memref<4x80xi32, #tpu.memory_space<vmem>>, %arg7: memref<4x80xi32, #tpu.memory_space<vmem>>, %arg8: memref<4x80x128xf32, #tpu.memory_space<vmem>>, %arg9: memref<8x128xf32, #tpu.memory_space<vmem>>, %arg10: memref<10000x128xf32, #tpu.memory_space<vmem_shared>>, %arg11: memref<!tpu.dma_semaphore, #tpu.memory_space<semaphore_mem>>, %arg12: memref<!tpu.dma_semaphore, #tpu.memory_space<semaphore_mem>>, %arg13: memref<!tpu.dma_semaphore, #tpu.memory_space<semaphore_mem>>, %arg14: memref<!tpu.dma_semaphore, #tpu.memory_space<semaphore_mem>>, %arg15: memref<!tpu.dma_semaphore, #tpu.memory_space<semaphore_mem>>, %arg16: memref<!tpu.dma_semaphore, #tpu.memory_space<semaphore_mem>>, %arg17: memref<!tpu.dma_semaphore, #tpu.memory_space<semaphore_mem>>, %arg18: memref<!tpu.dma_semaphore, #tpu.memory_space<semaphore_mem>>) attributes {dimension_semantics = [#tpu.dimension_semantics<core_parallel>, #tpu.dimension_semantics<subcore_parallel>], iteration_bounds = array<i64: 2, 16>, scalar_prefetch = 0 : i64, scratch_operands = 13 : i64, tpu.core_type = #tpu.core_type<sc_vector_subcore>, window_params = [{transform_indices = #map}, {transform_indices = #map1}, {transform_indices = #map1}, {transform_indices = #map1}]} {
    %mul3A = arith.constant 16 : i32
    %mul3A_0 = arith.muli %arg0, %mul3A : i32
    %add3A = arith.addi %mul3A_0, %arg1 : i32
    %broadcast_in_dim3A = arith.constant 0.000000e+00 : f32
    %broadcast_in_dim3A_1 = vector.broadcast %broadcast_in_dim3A : f32 to vector<16xf32>
    %swap3A = arith.constant 0 : i32
    %swap3A_2 = arith.index_cast %swap3A : i32 to index
    %swap3A_3 = arith.constant 0 : index
    %swap3A_4 = tpu.vector_load %arg9[%swap3A_2, %swap3A_3] {strides = array<i32>} : memref<8x128xf32, #tpu.memory_space<vmem>>, vector<1x16xf32>,
    %swap3A_5 = vector.shape_cast %swap3A_4 : vector<1x16xf32> to vector<16xf32>
    %swap3A_6 = vector.shape_cast %broadcast_in_dim3A_1 : vector<16xf32> to vector<1x16xf32>
    tpu.vector_store %arg9[%swap3A_2, %swap3A_3], %swap3A_6 {strides = array<i32>} : memref<8x128xf32, #tpu.memory_space<vmem>>, vector<1x16xf32>,
    %broadcast_in_dim3A_7 = arith.constant 0.000000e+00 : f32
    %broadcast_in_dim3A_8 = vector.broadcast %broadcast_in_dim3A_7 : f32 to vector<16xf32>
    %swap3A_9 = arith.constant 0 : i32
    %swap3A_10 = arith.index_cast %swap3A_9 : i32 to index
    %swap3A_11 = arith.constant 16 : index
    %swap3A_12 = tpu.vector_load %arg9[%swap3A_10, %swap3A_11] {strides = array<i32>} : memref<8x128xf32, #tpu.memory_space<vmem>>, vector<1x16xf32>,
    %swap3A_13 = vector.shape_cast %swap3A_12 : vector<1x16xf32> to vector<16xf32>
    %swap3A_14 = vector.shape_cast %broadcast_in_dim3A_8 : vector<16xf32> to vector<1x16xf32>
    tpu.vector_store %arg9[%swap3A_10, %swap3A_11], %swap3A_14 {strides = array<i32>} : memref<8x128xf32, #tpu.memory_space<vmem>>, vector<1x16xf32>,
    %broadcast_in_dim3A_15 = arith.constant 0.000000e+00 : f32
    %broadcast_in_dim3A_16 = vector.broadcast %broadcast_in_dim3A_15 : f32 to vector<16xf32>
    %swap3A_17 = arith.constant 0 : i32
    %swap3A_18 = arith.index_cast %swap3A_17 : i32 to index
    %swap3A_19 = arith.constant 32 : index
    %swap3A_20 = tpu.vector_load %arg9[%swap3A_18, %swap3A_19] {strides = array<i32>} : memref<8x128xf32, #tpu.memory_space<vmem>>, vector<1x16xf32>,
    %swap3A_21 = vector.shape_cast %swap3A_20 : vector<1x16xf32> to vector<16xf32>
    %swap3A_22 = vector.shape_cast %broadcast_in_dim3A_16 : vector<16xf32> to vector<1x16xf32>
    tpu.vector_store %arg9[%swap3A_18, %swap3A_19], %swap3A_22 {strides = array<i32>} : memref<8x128xf32, #tpu.memory_space<vmem>>, vector<1x16xf32>,
    %broadcast_in_dim3A_23 = arith.constant 0.000000e+00 : f32
    %broadcast_in_dim3A_24 = vector.broadcast %broadcast_in_dim3A_23 : f32 to vector<16xf32>
    %swap3A_25 = arith.constant 0 : i32
    %swap3A_26 = arith.index_cast %swap3A_25 : i32 to index
    %swap3A_27 = arith.constant 48 : index
    %swap3A_28 = tpu.vector_load %arg9[%swap3A_26, %swap3A_27] {strides = array<i32>} : memref<8x128xf32, #tpu.memory_space<vmem>>, vector<1x16xf32>,
    %swap3A_29 = vector.shape_cast %swap3A_28 : vector<1x16xf32> to vector<16xf32>
    %swap3A_30 = vector.shape_cast %broadcast_in_dim3A_24 : vector<16xf32> to vector<1x16xf32>
    tpu.vector_store %arg9[%swap3A_26, %swap3A_27], %swap3A_30 {strides = array<i32>} : memref<8x128xf32, #tpu.memory_space<vmem>>, vector<1x16xf32>,
    %broadcast_in_dim3A_31 = arith.constant 0.000000e+00 : f32
    %broadcast_in_dim3A_32 = vector.broadcast %broadcast_in_dim3A_31 : f32 to vector<16xf32>
    %swap3A_33 = arith.constant 0 : i32
    %swap3A_34 = arith.index_cast %swap3A_33 : i32 to index
    %swap3A_35 = arith.constant 64 : index
    %swap3A_36 = tpu.vector_load %arg9[%swap3A_34, %swap3A_35] {strides = array<i32>} : memref<8x128xf32, #tpu.memory_space<vmem>>, vector<1x16xf32>,
    %swap3A_37 = vector.shape_cast %swap3A_36 : vector<1x16xf32> to vector<16xf32>
    %swap3A_38 = vector.shape_cast %broadcast_in_dim3A_32 : vector<16xf32> to vector<1x16xf32>
    tpu.vector_store %arg9[%swap3A_34, %swap3A_35], %swap3A_38 {strides = array<i32>} : memref<8x128xf32, #tpu.memory_space<vmem>>, vector<1x16xf32>,
    %broadcast_in_dim3A_39 = arith.constant 0.000000e+00 : f32
    %broadcast_in_dim3A_40 = vector.broadcast %broadcast_in_dim3A_39 : f32 to vector<16xf32>
    %swap3A_41 = arith.constant 0 : i32
    %swap3A_42 = arith.index_cast %swap3A_41 : i32 to index
    %swap3A_43 = arith.constant 80 : index
    %swap3A_44 = tpu.vector_load %arg9[%swap3A_42, %swap3A_43] {strides = array<i32>} : memref<8x128xf32, #tpu.memory_space<vmem>>, vector<1x16xf32>,
    %swap3A_45 = vector.shape_cast %swap3A_44 : vector<1x16xf32> to vector<16xf32>
    %swap3A_46 = vector.shape_cast %broadcast_in_dim3A_40 : vector<16xf32> to vector<1x16xf32>
    tpu.vector_store %arg9[%swap3A_42, %swap3A_43], %swap3A_46 {strides = array<i32>} : memref<8x128xf32, #tpu.memory_space<vmem>>, vector<1x16xf32>,
    %broadcast_in_dim3A_47 = arith.constant 0.000000e+00 : f32
    %broadcast_in_dim3A_48 = vector.broadcast %broadcast_in_dim3A_47 : f32 to vector<16xf32>
    %swap3A_49 = arith.constant 0 : i32
    %swap3A_50 = arith.index_cast %swap3A_49 : i32 to index
    %swap3A_51 = arith.constant 96 : index
    %swap3A_52 = tpu.vector_load %arg9[%swap3A_50, %swap3A_51] {strides = array<i32>} : memref<8x128xf32, #tpu.memory_space<vmem>>, vector<1x16xf32>,
    %swap3A_53 = vector.shape_cast %swap3A_52 : vector<1x16xf32> to vector<16xf32>
    %swap3A_54 = vector.shape_cast %broadcast_in_dim3A_48 : vector<16xf32> to vector<1x16xf32>
    tpu.vector_store %arg9[%swap3A_50, %swap3A_51], %swap3A_54 {strides = array<i32>} : memref<8x128xf32, #tpu.memory_space<vmem>>, vector<1x16xf32>,
    %broadcast_in_dim3A_55 = arith.constant 0.000000e+00 : f32
    %broadcast_in_dim3A_56 = vector.broadcast %broadcast_in_dim3A_55 : f32 to vector<16xf32>
    %swap3A_57 = arith.constant 0 : i32
    %swap3A_58 = arith.index_cast %swap3A_57 : i32 to index
    %swap3A_59 = arith.constant 112 : index
    %swap3A_60 = tpu.vector_load %arg9[%swap3A_58, %swap3A_59] {strides = array<i32>} : memref<8x128xf32, #tpu.memory_space<vmem>>, vector<1x16xf32>,
    %swap3A_61 = vector.shape_cast %swap3A_60 : vector<1x16xf32> to vector<16xf32>
    %swap3A_62 = vector.shape_cast %broadcast_in_dim3A_56 : vector<16xf32> to vector<1x16xf32>
    tpu.vector_store %arg9[%swap3A_58, %swap3A_59], %swap3A_62 {strides = array<i32>} : memref<8x128xf32, #tpu.memory_space<vmem>>, vector<1x16xf32>,
    %broadcast_in_dim3A_63 = arith.constant 0.000000e+00 : f32
    %broadcast_in_dim3A_64 = vector.broadcast %broadcast_in_dim3A_63 : f32 to vector<16xf32>
    %swap3A_65 = arith.constant 1 : i32
    %swap3A_66 = arith.index_cast %swap3A_65 : i32 to index
    %swap3A_67 = arith.constant 0 : index
    %swap3A_68 = tpu.vector_load %arg9[%swap3A_66, %swap3A_67] {strides = array<i32>} : memref<8x128xf32, #tpu.memory_space<vmem>>, vector<1x16xf32>,
    %swap3A_69 = vector.shape_cast %swap3A_68 : vector<1x16xf32> to vector<16xf32>
    %swap3A_70 = vector.shape_cast %broadcast_in_dim3A_64 : vector<16xf32> to vector<1x16xf32>
    tpu.vector_store %arg9[%swap3A_66, %swap3A_67], %swap3A_70 {strides = array<i32>} : memref<8x128xf32, #tpu.memory_space<vmem>>, vector<1x16xf32>,
    %broadcast_in_dim3A_71 = arith.constant 0.000000e+00 : f32
    %broadcast_in_dim3A_72 = vector.broadcast %broadcast_in_dim3A_71 : f32 to vector<16xf32>
    %swap3A_73 = arith.constant 1 : i32
    %swap3A_74 = arith.index_cast %swap3A_73 : i32 to index
    %swap3A_75 = arith.constant 16 : index
    %swap3A_76 = tpu.vector_load %arg9[%swap3A_74, %swap3A_75] {strides = array<i32>} : memref<8x128xf32, #tpu.memory_space<vmem>>, vector<1x16xf32>,
    %swap3A_77 = vector.shape_cast %swap3A_76 : vector<1x16xf32> to vector<16xf32>
    %swap3A_78 = vector.shape_cast %broadcast_in_dim3A_72 : vector<16xf32> to vector<1x16xf32>
    tpu.vector_store %arg9[%swap3A_74, %swap3A_75], %swap3A_78 {strides = array<i32>} : memref<8x128xf32, #tpu.memory_space<vmem>>, vector<1x16xf32>,
    %broadcast_in_dim3A_79 = arith.constant 0.000000e+00 : f32
    %broadcast_in_dim3A_80 = vector.broadcast %broadcast_in_dim3A_79 : f32 to vector<16xf32>
    %swap3A_81 = arith.constant 1 : i32
    %swap3A_82 = arith.index_cast %swap3A_81 : i32 to index
    %swap3A_83 = arith.constant 32 : index
    %swap3A_84 = tpu.vector_load %arg9[%swap3A_82, %swap3A_83] {strides = array<i32>} : memref<8x128xf32, #tpu.memory_space<vmem>>, vector<1x16xf32>,
    %swap3A_85 = vector.shape_cast %swap3A_84 : vector<1x16xf32> to vector<16xf32>
    %swap3A_86 = vector.shape_cast %broadcast_in_dim3A_80 : vector<16xf32> to vector<1x16xf32>
    tpu.vector_store %arg9[%swap3A_82, %swap3A_83], %swap3A_86 {strides = array<i32>} : memref<8x128xf32, #tpu.memory_space<vmem>>, vector<1x16xf32>,
    %broadcast_in_dim3A_87 = arith.constant 0.000000e+00 : f32
    %broadcast_in_dim3A_88 = vector.broadcast %broadcast_in_dim3A_87 : f32 to vector<16xf32>
    %swap3A_89 = arith.constant 1 : i32
    %swap3A_90 = arith.index_cast %swap3A_89 : i32 to index
    %swap3A_91 = arith.constant 48 : index
    %swap3A_92 = tpu.vector_load %arg9[%swap3A_90, %swap3A_91] {strides = array<i32>} : memref<8x128xf32, #tpu.memory_space<vmem>>, vector<1x16xf32>,
    %swap3A_93 = vector.shape_cast %swap3A_92 : vector<1x16xf32> to vector<16xf32>
    %swap3A_94 = vector.shape_cast %broadcast_in_dim3A_88 : vector<16xf32> to vector<1x16xf32>
    tpu.vector_store %arg9[%swap3A_90, %swap3A_91], %swap3A_94 {strides = array<i32>} : memref<8x128xf32, #tpu.memory_space<vmem>>, vector<1x16xf32>,
    %broadcast_in_dim3A_95 = arith.constant 0.000000e+00 : f32
    %broadcast_in_dim3A_96 = vector.broadcast %broadcast_in_dim3A_95 : f32 to vector<16xf32>
    %swap3A_97 = arith.constant 1 : i32
    %swap3A_98 = arith.index_cast %swap3A_97 : i32 to index
    %swap3A_99 = arith.constant 64 : index
    %swap3A_100 = tpu.vector_load %arg9[%swap3A_98, %swap3A_99] {strides = array<i32>} : memref<8x128xf32, #tpu.memory_space<vmem>>, vector<1x16xf32>,
    %swap3A_101 = vector.shape_cast %swap3A_100 : vector<1x16xf32> to vector<16xf32>
    %swap3A_102 = vector.shape_cast %broadcast_in_dim3A_96 : vector<16xf32> to vector<1x16xf32>
    tpu.vector_store %arg9[%swap3A_98, %swap3A_99], %swap3A_102 {strides = array<i32>} : memref<8x128xf32, #tpu.memory_space<vmem>>, vector<1x16xf32>,
    %broadcast_in_dim3A_103 = arith.constant 0.000000e+00 : f32
    %broadcast_in_dim3A_104 = vector.broadcast %broadcast_in_dim3A_103 : f32 to vector<16xf32>
    %swap3A_105 = arith.constant 1 : i32
    %swap3A_106 = arith.index_cast %swap3A_105 : i32 to index
    %swap3A_107 = arith.constant 80 : index
    %swap3A_108 = tpu.vector_load %arg9[%swap3A_106, %swap3A_107] {strides = array<i32>} : memref<8x128xf32, #tpu.memory_space<vmem>>, vector<1x16xf32>,
    %swap3A_109 = vector.shape_cast %swap3A_108 : vector<1x16xf32> to vector<16xf32>
    %swap3A_110 = vector.shape_cast %broadcast_in_dim3A_104 : vector<16xf32> to vector<1x16xf32>
    tpu.vector_store %arg9[%swap3A_106, %swap3A_107], %swap3A_110 {strides = array<i32>} : memref<8x128xf32, #tpu.memory_space<vmem>>, vector<1x16xf32>,
    %broadcast_in_dim3A_111 = arith.constant 0.000000e+00 : f32
    %broadcast_in_dim3A_112 = vector.broadcast %broadcast_in_dim3A_111 : f32 to vector<16xf32>
    %swap3A_113 = arith.constant 1 : i32
    %swap3A_114 = arith.index_cast %swap3A_113 : i32 to index
    %swap3A_115 = arith.constant 96 : index
    %swap3A_116 = tpu.vector_load %arg9[%swap3A_114, %swap3A_115] {strides = array<i32>} : memref<8x128xf32, #tpu.memory_space<vmem>>, vector<1x16xf32>,
    %swap3A_117 = vector.shape_cast %swap3A_116 : vector<1x16xf32> to vector<16xf32>
    %swap3A_118 = vector.shape_cast %broadcast_in_dim3A_112 : vector<16xf32> to vector<1x16xf32>
    tpu.vector_store %arg9[%swap3A_114, %swap3A_115], %swap3A_118 {strides = array<i32>} : memref<8x128xf32, #tpu.memory_space<vmem>>, vector<1x16xf32>,
    %broadcast_in_dim3A_119 = arith.constant 0.000000e+00 : f32
    %broadcast_in_dim3A_120 = vector.broadcast %broadcast_in_dim3A_119 : f32 to vector<16xf32>
    %swap3A_121 = arith.constant 1 : i32
    %swap3A_122 = arith.index_cast %swap3A_121 : i32 to index
    %swap3A_123 = arith.constant 112 : index
    %swap3A_124 = tpu.vector_load %arg9[%swap3A_122, %swap3A_123] {strides = array<i32>} : memref<8x128xf32, #tpu.memory_space<vmem>>, vector<1x16xf32>,
    %swap3A_125 = vector.shape_cast %swap3A_124 : vector<1x16xf32> to vector<16xf32>
    %swap3A_126 = vector.shape_cast %broadcast_in_dim3A_120 : vector<16xf32> to vector<1x16xf32>
    tpu.vector_store %arg9[%swap3A_122, %swap3A_123], %swap3A_126 {strides = array<i32>} : memref<8x128xf32, #tpu.memory_space<vmem>>, vector<1x16xf32>,
    %broadcast_in_dim3A_127 = arith.constant 0.000000e+00 : f32
    %broadcast_in_dim3A_128 = vector.broadcast %broadcast_in_dim3A_127 : f32 to vector<16xf32>
    %swap3A_129 = arith.constant 2 : i32
    %swap3A_130 = arith.index_cast %swap3A_129 : i32 to index
    %swap3A_131 = arith.constant 0 : index
    %swap3A_132 = tpu.vector_load %arg9[%swap3A_130, %swap3A_131] {strides = array<i32>} : memref<8x128xf32, #tpu.memory_space<vmem>>, vector<1x16xf32>,
    %swap3A_133 = vector.shape_cast %swap3A_132 : vector<1x16xf32> to vector<16xf32>
    %swap3A_134 = vector.shape_cast %broadcast_in_dim3A_128 : vector<16xf32> to vector<1x16xf32>
    tpu.vector_store %arg9[%swap3A_130, %swap3A_131], %swap3A_134 {strides = array<i32>} : memref<8x128xf32, #tpu.memory_space<vmem>>, vector<1x16xf32>,
    %broadcast_in_dim3A_135 = arith.constant 0.000000e+00 : f32
    %broadcast_in_dim3A_136 = vector.broadcast %broadcast_in_dim3A_135 : f32 to vector<16xf32>
    %swap3A_137 = arith.constant 2 : i32
    %swap3A_138 = arith.index_cast %swap3A_137 : i32 to index
    %swap3A_139 = arith.constant 16 : index
    %swap3A_140 = tpu.vector_load %arg9[%swap3A_138, %swap3A_139] {strides = array<i32>} : memref<8x128xf32, #tpu.memory_space<vmem>>, vector<1x16xf32>,
    %swap3A_141 = vector.shape_cast %swap3A_140 : vector<1x16xf32> to vector<16xf32>
    %swap3A_142 = vector.shape_cast %broadcast_in_dim3A_136 : vector<16xf32> to vector<1x16xf32>
    tpu.vector_store %arg9[%swap3A_138, %swap3A_139], %swap3A_142 {strides = array<i32>} : memref<8x128xf32, #tpu.memory_space<vmem>>, vector<1x16xf32>,
    %broadcast_in_dim3A_143 = arith.constant 0.000000e+00 : f32
    %broadcast_in_dim3A_144 = vector.broadcast %broadcast_in_dim3A_143 : f32 to vector<16xf32>
    %swap3A_145 = arith.constant 2 : i32
    %swap3A_146 = arith.index_cast %swap3A_145 : i32 to index
    %swap3A_147 = arith.constant 32 : index
    %swap3A_148 = tpu.vector_load %arg9[%swap3A_146, %swap3A_147] {strides = array<i32>} : memref<8x128xf32, #tpu.memory_space<vmem>>, vector<1x16xf32>,
    %swap3A_149 = vector.shape_cast %swap3A_148 : vector<1x16xf32> to vector<16xf32>
    %swap3A_150 = vector.shape_cast %broadcast_in_dim3A_144 : vector<16xf32> to vector<1x16xf32>
    tpu.vector_store %arg9[%swap3A_146, %swap3A_147], %swap3A_150 {strides = array<i32>} : memref<8x128xf32, #tpu.memory_space<vmem>>, vector<1x16xf32>,
    %broadcast_in_dim3A_151 = arith.constant 0.000000e+00 : f32
    %broadcast_in_dim3A_152 = vector.broadcast %broadcast_in_dim3A_151 : f32 to vector<16xf32>
    %swap3A_153 = arith.constant 2 : i32
    %swap3A_154 = arith.index_cast %swap3A_153 : i32 to index
    %swap3A_155 = arith.constant 48 : index
    %swap3A_156 = tpu.vector_load %arg9[%swap3A_154, %swap3A_155] {strides = array<i32>} : memref<8x128xf32, #tpu.memory_space<vmem>>, vector<1x16xf32>,
    %swap3A_157 = vector.shape_cast %swap3A_156 : vector<1x16xf32> to vector<16xf32>
    %swap3A_158 = vector.shape_cast %broadcast_in_dim3A_152 : vector<16xf32> to vector<1x16xf32>
    tpu.vector_store %arg9[%swap3A_154, %swap3A_155], %swap3A_158 {strides = array<i32>} : memref<8x128xf32, #tpu.memory_space<vmem>>, vector<1x16xf32>,
    %broadcast_in_dim3A_159 = arith.constant 0.000000e+00 : f32
    %broadcast_in_dim3A_160 = vector.broadcast %broadcast_in_dim3A_159 : f32 to vector<16xf32>
    %swap3A_161 = arith.constant 2 : i32
    %swap3A_162 = arith.index_cast %swap3A_161 : i32 to index
    %swap3A_163 = arith.constant 64 : index
    %swap3A_164 = tpu.vector_load %arg9[%swap3A_162, %swap3A_163] {strides = array<i32>} : memref<8x128xf32, #tpu.memory_space<vmem>>, vector<1x16xf32>,
    %swap3A_165 = vector.shape_cast %swap3A_164 : vector<1x16xf32> to vector<16xf32>
    %swap3A_166 = vector.shape_cast %broadcast_in_dim3A_160 : vector<16xf32> to vector<1x16xf32>
    tpu.vector_store %arg9[%swap3A_162, %swap3A_163], %swap3A_166 {strides = array<i32>} : memref<8x128xf32, #tpu.memory_space<vmem>>, vector<1x16xf32>,
    %broadcast_in_dim3A_167 = arith.constant 0.000000e+00 : f32
    %broadcast_in_dim3A_168 = vector.broadcast %broadcast_in_dim3A_167 : f32 to vector<16xf32>
    %swap3A_169 = arith.constant 2 : i32
    %swap3A_170 = arith.index_cast %swap3A_169 : i32 to index
    %swap3A_171 = arith.constant 80 : index
    %swap3A_172 = tpu.vector_load %arg9[%swap3A_170, %swap3A_171] {strides = array<i32>} : memref<8x128xf32, #tpu.memory_space<vmem>>, vector<1x16xf32>,
    %swap3A_173 = vector.shape_cast %swap3A_172 : vector<1x16xf32> to vector<16xf32>
    %swap3A_174 = vector.shape_cast %broadcast_in_dim3A_168 : vector<16xf32> to vector<1x16xf32>
    tpu.vector_store %arg9[%swap3A_170, %swap3A_171], %swap3A_174 {strides = array<i32>} : memref<8x128xf32, #tpu.memory_space<vmem>>, vector<1x16xf32>,
    %broadcast_in_dim3A_175 = arith.constant 0.000000e+00 : f32
    %broadcast_in_dim3A_176 = vector.broadcast %broadcast_in_dim3A_175 : f32 to vector<16xf32>
    %swap3A_177 = arith.constant 2 : i32
    %swap3A_178 = arith.index_cast %swap3A_177 : i32 to index
    %swap3A_179 = arith.constant 96 : index
    %swap3A_180 = tpu.vector_load %arg9[%swap3A_178, %swap3A_179] {strides = array<i32>} : memref<8x128xf32, #tpu.memory_space<vmem>>, vector<1x16xf32>,
    %swap3A_181 = vector.shape_cast %swap3A_180 : vector<1x16xf32> to vector<16xf32>
    %swap3A_182 = vector.shape_cast %broadcast_in_dim3A_176 : vector<16xf32> to vector<1x16xf32>
    tpu.vector_store %arg9[%swap3A_178, %swap3A_179], %swap3A_182 {strides = array<i32>} : memref<8x128xf32, #tpu.memory_space<vmem>>, vector<1x16xf32>,
    %broadcast_in_dim3A_183 = arith.constant 0.000000e+00 : f32
    %broadcast_in_dim3A_184 = vector.broadcast %broadcast_in_dim3A_183 : f32 to vector<16xf32>
    %swap3A_185 = arith.constant 2 : i32
    %swap3A_186 = arith.index_cast %swap3A_185 : i32 to index
    %swap3A_187 = arith.constant 112 : index
    %swap3A_188 = tpu.vector_load %arg9[%swap3A_186, %swap3A_187] {strides = array<i32>} : memref<8x128xf32, #tpu.memory_space<vmem>>, vector<1x16xf32>,
    %swap3A_189 = vector.shape_cast %swap3A_188 : vector<1x16xf32> to vector<16xf32>
    %swap3A_190 = vector.shape_cast %broadcast_in_dim3A_184 : vector<16xf32> to vector<1x16xf32>
    tpu.vector_store %arg9[%swap3A_186, %swap3A_187], %swap3A_190 {strides = array<i32>} : memref<8x128xf32, #tpu.memory_space<vmem>>, vector<1x16xf32>,
    %broadcast_in_dim3A_191 = arith.constant 0.000000e+00 : f32
    %broadcast_in_dim3A_192 = vector.broadcast %broadcast_in_dim3A_191 : f32 to vector<16xf32>
    %swap3A_193 = arith.constant 3 : i32
    %swap3A_194 = arith.index_cast %swap3A_193 : i32 to index
    %swap3A_195 = arith.constant 0 : index
    %swap3A_196 = tpu.vector_load %arg9[%swap3A_194, %swap3A_195] {strides = array<i32>} : memref<8x128xf32, #tpu.memory_space<vmem>>, vector<1x16xf32>,
    %swap3A_197 = vector.shape_cast %swap3A_196 : vector<1x16xf32> to vector<16xf32>
    %swap3A_198 = vector.shape_cast %broadcast_in_dim3A_192 : vector<16xf32> to vector<1x16xf32>
    tpu.vector_store %arg9[%swap3A_194, %swap3A_195], %swap3A_198 {strides = array<i32>} : memref<8x128xf32, #tpu.memory_space<vmem>>, vector<1x16xf32>,
    %broadcast_in_dim3A_199 = arith.constant 0.000000e+00 : f32
    %broadcast_in_dim3A_200 = vector.broadcast %broadcast_in_dim3A_199 : f32 to vector<16xf32>
    %swap3A_201 = arith.constant 3 : i32
    %swap3A_202 = arith.index_cast %swap3A_201 : i32 to index
    %swap3A_203 = arith.constant 16 : index
    %swap3A_204 = tpu.vector_load %arg9[%swap3A_202, %swap3A_203] {strides = array<i32>} : memref<8x128xf32, #tpu.memory_space<vmem>>, vector<1x16xf32>,
    %swap3A_205 = vector.shape_cast %swap3A_204 : vector<1x16xf32> to vector<16xf32>
    %swap3A_206 = vector.shape_cast %broadcast_in_dim3A_200 : vector<16xf32> to vector<1x16xf32>
    tpu.vector_store %arg9[%swap3A_202, %swap3A_203], %swap3A_206 {strides = array<i32>} : memref<8x128xf32, #tpu.memory_space<vmem>>, vector<1x16xf32>,
    %broadcast_in_dim3A_207 = arith.constant 0.000000e+00 : f32
    %broadcast_in_dim3A_208 = vector.broadcast %broadcast_in_dim3A_207 : f32 to vector<16xf32>
    %swap3A_209 = arith.constant 3 : i32
    %swap3A_210 = arith.index_cast %swap3A_209 : i32 to index
    %swap3A_211 = arith.constant 32 : index
    %swap3A_212 = tpu.vector_load %arg9[%swap3A_210, %swap3A_211] {strides = array<i32>} : memref<8x128xf32, #tpu.memory_space<vmem>>, vector<1x16xf32>,
    %swap3A_213 = vector.shape_cast %swap3A_212 : vector<1x16xf32> to vector<16xf32>
    %swap3A_214 = vector.shape_cast %broadcast_in_dim3A_208 : vector<16xf32> to vector<1x16xf32>
    tpu.vector_store %arg9[%swap3A_210, %swap3A_211], %swap3A_214 {strides = array<i32>} : memref<8x128xf32, #tpu.memory_space<vmem>>, vector<1x16xf32>,
    %broadcast_in_dim3A_215 = arith.constant 0.000000e+00 : f32
    %broadcast_in_dim3A_216 = vector.broadcast %broadcast_in_dim3A_215 : f32 to vector<16xf32>
    %swap3A_217 = arith.constant 3 : i32
    %swap3A_218 = arith.index_cast %swap3A_217 : i32 to index
    %swap3A_219 = arith.constant 48 : index
    %swap3A_220 = tpu.vector_load %arg9[%swap3A_218, %swap3A_219] {strides = array<i32>} : memref<8x128xf32, #tpu.memory_space<vmem>>, vector<1x16xf32>,
    %swap3A_221 = vector.shape_cast %swap3A_220 : vector<1x16xf32> to vector<16xf32>
    %swap3A_222 = vector.shape_cast %broadcast_in_dim3A_216 : vector<16xf32> to vector<1x16xf32>
    tpu.vector_store %arg9[%swap3A_218, %swap3A_219], %swap3A_222 {strides = array<i32>} : memref<8x128xf32, #tpu.memory_space<vmem>>, vector<1x16xf32>,
    %broadcast_in_dim3A_223 = arith.constant 0.000000e+00 : f32
    %broadcast_in_dim3A_224 = vector.broadcast %broadcast_in_dim3A_223 : f32 to vector<16xf32>
    %swap3A_225 = arith.constant 3 : i32
    %swap3A_226 = arith.index_cast %swap3A_225 : i32 to index
    %swap3A_227 = arith.constant 64 : index
    %swap3A_228 = tpu.vector_load %arg9[%swap3A_226, %swap3A_227] {strides = array<i32>} : memref<8x128xf32, #tpu.memory_space<vmem>>, vector<1x16xf32>,
    %swap3A_229 = vector.shape_cast %swap3A_228 : vector<1x16xf32> to vector<16xf32>
    %swap3A_230 = vector.shape_cast %broadcast_in_dim3A_224 : vector<16xf32> to vector<1x16xf32>
    tpu.vector_store %arg9[%swap3A_226, %swap3A_227], %swap3A_230 {strides = array<i32>} : memref<8x128xf32, #tpu.memory_space<vmem>>, vector<1x16xf32>,
    %broadcast_in_dim3A_231 = arith.constant 0.000000e+00 : f32
    %broadcast_in_dim3A_232 = vector.broadcast %broadcast_in_dim3A_231 : f32 to vector<16xf32>
    %swap3A_233 = arith.constant 3 : i32
    %swap3A_234 = arith.index_cast %swap3A_233 : i32 to index
    %swap3A_235 = arith.constant 80 : index
    %swap3A_236 = tpu.vector_load %arg9[%swap3A_234, %swap3A_235] {strides = array<i32>} : memref<8x128xf32, #tpu.memory_space<vmem>>, vector<1x16xf32>,
    %swap3A_237 = vector.shape_cast %swap3A_236 : vector<1x16xf32> to vector<16xf32>
    %swap3A_238 = vector.shape_cast %broadcast_in_dim3A_232 : vector<16xf32> to vector<1x16xf32>
    tpu.vector_store %arg9[%swap3A_234, %swap3A_235], %swap3A_238 {strides = array<i32>} : memref<8x128xf32, #tpu.memory_space<vmem>>, vector<1x16xf32>,
    %broadcast_in_dim3A_239 = arith.constant 0.000000e+00 : f32
    %broadcast_in_dim3A_240 = vector.broadcast %broadcast_in_dim3A_239 : f32 to vector<16xf32>
    %swap3A_241 = arith.constant 3 : i32
    %swap3A_242 = arith.index_cast %swap3A_241 : i32 to index
    %swap3A_243 = arith.constant 96 : index
    %swap3A_244 = tpu.vector_load %arg9[%swap3A_242, %swap3A_243] {strides = array<i32>} : memref<8x128xf32, #tpu.memory_space<vmem>>, vector<1x16xf32>,
    %swap3A_245 = vector.shape_cast %swap3A_244 : vector<1x16xf32> to vector<16xf32>
    %swap3A_246 = vector.shape_cast %broadcast_in_dim3A_240 : vector<16xf32> to vector<1x16xf32>
    tpu.vector_store %arg9[%swap3A_242, %swap3A_243], %swap3A_246 {strides = array<i32>} : memref<8x128xf32, #tpu.memory_space<vmem>>, vector<1x16xf32>,
    %broadcast_in_dim3A_247 = arith.constant 0.000000e+00 : f32
    %broadcast_in_dim3A_248 = vector.broadcast %broadcast_in_dim3A_247 : f32 to vector<16xf32>
    %swap3A_249 = arith.constant 3 : i32
    %swap3A_250 = arith.index_cast %swap3A_249 : i32 to index
    %swap3A_251 = arith.constant 112 : index
    %swap3A_252 = tpu.vector_load %arg9[%swap3A_250, %swap3A_251] {strides = array<i32>} : memref<8x128xf32, #tpu.memory_space<vmem>>, vector<1x16xf32>,
    %swap3A_253 = vector.shape_cast %swap3A_252 : vector<1x16xf32> to vector<16xf32>
    %swap3A_254 = vector.shape_cast %broadcast_in_dim3A_248 : vector<16xf32> to vector<1x16xf32>
    tpu.vector_store %arg9[%swap3A_250, %swap3A_251], %swap3A_254 {strides = array<i32>} : memref<8x128xf32, #tpu.memory_space<vmem>>, vector<1x16xf32>,
    %broadcast_in_dim3A_255 = arith.constant 0.000000e+00 : f32
    %broadcast_in_dim3A_256 = vector.broadcast %broadcast_in_dim3A_255 : f32 to vector<16xf32>
    %swap3A_257 = arith.constant 4 : i32
    %swap3A_258 = arith.index_cast %swap3A_257 : i32 to index
    %swap3A_259 = arith.constant 0 : index
    %swap3A_260 = tpu.vector_load %arg9[%swap3A_258, %swap3A_259] {strides = array<i32>} : memref<8x128xf32, #tpu.memory_space<vmem>>, vector<1x16xf32>,
    %swap3A_261 = vector.shape_cast %swap3A_260 : vector<1x16xf32> to vector<16xf32>
    %swap3A_262 = vector.shape_cast %broadcast_in_dim3A_256 : vector<16xf32> to vector<1x16xf32>
    tpu.vector_store %arg9[%swap3A_258, %swap3A_259], %swap3A_262 {strides = array<i32>} : memref<8x128xf32, #tpu.memory_space<vmem>>, vector<1x16xf32>,
    %broadcast_in_dim3A_263 = arith.constant 0.000000e+00 : f32
    %broadcast_in_dim3A_264 = vector.broadcast %broadcast_in_dim3A_263 : f32 to vector<16xf32>
    %swap3A_265 = arith.constant 4 : i32
    %swap3A_266 = arith.index_cast %swap3A_265 : i32 to index
    %swap3A_267 = arith.constant 16 : index
    %swap3A_268 = tpu.vector_load %arg9[%swap3A_266, %swap3A_267] {strides = array<i32>} : memref<8x128xf32, #tpu.memory_space<vmem>>, vector<1x16xf32>,
    %swap3A_269 = vector.shape_cast %swap3A_268 : vector<1x16xf32> to vector<16xf32>
    %swap3A_270 = vector.shape_cast %broadcast_in_dim3A_264 : vector<16xf32> to vector<1x16xf32>
    tpu.vector_store %arg9[%swap3A_266, %swap3A_267], %swap3A_270 {strides = array<i32>} : memref<8x128xf32, #tpu.memory_space<vmem>>, vector<1x16xf32>,
    %broadcast_in_dim3A_271 = arith.constant 0.000000e+00 : f32
    %broadcast_in_dim3A_272 = vector.broadcast %broadcast_in_dim3A_271 : f32 to vector<16xf32>
    %swap3A_273 = arith.constant 4 : i32
    %swap3A_274 = arith.index_cast %swap3A_273 : i32 to index
    %swap3A_275 = arith.constant 32 : index
    %swap3A_276 = tpu.vector_load %arg9[%swap3A_274, %swap3A_275] {strides = array<i32>} : memref<8x128xf32, #tpu.memory_space<vmem>>, vector<1x16xf32>,
    %swap3A_277 = vector.shape_cast %swap3A_276 : vector<1x16xf32> to vector<16xf32>
    %swap3A_278 = vector.shape_cast %broadcast_in_dim3A_272 : vector<16xf32> to vector<1x16xf32>
    tpu.vector_store %arg9[%swap3A_274, %swap3A_275], %swap3A_278 {strides = array<i32>} : memref<8x128xf32, #tpu.memory_space<vmem>>, vector<1x16xf32>,
    %broadcast_in_dim3A_279 = arith.constant 0.000000e+00 : f32
    %broadcast_in_dim3A_280 = vector.broadcast %broadcast_in_dim3A_279 : f32 to vector<16xf32>
    %swap3A_281 = arith.constant 4 : i32
    %swap3A_282 = arith.index_cast %swap3A_281 : i32 to index
    %swap3A_283 = arith.constant 48 : index
    %swap3A_284 = tpu.vector_load %arg9[%swap3A_282, %swap3A_283] {strides = array<i32>} : memref<8x128xf32, #tpu.memory_space<vmem>>, vector<1x16xf32>,
    %swap3A_285 = vector.shape_cast %swap3A_284 : vector<1x16xf32> to vector<16xf32>
    %swap3A_286 = vector.shape_cast %broadcast_in_dim3A_280 : vector<16xf32> to vector<1x16xf32>
    tpu.vector_store %arg9[%swap3A_282, %swap3A_283], %swap3A_286 {strides = array<i32>} : memref<8x128xf32, #tpu.memory_space<vmem>>, vector<1x16xf32>,
    %broadcast_in_dim3A_287 = arith.constant 0.000000e+00 : f32
    %broadcast_in_dim3A_288 = vector.broadcast %broadcast_in_dim3A_287 : f32 to vector<16xf32>
    %swap3A_289 = arith.constant 4 : i32
    %swap3A_290 = arith.index_cast %swap3A_289 : i32 to index
    %swap3A_291 = arith.constant 64 : index
    %swap3A_292 = tpu.vector_load %arg9[%swap3A_290, %swap3A_291] {strides = array<i32>} : memref<8x128xf32, #tpu.memory_space<vmem>>, vector<1x16xf32>,
    %swap3A_293 = vector.shape_cast %swap3A_292 : vector<1x16xf32> to vector<16xf32>
    %swap3A_294 = vector.shape_cast %broadcast_in_dim3A_288 : vector<16xf32> to vector<1x16xf32>
    tpu.vector_store %arg9[%swap3A_290, %swap3A_291], %swap3A_294 {strides = array<i32>} : memref<8x128xf32, #tpu.memory_space<vmem>>, vector<1x16xf32>,
    %broadcast_in_dim3A_295 = arith.constant 0.000000e+00 : f32
    %broadcast_in_dim3A_296 = vector.broadcast %broadcast_in_dim3A_295 : f32 to vector<16xf32>
    %swap3A_297 = arith.constant 4 : i32
    %swap3A_298 = arith.index_cast %swap3A_297 : i32 to index
    %swap3A_299 = arith.constant 80 : index
    %swap3A_300 = tpu.vector_load %arg9[%swap3A_298, %swap3A_299] {strides = array<i32>} : memref<8x128xf32, #tpu.memory_space<vmem>>, vector<1x16xf32>,
    %swap3A_301 = vector.shape_cast %swap3A_300 : vector<1x16xf32> to vector<16xf32>
    %swap3A_302 = vector.shape_cast %broadcast_in_dim3A_296 : vector<16xf32> to vector<1x16xf32>
    tpu.vector_store %arg9[%swap3A_298, %swap3A_299], %swap3A_302 {strides = array<i32>} : memref<8x128xf32, #tpu.memory_space<vmem>>, vector<1x16xf32>,
    %broadcast_in_dim3A_303 = arith.constant 0.000000e+00 : f32
    %broadcast_in_dim3A_304 = vector.broadcast %broadcast_in_dim3A_303 : f32 to vector<16xf32>
    %swap3A_305 = arith.constant 4 : i32
    %swap3A_306 = arith.index_cast %swap3A_305 : i32 to index
    %swap3A_307 = arith.constant 96 : index
    %swap3A_308 = tpu.vector_load %arg9[%swap3A_306, %swap3A_307] {strides = array<i32>} : memref<8x128xf32, #tpu.memory_space<vmem>>, vector<1x16xf32>,
    %swap3A_309 = vector.shape_cast %swap3A_308 : vector<1x16xf32> to vector<16xf32>
    %swap3A_310 = vector.shape_cast %broadcast_in_dim3A_304 : vector<16xf32> to vector<1x16xf32>
    tpu.vector_store %arg9[%swap3A_306, %swap3A_307], %swap3A_310 {strides = array<i32>} : memref<8x128xf32, #tpu.memory_space<vmem>>, vector<1x16xf32>,
    %broadcast_in_dim3A_311 = arith.constant 0.000000e+00 : f32
    %broadcast_in_dim3A_312 = vector.broadcast %broadcast_in_dim3A_311 : f32 to vector<16xf32>
    %swap3A_313 = arith.constant 4 : i32
    %swap3A_314 = arith.index_cast %swap3A_313 : i32 to index
    %swap3A_315 = arith.constant 112 : index
    %swap3A_316 = tpu.vector_load %arg9[%swap3A_314, %swap3A_315] {strides = array<i32>} : memref<8x128xf32, #tpu.memory_space<vmem>>, vector<1x16xf32>,
    %swap3A_317 = vector.shape_cast %swap3A_316 : vector<1x16xf32> to vector<16xf32>
    %swap3A_318 = vector.shape_cast %broadcast_in_dim3A_312 : vector<16xf32> to vector<1x16xf32>
    tpu.vector_store %arg9[%swap3A_314, %swap3A_315], %swap3A_318 {strides = array<i32>} : memref<8x128xf32, #tpu.memory_space<vmem>>, vector<1x16xf32>,
    %broadcast_in_dim3A_319 = arith.constant 0.000000e+00 : f32
    %broadcast_in_dim3A_320 = vector.broadcast %broadcast_in_dim3A_319 : f32 to vector<16xf32>
    %swap3A_321 = arith.constant 5 : i32
    %swap3A_322 = arith.index_cast %swap3A_321 : i32 to index
    %swap3A_323 = arith.constant 0 : index
    %swap3A_324 = tpu.vector_load %arg9[%swap3A_322, %swap3A_323] {strides = array<i32>} : memref<8x128xf32, #tpu.memory_space<vmem>>, vector<1x16xf32>,
    %swap3A_325 = vector.shape_cast %swap3A_324 : vector<1x16xf32> to vector<16xf32>
    %swap3A_326 = vector.shape_cast %broadcast_in_dim3A_320 : vector<16xf32> to vector<1x16xf32>
    tpu.vector_store %arg9[%swap3A_322, %swap3A_323], %swap3A_326 {strides = array<i32>} : memref<8x128xf32, #tpu.memory_space<vmem>>, vector<1x16xf32>,
    %broadcast_in_dim3A_327 = arith.constant 0.000000e+00 : f32
    %broadcast_in_dim3A_328 = vector.broadcast %broadcast_in_dim3A_327 : f32 to vector<16xf32>
    %swap3A_329 = arith.constant 5 : i32
    %swap3A_330 = arith.index_cast %swap3A_329 : i32 to index
    %swap3A_331 = arith.constant 16 : index
    %swap3A_332 = tpu.vector_load %arg9[%swap3A_330, %swap3A_331] {strides = array<i32>} : memref<8x128xf32, #tpu.memory_space<vmem>>, vector<1x16xf32>,
    %swap3A_333 = vector.shape_cast %swap3A_332 : vector<1x16xf32> to vector<16xf32>
    %swap3A_334 = vector.shape_cast %broadcast_in_dim3A_328 : vector<16xf32> to vector<1x16xf32>
    tpu.vector_store %arg9[%swap3A_330, %swap3A_331], %swap3A_334 {strides = array<i32>} : memref<8x128xf32, #tpu.memory_space<vmem>>, vector<1x16xf32>,
    %broadcast_in_dim3A_335 = arith.constant 0.000000e+00 : f32
    %broadcast_in_dim3A_336 = vector.broadcast %broadcast_in_dim3A_335 : f32 to vector<16xf32>
    %swap3A_337 = arith.constant 5 : i32
    %swap3A_338 = arith.index_cast %swap3A_337 : i32 to index
    %swap3A_339 = arith.constant 32 : index
    %swap3A_340 = tpu.vector_load %arg9[%swap3A_338, %swap3A_339] {strides = array<i32>} : memref<8x128xf32, #tpu.memory_space<vmem>>, vector<1x16xf32>,
    %swap3A_341 = vector.shape_cast %swap3A_340 : vector<1x16xf32> to vector<16xf32>
    %swap3A_342 = vector.shape_cast %broadcast_in_dim3A_336 : vector<16xf32> to vector<1x16xf32>
    tpu.vector_store %arg9[%swap3A_338, %swap3A_339], %swap3A_342 {strides = array<i32>} : memref<8x128xf32, #tpu.memory_space<vmem>>, vector<1x16xf32>,
    %broadcast_in_dim3A_343 = arith.constant 0.000000e+00 : f32
    %broadcast_in_dim3A_344 = vector.broadcast %broadcast_in_dim3A_343 : f32 to vector<16xf32>
    %swap3A_345 = arith.constant 5 : i32
    %swap3A_346 = arith.index_cast %swap3A_345 : i32 to index
    %swap3A_347 = arith.constant 48 : index
    %swap3A_348 = tpu.vector_load %arg9[%swap3A_346, %swap3A_347] {strides = array<i32>} : memref<8x128xf32, #tpu.memory_space<vmem>>, vector<1x16xf32>,
    %swap3A_349 = vector.shape_cast %swap3A_348 : vector<1x16xf32> to vector<16xf32>
    %swap3A_350 = vector.shape_cast %broadcast_in_dim3A_344 : vector<16xf32> to vector<1x16xf32>
    tpu.vector_store %arg9[%swap3A_346, %swap3A_347], %swap3A_350 {strides = array<i32>} : memref<8x128xf32, #tpu.memory_space<vmem>>, vector<1x16xf32>,
    %broadcast_in_dim3A_351 = arith.constant 0.000000e+00 : f32
    %broadcast_in_dim3A_352 = vector.broadcast %broadcast_in_dim3A_351 : f32 to vector<16xf32>
    %swap3A_353 = arith.constant 5 : i32
    %swap3A_354 = arith.index_cast %swap3A_353 : i32 to index
    %swap3A_355 = arith.constant 64 : index
    %swap3A_356 = tpu.vector_load %arg9[%swap3A_354, %swap3A_355] {strides = array<i32>} : memref<8x128xf32, #tpu.memory_space<vmem>>, vector<1x16xf32>,
    %swap3A_357 = vector.shape_cast %swap3A_356 : vector<1x16xf32> to vector<16xf32>
    %swap3A_358 = vector.shape_cast %broadcast_in_dim3A_352 : vector<16xf32> to vector<1x16xf32>
    tpu.vector_store %arg9[%swap3A_354, %swap3A_355], %swap3A_358 {strides = array<i32>} : memref<8x128xf32, #tpu.memory_space<vmem>>, vector<1x16xf32>,
    %broadcast_in_dim3A_359 = arith.constant 0.000000e+00 : f32
    %broadcast_in_dim3A_360 = vector.broadcast %broadcast_in_dim3A_359 : f32 to vector<16xf32>
    %swap3A_361 = arith.constant 5 : i32
    %swap3A_362 = arith.index_cast %swap3A_361 : i32 to index
    %swap3A_363 = arith.constant 80 : index
    %swap3A_364 = tpu.vector_load %arg9[%swap3A_362, %swap3A_363] {strides = array<i32>} : memref<8x128xf32, #tpu.memory_space<vmem>>, vector<1x16xf32>,
    %swap3A_365 = vector.shape_cast %swap3A_364 : vector<1x16xf32> to vector<16xf32>
    %swap3A_366 = vector.shape_cast %broadcast_in_dim3A_360 : vector<16xf32> to vector<1x16xf32>
    tpu.vector_store %arg9[%swap3A_362, %swap3A_363], %swap3A_366 {strides = array<i32>} : memref<8x128xf32, #tpu.memory_space<vmem>>, vector<1x16xf32>,
    %broadcast_in_dim3A_367 = arith.constant 0.000000e+00 : f32
    %broadcast_in_dim3A_368 = vector.broadcast %broadcast_in_dim3A_367 : f32 to vector<16xf32>
    %swap3A_369 = arith.constant 5 : i32
    %swap3A_370 = arith.index_cast %swap3A_369 : i32 to index
    %swap3A_371 = arith.constant 96 : index
    %swap3A_372 = tpu.vector_load %arg9[%swap3A_370, %swap3A_371] {strides = array<i32>} : memref<8x128xf32, #tpu.memory_space<vmem>>, vector<1x16xf32>,
    %swap3A_373 = vector.shape_cast %swap3A_372 : vector<1x16xf32> to vector<16xf32>
    %swap3A_374 = vector.shape_cast %broadcast_in_dim3A_368 : vector<16xf32> to vector<1x16xf32>
    tpu.vector_store %arg9[%swap3A_370, %swap3A_371], %swap3A_374 {strides = array<i32>} : memref<8x128xf32, #tpu.memory_space<vmem>>, vector<1x16xf32>,
    %broadcast_in_dim3A_375 = arith.constant 0.000000e+00 : f32
    %broadcast_in_dim3A_376 = vector.broadcast %broadcast_in_dim3A_375 : f32 to vector<16xf32>
    %swap3A_377 = arith.constant 5 : i32
    %swap3A_378 = arith.index_cast %swap3A_377 : i32 to index
    %swap3A_379 = arith.constant 112 : index
    %swap3A_380 = tpu.vector_load %arg9[%swap3A_378, %swap3A_379] {strides = array<i32>} : memref<8x128xf32, #tpu.memory_space<vmem>>, vector<1x16xf32>,
    %swap3A_381 = vector.shape_cast %swap3A_380 : vector<1x16xf32> to vector<16xf32>
    %swap3A_382 = vector.shape_cast %broadcast_in_dim3A_376 : vector<16xf32> to vector<1x16xf32>
    tpu.vector_store %arg9[%swap3A_378, %swap3A_379], %swap3A_382 {strides = array<i32>} : memref<8x128xf32, #tpu.memory_space<vmem>>, vector<1x16xf32>,
    %broadcast_in_dim3A_383 = arith.constant 0.000000e+00 : f32
    %broadcast_in_dim3A_384 = vector.broadcast %broadcast_in_dim3A_383 : f32 to vector<16xf32>
    %swap3A_385 = arith.constant 6 : i32
    %swap3A_386 = arith.index_cast %swap3A_385 : i32 to index
    %swap3A_387 = arith.constant 0 : index
    %swap3A_388 = tpu.vector_load %arg9[%swap3A_386, %swap3A_387] {strides = array<i32>} : memref<8x128xf32, #tpu.memory_space<vmem>>, vector<1x16xf32>,
    %swap3A_389 = vector.shape_cast %swap3A_388 : vector<1x16xf32> to vector<16xf32>
    %swap3A_390 = vector.shape_cast %broadcast_in_dim3A_384 : vector<16xf32> to vector<1x16xf32>
    tpu.vector_store %arg9[%swap3A_386, %swap3A_387], %swap3A_390 {strides = array<i32>} : memref<8x128xf32, #tpu.memory_space<vmem>>, vector<1x16xf32>,
    %broadcast_in_dim3A_391 = arith.constant 0.000000e+00 : f32
    %broadcast_in_dim3A_392 = vector.broadcast %broadcast_in_dim3A_391 : f32 to vector<16xf32>
    %swap3A_393 = arith.constant 6 : i32
    %swap3A_394 = arith.index_cast %swap3A_393 : i32 to index
    %swap3A_395 = arith.constant 16 : index
    %swap3A_396 = tpu.vector_load %arg9[%swap3A_394, %swap3A_395] {strides = array<i32>} : memref<8x128xf32, #tpu.memory_space<vmem>>, vector<1x16xf32>,
    %swap3A_397 = vector.shape_cast %swap3A_396 : vector<1x16xf32> to vector<16xf32>
    %swap3A_398 = vector.shape_cast %broadcast_in_dim3A_392 : vector<16xf32> to vector<1x16xf32>
    tpu.vector_store %arg9[%swap3A_394, %swap3A_395], %swap3A_398 {strides = array<i32>} : memref<8x128xf32, #tpu.memory_space<vmem>>, vector<1x16xf32>,
    %broadcast_in_dim3A_399 = arith.constant 0.000000e+00 : f32
    %broadcast_in_dim3A_400 = vector.broadcast %broadcast_in_dim3A_399 : f32 to vector<16xf32>
    %swap3A_401 = arith.constant 6 : i32
    %swap3A_402 = arith.index_cast %swap3A_401 : i32 to index
    %swap3A_403 = arith.constant 32 : index
    %swap3A_404 = tpu.vector_load %arg9[%swap3A_402, %swap3A_403] {strides = array<i32>} : memref<8x128xf32, #tpu.memory_space<vmem>>, vector<1x16xf32>,
    %swap3A_405 = vector.shape_cast %swap3A_404 : vector<1x16xf32> to vector<16xf32>
    %swap3A_406 = vector.shape_cast %broadcast_in_dim3A_400 : vector<16xf32> to vector<1x16xf32>
    tpu.vector_store %arg9[%swap3A_402, %swap3A_403], %swap3A_406 {strides = array<i32>} : memref<8x128xf32, #tpu.memory_space<vmem>>, vector<1x16xf32>,
    %broadcast_in_dim3A_407 = arith.constant 0.000000e+00 : f32
    %broadcast_in_dim3A_408 = vector.broadcast %broadcast_in_dim3A_407 : f32 to vector<16xf32>
    %swap3A_409 = arith.constant 6 : i32
    %swap3A_410 = arith.index_cast %swap3A_409 : i32 to index
    %swap3A_411 = arith.constant 48 : index
    %swap3A_412 = tpu.vector_load %arg9[%swap3A_410, %swap3A_411] {strides = array<i32>} : memref<8x128xf32, #tpu.memory_space<vmem>>, vector<1x16xf32>,
    %swap3A_413 = vector.shape_cast %swap3A_412 : vector<1x16xf32> to vector<16xf32>
    %swap3A_414 = vector.shape_cast %broadcast_in_dim3A_408 : vector<16xf32> to vector<1x16xf32>
    tpu.vector_store %arg9[%swap3A_410, %swap3A_411], %swap3A_414 {strides = array<i32>} : memref<8x128xf32, #tpu.memory_space<vmem>>, vector<1x16xf32>,
    %broadcast_in_dim3A_415 = arith.constant 0.000000e+00 : f32
    %broadcast_in_dim3A_416 = vector.broadcast %broadcast_in_dim3A_415 : f32 to vector<16xf32>
    %swap3A_417 = arith.constant 6 : i32
    %swap3A_418 = arith.index_cast %swap3A_417 : i32 to index
    %swap3A_419 = arith.constant 64 : index
    %swap3A_420 = tpu.vector_load %arg9[%swap3A_418, %swap3A_419] {strides = array<i32>} : memref<8x128xf32, #tpu.memory_space<vmem>>, vector<1x16xf32>,
    %swap3A_421 = vector.shape_cast %swap3A_420 : vector<1x16xf32> to vector<16xf32>
    %swap3A_422 = vector.shape_cast %broadcast_in_dim3A_416 : vector<16xf32> to vector<1x16xf32>
    tpu.vector_store %arg9[%swap3A_418, %swap3A_419], %swap3A_422 {strides = array<i32>} : memref<8x128xf32, #tpu.memory_space<vmem>>, vector<1x16xf32>,
    %broadcast_in_dim3A_423 = arith.constant 0.000000e+00 : f32
    %broadcast_in_dim3A_424 = vector.broadcast %broadcast_in_dim3A_423 : f32 to vector<16xf32>
    %swap3A_425 = arith.constant 6 : i32
    %swap3A_426 = arith.index_cast %swap3A_425 : i32 to index
    %swap3A_427 = arith.constant 80 : index
    %swap3A_428 = tpu.vector_load %arg9[%swap3A_426, %swap3A_427] {strides = array<i32>} : memref<8x128xf32, #tpu.memory_space<vmem>>, vector<1x16xf32>,
    %swap3A_429 = vector.shape_cast %swap3A_428 : vector<1x16xf32> to vector<16xf32>
    %swap3A_430 = vector.shape_cast %broadcast_in_dim3A_424 : vector<16xf32> to vector<1x16xf32>
    tpu.vector_store %arg9[%swap3A_426, %swap3A_427], %swap3A_430 {strides = array<i32>} : memref<8x128xf32, #tpu.memory_space<vmem>>, vector<1x16xf32>,
    %broadcast_in_dim3A_431 = arith.constant 0.000000e+00 : f32
    %broadcast_in_dim3A_432 = vector.broadcast %broadcast_in_dim3A_431 : f32 to vector<16xf32>
    %swap3A_433 = arith.constant 6 : i32
    %swap3A_434 = arith.index_cast %swap3A_433 : i32 to index
    %swap3A_435 = arith.constant 96 : index
    %swap3A_436 = tpu.vector_load %arg9[%swap3A_434, %swap3A_435] {strides = array<i32>} : memref<8x128xf32, #tpu.memory_space<vmem>>, vector<1x16xf32>,
    %swap3A_437 = vector.shape_cast %swap3A_436 : vector<1x16xf32> to vector<16xf32>
    %swap3A_438 = vector.shape_cast %broadcast_in_dim3A_432 : vector<16xf32> to vector<1x16xf32>
    tpu.vector_store %arg9[%swap3A_434, %swap3A_435], %swap3A_438 {strides = array<i32>} : memref<8x128xf32, #tpu.memory_space<vmem>>, vector<1x16xf32>,
    %broadcast_in_dim3A_439 = arith.constant 0.000000e+00 : f32
    %broadcast_in_dim3A_440 = vector.broadcast %broadcast_in_dim3A_439 : f32 to vector<16xf32>
    %swap3A_441 = arith.constant 6 : i32
    %swap3A_442 = arith.index_cast %swap3A_441 : i32 to index
    %swap3A_443 = arith.constant 112 : index
    %swap3A_444 = tpu.vector_load %arg9[%swap3A_442, %swap3A_443] {strides = array<i32>} : memref<8x128xf32, #tpu.memory_space<vmem>>, vector<1x16xf32>,
    %swap3A_445 = vector.shape_cast %swap3A_444 : vector<1x16xf32> to vector<16xf32>
    %swap3A_446 = vector.shape_cast %broadcast_in_dim3A_440 : vector<16xf32> to vector<1x16xf32>
    tpu.vector_store %arg9[%swap3A_442, %swap3A_443], %swap3A_446 {strides = array<i32>} : memref<8x128xf32, #tpu.memory_space<vmem>>, vector<1x16xf32>,
    %broadcast_in_dim3A_447 = arith.constant 0.000000e+00 : f32
    %broadcast_in_dim3A_448 = vector.broadcast %broadcast_in_dim3A_447 : f32 to vector<16xf32>
    %swap3A_449 = arith.constant 7 : i32
    %swap3A_450 = arith.index_cast %swap3A_449 : i32 to index
    %swap3A_451 = arith.constant 0 : index
    %swap3A_452 = tpu.vector_load %arg9[%swap3A_450, %swap3A_451] {strides = array<i32>} : memref<8x128xf32, #tpu.memory_space<vmem>>, vector<1x16xf32>,
    %swap3A_453 = vector.shape_cast %swap3A_452 : vector<1x16xf32> to vector<16xf32>
    %swap3A_454 = vector.shape_cast %broadcast_in_dim3A_448 : vector<16xf32> to vector<1x16xf32>
    tpu.vector_store %arg9[%swap3A_450, %swap3A_451], %swap3A_454 {strides = array<i32>} : memref<8x128xf32, #tpu.memory_space<vmem>>, vector<1x16xf32>,
    %broadcast_in_dim3A_455 = arith.constant 0.000000e+00 : f32
    %broadcast_in_dim3A_456 = vector.broadcast %broadcast_in_dim3A_455 : f32 to vector<16xf32>
    %swap3A_457 = arith.constant 7 : i32
    %swap3A_458 = arith.index_cast %swap3A_457 : i32 to index
    %swap3A_459 = arith.constant 16 : index
    %swap3A_460 = tpu.vector_load %arg9[%swap3A_458, %swap3A_459] {strides = array<i32>} : memref<8x128xf32, #tpu.memory_space<vmem>>, vector<1x16xf32>,
    %swap3A_461 = vector.shape_cast %swap3A_460 : vector<1x16xf32> to vector<16xf32>
    %swap3A_462 = vector.shape_cast %broadcast_in_dim3A_456 : vector<16xf32> to vector<1x16xf32>
    tpu.vector_store %arg9[%swap3A_458, %swap3A_459], %swap3A_462 {strides = array<i32>} : memref<8x128xf32, #tpu.memory_space<vmem>>, vector<1x16xf32>,
    %broadcast_in_dim3A_463 = arith.constant 0.000000e+00 : f32
    %broadcast_in_dim3A_464 = vector.broadcast %broadcast_in_dim3A_463 : f32 to vector<16xf32>
    %swap3A_465 = arith.constant 7 : i32
    %swap3A_466 = arith.index_cast %swap3A_465 : i32 to index
    %swap3A_467 = arith.constant 32 : index
    %swap3A_468 = tpu.vector_load %arg9[%swap3A_466, %swap3A_467] {strides = array<i32>} : memref<8x128xf32, #tpu.memory_space<vmem>>, vector<1x16xf32>,
    %swap3A_469 = vector.shape_cast %swap3A_468 : vector<1x16xf32> to vector<16xf32>
    %swap3A_470 = vector.shape_cast %broadcast_in_dim3A_464 : vector<16xf32> to vector<1x16xf32>
    tpu.vector_store %arg9[%swap3A_466, %swap3A_467], %swap3A_470 {strides = array<i32>} : memref<8x128xf32, #tpu.memory_space<vmem>>, vector<1x16xf32>,
    %broadcast_in_dim3A_471 = arith.constant 0.000000e+00 : f32
    %broadcast_in_dim3A_472 = vector.broadcast %broadcast_in_dim3A_471 : f32 to vector<16xf32>
    %swap3A_473 = arith.constant 7 : i32
    %swap3A_474 = arith.index_cast %swap3A_473 : i32 to index
    %swap3A_475 = arith.constant 48 : index
    %swap3A_476 = tpu.vector_load %arg9[%swap3A_474, %swap3A_475] {strides = array<i32>} : memref<8x128xf32, #tpu.memory_space<vmem>>, vector<1x16xf32>,
    %swap3A_477 = vector.shape_cast %swap3A_476 : vector<1x16xf32> to vector<16xf32>
    %swap3A_478 = vector.shape_cast %broadcast_in_dim3A_472 : vector<16xf32> to vector<1x16xf32>
    tpu.vector_store %arg9[%swap3A_474, %swap3A_475], %swap3A_478 {strides = array<i32>} : memref<8x128xf32, #tpu.memory_space<vmem>>, vector<1x16xf32>,
    %broadcast_in_dim3A_479 = arith.constant 0.000000e+00 : f32
    %broadcast_in_dim3A_480 = vector.broadcast %broadcast_in_dim3A_479 : f32 to vector<16xf32>
    %swap3A_481 = arith.constant 7 : i32
    %swap3A_482 = arith.index_cast %swap3A_481 : i32 to index
    %swap3A_483 = arith.constant 64 : index
    %swap3A_484 = tpu.vector_load %arg9[%swap3A_482, %swap3A_483] {strides = array<i32>} : memref<8x128xf32, #tpu.memory_space<vmem>>, vector<1x16xf32>,
    %swap3A_485 = vector.shape_cast %swap3A_484 : vector<1x16xf32> to vector<16xf32>
    %swap3A_486 = vector.shape_cast %broadcast_in_dim3A_480 : vector<16xf32> to vector<1x16xf32>
    tpu.vector_store %arg9[%swap3A_482, %swap3A_483], %swap3A_486 {strides = array<i32>} : memref<8x128xf32, #tpu.memory_space<vmem>>, vector<1x16xf32>,
    %broadcast_in_dim3A_487 = arith.constant 0.000000e+00 : f32
    %broadcast_in_dim3A_488 = vector.broadcast %broadcast_in_dim3A_487 : f32 to vector<16xf32>
    %swap3A_489 = arith.constant 7 : i32
    %swap3A_490 = arith.index_cast %swap3A_489 : i32 to index
    %swap3A_491 = arith.constant 80 : index
    %swap3A_492 = tpu.vector_load %arg9[%swap3A_490, %swap3A_491] {strides = array<i32>} : memref<8x128xf32, #tpu.memory_space<vmem>>, vector<1x16xf32>,
    %swap3A_493 = vector.shape_cast %swap3A_492 : vector<1x16xf32> to vector<16xf32>
    %swap3A_494 = vector.shape_cast %broadcast_in_dim3A_488 : vector<16xf32> to vector<1x16xf32>
    tpu.vector_store %arg9[%swap3A_490, %swap3A_491], %swap3A_494 {strides = array<i32>} : memref<8x128xf32, #tpu.memory_space<vmem>>, vector<1x16xf32>,
    %broadcast_in_dim3A_495 = arith.constant 0.000000e+00 : f32
    %broadcast_in_dim3A_496 = vector.broadcast %broadcast_in_dim3A_495 : f32 to vector<16xf32>
    %swap3A_497 = arith.constant 7 : i32
    %swap3A_498 = arith.index_cast %swap3A_497 : i32 to index
    %swap3A_499 = arith.constant 96 : index
    %swap3A_500 = tpu.vector_load %arg9[%swap3A_498, %swap3A_499] {strides = array<i32>} : memref<8x128xf32, #tpu.memory_space<vmem>>, vector<1x16xf32>,
    %swap3A_501 = vector.shape_cast %swap3A_500 : vector<1x16xf32> to vector<16xf32>
    %swap3A_502 = vector.shape_cast %broadcast_in_dim3A_496 : vector<16xf32> to vector<1x16xf32>
    tpu.vector_store %arg9[%swap3A_498, %swap3A_499], %swap3A_502 {strides = array<i32>} : memref<8x128xf32, #tpu.memory_space<vmem>>, vector<1x16xf32>,
    %broadcast_in_dim3A_503 = arith.constant 0.000000e+00 : f32
    %broadcast_in_dim3A_504 = vector.broadcast %broadcast_in_dim3A_503 : f32 to vector<16xf32>
    %swap3A_505 = arith.constant 7 : i32
    %swap3A_506 = arith.index_cast %swap3A_505 : i32 to index
    %swap3A_507 = arith.constant 112 : index
    %swap3A_508 = tpu.vector_load %arg9[%swap3A_506, %swap3A_507] {strides = array<i32>} : memref<8x128xf32, #tpu.memory_space<vmem>>, vector<1x16xf32>,
    %swap3A_509 = vector.shape_cast %swap3A_508 : vector<1x16xf32> to vector<16xf32>
    %swap3A_510 = vector.shape_cast %broadcast_in_dim3A_504 : vector<16xf32> to vector<1x16xf32>
    tpu.vector_store %arg9[%swap3A_506, %swap3A_507], %swap3A_510 {strides = array<i32>} : memref<8x128xf32, #tpu.memory_space<vmem>>, vector<1x16xf32>,
    %mul3A_511 = arith.constant 624 : i32
    %mul3A_512 = arith.muli %arg1, %mul3A_511 : i32
    %eq3A = arith.constant 15 : i32
    %eq3A_513 = arith.cmpi eq, %arg1, %eq3A : i32
    %jit3A = arith.constant 80 : i32
    %jit3A_514 = arith.constant 78 : i32
    %select_n3A = arith.select %eq3A_513, %jit3A, %jit3A_514 : i32
    %while3A = arith.constant 0 : i32
    %while3A_515 = arith.constant 0 : i32
    %while3A_516 = arith.subi %select_n3A, %while3A : i32
    %while3A_517 = arith.addi %while3A, %while3A_516 : i32
    %while3A_518 = arith.constant 1 : i32
    %while3A_519 = arith.divsi %while3A_516, %while3A_518 : i32
    %while3A_520 = arith.muli %while3A_519, %while3A_518 : i32
    %while3A_521 = arith.addi %while3A, %while3A_520 : i32
    %while3A_522 = arith.constant 1 : i32
    %while3A_523 = scf.for %while3A_788 = %while3A to %while3A_521 step %while3A_522 iter_args(%while3A_789 = %while3A_515) -> (i32)  : i32 {
      %mul3A_790 = arith.constant 8 : i32
      %mul3A_791 = arith.muli %while3A_788, %mul3A_790 : i32
      %add3A_792 = arith.addi %mul3A_512, %mul3A_791 : i32
      "tpu.region"() ({
        %run_scoped3A_794 = tpu.sem_alloc : memref<!tpu.dma_semaphore, #tpu.memory_space<semaphore_mem>>
        %dma_start3A_795 = arith.constant 0 : i32
        %dma_start3A_796 = tpu.memref_slice %arg10[%add3A_792, %dma_start3A_795] : memref<10000x128xf32, #tpu.memory_space<vmem_shared>> -> memref<8x128xf32, #tpu.memory_space<vmem_shared>>
        %dma_start3A_797 = arith.constant 0 : i32
        %dma_start3A_798 = tpu.memref_slice %arg10[%add3A_792, %dma_start3A_797] : memref<10000x128xf32, #tpu.memory_space<vmem_shared>> -> memref<8x128xf32, #tpu.memory_space<vmem_shared>>
        tpu.enqueue_dma source(%arg9 : memref<8x128xf32, #tpu.memory_space<vmem>>) target(%dma_start3A_798 : memref<8x128xf32, #tpu.memory_space<vmem_shared>>) target_semaphore(%run_scoped3A_794 : memref<!tpu.dma_semaphore, #tpu.memory_space<semaphore_mem>>)
        %dma_wait3A_799 = arith.constant 0 : i32
        %dma_wait3A_800 = tpu.memref_slice %arg10[%add3A_792, %dma_wait3A_799] : memref<10000x128xf32, #tpu.memory_space<vmem_shared>> -> memref<8x128xf32, #tpu.memory_space<vmem_shared>>
        %dma_wait3A_801 = arith.constant 0 : i32
        %dma_wait3A_802 = tpu.memref_slice %arg10[%add3A_792, %dma_wait3A_801] : memref<10000x128xf32, #tpu.memory_space<vmem_shared>> -> memref<8x128xf32, #tpu.memory_space<vmem_shared>>
        tpu.wait_dma2 semaphore(%run_scoped3A_794 : memref<!tpu.dma_semaphore, #tpu.memory_space<semaphore_mem>>) src(%arg9 : memref<8x128xf32, #tpu.memory_space<vmem>>) dst(%dma_wait3A_802 : memref<8x128xf32, #tpu.memory_space<vmem_shared>>)
        tpu.yield
      }) : () -> ()
      %while3A_793 = arith.constant 0 : i32
      scf.yield %while3A_793 : i32
    }
    %while3A_524 = arith.constant 1 : i32
    %while3A_525 = scf.for %while3A_788 = %while3A_521 to %while3A_517 step %while3A_524 iter_args(%while3A_789 = %while3A_523) -> (i32)  : i32 {
      %mul3A_790 = arith.constant 8 : i32
      %mul3A_791 = arith.muli %while3A_788, %mul3A_790 : i32
      %add3A_792 = arith.addi %mul3A_512, %mul3A_791 : i32
      "tpu.region"() ({
        %run_scoped3A_794 = tpu.sem_alloc : memref<!tpu.dma_semaphore, #tpu.memory_space<semaphore_mem>>
        %dma_start3A_795 = arith.constant 0 : i32
        %dma_start3A_796 = tpu.memref_slice %arg10[%add3A_792, %dma_start3A_795] : memref<10000x128xf32, #tpu.memory_space<vmem_shared>> -> memref<8x128xf32, #tpu.memory_space<vmem_shared>>
        %dma_start3A_797 = arith.constant 0 : i32
        %dma_start3A_798 = tpu.memref_slice %arg10[%add3A_792, %dma_start3A_797] : memref<10000x128xf32, #tpu.memory_space<vmem_shared>> -> memref<8x128xf32, #tpu.memory_space<vmem_shared>>
        tpu.enqueue_dma source(%arg9 : memref<8x128xf32, #tpu.memory_space<vmem>>) target(%dma_start3A_798 : memref<8x128xf32, #tpu.memory_space<vmem_shared>>) target_semaphore(%run_scoped3A_794 : memref<!tpu.dma_semaphore, #tpu.memory_space<semaphore_mem>>)
        %dma_wait3A_799 = arith.constant 0 : i32
        %dma_wait3A_800 = tpu.memref_slice %arg10[%add3A_792, %dma_wait3A_799] : memref<10000x128xf32, #tpu.memory_space<vmem_shared>> -> memref<8x128xf32, #tpu.memory_space<vmem_shared>>
        %dma_wait3A_801 = arith.constant 0 : i32
        %dma_wait3A_802 = tpu.memref_slice %arg10[%add3A_792, %dma_wait3A_801] : memref<10000x128xf32, #tpu.memory_space<vmem_shared>> -> memref<8x128xf32, #tpu.memory_space<vmem_shared>>
        tpu.wait_dma2 semaphore(%run_scoped3A_794 : memref<!tpu.dma_semaphore, #tpu.memory_space<semaphore_mem>>) src(%arg9 : memref<8x128xf32, #tpu.memory_space<vmem>>) dst(%dma_wait3A_802 : memref<8x128xf32, #tpu.memory_space<vmem_shared>>)
        tpu.yield
      }) : () -> ()
      %while3A_793 = arith.constant 0 : i32
      scf.yield %while3A_793 : i32
    }
    %barrier3A = arith.constant 0 : index
    tpu.barrier barrier_id(%barrier3A)
    %dma_start3A = arith.constant 0 : i32
    %dma_start3A_526 = arith.constant 0 : i32
    %dma_start3A_527 = arith.constant 0 : i32
    %dma_start3A_528 = tpu.memref_slice %arg6[%dma_start3A_526, %dma_start3A_527] : memref<4x80xi32, #tpu.memory_space<vmem>> -> memref<1x80xi32, #tpu.memory_space<vmem>>
    %dma_start3A_529 = tpu.memref_squeeze %dma_start3A_528 : memref<1x80xi32, #tpu.memory_space<vmem>> -> memref<80xi32, #tpu.memory_space<vmem>>
    %dma_start3A_530 = arith.constant 0 : i32
    %dma_start3A_531 = tpu.memref_slice %arg3[%add3A, %dma_start3A, %dma_start3A_530] : memref<32x125x80xi32, #tpu.memory_space<hbm>> -> memref<1x1x80xi32, #tpu.memory_space<hbm>>
    %dma_start3A_532 = tpu.memref_squeeze %dma_start3A_531 : memref<1x1x80xi32, #tpu.memory_space<hbm>> -> memref<80xi32, #tpu.memory_space<hbm>>
    %dma_start3A_533 = arith.constant 0 : i32
    %dma_start3A_534 = tpu.memref_slice %arg6[%dma_start3A_526, %dma_start3A_533] : memref<4x80xi32, #tpu.memory_space<vmem>> -> memref<1x80xi32, #tpu.memory_space<vmem>>
    %dma_start3A_535 = tpu.memref_squeeze %dma_start3A_534 : memref<1x80xi32, #tpu.memory_space<vmem>> -> memref<80xi32, #tpu.memory_space<vmem>>
    %dma_start3A_536 = arith.constant 0 : i32
    %dma_start3A_537 = tpu.memref_slice %arg3[%add3A, %dma_start3A, %dma_start3A_536] : memref<32x125x80xi32, #tpu.memory_space<hbm>> -> memref<1x1x80xi32, #tpu.memory_space<hbm>>
    %dma_start3A_538 = tpu.memref_squeeze %dma_start3A_537 : memref<1x1x80xi32, #tpu.memory_space<hbm>> -> memref<80xi32, #tpu.memory_space<hbm>>
    tpu.enqueue_dma source(%dma_start3A_538 : memref<80xi32, #tpu.memory_space<hbm>>) target(%dma_start3A_535 : memref<80xi32, #tpu.memory_space<vmem>>) target_semaphore(%arg15 : memref<!tpu.dma_semaphore, #tpu.memory_space<semaphore_mem>>)
    %dma_start3A_539 = arith.constant 0 : i32
    %dma_start3A_540 = arith.constant 0 : i32
    %dma_start3A_541 = arith.constant 0 : i32
    %dma_start3A_542 = tpu.memref_slice %arg7[%dma_start3A_540, %dma_start3A_541] : memref<4x80xi32, #tpu.memory_space<vmem>> -> memref<1x80xi32, #tpu.memory_space<vmem>>
    %dma_start3A_543 = tpu.memref_squeeze %dma_start3A_542 : memref<1x80xi32, #tpu.memory_space<vmem>> -> memref<80xi32, #tpu.memory_space<vmem>>
    %dma_start3A_544 = arith.constant 0 : i32
    %dma_start3A_545 = tpu.memref_slice %arg4[%add3A, %dma_start3A_539, %dma_start3A_544] : memref<32x125x80xi32, #tpu.memory_space<hbm>> -> memref<1x1x80xi32, #tpu.memory_space<hbm>>
    %dma_start3A_546 = tpu.memref_squeeze %dma_start3A_545 : memref<1x1x80xi32, #tpu.memory_space<hbm>> -> memref<80xi32, #tpu.memory_space<hbm>>
    %dma_start3A_547 = arith.constant 0 : i32
    %dma_start3A_548 = tpu.memref_slice %arg7[%dma_start3A_540, %dma_start3A_547] : memref<4x80xi32, #tpu.memory_space<vmem>> -> memref<1x80xi32, #tpu.memory_space<vmem>>
    %dma_start3A_549 = tpu.memref_squeeze %dma_start3A_548 : memref<1x80xi32, #tpu.memory_space<vmem>> -> memref<80xi32, #tpu.memory_space<vmem>>
    %dma_start3A_550 = arith.constant 0 : i32
    %dma_start3A_551 = tpu.memref_slice %arg4[%add3A, %dma_start3A_539, %dma_start3A_550] : memref<32x125x80xi32, #tpu.memory_space<hbm>> -> memref<1x1x80xi32, #tpu.memory_space<hbm>>
    %dma_start3A_552 = tpu.memref_squeeze %dma_start3A_551 : memref<1x1x80xi32, #tpu.memory_space<hbm>> -> memref<80xi32, #tpu.memory_space<hbm>>
    tpu.enqueue_dma source(%dma_start3A_552 : memref<80xi32, #tpu.memory_space<hbm>>) target(%dma_start3A_549 : memref<80xi32, #tpu.memory_space<vmem>>) target_semaphore(%arg15 : memref<!tpu.dma_semaphore, #tpu.memory_space<semaphore_mem>>)
    %dma_start3A_553 = arith.constant 1 : i32
    %dma_start3A_554 = arith.constant 1 : i32
    %dma_start3A_555 = arith.constant 0 : i32
    %dma_start3A_556 = tpu.memref_slice %arg6[%dma_start3A_554, %dma_start3A_555] : memref<4x80xi32, #tpu.memory_space<vmem>> -> memref<1x80xi32, #tpu.memory_space<vmem>>
    %dma_start3A_557 = tpu.memref_squeeze %dma_start3A_556 : memref<1x80xi32, #tpu.memory_space<vmem>> -> memref<80xi32, #tpu.memory_space<vmem>>
    %dma_start3A_558 = arith.constant 0 : i32
    %dma_start3A_559 = tpu.memref_slice %arg3[%add3A, %dma_start3A_553, %dma_start3A_558] : memref<32x125x80xi32, #tpu.memory_space<hbm>> -> memref<1x1x80xi32, #tpu.memory_space<hbm>>
    %dma_start3A_560 = tpu.memref_squeeze %dma_start3A_559 : memref<1x1x80xi32, #tpu.memory_space<hbm>> -> memref<80xi32, #tpu.memory_space<hbm>>
    %dma_start3A_561 = arith.constant 0 : i32
    %dma_start3A_562 = tpu.memref_slice %arg6[%dma_start3A_554, %dma_start3A_561] : memref<4x80xi32, #tpu.memory_space<vmem>> -> memref<1x80xi32, #tpu.memory_space<vmem>>
    %dma_start3A_563 = tpu.memref_squeeze %dma_start3A_562 : memref<1x80xi32, #tpu.memory_space<vmem>> -> memref<80xi32, #tpu.memory_space<vmem>>
    %dma_start3A_564 = arith.constant 0 : i32
    %dma_start3A_565 = tpu.memref_slice %arg3[%add3A, %dma_start3A_553, %dma_start3A_564] : memref<32x125x80xi32, #tpu.memory_space<hbm>> -> memref<1x1x80xi32, #tpu.memory_space<hbm>>
    %dma_start3A_566 = tpu.memref_squeeze %dma_start3A_565 : memref<1x1x80xi32, #tpu.memory_space<hbm>> -> memref<80xi32, #tpu.memory_space<hbm>>
    tpu.enqueue_dma source(%dma_start3A_566 : memref<80xi32, #tpu.memory_space<hbm>>) target(%dma_start3A_563 : memref<80xi32, #tpu.memory_space<vmem>>) target_semaphore(%arg16 : memref<!tpu.dma_semaphore, #tpu.memory_space<semaphore_mem>>)
    %dma_start3A_567 = arith.constant 1 : i32
    %dma_start3A_568 = arith.constant 1 : i32
    %dma_start3A_569 = arith.constant 0 : i32
    %dma_start3A_570 = tpu.memref_slice %arg7[%dma_start3A_568, %dma_start3A_569] : memref<4x80xi32, #tpu.memory_space<vmem>> -> memref<1x80xi32, #tpu.memory_space<vmem>>
    %dma_start3A_571 = tpu.memref_squeeze %dma_start3A_570 : memref<1x80xi32, #tpu.memory_space<vmem>> -> memref<80xi32, #tpu.memory_space<vmem>>
    %dma_start3A_572 = arith.constant 0 : i32
    %dma_start3A_573 = tpu.memref_slice %arg4[%add3A, %dma_start3A_567, %dma_start3A_572] : memref<32x125x80xi32, #tpu.memory_space<hbm>> -> memref<1x1x80xi32, #tpu.memory_space<hbm>>
    %dma_start3A_574 = tpu.memref_squeeze %dma_start3A_573 : memref<1x1x80xi32, #tpu.memory_space<hbm>> -> memref<80xi32, #tpu.memory_space<hbm>>
    %dma_start3A_575 = arith.constant 0 : i32
    %dma_start3A_576 = tpu.memref_slice %arg7[%dma_start3A_568, %dma_start3A_575] : memref<4x80xi32, #tpu.memory_space<vmem>> -> memref<1x80xi32, #tpu.memory_space<vmem>>
    %dma_start3A_577 = tpu.memref_squeeze %dma_start3A_576 : memref<1x80xi32, #tpu.memory_space<vmem>> -> memref<80xi32, #tpu.memory_space<vmem>>
    %dma_start3A_578 = arith.constant 0 : i32
    %dma_start3A_579 = tpu.memref_slice %arg4[%add3A, %dma_start3A_567, %dma_start3A_578] : memref<32x125x80xi32, #tpu.memory_space<hbm>> -> memref<1x1x80xi32, #tpu.memory_space<hbm>>
    %dma_start3A_580 = tpu.memref_squeeze %dma_start3A_579 : memref<1x1x80xi32, #tpu.memory_space<hbm>> -> memref<80xi32, #tpu.memory_space<hbm>>
    tpu.enqueue_dma source(%dma_start3A_580 : memref<80xi32, #tpu.memory_space<hbm>>) target(%dma_start3A_577 : memref<80xi32, #tpu.memory_space<vmem>>) target_semaphore(%arg16 : memref<!tpu.dma_semaphore, #tpu.memory_space<semaphore_mem>>)
    %dma_start3A_581 = arith.constant 2 : i32
    %dma_start3A_582 = arith.constant 2 : i32
    %dma_start3A_583 = arith.constant 0 : i32
    %dma_start3A_584 = tpu.memref_slice %arg6[%dma_start3A_582, %dma_start3A_583] : memref<4x80xi32, #tpu.memory_space<vmem>> -> memref<1x80xi32, #tpu.memory_space<vmem>>
    %dma_start3A_585 = tpu.memref_squeeze %dma_start3A_584 : memref<1x80xi32, #tpu.memory_space<vmem>> -> memref<80xi32, #tpu.memory_space<vmem>>
    %dma_start3A_586 = arith.constant 0 : i32
    %dma_start3A_587 = tpu.memref_slice %arg3[%add3A, %dma_start3A_581, %dma_start3A_586] : memref<32x125x80xi32, #tpu.memory_space<hbm>> -> memref<1x1x80xi32, #tpu.memory_space<hbm>>
    %dma_start3A_588 = tpu.memref_squeeze %dma_start3A_587 : memref<1x1x80xi32, #tpu.memory_space<hbm>> -> memref<80xi32, #tpu.memory_space<hbm>>
    %dma_start3A_589 = arith.constant 0 : i32
    %dma_start3A_590 = tpu.memref_slice %arg6[%dma_start3A_582, %dma_start3A_589] : memref<4x80xi32, #tpu.memory_space<vmem>> -> memref<1x80xi32, #tpu.memory_space<vmem>>
    %dma_start3A_591 = tpu.memref_squeeze %dma_start3A_590 : memref<1x80xi32, #tpu.memory_space<vmem>> -> memref<80xi32, #tpu.memory_space<vmem>>
    %dma_start3A_592 = arith.constant 0 : i32
    %dma_start3A_593 = tpu.memref_slice %arg3[%add3A, %dma_start3A_581, %dma_start3A_592] : memref<32x125x80xi32, #tpu.memory_space<hbm>> -> memref<1x1x80xi32, #tpu.memory_space<hbm>>
    %dma_start3A_594 = tpu.memref_squeeze %dma_start3A_593 : memref<1x1x80xi32, #tpu.memory_space<hbm>> -> memref<80xi32, #tpu.memory_space<hbm>>
    tpu.enqueue_dma source(%dma_start3A_594 : memref<80xi32, #tpu.memory_space<hbm>>) target(%dma_start3A_591 : memref<80xi32, #tpu.memory_space<vmem>>) target_semaphore(%arg17 : memref<!tpu.dma_semaphore, #tpu.memory_space<semaphore_mem>>)
    %dma_start3A_595 = arith.constant 2 : i32
    %dma_start3A_596 = arith.constant 2 : i32
    %dma_start3A_597 = arith.constant 0 : i32
    %dma_start3A_598 = tpu.memref_slice %arg7[%dma_start3A_596, %dma_start3A_597] : memref<4x80xi32, #tpu.memory_space<vmem>> -> memref<1x80xi32, #tpu.memory_space<vmem>>
    %dma_start3A_599 = tpu.memref_squeeze %dma_start3A_598 : memref<1x80xi32, #tpu.memory_space<vmem>> -> memref<80xi32, #tpu.memory_space<vmem>>
    %dma_start3A_600 = arith.constant 0 : i32
    %dma_start3A_601 = tpu.memref_slice %arg4[%add3A, %dma_start3A_595, %dma_start3A_600] : memref<32x125x80xi32, #tpu.memory_space<hbm>> -> memref<1x1x80xi32, #tpu.memory_space<hbm>>
    %dma_start3A_602 = tpu.memref_squeeze %dma_start3A_601 : memref<1x1x80xi32, #tpu.memory_space<hbm>> -> memref<80xi32, #tpu.memory_space<hbm>>
    %dma_start3A_603 = arith.constant 0 : i32
    %dma_start3A_604 = tpu.memref_slice %arg7[%dma_start3A_596, %dma_start3A_603] : memref<4x80xi32, #tpu.memory_space<vmem>> -> memref<1x80xi32, #tpu.memory_space<vmem>>
    %dma_start3A_605 = tpu.memref_squeeze %dma_start3A_604 : memref<1x80xi32, #tpu.memory_space<vmem>> -> memref<80xi32, #tpu.memory_space<vmem>>
    %dma_start3A_606 = arith.constant 0 : i32
    %dma_start3A_607 = tpu.memref_slice %arg4[%add3A, %dma_start3A_595, %dma_start3A_606] : memref<32x125x80xi32, #tpu.memory_space<hbm>> -> memref<1x1x80xi32, #tpu.memory_space<hbm>>
    %dma_start3A_608 = tpu.memref_squeeze %dma_start3A_607 : memref<1x1x80xi32, #tpu.memory_space<hbm>> -> memref<80xi32, #tpu.memory_space<hbm>>
    tpu.enqueue_dma source(%dma_start3A_608 : memref<80xi32, #tpu.memory_space<hbm>>) target(%dma_start3A_605 : memref<80xi32, #tpu.memory_space<vmem>>) target_semaphore(%arg17 : memref<!tpu.dma_semaphore, #tpu.memory_space<semaphore_mem>>)
    %dma_start3A_609 = arith.constant 3 : i32
    %dma_start3A_610 = arith.constant 3 : i32
    %dma_start3A_611 = arith.constant 0 : i32
    %dma_start3A_612 = tpu.memref_slice %arg6[%dma_start3A_610, %dma_start3A_611] : memref<4x80xi32, #tpu.memory_space<vmem>> -> memref<1x80xi32, #tpu.memory_space<vmem>>
    %dma_start3A_613 = tpu.memref_squeeze %dma_start3A_612 : memref<1x80xi32, #tpu.memory_space<vmem>> -> memref<80xi32, #tpu.memory_space<vmem>>
    %dma_start3A_614 = arith.constant 0 : i32
    %dma_start3A_615 = tpu.memref_slice %arg3[%add3A, %dma_start3A_609, %dma_start3A_614] : memref<32x125x80xi32, #tpu.memory_space<hbm>> -> memref<1x1x80xi32, #tpu.memory_space<hbm>>
    %dma_start3A_616 = tpu.memref_squeeze %dma_start3A_615 : memref<1x1x80xi32, #tpu.memory_space<hbm>> -> memref<80xi32, #tpu.memory_space<hbm>>
    %dma_start3A_617 = arith.constant 0 : i32
    %dma_start3A_618 = tpu.memref_slice %arg6[%dma_start3A_610, %dma_start3A_617] : memref<4x80xi32, #tpu.memory_space<vmem>> -> memref<1x80xi32, #tpu.memory_space<vmem>>
    %dma_start3A_619 = tpu.memref_squeeze %dma_start3A_618 : memref<1x80xi32, #tpu.memory_space<vmem>> -> memref<80xi32, #tpu.memory_space<vmem>>
    %dma_start3A_620 = arith.constant 0 : i32
    %dma_start3A_621 = tpu.memref_slice %arg3[%add3A, %dma_start3A_609, %dma_start3A_620] : memref<32x125x80xi32, #tpu.memory_space<hbm>> -> memref<1x1x80xi32, #tpu.memory_space<hbm>>
    %dma_start3A_622 = tpu.memref_squeeze %dma_start3A_621 : memref<1x1x80xi32, #tpu.memory_space<hbm>> -> memref<80xi32, #tpu.memory_space<hbm>>
    tpu.enqueue_dma source(%dma_start3A_622 : memref<80xi32, #tpu.memory_space<hbm>>) target(%dma_start3A_619 : memref<80xi32, #tpu.memory_space<vmem>>) target_semaphore(%arg18 : memref<!tpu.dma_semaphore, #tpu.memory_space<semaphore_mem>>)
    %dma_start3A_623 = arith.constant 3 : i32
    %dma_start3A_624 = arith.constant 3 : i32
    %dma_start3A_625 = arith.constant 0 : i32
    %dma_start3A_626 = tpu.memref_slice %arg7[%dma_start3A_624, %dma_start3A_625] : memref<4x80xi32, #tpu.memory_space<vmem>> -> memref<1x80xi32, #tpu.memory_space<vmem>>
    %dma_start3A_627 = tpu.memref_squeeze %dma_start3A_626 : memref<1x80xi32, #tpu.memory_space<vmem>> -> memref<80xi32, #tpu.memory_space<vmem>>
    %dma_start3A_628 = arith.constant 0 : i32
    %dma_start3A_629 = tpu.memref_slice %arg4[%add3A, %dma_start3A_623, %dma_start3A_628] : memref<32x125x80xi32, #tpu.memory_space<hbm>> -> memref<1x1x80xi32, #tpu.memory_space<hbm>>
    %dma_start3A_630 = tpu.memref_squeeze %dma_start3A_629 : memref<1x1x80xi32, #tpu.memory_space<hbm>> -> memref<80xi32, #tpu.memory_space<hbm>>
    %dma_start3A_631 = arith.constant 0 : i32
    %dma_start3A_632 = tpu.memref_slice %arg7[%dma_start3A_624, %dma_start3A_631] : memref<4x80xi32, #tpu.memory_space<vmem>> -> memref<1x80xi32, #tpu.memory_space<vmem>>
    %dma_start3A_633 = tpu.memref_squeeze %dma_start3A_632 : memref<1x80xi32, #tpu.memory_space<vmem>> -> memref<80xi32, #tpu.memory_space<vmem>>
    %dma_start3A_634 = arith.constant 0 : i32
    %dma_start3A_635 = tpu.memref_slice %arg4[%add3A, %dma_start3A_623, %dma_start3A_634] : memref<32x125x80xi32, #tpu.memory_space<hbm>> -> memref<1x1x80xi32, #tpu.memory_space<hbm>>
    %dma_start3A_636 = tpu.memref_squeeze %dma_start3A_635 : memref<1x1x80xi32, #tpu.memory_space<hbm>> -> memref<80xi32, #tpu.memory_space<hbm>>
    tpu.enqueue_dma source(%dma_start3A_636 : memref<80xi32, #tpu.memory_space<hbm>>) target(%dma_start3A_633 : memref<80xi32, #tpu.memory_space<vmem>>) target_semaphore(%arg18 : memref<!tpu.dma_semaphore, #tpu.memory_space<semaphore_mem>>)
    %dma_wait3A = arith.constant 0 : i32
    %dma_wait3A_637 = arith.constant 0 : i32
    %dma_wait3A_638 = arith.constant 0 : i32
    %dma_wait3A_639 = tpu.memref_slice %arg6[%dma_wait3A_637, %dma_wait3A_638] : memref<4x80xi32, #tpu.memory_space<vmem>> -> memref<1x80xi32, #tpu.memory_space<vmem>>
    %dma_wait3A_640 = tpu.memref_squeeze %dma_wait3A_639 : memref<1x80xi32, #tpu.memory_space<vmem>> -> memref<80xi32, #tpu.memory_space<vmem>>
    %dma_wait3A_641 = arith.constant 0 : i32
    %dma_wait3A_642 = tpu.memref_slice %arg3[%add3A, %dma_wait3A, %dma_wait3A_641] : memref<32x125x80xi32, #tpu.memory_space<hbm>> -> memref<1x1x80xi32, #tpu.memory_space<hbm>>
    %dma_wait3A_643 = tpu.memref_squeeze %dma_wait3A_642 : memref<1x1x80xi32, #tpu.memory_space<hbm>> -> memref<80xi32, #tpu.memory_space<hbm>>
    %dma_wait3A_644 = arith.constant 0 : i32
    %dma_wait3A_645 = tpu.memref_slice %arg6[%dma_wait3A_637, %dma_wait3A_644] : memref<4x80xi32, #tpu.memory_space<vmem>> -> memref<1x80xi32, #tpu.memory_space<vmem>>
    %dma_wait3A_646 = tpu.memref_squeeze %dma_wait3A_645 : memref<1x80xi32, #tpu.memory_space<vmem>> -> memref<80xi32, #tpu.memory_space<vmem>>
    %dma_wait3A_647 = arith.constant 0 : i32
    %dma_wait3A_648 = tpu.memref_slice %arg3[%add3A, %dma_wait3A, %dma_wait3A_647] : memref<32x125x80xi32, #tpu.memory_space<hbm>> -> memref<1x1x80xi32, #tpu.memory_space<hbm>>
    %dma_wait3A_649 = tpu.memref_squeeze %dma_wait3A_648 : memref<1x1x80xi32, #tpu.memory_space<hbm>> -> memref<80xi32, #tpu.memory_space<hbm>>
    tpu.wait_dma2 semaphore(%arg15 : memref<!tpu.dma_semaphore, #tpu.memory_space<semaphore_mem>>) src(%dma_wait3A_649 : memref<80xi32, #tpu.memory_space<hbm>>) dst(%dma_wait3A_646 : memref<80xi32, #tpu.memory_space<vmem>>)
    %dma_wait3A_650 = arith.constant 0 : i32
    %dma_wait3A_651 = arith.constant 0 : i32
    %dma_wait3A_652 = arith.constant 0 : i32
    %dma_wait3A_653 = tpu.memref_slice %arg7[%dma_wait3A_651, %dma_wait3A_652] : memref<4x80xi32, #tpu.memory_space<vmem>> -> memref<1x80xi32, #tpu.memory_space<vmem>>
    %dma_wait3A_654 = tpu.memref_squeeze %dma_wait3A_653 : memref<1x80xi32, #tpu.memory_space<vmem>> -> memref<80xi32, #tpu.memory_space<vmem>>
    %dma_wait3A_655 = arith.constant 0 : i32
    %dma_wait3A_656 = tpu.memref_slice %arg4[%add3A, %dma_wait3A_650, %dma_wait3A_655] : memref<32x125x80xi32, #tpu.memory_space<hbm>> -> memref<1x1x80xi32, #tpu.memory_space<hbm>>
    %dma_wait3A_657 = tpu.memref_squeeze %dma_wait3A_656 : memref<1x1x80xi32, #tpu.memory_space<hbm>> -> memref<80xi32, #tpu.memory_space<hbm>>
    %dma_wait3A_658 = arith.constant 0 : i32
    %dma_wait3A_659 = tpu.memref_slice %arg7[%dma_wait3A_651, %dma_wait3A_658] : memref<4x80xi32, #tpu.memory_space<vmem>> -> memref<1x80xi32, #tpu.memory_space<vmem>>
    %dma_wait3A_660 = tpu.memref_squeeze %dma_wait3A_659 : memref<1x80xi32, #tpu.memory_space<vmem>> -> memref<80xi32, #tpu.memory_space<vmem>>
    %dma_wait3A_661 = arith.constant 0 : i32
    %dma_wait3A_662 = tpu.memref_slice %arg4[%add3A, %dma_wait3A_650, %dma_wait3A_661] : memref<32x125x80xi32, #tpu.memory_space<hbm>> -> memref<1x1x80xi32, #tpu.memory_space<hbm>>
    %dma_wait3A_663 = tpu.memref_squeeze %dma_wait3A_662 : memref<1x1x80xi32, #tpu.memory_space<hbm>> -> memref<80xi32, #tpu.memory_space<hbm>>
    tpu.wait_dma2 semaphore(%arg15 : memref<!tpu.dma_semaphore, #tpu.memory_space<semaphore_mem>>) src(%dma_wait3A_663 : memref<80xi32, #tpu.memory_space<hbm>>) dst(%dma_wait3A_660 : memref<80xi32, #tpu.memory_space<vmem>>)
    %dma_start3A_664 = arith.constant 0 : i32
    %dma_start3A_665 = arith.constant 0 : i32
    %dma_start3A_666 = arith.constant 0 : i32
    %dma_start3A_667 = arith.constant 0 : i32
    %dma_start3A_668 = tpu.memref_slice %arg8[%dma_start3A_665, %dma_start3A_666, %dma_start3A_667] : memref<4x80x128xf32, #tpu.memory_space<vmem>> -> memref<1x80x128xf32, #tpu.memory_space<vmem>>
    %dma_start3A_669 = tpu.memref_squeeze %dma_start3A_668 : memref<1x80x128xf32, #tpu.memory_space<vmem>> -> memref<80x128xf32, #tpu.memory_space<vmem>>
    %dma_start3A_670 = arith.constant 0 : i32
    %dma_start3A_671 = tpu.memref_slice %arg6[%dma_start3A_664, %dma_start3A_670] : memref<4x80xi32, #tpu.memory_space<vmem>> -> memref<1x80xi32, #tpu.memory_space<vmem>>
    %dma_start3A_672 = tpu.memref_squeeze %dma_start3A_671 : memref<1x80xi32, #tpu.memory_space<vmem>> -> memref<80xi32, #tpu.memory_space<vmem>>
    %dma_start3A_673 = arith.constant 0 : i32
    %dma_start3A_674 = arith.constant 0 : i32
    %dma_start3A_675 = tpu.memref_slice %arg2[%dma_start3A_673, %dma_start3A_674] : memref<10000x128xf32, #tpu.memory_space<hbm>> -> memref<10000x128xf32, #tpu.memory_space<hbm>>
    tpu.enqueue_indirect_dma source(%dma_start3A_675 : memref<10000x128xf32, #tpu.memory_space<hbm>>) target(%dma_start3A_669 : memref<80x128xf32, #tpu.memory_space<vmem>>) offsets(%dma_start3A_672 : memref<80xi32, #tpu.memory_space<vmem>>) semaphore(%arg11 : memref<!tpu.dma_semaphore, #tpu.memory_space<semaphore_mem>>)
    %dma_wait3A_676 = arith.constant 0 : i32
    %dma_wait3A_677 = arith.constant 1 : i32
    %dma_wait3A_678 = arith.constant 0 : i32
    %dma_wait3A_679 = tpu.memref_slice %arg6[%dma_wait3A_677, %dma_wait3A_678] : memref<4x80xi32, #tpu.memory_space<vmem>> -> memref<1x80xi32, #tpu.memory_space<vmem>>
    %dma_wait3A_680 = tpu.memref_squeeze %dma_wait3A_679 : memref<1x80xi32, #tpu.memory_space<vmem>> -> memref<80xi32, #tpu.memory_space<vmem>>
    %dma_wait3A_681 = arith.constant 0 : i32
    %dma_wait3A_682 = tpu.memref_slice %arg3[%add3A, %dma_wait3A_676, %dma_wait3A_681] : memref<32x125x80xi32, #tpu.memory_space<hbm>> -> memref<1x1x80xi32, #tpu.memory_space<hbm>>
    %dma_wait3A_683 = tpu.memref_squeeze %dma_wait3A_682 : memref<1x1x80xi32, #tpu.memory_space<hbm>> -> memref<80xi32, #tpu.memory_space<hbm>>
    %dma_wait3A_684 = arith.constant 0 : i32
    %dma_wait3A_685 = tpu.memref_slice %arg6[%dma_wait3A_677, %dma_wait3A_684] : memref<4x80xi32, #tpu.memory_space<vmem>> -> memref<1x80xi32, #tpu.memory_space<vmem>>
    %dma_wait3A_686 = tpu.memref_squeeze %dma_wait3A_685 : memref<1x80xi32, #tpu.memory_space<vmem>> -> memref<80xi32, #tpu.memory_space<vmem>>
    %dma_wait3A_687 = arith.constant 0 : i32
    %dma_wait3A_688 = tpu.memref_slice %arg3[%add3A, %dma_wait3A_676, %dma_wait3A_687] : memref<32x125x80xi32, #tpu.memory_space<hbm>> -> memref<1x1x80xi32, #tpu.memory_space<hbm>>
    %dma_wait3A_689 = tpu.memref_squeeze %dma_wait3A_688 : memref<1x1x80xi32, #tpu.memory_space<hbm>> -> memref<80xi32, #tpu.memory_space<hbm>>
    tpu.wait_dma2 semaphore(%arg16 : memref<!tpu.dma_semaphore, #tpu.memory_space<semaphore_mem>>) src(%dma_wait3A_689 : memref<80xi32, #tpu.memory_space<hbm>>) dst(%dma_wait3A_686 : memref<80xi32, #tpu.memory_space<vmem>>)
    %dma_wait3A_690 = arith.constant 0 : i32
    %dma_wait3A_691 = arith.constant 1 : i32
    %dma_wait3A_692 = arith.constant 0 : i32
    %dma_wait3A_693 = tpu.memref_slice %arg7[%dma_wait3A_691, %dma_wait3A_692] : memref<4x80xi32, #tpu.memory_space<vmem>> -> memref<1x80xi32, #tpu.memory_space<vmem>>
    %dma_wait3A_694 = tpu.memref_squeeze %dma_wait3A_693 : memref<1x80xi32, #tpu.memory_space<vmem>> -> memref<80xi32, #tpu.memory_space<vmem>>
    %dma_wait3A_695 = arith.constant 0 : i32
    %dma_wait3A_696 = tpu.memref_slice %arg4[%add3A, %dma_wait3A_690, %dma_wait3A_695] : memref<32x125x80xi32, #tpu.memory_space<hbm>> -> memref<1x1x80xi32, #tpu.memory_space<hbm>>
    %dma_wait3A_697 = tpu.memref_squeeze %dma_wait3A_696 : memref<1x1x80xi32, #tpu.memory_space<hbm>> -> memref<80xi32, #tpu.memory_space<hbm>>
    %dma_wait3A_698 = arith.constant 0 : i32
    %dma_wait3A_699 = tpu.memref_slice %arg7[%dma_wait3A_691, %dma_wait3A_698] : memref<4x80xi32, #tpu.memory_space<vmem>> -> memref<1x80xi32, #tpu.memory_space<vmem>>
    %dma_wait3A_700 = tpu.memref_squeeze %dma_wait3A_699 : memref<1x80xi32, #tpu.memory_space<vmem>> -> memref<80xi32, #tpu.memory_space<vmem>>
    %dma_wait3A_701 = arith.constant 0 : i32
    %dma_wait3A_702 = tpu.memref_slice %arg4[%add3A, %dma_wait3A_690, %dma_wait3A_701] : memref<32x125x80xi32, #tpu.memory_space<hbm>> -> memref<1x1x80xi32, #tpu.memory_space<hbm>>
    %dma_wait3A_703 = tpu.memref_squeeze %dma_wait3A_702 : memref<1x1x80xi32, #tpu.memory_space<hbm>> -> memref<80xi32, #tpu.memory_space<hbm>>
    tpu.wait_dma2 semaphore(%arg16 : memref<!tpu.dma_semaphore, #tpu.memory_space<semaphore_mem>>) src(%dma_wait3A_703 : memref<80xi32, #tpu.memory_space<hbm>>) dst(%dma_wait3A_700 : memref<80xi32, #tpu.memory_space<vmem>>)
    %dma_start3A_704 = arith.constant 1 : i32
    %dma_start3A_705 = arith.constant 1 : i32
    %dma_start3A_706 = arith.constant 0 : i32
    %dma_start3A_707 = arith.constant 0 : i32
    %dma_start3A_708 = tpu.memref_slice %arg8[%dma_start3A_705, %dma_start3A_706, %dma_start3A_707] : memref<4x80x128xf32, #tpu.memory_space<vmem>> -> memref<1x80x128xf32, #tpu.memory_space<vmem>>
    %dma_start3A_709 = tpu.memref_squeeze %dma_start3A_708 : memref<1x80x128xf32, #tpu.memory_space<vmem>> -> memref<80x128xf32, #tpu.memory_space<vmem>>
    %dma_start3A_710 = arith.constant 0 : i32
    %dma_start3A_711 = tpu.memref_slice %arg6[%dma_start3A_704, %dma_start3A_710] : memref<4x80xi32, #tpu.memory_space<vmem>> -> memref<1x80xi32, #tpu.memory_space<vmem>>
    %dma_start3A_712 = tpu.memref_squeeze %dma_start3A_711 : memref<1x80xi32, #tpu.memory_space<vmem>> -> memref<80xi32, #tpu.memory_space<vmem>>
    %dma_start3A_713 = arith.constant 0 : i32
    %dma_start3A_714 = arith.constant 0 : i32
    %dma_start3A_715 = tpu.memref_slice %arg2[%dma_start3A_713, %dma_start3A_714] : memref<10000x128xf32, #tpu.memory_space<hbm>> -> memref<10000x128xf32, #tpu.memory_space<hbm>>
    tpu.enqueue_indirect_dma source(%dma_start3A_715 : memref<10000x128xf32, #tpu.memory_space<hbm>>) target(%dma_start3A_709 : memref<80x128xf32, #tpu.memory_space<vmem>>) offsets(%dma_start3A_712 : memref<80xi32, #tpu.memory_space<vmem>>) semaphore(%arg12 : memref<!tpu.dma_semaphore, #tpu.memory_space<semaphore_mem>>)
    %dma_wait3A_716 = arith.constant 0 : i32
    %dma_wait3A_717 = arith.constant 2 : i32
    %dma_wait3A_718 = arith.constant 0 : i32
    %dma_wait3A_719 = tpu.memref_slice %arg6[%dma_wait3A_717, %dma_wait3A_718] : memref<4x80xi32, #tpu.memory_space<vmem>> -> memref<1x80xi32, #tpu.memory_space<vmem>>
    %dma_wait3A_720 = tpu.memref_squeeze %dma_wait3A_719 : memref<1x80xi32, #tpu.memory_space<vmem>> -> memref<80xi32, #tpu.memory_space<vmem>>
    %dma_wait3A_721 = arith.constant 0 : i32
    %dma_wait3A_722 = tpu.memref_slice %arg3[%add3A, %dma_wait3A_716, %dma_wait3A_721] : memref<32x125x80xi32, #tpu.memory_space<hbm>> -> memref<1x1x80xi32, #tpu.memory_space<hbm>>
    %dma_wait3A_723 = tpu.memref_squeeze %dma_wait3A_722 : memref<1x1x80xi32, #tpu.memory_space<hbm>> -> memref<80xi32, #tpu.memory_space<hbm>>
    %dma_wait3A_724 = arith.constant 0 : i32
    %dma_wait3A_725 = tpu.memref_slice %arg6[%dma_wait3A_717, %dma_wait3A_724] : memref<4x80xi32, #tpu.memory_space<vmem>> -> memref<1x80xi32, #tpu.memory_space<vmem>>
    %dma_wait3A_726 = tpu.memref_squeeze %dma_wait3A_725 : memref<1x80xi32, #tpu.memory_space<vmem>> -> memref<80xi32, #tpu.memory_space<vmem>>
    %dma_wait3A_727 = arith.constant 0 : i32
    %dma_wait3A_728 = tpu.memref_slice %arg3[%add3A, %dma_wait3A_716, %dma_wait3A_727] : memref<32x125x80xi32, #tpu.memory_space<hbm>> -> memref<1x1x80xi32, #tpu.memory_space<hbm>>
    %dma_wait3A_729 = tpu.memref_squeeze %dma_wait3A_728 : memref<1x1x80xi32, #tpu.memory_space<hbm>> -> memref<80xi32, #tpu.memory_space<hbm>>
    tpu.wait_dma2 semaphore(%arg17 : memref<!tpu.dma_semaphore, #tpu.memory_space<semaphore_mem>>) src(%dma_wait3A_729 : memref<80xi32, #tpu.memory_space<hbm>>) dst(%dma_wait3A_726 : memref<80xi32, #tpu.memory_space<vmem>>)
    %dma_wait3A_730 = arith.constant 0 : i32
    %dma_wait3A_731 = arith.constant 2 : i32
    %dma_wait3A_732 = arith.constant 0 : i32
    %dma_wait3A_733 = tpu.memref_slice %arg7[%dma_wait3A_731, %dma_wait3A_732] : memref<4x80xi32, #tpu.memory_space<vmem>> -> memref<1x80xi32, #tpu.memory_space<vmem>>
    %dma_wait3A_734 = tpu.memref_squeeze %dma_wait3A_733 : memref<1x80xi32, #tpu.memory_space<vmem>> -> memref<80xi32, #tpu.memory_space<vmem>>
    %dma_wait3A_735 = arith.constant 0 : i32
    %dma_wait3A_736 = tpu.memref_slice %arg4[%add3A, %dma_wait3A_730, %dma_wait3A_735] : memref<32x125x80xi32, #tpu.memory_space<hbm>> -> memref<1x1x80xi32, #tpu.memory_space<hbm>>
    %dma_wait3A_737 = tpu.memref_squeeze %dma_wait3A_736 : memref<1x1x80xi32, #tpu.memory_space<hbm>> -> memref<80xi32, #tpu.memory_space<hbm>>
    %dma_wait3A_738 = arith.constant 0 : i32
    %dma_wait3A_739 = tpu.memref_slice %arg7[%dma_wait3A_731, %dma_wait3A_738] : memref<4x80xi32, #tpu.memory_space<vmem>> -> memref<1x80xi32, #tpu.memory_space<vmem>>
    %dma_wait3A_740 = tpu.memref_squeeze %dma_wait3A_739 : memref<1x80xi32, #tpu.memory_space<vmem>> -> memref<80xi32, #tpu.memory_space<vmem>>
    %dma_wait3A_741 = arith.constant 0 : i32
    %dma_wait3A_742 = tpu.memref_slice %arg4[%add3A, %dma_wait3A_730, %dma_wait3A_741] : memref<32x125x80xi32, #tpu.memory_space<hbm>> -> memref<1x1x80xi32, #tpu.memory_space<hbm>>
    %dma_wait3A_743 = tpu.memref_squeeze %dma_wait3A_742 : memref<1x1x80xi32, #tpu.memory_space<hbm>> -> memref<80xi32, #tpu.memory_space<hbm>>
    tpu.wait_dma2 semaphore(%arg17 : memref<!tpu.dma_semaphore, #tpu.memory_space<semaphore_mem>>) src(%dma_wait3A_743 : memref<80xi32, #tpu.memory_space<hbm>>) dst(%dma_wait3A_740 : memref<80xi32, #tpu.memory_space<vmem>>)
    %dma_start3A_744 = arith.constant 2 : i32
    %dma_start3A_745 = arith.constant 2 : i32
    %dma_start3A_746 = arith.constant 0 : i32
    %dma_start3A_747 = arith.constant 0 : i32
    %dma_start3A_748 = tpu.memref_slice %arg8[%dma_start3A_745, %dma_start3A_746, %dma_start3A_747] : memref<4x80x128xf32, #tpu.memory_space<vmem>> -> memref<1x80x128xf32, #tpu.memory_space<vmem>>
    %dma_start3A_749 = tpu.memref_squeeze %dma_start3A_748 : memref<1x80x128xf32, #tpu.memory_space<vmem>> -> memref<80x128xf32, #tpu.memory_space<vmem>>
    %dma_start3A_750 = arith.constant 0 : i32
    %dma_start3A_751 = tpu.memref_slice %arg6[%dma_start3A_744, %dma_start3A_750] : memref<4x80xi32, #tpu.memory_space<vmem>> -> memref<1x80xi32, #tpu.memory_space<vmem>>
    %dma_start3A_752 = tpu.memref_squeeze %dma_start3A_751 : memref<1x80xi32, #tpu.memory_space<vmem>> -> memref<80xi32, #tpu.memory_space<vmem>>
    %dma_start3A_753 = arith.constant 0 : i32
    %dma_start3A_754 = arith.constant 0 : i32
    %dma_start3A_755 = tpu.memref_slice %arg2[%dma_start3A_753, %dma_start3A_754] : memref<10000x128xf32, #tpu.memory_space<hbm>> -> memref<10000x128xf32, #tpu.memory_space<hbm>>
    tpu.enqueue_indirect_dma source(%dma_start3A_755 : memref<10000x128xf32, #tpu.memory_space<hbm>>) target(%dma_start3A_749 : memref<80x128xf32, #tpu.memory_space<vmem>>) offsets(%dma_start3A_752 : memref<80xi32, #tpu.memory_space<vmem>>) semaphore(%arg13 : memref<!tpu.dma_semaphore, #tpu.memory_space<semaphore_mem>>)
    %scan3A = arith.constant 0 : i32
    %scan3A_756 = arith.constant 0 : i32
    %scan3A_757 = arith.constant 31 : i32
    %scan3A_758 = arith.addi %scan3A_756, %scan3A_757 : i32
    %scan3A_759 = arith.constant 1 : i32
    %scan3A_760 = scf.for %scan3A_788 = %scan3A_756 to %scan3A_758 step %scan3A_759 iter_args(%scan3A_789 = %scan3A) -> (i32)  : i32 {
      %mul3A_790 = arith.constant 4 : i32
      %mul3A_791 = arith.muli %scan3A_788, %mul3A_790 : i32
      %add3A_792 = arith.constant 0 : i32
      %add3A_793 = arith.addi %mul3A_791, %add3A_792 : i32
      %dma_wait3A_794 = arith.constant 0 : i32
      %dma_wait3A_795 = arith.constant 0 : i32
      %dma_wait3A_796 = arith.constant 0 : i32
      %dma_wait3A_797 = arith.constant 0 : i32
      %dma_wait3A_798 = tpu.memref_slice %arg8[%dma_wait3A_795, %dma_wait3A_796, %dma_wait3A_797] : memref<4x80x128xf32, #tpu.memory_space<vmem>> -> memref<1x80x128xf32, #tpu.memory_space<vmem>>
      %dma_wait3A_799 = tpu.memref_squeeze %dma_wait3A_798 : memref<1x80x128xf32, #tpu.memory_space<vmem>> -> memref<80x128xf32, #tpu.memory_space<vmem>>
      %dma_wait3A_800 = arith.constant 0 : i32
      %dma_wait3A_801 = tpu.memref_slice %arg6[%dma_wait3A_794, %dma_wait3A_800] : memref<4x80xi32, #tpu.memory_space<vmem>> -> memref<1x80xi32, #tpu.memory_space<vmem>>
      %dma_wait3A_802 = tpu.memref_squeeze %dma_wait3A_801 : memref<1x80xi32, #tpu.memory_space<vmem>> -> memref<80xi32, #tpu.memory_space<vmem>>
      %dma_wait3A_803 = arith.constant 0 : i32
      %dma_wait3A_804 = arith.constant 0 : i32
      %dma_wait3A_805 = tpu.memref_slice %arg2[%dma_wait3A_803, %dma_wait3A_804] : memref<10000x128xf32, #tpu.memory_space<hbm>> -> memref<10000x128xf32, #tpu.memory_space<hbm>>
      tpu.wait_indirect_dma semaphore(%arg11 : memref<!tpu.dma_semaphore, #tpu.memory_space<semaphore_mem>>) src(%dma_wait3A_805 : memref<10000x128xf32, #tpu.memory_space<hbm>>) dst(%dma_wait3A_799 : memref<80x128xf32, #tpu.memory_space<vmem>>)
      %run_scoped3A_806 = arith.constant 0 : i32
      %run_scoped3A_807 = arith.constant 0 : i32
      "tpu.region"() ({
        %run_scoped3A_916 = tpu.sem_alloc : memref<!tpu.dma_semaphore, #tpu.memory_space<semaphore_mem>>
        %dma_start3A_917 = arith.constant 0 : i32
        %dma_start3A_918 = arith.constant 0 : i32
        %dma_start3A_919 = tpu.memref_slice %arg8[%run_scoped3A_806, %dma_start3A_917, %dma_start3A_918] : memref<4x80x128xf32, #tpu.memory_space<vmem>> -> memref<1x80x128xf32, #tpu.memory_space<vmem>>
        %dma_start3A_920 = tpu.memref_squeeze %dma_start3A_919 : memref<1x80x128xf32, #tpu.memory_space<vmem>> -> memref<80x128xf32, #tpu.memory_space<vmem>>
        %dma_start3A_921 = arith.constant 0 : i32
        %dma_start3A_922 = tpu.memref_slice %arg7[%run_scoped3A_807, %dma_start3A_921] : memref<4x80xi32, #tpu.memory_space<vmem>> -> memref<1x80xi32, #tpu.memory_space<vmem>>
        %dma_start3A_923 = tpu.memref_squeeze %dma_start3A_922 : memref<1x80xi32, #tpu.memory_space<vmem>> -> memref<80xi32, #tpu.memory_space<vmem>>
        %dma_start3A_924 = arith.constant 0 : i32
        %dma_start3A_925 = arith.constant 0 : i32
        %dma_start3A_926 = tpu.memref_slice %arg10[%dma_start3A_924, %dma_start3A_925] : memref<10000x128xf32, #tpu.memory_space<vmem_shared>> -> memref<10000x128xf32, #tpu.memory_space<vmem_shared>>
        tpu.enqueue_indirect_dma source(%dma_start3A_920 : memref<80x128xf32, #tpu.memory_space<vmem>>) target(%dma_start3A_926 : memref<10000x128xf32, #tpu.memory_space<vmem_shared>>) offsets(%dma_start3A_923 : memref<80xi32, #tpu.memory_space<vmem>>) semaphore(%run_scoped3A_916 : memref<!tpu.dma_semaphore, #tpu.memory_space<semaphore_mem>>) {add = true}
        %dma_wait3A_927 = arith.constant 0 : i32
        %dma_wait3A_928 = arith.constant 0 : i32
        %dma_wait3A_929 = tpu.memref_slice %arg8[%run_scoped3A_806, %dma_wait3A_927, %dma_wait3A_928] : memref<4x80x128xf32, #tpu.memory_space<vmem>> -> memref<1x80x128xf32, #tpu.memory_space<vmem>>
        %dma_wait3A_930 = tpu.memref_squeeze %dma_wait3A_929 : memref<1x80x128xf32, #tpu.memory_space<vmem>> -> memref<80x128xf32, #tpu.memory_space<vmem>>
        %dma_wait3A_931 = arith.constant 0 : i32
        %dma_wait3A_932 = tpu.memref_slice %arg7[%run_scoped3A_807, %dma_wait3A_931] : memref<4x80xi32, #tpu.memory_space<vmem>> -> memref<1x80xi32, #tpu.memory_space<vmem>>
        %dma_wait3A_933 = tpu.memref_squeeze %dma_wait3A_932 : memref<1x80xi32, #tpu.memory_space<vmem>> -> memref<80xi32, #tpu.memory_space<vmem>>
        %dma_wait3A_934 = arith.constant 0 : i32
        %dma_wait3A_935 = arith.constant 0 : i32
        %dma_wait3A_936 = tpu.memref_slice %arg10[%dma_wait3A_934, %dma_wait3A_935] : memref<10000x128xf32, #tpu.memory_space<vmem_shared>> -> memref<10000x128xf32, #tpu.memory_space<vmem_shared>>
        tpu.wait_indirect_dma semaphore(%run_scoped3A_916 : memref<!tpu.dma_semaphore, #tpu.memory_space<semaphore_mem>>) src(%dma_wait3A_930 : memref<80x128xf32, #tpu.memory_space<vmem>>) dst(%dma_wait3A_936 : memref<10000x128xf32, #tpu.memory_space<vmem_shared>>)
        tpu.yield
      }) : () -> ()
      %add3A_808 = arith.constant 4 : i32
      %add3A_809 = arith.addi %add3A_793, %add3A_808 : i32
      %lt3A = arith.constant 125 : i32
      %lt3A_810 = arith.cmpi slt, %add3A_809, %lt3A : i32
      %convert_element_type3A = arith.extui %lt3A_810 : i1 to i32
      %cond3A = arith.constant 0 : i32
      %cond3A_811 = arith.cmpi ne, %convert_element_type3A, %cond3A : i32
      scf.if %cond3A_811 {
        %add3A_916 = arith.constant 4 : i32
        %add3A_917 = arith.addi %add3A_793, %add3A_916 : i32
        %dma_start3A_918 = arith.constant 0 : i32
        %dma_start3A_919 = arith.constant 0 : i32
        %dma_start3A_920 = tpu.memref_slice %arg6[%dma_start3A_918, %dma_start3A_919] : memref<4x80xi32, #tpu.memory_space<vmem>> -> memref<1x80xi32, #tpu.memory_space<vmem>>
        %dma_start3A_921 = tpu.memref_squeeze %dma_start3A_920 : memref<1x80xi32, #tpu.memory_space<vmem>> -> memref<80xi32, #tpu.memory_space<vmem>>
        %dma_start3A_922 = arith.constant 0 : i32
        %dma_start3A_923 = tpu.memref_slice %arg3[%add3A, %add3A_917, %dma_start3A_922] : memref<32x125x80xi32, #tpu.memory_space<hbm>> -> memref<1x1x80xi32, #tpu.memory_space<hbm>>
        %dma_start3A_924 = tpu.memref_squeeze %dma_start3A_923 : memref<1x1x80xi32, #tpu.memory_space<hbm>> -> memref<80xi32, #tpu.memory_space<hbm>>
        %dma_start3A_925 = arith.constant 0 : i32
        %dma_start3A_926 = tpu.memref_slice %arg6[%dma_start3A_918, %dma_start3A_925] : memref<4x80xi32, #tpu.memory_space<vmem>> -> memref<1x80xi32, #tpu.memory_space<vmem>>
        %dma_start3A_927 = tpu.memref_squeeze %dma_start3A_926 : memref<1x80xi32, #tpu.memory_space<vmem>> -> memref<80xi32, #tpu.memory_space<vmem>>
        %dma_start3A_928 = arith.constant 0 : i32
        %dma_start3A_929 = tpu.memref_slice %arg3[%add3A, %add3A_917, %dma_start3A_928] : memref<32x125x80xi32, #tpu.memory_space<hbm>> -> memref<1x1x80xi32, #tpu.memory_space<hbm>>
        %dma_start3A_930 = tpu.memref_squeeze %dma_start3A_929 : memref<1x1x80xi32, #tpu.memory_space<hbm>> -> memref<80xi32, #tpu.memory_space<hbm>>
        tpu.enqueue_dma source(%dma_start3A_930 : memref<80xi32, #tpu.memory_space<hbm>>) target(%dma_start3A_927 : memref<80xi32, #tpu.memory_space<vmem>>) target_semaphore(%arg15 : memref<!tpu.dma_semaphore, #tpu.memory_space<semaphore_mem>>)
        %dma_start3A_931 = arith.constant 0 : i32
        %dma_start3A_932 = arith.constant 0 : i32
        %dma_start3A_933 = tpu.memref_slice %arg7[%dma_start3A_931, %dma_start3A_932] : memref<4x80xi32, #tpu.memory_space<vmem>> -> memref<1x80xi32, #tpu.memory_space<vmem>>
        %dma_start3A_934 = tpu.memref_squeeze %dma_start3A_933 : memref<1x80xi32, #tpu.memory_space<vmem>> -> memref<80xi32, #tpu.memory_space<vmem>>
        %dma_start3A_935 = arith.constant 0 : i32
        %dma_start3A_936 = tpu.memref_slice %arg4[%add3A, %add3A_917, %dma_start3A_935] : memref<32x125x80xi32, #tpu.memory_space<hbm>> -> memref<1x1x80xi32, #tpu.memory_space<hbm>>
        %dma_start3A_937 = tpu.memref_squeeze %dma_start3A_936 : memref<1x1x80xi32, #tpu.memory_space<hbm>> -> memref<80xi32, #tpu.memory_space<hbm>>
        %dma_start3A_938 = arith.constant 0 : i32
        %dma_start3A_939 = tpu.memref_slice %arg7[%dma_start3A_931, %dma_start3A_938] : memref<4x80xi32, #tpu.memory_space<vmem>> -> memref<1x80xi32, #tpu.memory_space<vmem>>
        %dma_start3A_940 = tpu.memref_squeeze %dma_start3A_939 : memref<1x80xi32, #tpu.memory_space<vmem>> -> memref<80xi32, #tpu.memory_space<vmem>>
        %dma_start3A_941 = arith.constant 0 : i32
        %dma_start3A_942 = tpu.memref_slice %arg4[%add3A, %add3A_917, %dma_start3A_941] : memref<32x125x80xi32, #tpu.memory_space<hbm>> -> memref<1x1x80xi32, #tpu.memory_space<hbm>>
        %dma_start3A_943 = tpu.memref_squeeze %dma_start3A_942 : memref<1x1x80xi32, #tpu.memory_space<hbm>> -> memref<80xi32, #tpu.memory_space<hbm>>
        tpu.enqueue_dma source(%dma_start3A_943 : memref<80xi32, #tpu.memory_space<hbm>>) target(%dma_start3A_940 : memref<80xi32, #tpu.memory_space<vmem>>) target_semaphore(%arg15 : memref<!tpu.dma_semaphore, #tpu.memory_space<semaphore_mem>>)
      } else {
      }
      %add3A_812 = arith.constant 3 : i32
      %add3A_813 = arith.addi %add3A_793, %add3A_812 : i32
      %lt3A_814 = arith.constant 125 : i32
      %lt3A_815 = arith.cmpi slt, %add3A_813, %lt3A_814 : i32
      %convert_element_type3A_816 = arith.extui %lt3A_815 : i1 to i32
      %cond3A_817 = arith.constant 0 : i32
      %cond3A_818 = arith.cmpi ne, %convert_element_type3A_816, %cond3A_817 : i32
      scf.if %cond3A_818 {
        %dma_wait3A_916 = arith.constant 0 : i32
        %dma_wait3A_917 = arith.constant 3 : i32
        %dma_wait3A_918 = arith.constant 0 : i32
        %dma_wait3A_919 = tpu.memref_slice %arg6[%dma_wait3A_917, %dma_wait3A_918] : memref<4x80xi32, #tpu.memory_space<vmem>> -> memref<1x80xi32, #tpu.memory_space<vmem>>
        %dma_wait3A_920 = tpu.memref_squeeze %dma_wait3A_919 : memref<1x80xi32, #tpu.memory_space<vmem>> -> memref<80xi32, #tpu.memory_space<vmem>>
        %dma_wait3A_921 = arith.constant 0 : i32
        %dma_wait3A_922 = tpu.memref_slice %arg3[%add3A, %dma_wait3A_916, %dma_wait3A_921] : memref<32x125x80xi32, #tpu.memory_space<hbm>> -> memref<1x1x80xi32, #tpu.memory_space<hbm>>
        %dma_wait3A_923 = tpu.memref_squeeze %dma_wait3A_922 : memref<1x1x80xi32, #tpu.memory_space<hbm>> -> memref<80xi32, #tpu.memory_space<hbm>>
        %dma_wait3A_924 = arith.constant 0 : i32
        %dma_wait3A_925 = tpu.memref_slice %arg6[%dma_wait3A_917, %dma_wait3A_924] : memref<4x80xi32, #tpu.memory_space<vmem>> -> memref<1x80xi32, #tpu.memory_space<vmem>>
        %dma_wait3A_926 = tpu.memref_squeeze %dma_wait3A_925 : memref<1x80xi32, #tpu.memory_space<vmem>> -> memref<80xi32, #tpu.memory_space<vmem>>
        %dma_wait3A_927 = arith.constant 0 : i32
        %dma_wait3A_928 = tpu.memref_slice %arg3[%add3A, %dma_wait3A_916, %dma_wait3A_927] : memref<32x125x80xi32, #tpu.memory_space<hbm>> -> memref<1x1x80xi32, #tpu.memory_space<hbm>>
        %dma_wait3A_929 = tpu.memref_squeeze %dma_wait3A_928 : memref<1x1x80xi32, #tpu.memory_space<hbm>> -> memref<80xi32, #tpu.memory_space<hbm>>
        tpu.wait_dma2 semaphore(%arg18 : memref<!tpu.dma_semaphore, #tpu.memory_space<semaphore_mem>>) src(%dma_wait3A_929 : memref<80xi32, #tpu.memory_space<hbm>>) dst(%dma_wait3A_926 : memref<80xi32, #tpu.memory_space<vmem>>)
        %dma_wait3A_930 = arith.constant 0 : i32
        %dma_wait3A_931 = arith.constant 3 : i32
        %dma_wait3A_932 = arith.constant 0 : i32
        %dma_wait3A_933 = tpu.memref_slice %arg7[%dma_wait3A_931, %dma_wait3A_932] : memref<4x80xi32, #tpu.memory_space<vmem>> -> memref<1x80xi32, #tpu.memory_space<vmem>>
        %dma_wait3A_934 = tpu.memref_squeeze %dma_wait3A_933 : memref<1x80xi32, #tpu.memory_space<vmem>> -> memref<80xi32, #tpu.memory_space<vmem>>
        %dma_wait3A_935 = arith.constant 0 : i32
        %dma_wait3A_936 = tpu.memref_slice %arg4[%add3A, %dma_wait3A_930, %dma_wait3A_935] : memref<32x125x80xi32, #tpu.memory_space<hbm>> -> memref<1x1x80xi32, #tpu.memory_space<hbm>>
        %dma_wait3A_937 = tpu.memref_squeeze %dma_wait3A_936 : memref<1x1x80xi32, #tpu.memory_space<hbm>> -> memref<80xi32, #tpu.memory_space<hbm>>
        %dma_wait3A_938 = arith.constant 0 : i32
        %dma_wait3A_939 = tpu.memref_slice %arg7[%dma_wait3A_931, %dma_wait3A_938] : memref<4x80xi32, #tpu.memory_space<vmem>> -> memref<1x80xi32, #tpu.memory_space<vmem>>
        %dma_wait3A_940 = tpu.memref_squeeze %dma_wait3A_939 : memref<1x80xi32, #tpu.memory_space<vmem>> -> memref<80xi32, #tpu.memory_space<vmem>>
        %dma_wait3A_941 = arith.constant 0 : i32
        %dma_wait3A_942 = tpu.memref_slice %arg4[%add3A, %dma_wait3A_930, %dma_wait3A_941] : memref<32x125x80xi32, #tpu.memory_space<hbm>> -> memref<1x1x80xi32, #tpu.memory_space<hbm>>
        %dma_wait3A_943 = tpu.memref_squeeze %dma_wait3A_942 : memref<1x1x80xi32, #tpu.memory_space<hbm>> -> memref<80xi32, #tpu.memory_space<hbm>>
        tpu.wait_dma2 semaphore(%arg18 : memref<!tpu.dma_semaphore, #tpu.memory_space<semaphore_mem>>) src(%dma_wait3A_943 : memref<80xi32, #tpu.memory_space<hbm>>) dst(%dma_wait3A_940 : memref<80xi32, #tpu.memory_space<vmem>>)
        %dma_start3A_944 = arith.constant 3 : i32
        %dma_start3A_945 = arith.constant 3 : i32
        %dma_start3A_946 = arith.constant 0 : i32
        %dma_start3A_947 = arith.constant 0 : i32
        %dma_start3A_948 = tpu.memref_slice %arg8[%dma_start3A_945, %dma_start3A_946, %dma_start3A_947] : memref<4x80x128xf32, #tpu.memory_space<vmem>> -> memref<1x80x128xf32, #tpu.memory_space<vmem>>
        %dma_start3A_949 = tpu.memref_squeeze %dma_start3A_948 : memref<1x80x128xf32, #tpu.memory_space<vmem>> -> memref<80x128xf32, #tpu.memory_space<vmem>>
        %dma_start3A_950 = arith.constant 0 : i32
        %dma_start3A_951 = tpu.memref_slice %arg6[%dma_start3A_944, %dma_start3A_950] : memref<4x80xi32, #tpu.memory_space<vmem>> -> memref<1x80xi32, #tpu.memory_space<vmem>>
        %dma_start3A_952 = tpu.memref_squeeze %dma_start3A_951 : memref<1x80xi32, #tpu.memory_space<vmem>> -> memref<80xi32, #tpu.memory_space<vmem>>
        %dma_start3A_953 = arith.constant 0 : i32
        %dma_start3A_954 = arith.constant 0 : i32
        %dma_start3A_955 = tpu.memref_slice %arg2[%dma_start3A_953, %dma_start3A_954] : memref<10000x128xf32, #tpu.memory_space<hbm>> -> memref<10000x128xf32, #tpu.memory_space<hbm>>
        tpu.enqueue_indirect_dma source(%dma_start3A_955 : memref<10000x128xf32, #tpu.memory_space<hbm>>) target(%dma_start3A_949 : memref<80x128xf32, #tpu.memory_space<vmem>>) offsets(%dma_start3A_952 : memref<80xi32, #tpu.memory_space<vmem>>) semaphore(%arg14 : memref<!tpu.dma_semaphore, #tpu.memory_space<semaphore_mem>>)
      } else {
      }
      %mul3A_819 = arith.constant 4 : i32
      %mul3A_820 = arith.muli %scan3A_788, %mul3A_819 : i32
      %add3A_821 = arith.constant 1 : i32
      %add3A_822 = arith.addi %mul3A_820, %add3A_821 : i32
      %dma_wait3A_823 = arith.constant 0 : i32
      %dma_wait3A_824 = arith.constant 1 : i32
      %dma_wait3A_825 = arith.constant 0 : i32
      %dma_wait3A_826 = arith.constant 0 : i32
      %dma_wait3A_827 = tpu.memref_slice %arg8[%dma_wait3A_824, %dma_wait3A_825, %dma_wait3A_826] : memref<4x80x128xf32, #tpu.memory_space<vmem>> -> memref<1x80x128xf32, #tpu.memory_space<vmem>>
      %dma_wait3A_828 = tpu.memref_squeeze %dma_wait3A_827 : memref<1x80x128xf32, #tpu.memory_space<vmem>> -> memref<80x128xf32, #tpu.memory_space<vmem>>
      %dma_wait3A_829 = arith.constant 0 : i32
      %dma_wait3A_830 = tpu.memref_slice %arg6[%dma_wait3A_823, %dma_wait3A_829] : memref<4x80xi32, #tpu.memory_space<vmem>> -> memref<1x80xi32, #tpu.memory_space<vmem>>
      %dma_wait3A_831 = tpu.memref_squeeze %dma_wait3A_830 : memref<1x80xi32, #tpu.memory_space<vmem>> -> memref<80xi32, #tpu.memory_space<vmem>>
      %dma_wait3A_832 = arith.constant 0 : i32
      %dma_wait3A_833 = arith.constant 0 : i32
      %dma_wait3A_834 = tpu.memref_slice %arg2[%dma_wait3A_832, %dma_wait3A_833] : memref<10000x128xf32, #tpu.memory_space<hbm>> -> memref<10000x128xf32, #tpu.memory_space<hbm>>
      tpu.wait_indirect_dma semaphore(%arg12 : memref<!tpu.dma_semaphore, #tpu.memory_space<semaphore_mem>>) src(%dma_wait3A_834 : memref<10000x128xf32, #tpu.memory_space<hbm>>) dst(%dma_wait3A_828 : memref<80x128xf32, #tpu.memory_space<vmem>>)
      %run_scoped3A_835 = arith.constant 1 : i32
      %run_scoped3A_836 = arith.constant 1 : i32
      "tpu.region"() ({
        %run_scoped3A_916 = tpu.sem_alloc : memref<!tpu.dma_semaphore, #tpu.memory_space<semaphore_mem>>
        %dma_start3A_917 = arith.constant 0 : i32
        %dma_start3A_918 = arith.constant 0 : i32
        %dma_start3A_919 = tpu.memref_slice %arg8[%run_scoped3A_835, %dma_start3A_917, %dma_start3A_918] : memref<4x80x128xf32, #tpu.memory_space<vmem>> -> memref<1x80x128xf32, #tpu.memory_space<vmem>>
        %dma_start3A_920 = tpu.memref_squeeze %dma_start3A_919 : memref<1x80x128xf32, #tpu.memory_space<vmem>> -> memref<80x128xf32, #tpu.memory_space<vmem>>
        %dma_start3A_921 = arith.constant 0 : i32
        %dma_start3A_922 = tpu.memref_slice %arg7[%run_scoped3A_836, %dma_start3A_921] : memref<4x80xi32, #tpu.memory_space<vmem>> -> memref<1x80xi32, #tpu.memory_space<vmem>>
        %dma_start3A_923 = tpu.memref_squeeze %dma_start3A_922 : memref<1x80xi32, #tpu.memory_space<vmem>> -> memref<80xi32, #tpu.memory_space<vmem>>
        %dma_start3A_924 = arith.constant 0 : i32
        %dma_start3A_925 = arith.constant 0 : i32
        %dma_start3A_926 = tpu.memref_slice %arg10[%dma_start3A_924, %dma_start3A_925] : memref<10000x128xf32, #tpu.memory_space<vmem_shared>> -> memref<10000x128xf32, #tpu.memory_space<vmem_shared>>
        tpu.enqueue_indirect_dma source(%dma_start3A_920 : memref<80x128xf32, #tpu.memory_space<vmem>>) target(%dma_start3A_926 : memref<10000x128xf32, #tpu.memory_space<vmem_shared>>) offsets(%dma_start3A_923 : memref<80xi32, #tpu.memory_space<vmem>>) semaphore(%run_scoped3A_916 : memref<!tpu.dma_semaphore, #tpu.memory_space<semaphore_mem>>) {add = true}
        %dma_wait3A_927 = arith.constant 0 : i32
        %dma_wait3A_928 = arith.constant 0 : i32
        %dma_wait3A_929 = tpu.memref_slice %arg8[%run_scoped3A_835, %dma_wait3A_927, %dma_wait3A_928] : memref<4x80x128xf32, #tpu.memory_space<vmem>> -> memref<1x80x128xf32, #tpu.memory_space<vmem>>
        %dma_wait3A_930 = tpu.memref_squeeze %dma_wait3A_929 : memref<1x80x128xf32, #tpu.memory_space<vmem>> -> memref<80x128xf32, #tpu.memory_space<vmem>>
        %dma_wait3A_931 = arith.constant 0 : i32
        %dma_wait3A_932 = tpu.memref_slice %arg7[%run_scoped3A_836, %dma_wait3A_931] : memref<4x80xi32, #tpu.memory_space<vmem>> -> memref<1x80xi32, #tpu.memory_space<vmem>>
        %dma_wait3A_933 = tpu.memref_squeeze %dma_wait3A_932 : memref<1x80xi32, #tpu.memory_space<vmem>> -> memref<80xi32, #tpu.memory_space<vmem>>
        %dma_wait3A_934 = arith.constant 0 : i32
        %dma_wait3A_935 = arith.constant 0 : i32
        %dma_wait3A_936 = tpu.memref_slice %arg10[%dma_wait3A_934, %dma_wait3A_935] : memref<10000x128xf32, #tpu.memory_space<vmem_shared>> -> memref<10000x128xf32, #tpu.memory_space<vmem_shared>>
        tpu.wait_indirect_dma semaphore(%run_scoped3A_916 : memref<!tpu.dma_semaphore, #tpu.memory_space<semaphore_mem>>) src(%dma_wait3A_930 : memref<80x128xf32, #tpu.memory_space<vmem>>) dst(%dma_wait3A_936 : memref<10000x128xf32, #tpu.memory_space<vmem_shared>>)
        tpu.yield
      }) : () -> ()
      %add3A_837 = arith.constant 4 : i32
      %add3A_838 = arith.addi %add3A_822, %add3A_837 : i32
      %lt3A_839 = arith.constant 125 : i32
      %lt3A_840 = arith.cmpi slt, %add3A_838, %lt3A_839 : i32
      %convert_element_type3A_841 = arith.extui %lt3A_840 : i1 to i32
      %cond3A_842 = arith.constant 0 : i32
      %cond3A_843 = arith.cmpi ne, %convert_element_type3A_841, %cond3A_842 : i32
      scf.if %cond3A_843 {
        %add3A_916 = arith.constant 4 : i32
        %add3A_917 = arith.addi %add3A_822, %add3A_916 : i32
        %dma_start3A_918 = arith.constant 1 : i32
        %dma_start3A_919 = arith.constant 0 : i32
        %dma_start3A_920 = tpu.memref_slice %arg6[%dma_start3A_918, %dma_start3A_919] : memref<4x80xi32, #tpu.memory_space<vmem>> -> memref<1x80xi32, #tpu.memory_space<vmem>>
        %dma_start3A_921 = tpu.memref_squeeze %dma_start3A_920 : memref<1x80xi32, #tpu.memory_space<vmem>> -> memref<80xi32, #tpu.memory_space<vmem>>
        %dma_start3A_922 = arith.constant 0 : i32
        %dma_start3A_923 = tpu.memref_slice %arg3[%add3A, %add3A_917, %dma_start3A_922] : memref<32x125x80xi32, #tpu.memory_space<hbm>> -> memref<1x1x80xi32, #tpu.memory_space<hbm>>
        %dma_start3A_924 = tpu.memref_squeeze %dma_start3A_923 : memref<1x1x80xi32, #tpu.memory_space<hbm>> -> memref<80xi32, #tpu.memory_space<hbm>>
        %dma_start3A_925 = arith.constant 0 : i32
        %dma_start3A_926 = tpu.memref_slice %arg6[%dma_start3A_918, %dma_start3A_925] : memref<4x80xi32, #tpu.memory_space<vmem>> -> memref<1x80xi32, #tpu.memory_space<vmem>>
        %dma_start3A_927 = tpu.memref_squeeze %dma_start3A_926 : memref<1x80xi32, #tpu.memory_space<vmem>> -> memref<80xi32, #tpu.memory_space<vmem>>
        %dma_start3A_928 = arith.constant 0 : i32
        %dma_start3A_929 = tpu.memref_slice %arg3[%add3A, %add3A_917, %dma_start3A_928] : memref<32x125x80xi32, #tpu.memory_space<hbm>> -> memref<1x1x80xi32, #tpu.memory_space<hbm>>
        %dma_start3A_930 = tpu.memref_squeeze %dma_start3A_929 : memref<1x1x80xi32, #tpu.memory_space<hbm>> -> memref<80xi32, #tpu.memory_space<hbm>>
        tpu.enqueue_dma source(%dma_start3A_930 : memref<80xi32, #tpu.memory_space<hbm>>) target(%dma_start3A_927 : memref<80xi32, #tpu.memory_space<vmem>>) target_semaphore(%arg16 : memref<!tpu.dma_semaphore, #tpu.memory_space<semaphore_mem>>)
        %dma_start3A_931 = arith.constant 1 : i32
        %dma_start3A_932 = arith.constant 0 : i32
        %dma_start3A_933 = tpu.memref_slice %arg7[%dma_start3A_931, %dma_start3A_932] : memref<4x80xi32, #tpu.memory_space<vmem>> -> memref<1x80xi32, #tpu.memory_space<vmem>>
        %dma_start3A_934 = tpu.memref_squeeze %dma_start3A_933 : memref<1x80xi32, #tpu.memory_space<vmem>> -> memref<80xi32, #tpu.memory_space<vmem>>
        %dma_start3A_935 = arith.constant 0 : i32
        %dma_start3A_936 = tpu.memref_slice %arg4[%add3A, %add3A_917, %dma_start3A_935] : memref<32x125x80xi32, #tpu.memory_space<hbm>> -> memref<1x1x80xi32, #tpu.memory_space<hbm>>
        %dma_start3A_937 = tpu.memref_squeeze %dma_start3A_936 : memref<1x1x80xi32, #tpu.memory_space<hbm>> -> memref<80xi32, #tpu.memory_space<hbm>>
        %dma_start3A_938 = arith.constant 0 : i32
        %dma_start3A_939 = tpu.memref_slice %arg7[%dma_start3A_931, %dma_start3A_938] : memref<4x80xi32, #tpu.memory_space<vmem>> -> memref<1x80xi32, #tpu.memory_space<vmem>>
        %dma_start3A_940 = tpu.memref_squeeze %dma_start3A_939 : memref<1x80xi32, #tpu.memory_space<vmem>> -> memref<80xi32, #tpu.memory_space<vmem>>
        %dma_start3A_941 = arith.constant 0 : i32
        %dma_start3A_942 = tpu.memref_slice %arg4[%add3A, %add3A_917, %dma_start3A_941] : memref<32x125x80xi32, #tpu.memory_space<hbm>> -> memref<1x1x80xi32, #tpu.memory_space<hbm>>
        %dma_start3A_943 = tpu.memref_squeeze %dma_start3A_942 : memref<1x1x80xi32, #tpu.memory_space<hbm>> -> memref<80xi32, #tpu.memory_space<hbm>>
        tpu.enqueue_dma source(%dma_start3A_943 : memref<80xi32, #tpu.memory_space<hbm>>) target(%dma_start3A_940 : memref<80xi32, #tpu.memory_space<vmem>>) target_semaphore(%arg16 : memref<!tpu.dma_semaphore, #tpu.memory_space<semaphore_mem>>)
      } else {
      }
      %add3A_844 = arith.constant 3 : i32
      %add3A_845 = arith.addi %add3A_822, %add3A_844 : i32
      %lt3A_846 = arith.constant 125 : i32
      %lt3A_847 = arith.cmpi slt, %add3A_845, %lt3A_846 : i32
      %convert_element_type3A_848 = arith.extui %lt3A_847 : i1 to i32
      %cond3A_849 = arith.constant 0 : i32
      %cond3A_850 = arith.cmpi ne, %convert_element_type3A_848, %cond3A_849 : i32
      scf.if %cond3A_850 {
        %dma_wait3A_916 = arith.constant 0 : i32
        %dma_wait3A_917 = arith.constant 0 : i32
        %dma_wait3A_918 = arith.constant 0 : i32
        %dma_wait3A_919 = tpu.memref_slice %arg6[%dma_wait3A_917, %dma_wait3A_918] : memref<4x80xi32, #tpu.memory_space<vmem>> -> memref<1x80xi32, #tpu.memory_space<vmem>>
        %dma_wait3A_920 = tpu.memref_squeeze %dma_wait3A_919 : memref<1x80xi32, #tpu.memory_space<vmem>> -> memref<80xi32, #tpu.memory_space<vmem>>
        %dma_wait3A_921 = arith.constant 0 : i32
        %dma_wait3A_922 = tpu.memref_slice %arg3[%add3A, %dma_wait3A_916, %dma_wait3A_921] : memref<32x125x80xi32, #tpu.memory_space<hbm>> -> memref<1x1x80xi32, #tpu.memory_space<hbm>>
        %dma_wait3A_923 = tpu.memref_squeeze %dma_wait3A_922 : memref<1x1x80xi32, #tpu.memory_space<hbm>> -> memref<80xi32, #tpu.memory_space<hbm>>
        %dma_wait3A_924 = arith.constant 0 : i32
        %dma_wait3A_925 = tpu.memref_slice %arg6[%dma_wait3A_917, %dma_wait3A_924] : memref<4x80xi32, #tpu.memory_space<vmem>> -> memref<1x80xi32, #tpu.memory_space<vmem>>
        %dma_wait3A_926 = tpu.memref_squeeze %dma_wait3A_925 : memref<1x80xi32, #tpu.memory_space<vmem>> -> memref<80xi32, #tpu.memory_space<vmem>>
        %dma_wait3A_927 = arith.constant 0 : i32
        %dma_wait3A_928 = tpu.memref_slice %arg3[%add3A, %dma_wait3A_916, %dma_wait3A_927] : memref<32x125x80xi32, #tpu.memory_space<hbm>> -> memref<1x1x80xi32, #tpu.memory_space<hbm>>
        %dma_wait3A_929 = tpu.memref_squeeze %dma_wait3A_928 : memref<1x1x80xi32, #tpu.memory_space<hbm>> -> memref<80xi32, #tpu.memory_space<hbm>>
        tpu.wait_dma2 semaphore(%arg15 : memref<!tpu.dma_semaphore, #tpu.memory_space<semaphore_mem>>) src(%dma_wait3A_929 : memref<80xi32, #tpu.memory_space<hbm>>) dst(%dma_wait3A_926 : memref<80xi32, #tpu.memory_space<vmem>>)
        %dma_wait3A_930 = arith.constant 0 : i32
        %dma_wait3A_931 = arith.constant 0 : i32
        %dma_wait3A_932 = arith.constant 0 : i32
        %dma_wait3A_933 = tpu.memref_slice %arg7[%dma_wait3A_931, %dma_wait3A_932] : memref<4x80xi32, #tpu.memory_space<vmem>> -> memref<1x80xi32, #tpu.memory_space<vmem>>
        %dma_wait3A_934 = tpu.memref_squeeze %dma_wait3A_933 : memref<1x80xi32, #tpu.memory_space<vmem>> -> memref<80xi32, #tpu.memory_space<vmem>>
        %dma_wait3A_935 = arith.constant 0 : i32
        %dma_wait3A_936 = tpu.memref_slice %arg4[%add3A, %dma_wait3A_930, %dma_wait3A_935] : memref<32x125x80xi32, #tpu.memory_space<hbm>> -> memref<1x1x80xi32, #tpu.memory_space<hbm>>
        %dma_wait3A_937 = tpu.memref_squeeze %dma_wait3A_936 : memref<1x1x80xi32, #tpu.memory_space<hbm>> -> memref<80xi32, #tpu.memory_space<hbm>>
        %dma_wait3A_938 = arith.constant 0 : i32
        %dma_wait3A_939 = tpu.memref_slice %arg7[%dma_wait3A_931, %dma_wait3A_938] : memref<4x80xi32, #tpu.memory_space<vmem>> -> memref<1x80xi32, #tpu.memory_space<vmem>>
        %dma_wait3A_940 = tpu.memref_squeeze %dma_wait3A_939 : memref<1x80xi32, #tpu.memory_space<vmem>> -> memref<80xi32, #tpu.memory_space<vmem>>
        %dma_wait3A_941 = arith.constant 0 : i32
        %dma_wait3A_942 = tpu.memref_slice %arg4[%add3A, %dma_wait3A_930, %dma_wait3A_941] : memref<32x125x80xi32, #tpu.memory_space<hbm>> -> memref<1x1x80xi32, #tpu.memory_space<hbm>>
        %dma_wait3A_943 = tpu.memref_squeeze %dma_wait3A_942 : memref<1x1x80xi32, #tpu.memory_space<hbm>> -> memref<80xi32, #tpu.memory_space<hbm>>
        tpu.wait_dma2 semaphore(%arg15 : memref<!tpu.dma_semaphore, #tpu.memory_space<semaphore_mem>>) src(%dma_wait3A_943 : memref<80xi32, #tpu.memory_space<hbm>>) dst(%dma_wait3A_940 : memref<80xi32, #tpu.memory_space<vmem>>)
        %dma_start3A_944 = arith.constant 0 : i32
        %dma_start3A_945 = arith.constant 0 : i32
        %dma_start3A_946 = arith.constant 0 : i32
        %dma_start3A_947 = arith.constant 0 : i32
        %dma_start3A_948 = tpu.memref_slice %arg8[%dma_start3A_945, %dma_start3A_946, %dma_start3A_947] : memref<4x80x128xf32, #tpu.memory_space<vmem>> -> memref<1x80x128xf32, #tpu.memory_space<vmem>>
        %dma_start3A_949 = tpu.memref_squeeze %dma_start3A_948 : memref<1x80x128xf32, #tpu.memory_space<vmem>> -> memref<80x128xf32, #tpu.memory_space<vmem>>
        %dma_start3A_950 = arith.constant 0 : i32
        %dma_start3A_951 = tpu.memref_slice %arg6[%dma_start3A_944, %dma_start3A_950] : memref<4x80xi32, #tpu.memory_space<vmem>> -> memref<1x80xi32, #tpu.memory_space<vmem>>
        %dma_start3A_952 = tpu.memref_squeeze %dma_start3A_951 : memref<1x80xi32, #tpu.memory_space<vmem>> -> memref<80xi32, #tpu.memory_space<vmem>>
        %dma_start3A_953 = arith.constant 0 : i32
        %dma_start3A_954 = arith.constant 0 : i32
        %dma_start3A_955 = tpu.memref_slice %arg2[%dma_start3A_953, %dma_start3A_954] : memref<10000x128xf32, #tpu.memory_space<hbm>> -> memref<10000x128xf32, #tpu.memory_space<hbm>>
        tpu.enqueue_indirect_dma source(%dma_start3A_955 : memref<10000x128xf32, #tpu.memory_space<hbm>>) target(%dma_start3A_949 : memref<80x128xf32, #tpu.memory_space<vmem>>) offsets(%dma_start3A_952 : memref<80xi32, #tpu.memory_space<vmem>>) semaphore(%arg11 : memref<!tpu.dma_semaphore, #tpu.memory_space<semaphore_mem>>)
      } else {
      }
      %mul3A_851 = arith.constant 4 : i32
      %mul3A_852 = arith.muli %scan3A_788, %mul3A_851 : i32
      %add3A_853 = arith.constant 2 : i32
      %add3A_854 = arith.addi %mul3A_852, %add3A_853 : i32
      %dma_wait3A_855 = arith.constant 0 : i32
      %dma_wait3A_856 = arith.constant 2 : i32
      %dma_wait3A_857 = arith.constant 0 : i32
      %dma_wait3A_858 = arith.constant 0 : i32
      %dma_wait3A_859 = tpu.memref_slice %arg8[%dma_wait3A_856, %dma_wait3A_857, %dma_wait3A_858] : memref<4x80x128xf32, #tpu.memory_space<vmem>> -> memref<1x80x128xf32, #tpu.memory_space<vmem>>
      %dma_wait3A_860 = tpu.memref_squeeze %dma_wait3A_859 : memref<1x80x128xf32, #tpu.memory_space<vmem>> -> memref<80x128xf32, #tpu.memory_space<vmem>>
      %dma_wait3A_861 = arith.constant 0 : i32
      %dma_wait3A_862 = tpu.memref_slice %arg6[%dma_wait3A_855, %dma_wait3A_861] : memref<4x80xi32, #tpu.memory_space<vmem>> -> memref<1x80xi32, #tpu.memory_space<vmem>>
      %dma_wait3A_863 = tpu.memref_squeeze %dma_wait3A_862 : memref<1x80xi32, #tpu.memory_space<vmem>> -> memref<80xi32, #tpu.memory_space<vmem>>
      %dma_wait3A_864 = arith.constant 0 : i32
      %dma_wait3A_865 = arith.constant 0 : i32
      %dma_wait3A_866 = tpu.memref_slice %arg2[%dma_wait3A_864, %dma_wait3A_865] : memref<10000x128xf32, #tpu.memory_space<hbm>> -> memref<10000x128xf32, #tpu.memory_space<hbm>>
      tpu.wait_indirect_dma semaphore(%arg13 : memref<!tpu.dma_semaphore, #tpu.memory_space<semaphore_mem>>) src(%dma_wait3A_866 : memref<10000x128xf32, #tpu.memory_space<hbm>>) dst(%dma_wait3A_860 : memref<80x128xf32, #tpu.memory_space<vmem>>)
      %run_scoped3A_867 = arith.constant 2 : i32
      %run_scoped3A_868 = arith.constant 2 : i32
      "tpu.region"() ({
        %run_scoped3A_916 = tpu.sem_alloc : memref<!tpu.dma_semaphore, #tpu.memory_space<semaphore_mem>>
        %dma_start3A_917 = arith.constant 0 : i32
        %dma_start3A_918 = arith.constant 0 : i32
        %dma_start3A_919 = tpu.memref_slice %arg8[%run_scoped3A_867, %dma_start3A_917, %dma_start3A_918] : memref<4x80x128xf32, #tpu.memory_space<vmem>> -> memref<1x80x128xf32, #tpu.memory_space<vmem>>
        %dma_start3A_920 = tpu.memref_squeeze %dma_start3A_919 : memref<1x80x128xf32, #tpu.memory_space<vmem>> -> memref<80x128xf32, #tpu.memory_space<vmem>>
        %dma_start3A_921 = arith.constant 0 : i32
        %dma_start3A_922 = tpu.memref_slice %arg7[%run_scoped3A_868, %dma_start3A_921] : memref<4x80xi32, #tpu.memory_space<vmem>> -> memref<1x80xi32, #tpu.memory_space<vmem>>
        %dma_start3A_923 = tpu.memref_squeeze %dma_start3A_922 : memref<1x80xi32, #tpu.memory_space<vmem>> -> memref<80xi32, #tpu.memory_space<vmem>>
        %dma_start3A_924 = arith.constant 0 : i32
        %dma_start3A_925 = arith.constant 0 : i32
        %dma_start3A_926 = tpu.memref_slice %arg10[%dma_start3A_924, %dma_start3A_925] : memref<10000x128xf32, #tpu.memory_space<vmem_shared>> -> memref<10000x128xf32, #tpu.memory_space<vmem_shared>>
        tpu.enqueue_indirect_dma source(%dma_start3A_920 : memref<80x128xf32, #tpu.memory_space<vmem>>) target(%dma_start3A_926 : memref<10000x128xf32, #tpu.memory_space<vmem_shared>>) offsets(%dma_start3A_923 : memref<80xi32, #tpu.memory_space<vmem>>) semaphore(%run_scoped3A_916 : memref<!tpu.dma_semaphore, #tpu.memory_space<semaphore_mem>>) {add = true}
        %dma_wait3A_927 = arith.constant 0 : i32
        %dma_wait3A_928 = arith.constant 0 : i32
        %dma_wait3A_929 = tpu.memref_slice %arg8[%run_scoped3A_867, %dma_wait3A_927, %dma_wait3A_928] : memref<4x80x128xf32, #tpu.memory_space<vmem>> -> memref<1x80x128xf32, #tpu.memory_space<vmem>>
        %dma_wait3A_930 = tpu.memref_squeeze %dma_wait3A_929 : memref<1x80x128xf32, #tpu.memory_space<vmem>> -> memref<80x128xf32, #tpu.memory_space<vmem>>
        %dma_wait3A_931 = arith.constant 0 : i32
        %dma_wait3A_932 = tpu.memref_slice %arg7[%run_scoped3A_868, %dma_wait3A_931] : memref<4x80xi32, #tpu.memory_space<vmem>> -> memref<1x80xi32, #tpu.memory_space<vmem>>
        %dma_wait3A_933 = tpu.memref_squeeze %dma_wait3A_932 : memref<1x80xi32, #tpu.memory_space<vmem>> -> memref<80xi32, #tpu.memory_space<vmem>>
        %dma_wait3A_934 = arith.constant 0 : i32
        %dma_wait3A_935 = arith.constant 0 : i32
        %dma_wait3A_936 = tpu.memref_slice %arg10[%dma_wait3A_934, %dma_wait3A_935] : memref<10000x128xf32, #tpu.memory_space<vmem_shared>> -> memref<10000x128xf32, #tpu.memory_space<vmem_shared>>
        tpu.wait_indirect_dma semaphore(%run_scoped3A_916 : memref<!tpu.dma_semaphore, #tpu.memory_space<semaphore_mem>>) src(%dma_wait3A_930 : memref<80x128xf32, #tpu.memory_space<vmem>>) dst(%dma_wait3A_936 : memref<10000x128xf32, #tpu.memory_space<vmem_shared>>)
        tpu.yield
      }) : () -> ()
      %add3A_869 = arith.constant 4 : i32
      %add3A_870 = arith.addi %add3A_854, %add3A_869 : i32
      %lt3A_871 = arith.constant 125 : i32
      %lt3A_872 = arith.cmpi slt, %add3A_870, %lt3A_871 : i32
      %convert_element_type3A_873 = arith.extui %lt3A_872 : i1 to i32
      %cond3A_874 = arith.constant 0 : i32
      %cond3A_875 = arith.cmpi ne, %convert_element_type3A_873, %cond3A_874 : i32
      scf.if %cond3A_875 {
        %add3A_916 = arith.constant 4 : i32
        %add3A_917 = arith.addi %add3A_854, %add3A_916 : i32
        %dma_start3A_918 = arith.constant 2 : i32
        %dma_start3A_919 = arith.constant 0 : i32
        %dma_start3A_920 = tpu.memref_slice %arg6[%dma_start3A_918, %dma_start3A_919] : memref<4x80xi32, #tpu.memory_space<vmem>> -> memref<1x80xi32, #tpu.memory_space<vmem>>
        %dma_start3A_921 = tpu.memref_squeeze %dma_start3A_920 : memref<1x80xi32, #tpu.memory_space<vmem>> -> memref<80xi32, #tpu.memory_space<vmem>>
        %dma_start3A_922 = arith.constant 0 : i32
        %dma_start3A_923 = tpu.memref_slice %arg3[%add3A, %add3A_917, %dma_start3A_922] : memref<32x125x80xi32, #tpu.memory_space<hbm>> -> memref<1x1x80xi32, #tpu.memory_space<hbm>>
        %dma_start3A_924 = tpu.memref_squeeze %dma_start3A_923 : memref<1x1x80xi32, #tpu.memory_space<hbm>> -> memref<80xi32, #tpu.memory_space<hbm>>
        %dma_start3A_925 = arith.constant 0 : i32
        %dma_start3A_926 = tpu.memref_slice %arg6[%dma_start3A_918, %dma_start3A_925] : memref<4x80xi32, #tpu.memory_space<vmem>> -> memref<1x80xi32, #tpu.memory_space<vmem>>
        %dma_start3A_927 = tpu.memref_squeeze %dma_start3A_926 : memref<1x80xi32, #tpu.memory_space<vmem>> -> memref<80xi32, #tpu.memory_space<vmem>>
        %dma_start3A_928 = arith.constant 0 : i32
        %dma_start3A_929 = tpu.memref_slice %arg3[%add3A, %add3A_917, %dma_start3A_928] : memref<32x125x80xi32, #tpu.memory_space<hbm>> -> memref<1x1x80xi32, #tpu.memory_space<hbm>>
        %dma_start3A_930 = tpu.memref_squeeze %dma_start3A_929 : memref<1x1x80xi32, #tpu.memory_space<hbm>> -> memref<80xi32, #tpu.memory_space<hbm>>
        tpu.enqueue_dma source(%dma_start3A_930 : memref<80xi32, #tpu.memory_space<hbm>>) target(%dma_start3A_927 : memref<80xi32, #tpu.memory_space<vmem>>) target_semaphore(%arg17 : memref<!tpu.dma_semaphore, #tpu.memory_space<semaphore_mem>>)
        %dma_start3A_931 = arith.constant 2 : i32
        %dma_start3A_932 = arith.constant 0 : i32
        %dma_start3A_933 = tpu.memref_slice %arg7[%dma_start3A_931, %dma_start3A_932] : memref<4x80xi32, #tpu.memory_space<vmem>> -> memref<1x80xi32, #tpu.memory_space<vmem>>
        %dma_start3A_934 = tpu.memref_squeeze %dma_start3A_933 : memref<1x80xi32, #tpu.memory_space<vmem>> -> memref<80xi32, #tpu.memory_space<vmem>>
        %dma_start3A_935 = arith.constant 0 : i32
        %dma_start3A_936 = tpu.memref_slice %arg4[%add3A, %add3A_917, %dma_start3A_935] : memref<32x125x80xi32, #tpu.memory_space<hbm>> -> memref<1x1x80xi32, #tpu.memory_space<hbm>>
        %dma_start3A_937 = tpu.memref_squeeze %dma_start3A_936 : memref<1x1x80xi32, #tpu.memory_space<hbm>> -> memref<80xi32, #tpu.memory_space<hbm>>
        %dma_start3A_938 = arith.constant 0 : i32
        %dma_start3A_939 = tpu.memref_slice %arg7[%dma_start3A_931, %dma_start3A_938] : memref<4x80xi32, #tpu.memory_space<vmem>> -> memref<1x80xi32, #tpu.memory_space<vmem>>
        %dma_start3A_940 = tpu.memref_squeeze %dma_start3A_939 : memref<1x80xi32, #tpu.memory_space<vmem>> -> memref<80xi32, #tpu.memory_space<vmem>>
        %dma_start3A_941 = arith.constant 0 : i32
        %dma_start3A_942 = tpu.memref_slice %arg4[%add3A, %add3A_917, %dma_start3A_941] : memref<32x125x80xi32, #tpu.memory_space<hbm>> -> memref<1x1x80xi32, #tpu.memory_space<hbm>>
        %dma_start3A_943 = tpu.memref_squeeze %dma_start3A_942 : memref<1x1x80xi32, #tpu.memory_space<hbm>> -> memref<80xi32, #tpu.memory_space<hbm>>
        tpu.enqueue_dma source(%dma_start3A_943 : memref<80xi32, #tpu.memory_space<hbm>>) target(%dma_start3A_940 : memref<80xi32, #tpu.memory_space<vmem>>) target_semaphore(%arg17 : memref<!tpu.dma_semaphore, #tpu.memory_space<semaphore_mem>>)
      } else {
      }
      %add3A_876 = arith.constant 3 : i32
      %add3A_877 = arith.addi %add3A_854, %add3A_876 : i32
      %lt3A_878 = arith.constant 125 : i32
      %lt3A_879 = arith.cmpi slt, %add3A_877, %lt3A_878 : i32
      %convert_element_type3A_880 = arith.extui %lt3A_879 : i1 to i32
      %cond3A_881 = arith.constant 0 : i32
      %cond3A_882 = arith.cmpi ne, %convert_element_type3A_880, %cond3A_881 : i32
      scf.if %cond3A_882 {
        %dma_wait3A_916 = arith.constant 0 : i32
        %dma_wait3A_917 = arith.constant 1 : i32
        %dma_wait3A_918 = arith.constant 0 : i32
        %dma_wait3A_919 = tpu.memref_slice %arg6[%dma_wait3A_917, %dma_wait3A_918] : memref<4x80xi32, #tpu.memory_space<vmem>> -> memref<1x80xi32, #tpu.memory_space<vmem>>
        %dma_wait3A_920 = tpu.memref_squeeze %dma_wait3A_919 : memref<1x80xi32, #tpu.memory_space<vmem>> -> memref<80xi32, #tpu.memory_space<vmem>>
        %dma_wait3A_921 = arith.constant 0 : i32
        %dma_wait3A_922 = tpu.memref_slice %arg3[%add3A, %dma_wait3A_916, %dma_wait3A_921] : memref<32x125x80xi32, #tpu.memory_space<hbm>> -> memref<1x1x80xi32, #tpu.memory_space<hbm>>
        %dma_wait3A_923 = tpu.memref_squeeze %dma_wait3A_922 : memref<1x1x80xi32, #tpu.memory_space<hbm>> -> memref<80xi32, #tpu.memory_space<hbm>>
        %dma_wait3A_924 = arith.constant 0 : i32
        %dma_wait3A_925 = tpu.memref_slice %arg6[%dma_wait3A_917, %dma_wait3A_924] : memref<4x80xi32, #tpu.memory_space<vmem>> -> memref<1x80xi32, #tpu.memory_space<vmem>>
        %dma_wait3A_926 = tpu.memref_squeeze %dma_wait3A_925 : memref<1x80xi32, #tpu.memory_space<vmem>> -> memref<80xi32, #tpu.memory_space<vmem>>
        %dma_wait3A_927 = arith.constant 0 : i32
        %dma_wait3A_928 = tpu.memref_slice %arg3[%add3A, %dma_wait3A_916, %dma_wait3A_927] : memref<32x125x80xi32, #tpu.memory_space<hbm>> -> memref<1x1x80xi32, #tpu.memory_space<hbm>>
        %dma_wait3A_929 = tpu.memref_squeeze %dma_wait3A_928 : memref<1x1x80xi32, #tpu.memory_space<hbm>> -> memref<80xi32, #tpu.memory_space<hbm>>
        tpu.wait_dma2 semaphore(%arg16 : memref<!tpu.dma_semaphore, #tpu.memory_space<semaphore_mem>>) src(%dma_wait3A_929 : memref<80xi32, #tpu.memory_space<hbm>>) dst(%dma_wait3A_926 : memref<80xi32, #tpu.memory_space<vmem>>)
        %dma_wait3A_930 = arith.constant 0 : i32
        %dma_wait3A_931 = arith.constant 1 : i32
        %dma_wait3A_932 = arith.constant 0 : i32
        %dma_wait3A_933 = tpu.memref_slice %arg7[%dma_wait3A_931, %dma_wait3A_932] : memref<4x80xi32, #tpu.memory_space<vmem>> -> memref<1x80xi32, #tpu.memory_space<vmem>>
        %dma_wait3A_934 = tpu.memref_squeeze %dma_wait3A_933 : memref<1x80xi32, #tpu.memory_space<vmem>> -> memref<80xi32, #tpu.memory_space<vmem>>
        %dma_wait3A_935 = arith.constant 0 : i32
        %dma_wait3A_936 = tpu.memref_slice %arg4[%add3A, %dma_wait3A_930, %dma_wait3A_935] : memref<32x125x80xi32, #tpu.memory_space<hbm>> -> memref<1x1x80xi32, #tpu.memory_space<hbm>>
        %dma_wait3A_937 = tpu.memref_squeeze %dma_wait3A_936 : memref<1x1x80xi32, #tpu.memory_space<hbm>> -> memref<80xi32, #tpu.memory_space<hbm>>
        %dma_wait3A_938 = arith.constant 0 : i32
        %dma_wait3A_939 = tpu.memref_slice %arg7[%dma_wait3A_931, %dma_wait3A_938] : memref<4x80xi32, #tpu.memory_space<vmem>> -> memref<1x80xi32, #tpu.memory_space<vmem>>
        %dma_wait3A_940 = tpu.memref_squeeze %dma_wait3A_939 : memref<1x80xi32, #tpu.memory_space<vmem>> -> memref<80xi32, #tpu.memory_space<vmem>>
        %dma_wait3A_941 = arith.constant 0 : i32
        %dma_wait3A_942 = tpu.memref_slice %arg4[%add3A, %dma_wait3A_930, %dma_wait3A_941] : memref<32x125x80xi32, #tpu.memory_space<hbm>> -> memref<1x1x80xi32, #tpu.memory_space<hbm>>
        %dma_wait3A_943 = tpu.memref_squeeze %dma_wait3A_942 : memref<1x1x80xi32, #tpu.memory_space<hbm>> -> memref<80xi32, #tpu.memory_space<hbm>>
        tpu.wait_dma2 semaphore(%arg16 : memref<!tpu.dma_semaphore, #tpu.memory_space<semaphore_mem>>) src(%dma_wait3A_943 : memref<80xi32, #tpu.memory_space<hbm>>) dst(%dma_wait3A_940 : memref<80xi32, #tpu.memory_space<vmem>>)
        %dma_start3A_944 = arith.constant 1 : i32
        %dma_start3A_945 = arith.constant 1 : i32
        %dma_start3A_946 = arith.constant 0 : i32
        %dma_start3A_947 = arith.constant 0 : i32
        %dma_start3A_948 = tpu.memref_slice %arg8[%dma_start3A_945, %dma_start3A_946, %dma_start3A_947] : memref<4x80x128xf32, #tpu.memory_space<vmem>> -> memref<1x80x128xf32, #tpu.memory_space<vmem>>
        %dma_start3A_949 = tpu.memref_squeeze %dma_start3A_948 : memref<1x80x128xf32, #tpu.memory_space<vmem>> -> memref<80x128xf32, #tpu.memory_space<vmem>>
        %dma_start3A_950 = arith.constant 0 : i32
        %dma_start3A_951 = tpu.memref_slice %arg6[%dma_start3A_944, %dma_start3A_950] : memref<4x80xi32, #tpu.memory_space<vmem>> -> memref<1x80xi32, #tpu.memory_space<vmem>>
        %dma_start3A_952 = tpu.memref_squeeze %dma_start3A_951 : memref<1x80xi32, #tpu.memory_space<vmem>> -> memref<80xi32, #tpu.memory_space<vmem>>
        %dma_start3A_953 = arith.constant 0 : i32
        %dma_start3A_954 = arith.constant 0 : i32
        %dma_start3A_955 = tpu.memref_slice %arg2[%dma_start3A_953, %dma_start3A_954] : memref<10000x128xf32, #tpu.memory_space<hbm>> -> memref<10000x128xf32, #tpu.memory_space<hbm>>
        tpu.enqueue_indirect_dma source(%dma_start3A_955 : memref<10000x128xf32, #tpu.memory_space<hbm>>) target(%dma_start3A_949 : memref<80x128xf32, #tpu.memory_space<vmem>>) offsets(%dma_start3A_952 : memref<80xi32, #tpu.memory_space<vmem>>) semaphore(%arg12 : memref<!tpu.dma_semaphore, #tpu.memory_space<semaphore_mem>>)
      } else {
      }
      %mul3A_883 = arith.constant 4 : i32
      %mul3A_884 = arith.muli %scan3A_788, %mul3A_883 : i32
      %add3A_885 = arith.constant 3 : i32
      %add3A_886 = arith.addi %mul3A_884, %add3A_885 : i32
      %dma_wait3A_887 = arith.constant 0 : i32
      %dma_wait3A_888 = arith.constant 3 : i32
      %dma_wait3A_889 = arith.constant 0 : i32
      %dma_wait3A_890 = arith.constant 0 : i32
      %dma_wait3A_891 = tpu.memref_slice %arg8[%dma_wait3A_888, %dma_wait3A_889, %dma_wait3A_890] : memref<4x80x128xf32, #tpu.memory_space<vmem>> -> memref<1x80x128xf32, #tpu.memory_space<vmem>>
      %dma_wait3A_892 = tpu.memref_squeeze %dma_wait3A_891 : memref<1x80x128xf32, #tpu.memory_space<vmem>> -> memref<80x128xf32, #tpu.memory_space<vmem>>
      %dma_wait3A_893 = arith.constant 0 : i32
      %dma_wait3A_894 = tpu.memref_slice %arg6[%dma_wait3A_887, %dma_wait3A_893] : memref<4x80xi32, #tpu.memory_space<vmem>> -> memref<1x80xi32, #tpu.memory_space<vmem>>
      %dma_wait3A_895 = tpu.memref_squeeze %dma_wait3A_894 : memref<1x80xi32, #tpu.memory_space<vmem>> -> memref<80xi32, #tpu.memory_space<vmem>>
      %dma_wait3A_896 = arith.constant 0 : i32
      %dma_wait3A_897 = arith.constant 0 : i32
      %dma_wait3A_898 = tpu.memref_slice %arg2[%dma_wait3A_896, %dma_wait3A_897] : memref<10000x128xf32, #tpu.memory_space<hbm>> -> memref<10000x128xf32, #tpu.memory_space<hbm>>
      tpu.wait_indirect_dma semaphore(%arg14 : memref<!tpu.dma_semaphore, #tpu.memory_space<semaphore_mem>>) src(%dma_wait3A_898 : memref<10000x128xf32, #tpu.memory_space<hbm>>) dst(%dma_wait3A_892 : memref<80x128xf32, #tpu.memory_space<vmem>>)
      %run_scoped3A_899 = arith.constant 3 : i32
      %run_scoped3A_900 = arith.constant 3 : i32
      "tpu.region"() ({
        %run_scoped3A_916 = tpu.sem_alloc : memref<!tpu.dma_semaphore, #tpu.memory_space<semaphore_mem>>
        %dma_start3A_917 = arith.constant 0 : i32
        %dma_start3A_918 = arith.constant 0 : i32
        %dma_start3A_919 = tpu.memref_slice %arg8[%run_scoped3A_899, %dma_start3A_917, %dma_start3A_918] : memref<4x80x128xf32, #tpu.memory_space<vmem>> -> memref<1x80x128xf32, #tpu.memory_space<vmem>>
        %dma_start3A_920 = tpu.memref_squeeze %dma_start3A_919 : memref<1x80x128xf32, #tpu.memory_space<vmem>> -> memref<80x128xf32, #tpu.memory_space<vmem>>
        %dma_start3A_921 = arith.constant 0 : i32
        %dma_start3A_922 = tpu.memref_slice %arg7[%run_scoped3A_900, %dma_start3A_921] : memref<4x80xi32, #tpu.memory_space<vmem>> -> memref<1x80xi32, #tpu.memory_space<vmem>>
        %dma_start3A_923 = tpu.memref_squeeze %dma_start3A_922 : memref<1x80xi32, #tpu.memory_space<vmem>> -> memref<80xi32, #tpu.memory_space<vmem>>
        %dma_start3A_924 = arith.constant 0 : i32
        %dma_start3A_925 = arith.constant 0 : i32
        %dma_start3A_926 = tpu.memref_slice %arg10[%dma_start3A_924, %dma_start3A_925] : memref<10000x128xf32, #tpu.memory_space<vmem_shared>> -> memref<10000x128xf32, #tpu.memory_space<vmem_shared>>
        tpu.enqueue_indirect_dma source(%dma_start3A_920 : memref<80x128xf32, #tpu.memory_space<vmem>>) target(%dma_start3A_926 : memref<10000x128xf32, #tpu.memory_space<vmem_shared>>) offsets(%dma_start3A_923 : memref<80xi32, #tpu.memory_space<vmem>>) semaphore(%run_scoped3A_916 : memref<!tpu.dma_semaphore, #tpu.memory_space<semaphore_mem>>) {add = true}
        %dma_wait3A_927 = arith.constant 0 : i32
        %dma_wait3A_928 = arith.constant 0 : i32
        %dma_wait3A_929 = tpu.memref_slice %arg8[%run_scoped3A_899, %dma_wait3A_927, %dma_wait3A_928] : memref<4x80x128xf32, #tpu.memory_space<vmem>> -> memref<1x80x128xf32, #tpu.memory_space<vmem>>
        %dma_wait3A_930 = tpu.memref_squeeze %dma_wait3A_929 : memref<1x80x128xf32, #tpu.memory_space<vmem>> -> memref<80x128xf32, #tpu.memory_space<vmem>>
        %dma_wait3A_931 = arith.constant 0 : i32
        %dma_wait3A_932 = tpu.memref_slice %arg7[%run_scoped3A_900, %dma_wait3A_931] : memref<4x80xi32, #tpu.memory_space<vmem>> -> memref<1x80xi32, #tpu.memory_space<vmem>>
        %dma_wait3A_933 = tpu.memref_squeeze %dma_wait3A_932 : memref<1x80xi32, #tpu.memory_space<vmem>> -> memref<80xi32, #tpu.memory_space<vmem>>
        %dma_wait3A_934 = arith.constant 0 : i32
        %dma_wait3A_935 = arith.constant 0 : i32
        %dma_wait3A_936 = tpu.memref_slice %arg10[%dma_wait3A_934, %dma_wait3A_935] : memref<10000x128xf32, #tpu.memory_space<vmem_shared>> -> memref<10000x128xf32, #tpu.memory_space<vmem_shared>>
        tpu.wait_indirect_dma semaphore(%run_scoped3A_916 : memref<!tpu.dma_semaphore, #tpu.memory_space<semaphore_mem>>) src(%dma_wait3A_930 : memref<80x128xf32, #tpu.memory_space<vmem>>) dst(%dma_wait3A_936 : memref<10000x128xf32, #tpu.memory_space<vmem_shared>>)
        tpu.yield
      }) : () -> ()
      %add3A_901 = arith.constant 4 : i32
      %add3A_902 = arith.addi %add3A_886, %add3A_901 : i32
      %lt3A_903 = arith.constant 125 : i32
      %lt3A_904 = arith.cmpi slt, %add3A_902, %lt3A_903 : i32
      %convert_element_type3A_905 = arith.extui %lt3A_904 : i1 to i32
      %cond3A_906 = arith.constant 0 : i32
      %cond3A_907 = arith.cmpi ne, %convert_element_type3A_905, %cond3A_906 : i32
      scf.if %cond3A_907 {
        %add3A_916 = arith.constant 4 : i32
        %add3A_917 = arith.addi %add3A_886, %add3A_916 : i32
        %dma_start3A_918 = arith.constant 3 : i32
        %dma_start3A_919 = arith.constant 0 : i32
        %dma_start3A_920 = tpu.memref_slice %arg6[%dma_start3A_918, %dma_start3A_919] : memref<4x80xi32, #tpu.memory_space<vmem>> -> memref<1x80xi32, #tpu.memory_space<vmem>>
        %dma_start3A_921 = tpu.memref_squeeze %dma_start3A_920 : memref<1x80xi32, #tpu.memory_space<vmem>> -> memref<80xi32, #tpu.memory_space<vmem>>
        %dma_start3A_922 = arith.constant 0 : i32
        %dma_start3A_923 = tpu.memref_slice %arg3[%add3A, %add3A_917, %dma_start3A_922] : memref<32x125x80xi32, #tpu.memory_space<hbm>> -> memref<1x1x80xi32, #tpu.memory_space<hbm>>
        %dma_start3A_924 = tpu.memref_squeeze %dma_start3A_923 : memref<1x1x80xi32, #tpu.memory_space<hbm>> -> memref<80xi32, #tpu.memory_space<hbm>>
        %dma_start3A_925 = arith.constant 0 : i32
        %dma_start3A_926 = tpu.memref_slice %arg6[%dma_start3A_918, %dma_start3A_925] : memref<4x80xi32, #tpu.memory_space<vmem>> -> memref<1x80xi32, #tpu.memory_space<vmem>>
        %dma_start3A_927 = tpu.memref_squeeze %dma_start3A_926 : memref<1x80xi32, #tpu.memory_space<vmem>> -> memref<80xi32, #tpu.memory_space<vmem>>
        %dma_start3A_928 = arith.constant 0 : i32
        %dma_start3A_929 = tpu.memref_slice %arg3[%add3A, %add3A_917, %dma_start3A_928] : memref<32x125x80xi32, #tpu.memory_space<hbm>> -> memref<1x1x80xi32, #tpu.memory_space<hbm>>
        %dma_start3A_930 = tpu.memref_squeeze %dma_start3A_929 : memref<1x1x80xi32, #tpu.memory_space<hbm>> -> memref<80xi32, #tpu.memory_space<hbm>>
        tpu.enqueue_dma source(%dma_start3A_930 : memref<80xi32, #tpu.memory_space<hbm>>) target(%dma_start3A_927 : memref<80xi32, #tpu.memory_space<vmem>>) target_semaphore(%arg18 : memref<!tpu.dma_semaphore, #tpu.memory_space<semaphore_mem>>)
        %dma_start3A_931 = arith.constant 3 : i32
        %dma_start3A_932 = arith.constant 0 : i32
        %dma_start3A_933 = tpu.memref_slice %arg7[%dma_start3A_931, %dma_start3A_932] : memref<4x80xi32, #tpu.memory_space<vmem>> -> memref<1x80xi32, #tpu.memory_space<vmem>>
        %dma_start3A_934 = tpu.memref_squeeze %dma_start3A_933 : memref<1x80xi32, #tpu.memory_space<vmem>> -> memref<80xi32, #tpu.memory_space<vmem>>
        %dma_start3A_935 = arith.constant 0 : i32
        %dma_start3A_936 = tpu.memref_slice %arg4[%add3A, %add3A_917, %dma_start3A_935] : memref<32x125x80xi32, #tpu.memory_space<hbm>> -> memref<1x1x80xi32, #tpu.memory_space<hbm>>
        %dma_start3A_937 = tpu.memref_squeeze %dma_start3A_936 : memref<1x1x80xi32, #tpu.memory_space<hbm>> -> memref<80xi32, #tpu.memory_space<hbm>>
        %dma_start3A_938 = arith.constant 0 : i32
        %dma_start3A_939 = tpu.memref_slice %arg7[%dma_start3A_931, %dma_start3A_938] : memref<4x80xi32, #tpu.memory_space<vmem>> -> memref<1x80xi32, #tpu.memory_space<vmem>>
        %dma_start3A_940 = tpu.memref_squeeze %dma_start3A_939 : memref<1x80xi32, #tpu.memory_space<vmem>> -> memref<80xi32, #tpu.memory_space<vmem>>
        %dma_start3A_941 = arith.constant 0 : i32
        %dma_start3A_942 = tpu.memref_slice %arg4[%add3A, %add3A_917, %dma_start3A_941] : memref<32x125x80xi32, #tpu.memory_space<hbm>> -> memref<1x1x80xi32, #tpu.memory_space<hbm>>
        %dma_start3A_943 = tpu.memref_squeeze %dma_start3A_942 : memref<1x1x80xi32, #tpu.memory_space<hbm>> -> memref<80xi32, #tpu.memory_space<hbm>>
        tpu.enqueue_dma source(%dma_start3A_943 : memref<80xi32, #tpu.memory_space<hbm>>) target(%dma_start3A_940 : memref<80xi32, #tpu.memory_space<vmem>>) target_semaphore(%arg18 : memref<!tpu.dma_semaphore, #tpu.memory_space<semaphore_mem>>)
      } else {
      }
      %add3A_908 = arith.constant 3 : i32
      %add3A_909 = arith.addi %add3A_886, %add3A_908 : i32
      %lt3A_910 = arith.constant 125 : i32
      %lt3A_911 = arith.cmpi slt, %add3A_909, %lt3A_910 : i32
      %convert_element_type3A_912 = arith.extui %lt3A_911 : i1 to i32
      %cond3A_913 = arith.constant 0 : i32
      %cond3A_914 = arith.cmpi ne, %convert_element_type3A_912, %cond3A_913 : i32
      scf.if %cond3A_914 {
        %dma_wait3A_916 = arith.constant 0 : i32
        %dma_wait3A_917 = arith.constant 2 : i32
        %dma_wait3A_918 = arith.constant 0 : i32
        %dma_wait3A_919 = tpu.memref_slice %arg6[%dma_wait3A_917, %dma_wait3A_918] : memref<4x80xi32, #tpu.memory_space<vmem>> -> memref<1x80xi32, #tpu.memory_space<vmem>>
        %dma_wait3A_920 = tpu.memref_squeeze %dma_wait3A_919 : memref<1x80xi32, #tpu.memory_space<vmem>> -> memref<80xi32, #tpu.memory_space<vmem>>
        %dma_wait3A_921 = arith.constant 0 : i32
        %dma_wait3A_922 = tpu.memref_slice %arg3[%add3A, %dma_wait3A_916, %dma_wait3A_921] : memref<32x125x80xi32, #tpu.memory_space<hbm>> -> memref<1x1x80xi32, #tpu.memory_space<hbm>>
        %dma_wait3A_923 = tpu.memref_squeeze %dma_wait3A_922 : memref<1x1x80xi32, #tpu.memory_space<hbm>> -> memref<80xi32, #tpu.memory_space<hbm>>
        %dma_wait3A_924 = arith.constant 0 : i32
        %dma_wait3A_925 = tpu.memref_slice %arg6[%dma_wait3A_917, %dma_wait3A_924] : memref<4x80xi32, #tpu.memory_space<vmem>> -> memref<1x80xi32, #tpu.memory_space<vmem>>
        %dma_wait3A_926 = tpu.memref_squeeze %dma_wait3A_925 : memref<1x80xi32, #tpu.memory_space<vmem>> -> memref<80xi32, #tpu.memory_space<vmem>>
        %dma_wait3A_927 = arith.constant 0 : i32
        %dma_wait3A_928 = tpu.memref_slice %arg3[%add3A, %dma_wait3A_916, %dma_wait3A_927] : memref<32x125x80xi32, #tpu.memory_space<hbm>> -> memref<1x1x80xi32, #tpu.memory_space<hbm>>
        %dma_wait3A_929 = tpu.memref_squeeze %dma_wait3A_928 : memref<1x1x80xi32, #tpu.memory_space<hbm>> -> memref<80xi32, #tpu.memory_space<hbm>>
        tpu.wait_dma2 semaphore(%arg17 : memref<!tpu.dma_semaphore, #tpu.memory_space<semaphore_mem>>) src(%dma_wait3A_929 : memref<80xi32, #tpu.memory_space<hbm>>) dst(%dma_wait3A_926 : memref<80xi32, #tpu.memory_space<vmem>>)
        %dma_wait3A_930 = arith.constant 0 : i32
        %dma_wait3A_931 = arith.constant 2 : i32
        %dma_wait3A_932 = arith.constant 0 : i32
        %dma_wait3A_933 = tpu.memref_slice %arg7[%dma_wait3A_931, %dma_wait3A_932] : memref<4x80xi32, #tpu.memory_space<vmem>> -> memref<1x80xi32, #tpu.memory_space<vmem>>
        %dma_wait3A_934 = tpu.memref_squeeze %dma_wait3A_933 : memref<1x80xi32, #tpu.memory_space<vmem>> -> memref<80xi32, #tpu.memory_space<vmem>>
        %dma_wait3A_935 = arith.constant 0 : i32
        %dma_wait3A_936 = tpu.memref_slice %arg4[%add3A, %dma_wait3A_930, %dma_wait3A_935] : memref<32x125x80xi32, #tpu.memory_space<hbm>> -> memref<1x1x80xi32, #tpu.memory_space<hbm>>
        %dma_wait3A_937 = tpu.memref_squeeze %dma_wait3A_936 : memref<1x1x80xi32, #tpu.memory_space<hbm>> -> memref<80xi32, #tpu.memory_space<hbm>>
        %dma_wait3A_938 = arith.constant 0 : i32
        %dma_wait3A_939 = tpu.memref_slice %arg7[%dma_wait3A_931, %dma_wait3A_938] : memref<4x80xi32, #tpu.memory_space<vmem>> -> memref<1x80xi32, #tpu.memory_space<vmem>>
        %dma_wait3A_940 = tpu.memref_squeeze %dma_wait3A_939 : memref<1x80xi32, #tpu.memory_space<vmem>> -> memref<80xi32, #tpu.memory_space<vmem>>
        %dma_wait3A_941 = arith.constant 0 : i32
        %dma_wait3A_942 = tpu.memref_slice %arg4[%add3A, %dma_wait3A_930, %dma_wait3A_941] : memref<32x125x80xi32, #tpu.memory_space<hbm>> -> memref<1x1x80xi32, #tpu.memory_space<hbm>>
        %dma_wait3A_943 = tpu.memref_squeeze %dma_wait3A_942 : memref<1x1x80xi32, #tpu.memory_space<hbm>> -> memref<80xi32, #tpu.memory_space<hbm>>
        tpu.wait_dma2 semaphore(%arg17 : memref<!tpu.dma_semaphore, #tpu.memory_space<semaphore_mem>>) src(%dma_wait3A_943 : memref<80xi32, #tpu.memory_space<hbm>>) dst(%dma_wait3A_940 : memref<80xi32, #tpu.memory_space<vmem>>)
        %dma_start3A_944 = arith.constant 2 : i32
        %dma_start3A_945 = arith.constant 2 : i32
        %dma_start3A_946 = arith.constant 0 : i32
        %dma_start3A_947 = arith.constant 0 : i32
        %dma_start3A_948 = tpu.memref_slice %arg8[%dma_start3A_945, %dma_start3A_946, %dma_start3A_947] : memref<4x80x128xf32, #tpu.memory_space<vmem>> -> memref<1x80x128xf32, #tpu.memory_space<vmem>>
        %dma_start3A_949 = tpu.memref_squeeze %dma_start3A_948 : memref<1x80x128xf32, #tpu.memory_space<vmem>> -> memref<80x128xf32, #tpu.memory_space<vmem>>
        %dma_start3A_950 = arith.constant 0 : i32
        %dma_start3A_951 = tpu.memref_slice %arg6[%dma_start3A_944, %dma_start3A_950] : memref<4x80xi32, #tpu.memory_space<vmem>> -> memref<1x80xi32, #tpu.memory_space<vmem>>
        %dma_start3A_952 = tpu.memref_squeeze %dma_start3A_951 : memref<1x80xi32, #tpu.memory_space<vmem>> -> memref<80xi32, #tpu.memory_space<vmem>>
        %dma_start3A_953 = arith.constant 0 : i32
        %dma_start3A_954 = arith.constant 0 : i32
        %dma_start3A_955 = tpu.memref_slice %arg2[%dma_start3A_953, %dma_start3A_954] : memref<10000x128xf32, #tpu.memory_space<hbm>> -> memref<10000x128xf32, #tpu.memory_space<hbm>>
        tpu.enqueue_indirect_dma source(%dma_start3A_955 : memref<10000x128xf32, #tpu.memory_space<hbm>>) target(%dma_start3A_949 : memref<80x128xf32, #tpu.memory_space<vmem>>) offsets(%dma_start3A_952 : memref<80xi32, #tpu.memory_space<vmem>>) semaphore(%arg13 : memref<!tpu.dma_semaphore, #tpu.memory_space<semaphore_mem>>)
      } else {
      }
      %scan3A_915 = arith.constant 0 : i32
      scf.yield %scan3A_915 : i32
    }
    %scan3A_761 = arith.constant 31 : i32
    %dma_wait3A_762 = arith.constant 0 : i32
    %dma_wait3A_763 = arith.constant 0 : i32
    %dma_wait3A_764 = arith.constant 0 : i32
    %dma_wait3A_765 = arith.constant 0 : i32
    %dma_wait3A_766 = tpu.memref_slice %arg8[%dma_wait3A_763, %dma_wait3A_764, %dma_wait3A_765] : memref<4x80x128xf32, #tpu.memory_space<vmem>> -> memref<1x80x128xf32, #tpu.memory_space<vmem>>
    %dma_wait3A_767 = tpu.memref_squeeze %dma_wait3A_766 : memref<1x80x128xf32, #tpu.memory_space<vmem>> -> memref<80x128xf32, #tpu.memory_space<vmem>>
    %dma_wait3A_768 = arith.constant 0 : i32
    %dma_wait3A_769 = tpu.memref_slice %arg6[%dma_wait3A_762, %dma_wait3A_768] : memref<4x80xi32, #tpu.memory_space<vmem>> -> memref<1x80xi32, #tpu.memory_space<vmem>>
    %dma_wait3A_770 = tpu.memref_squeeze %dma_wait3A_769 : memref<1x80xi32, #tpu.memory_space<vmem>> -> memref<80xi32, #tpu.memory_space<vmem>>
    %dma_wait3A_771 = arith.constant 0 : i32
    %dma_wait3A_772 = arith.constant 0 : i32
    %dma_wait3A_773 = tpu.memref_slice %arg2[%dma_wait3A_771, %dma_wait3A_772] : memref<10000x128xf32, #tpu.memory_space<hbm>> -> memref<10000x128xf32, #tpu.memory_space<hbm>>
    tpu.wait_indirect_dma semaphore(%arg11 : memref<!tpu.dma_semaphore, #tpu.memory_space<semaphore_mem>>) src(%dma_wait3A_773 : memref<10000x128xf32, #tpu.memory_space<hbm>>) dst(%dma_wait3A_767 : memref<80x128xf32, #tpu.memory_space<vmem>>)
    %run_scoped3A = arith.constant 0 : i32
    %run_scoped3A_774 = arith.constant 0 : i32
    "tpu.region"() ({
      %run_scoped3A_788 = tpu.sem_alloc : memref<!tpu.dma_semaphore, #tpu.memory_space<semaphore_mem>>
      %dma_start3A_789 = arith.constant 0 : i32
      %dma_start3A_790 = arith.constant 0 : i32
      %dma_start3A_791 = tpu.memref_slice %arg8[%run_scoped3A, %dma_start3A_789, %dma_start3A_790] : memref<4x80x128xf32, #tpu.memory_space<vmem>> -> memref<1x80x128xf32, #tpu.memory_space<vmem>>
      %dma_start3A_792 = tpu.memref_squeeze %dma_start3A_791 : memref<1x80x128xf32, #tpu.memory_space<vmem>> -> memref<80x128xf32, #tpu.memory_space<vmem>>
      %dma_start3A_793 = arith.constant 0 : i32
      %dma_start3A_794 = tpu.memref_slice %arg7[%run_scoped3A_774, %dma_start3A_793] : memref<4x80xi32, #tpu.memory_space<vmem>> -> memref<1x80xi32, #tpu.memory_space<vmem>>
      %dma_start3A_795 = tpu.memref_squeeze %dma_start3A_794 : memref<1x80xi32, #tpu.memory_space<vmem>> -> memref<80xi32, #tpu.memory_space<vmem>>
      %dma_start3A_796 = arith.constant 0 : i32
      %dma_start3A_797 = arith.constant 0 : i32
      %dma_start3A_798 = tpu.memref_slice %arg10[%dma_start3A_796, %dma_start3A_797] : memref<10000x128xf32, #tpu.memory_space<vmem_shared>> -> memref<10000x128xf32, #tpu.memory_space<vmem_shared>>
      tpu.enqueue_indirect_dma source(%dma_start3A_792 : memref<80x128xf32, #tpu.memory_space<vmem>>) target(%dma_start3A_798 : memref<10000x128xf32, #tpu.memory_space<vmem_shared>>) offsets(%dma_start3A_795 : memref<80xi32, #tpu.memory_space<vmem>>) semaphore(%run_scoped3A_788 : memref<!tpu.dma_semaphore, #tpu.memory_space<semaphore_mem>>) {add = true}
      %dma_wait3A_799 = arith.constant 0 : i32
      %dma_wait3A_800 = arith.constant 0 : i32
      %dma_wait3A_801 = tpu.memref_slice %arg8[%run_scoped3A, %dma_wait3A_799, %dma_wait3A_800] : memref<4x80x128xf32, #tpu.memory_space<vmem>> -> memref<1x80x128xf32, #tpu.memory_space<vmem>>
      %dma_wait3A_802 = tpu.memref_squeeze %dma_wait3A_801 : memref<1x80x128xf32, #tpu.memory_space<vmem>> -> memref<80x128xf32, #tpu.memory_space<vmem>>
      %dma_wait3A_803 = arith.constant 0 : i32
      %dma_wait3A_804 = tpu.memref_slice %arg7[%run_scoped3A_774, %dma_wait3A_803] : memref<4x80xi32, #tpu.memory_space<vmem>> -> memref<1x80xi32, #tpu.memory_space<vmem>>
      %dma_wait3A_805 = tpu.memref_squeeze %dma_wait3A_804 : memref<1x80xi32, #tpu.memory_space<vmem>> -> memref<80xi32, #tpu.memory_space<vmem>>
      %dma_wait3A_806 = arith.constant 0 : i32
      %dma_wait3A_807 = arith.constant 0 : i32
      %dma_wait3A_808 = tpu.memref_slice %arg10[%dma_wait3A_806, %dma_wait3A_807] : memref<10000x128xf32, #tpu.memory_space<vmem_shared>> -> memref<10000x128xf32, #tpu.memory_space<vmem_shared>>
      tpu.wait_indirect_dma semaphore(%run_scoped3A_788 : memref<!tpu.dma_semaphore, #tpu.memory_space<semaphore_mem>>) src(%dma_wait3A_802 : memref<80x128xf32, #tpu.memory_space<vmem>>) dst(%dma_wait3A_808 : memref<10000x128xf32, #tpu.memory_space<vmem_shared>>)
      tpu.yield
    }) : () -> ()
    %barrier3A_775 = arith.constant 0 : index
    tpu.barrier barrier_id(%barrier3A_775)
    %while3A_776 = arith.constant 0 : i32
    %while3A_777 = arith.constant 0 : i32
    %while3A_778 = arith.subi %select_n3A, %while3A_776 : i32
    %while3A_779 = arith.addi %while3A_776, %while3A_778 : i32
    %while3A_780 = arith.constant 1 : i32
    %while3A_781 = arith.divsi %while3A_778, %while3A_780 : i32
    %while3A_782 = arith.muli %while3A_781, %while3A_780 : i32
    %while3A_783 = arith.addi %while3A_776, %while3A_782 : i32
    %while3A_784 = arith.constant 1 : i32
    %while3A_785 = scf.for %while3A_788 = %while3A_776 to %while3A_783 step %while3A_784 iter_args(%while3A_789 = %while3A_777) -> (i32)  : i32 {
      %mul3A_790 = arith.constant 8 : i32
      %mul3A_791 = arith.muli %while3A_788, %mul3A_790 : i32
      %add3A_792 = arith.addi %mul3A_512, %mul3A_791 : i32
      "tpu.region"() ({
        %run_scoped3A_794 = tpu.sem_alloc : memref<!tpu.dma_semaphore, #tpu.memory_space<semaphore_mem>>
        %dma_start3A_795 = arith.constant 0 : i32
        %dma_start3A_796 = tpu.memref_slice %arg10[%add3A_792, %dma_start3A_795] : memref<10000x128xf32, #tpu.memory_space<vmem_shared>> -> memref<8x128xf32, #tpu.memory_space<vmem_shared>>
        %dma_start3A_797 = arith.constant 0 : i32
        %dma_start3A_798 = tpu.memref_slice %arg10[%add3A_792, %dma_start3A_797] : memref<10000x128xf32, #tpu.memory_space<vmem_shared>> -> memref<8x128xf32, #tpu.memory_space<vmem_shared>>
        tpu.enqueue_dma source(%dma_start3A_798 : memref<8x128xf32, #tpu.memory_space<vmem_shared>>) target(%arg9 : memref<8x128xf32, #tpu.memory_space<vmem>>) target_semaphore(%run_scoped3A_794 : memref<!tpu.dma_semaphore, #tpu.memory_space<semaphore_mem>>)
        %dma_wait3A_799 = arith.constant 0 : i32
        %dma_wait3A_800 = tpu.memref_slice %arg10[%add3A_792, %dma_wait3A_799] : memref<10000x128xf32, #tpu.memory_space<vmem_shared>> -> memref<8x128xf32, #tpu.memory_space<vmem_shared>>
        %dma_wait3A_801 = arith.constant 0 : i32
        %dma_wait3A_802 = tpu.memref_slice %arg10[%add3A_792, %dma_wait3A_801] : memref<10000x128xf32, #tpu.memory_space<vmem_shared>> -> memref<8x128xf32, #tpu.memory_space<vmem_shared>>
        tpu.wait_dma2 semaphore(%run_scoped3A_794 : memref<!tpu.dma_semaphore, #tpu.memory_space<semaphore_mem>>) src(%dma_wait3A_802 : memref<8x128xf32, #tpu.memory_space<vmem_shared>>) dst(%arg9 : memref<8x128xf32, #tpu.memory_space<vmem>>)
        tpu.yield
      }) : () -> ()
      "tpu.region"() ({
        %run_scoped3A_794 = tpu.sem_alloc : memref<!tpu.dma_semaphore, #tpu.memory_space<semaphore_mem>>
        %dma_start3A_795 = arith.constant 0 : i32
        %dma_start3A_796 = tpu.memref_slice %arg5[%arg0, %add3A_792, %dma_start3A_795] : memref<2x10000x128xf32, #tpu.memory_space<hbm>> -> memref<1x8x128xf32, #tpu.memory_space<hbm>>
        %dma_start3A_797 = tpu.memref_squeeze %dma_start3A_796 : memref<1x8x128xf32, #tpu.memory_space<hbm>> -> memref<8x128xf32, #tpu.memory_space<hbm>>
        %dma_start3A_798 = arith.constant 0 : i32
        %dma_start3A_799 = tpu.memref_slice %arg5[%arg0, %add3A_792, %dma_start3A_798] : memref<2x10000x128xf32, #tpu.memory_space<hbm>> -> memref<1x8x128xf32, #tpu.memory_space<hbm>>
        %dma_start3A_800 = tpu.memref_squeeze %dma_start3A_799 : memref<1x8x128xf32, #tpu.memory_space<hbm>> -> memref<8x128xf32, #tpu.memory_space<hbm>>
        tpu.enqueue_dma source(%arg9 : memref<8x128xf32, #tpu.memory_space<vmem>>) target(%dma_start3A_800 : memref<8x128xf32, #tpu.memory_space<hbm>>) target_semaphore(%run_scoped3A_794 : memref<!tpu.dma_semaphore, #tpu.memory_space<semaphore_mem>>)
        %dma_wait3A_801 = arith.constant 0 : i32
        %dma_wait3A_802 = tpu.memref_slice %arg5[%arg0, %add3A_792, %dma_wait3A_801] : memref<2x10000x128xf32, #tpu.memory_space<hbm>> -> memref<1x8x128xf32, #tpu.memory_space<hbm>>
        %dma_wait3A_803 = tpu.memref_squeeze %dma_wait3A_802 : memref<1x8x128xf32, #tpu.memory_space<hbm>> -> memref<8x128xf32, #tpu.memory_space<hbm>>
        %dma_wait3A_804 = arith.constant 0 : i32
        %dma_wait3A_805 = tpu.memref_slice %arg5[%arg0, %add3A_792, %dma_wait3A_804] : memref<2x10000x128xf32, #tpu.memory_space<hbm>> -> memref<1x8x128xf32, #tpu.memory_space<hbm>>
        %dma_wait3A_806 = tpu.memref_squeeze %dma_wait3A_805 : memref<1x8x128xf32, #tpu.memory_space<hbm>> -> memref<8x128xf32, #tpu.memory_space<hbm>>
        tpu.wait_dma2 semaphore(%run_scoped3A_794 : memref<!tpu.dma_semaphore, #tpu.memory_space<semaphore_mem>>) src(%arg9 : memref<8x128xf32, #tpu.memory_space<vmem>>) dst(%dma_wait3A_806 : memref<8x128xf32, #tpu.memory_space<hbm>>)
        tpu.yield
      }) : () -> ()
      %while3A_793 = arith.constant 0 : i32
      scf.yield %while3A_793 : i32
    }
    %while3A_786 = arith.constant 1 : i32
    %while3A_787 = scf.for %while3A_788 = %while3A_783 to %while3A_779 step %while3A_786 iter_args(%while3A_789 = %while3A_785) -> (i32)  : i32 {
      %mul3A_790 = arith.constant 8 : i32
      %mul3A_791 = arith.muli %while3A_788, %mul3A_790 : i32
      %add3A_792 = arith.addi %mul3A_512, %mul3A_791 : i32
      "tpu.region"() ({
        %run_scoped3A_794 = tpu.sem_alloc : memref<!tpu.dma_semaphore, #tpu.memory_space<semaphore_mem>>
        %dma_start3A_795 = arith.constant 0 : i32
        %dma_start3A_796 = tpu.memref_slice %arg10[%add3A_792, %dma_start3A_795] : memref<10000x128xf32, #tpu.memory_space<vmem_shared>> -> memref<8x128xf32, #tpu.memory_space<vmem_shared>>
        %dma_start3A_797 = arith.constant 0 : i32
        %dma_start3A_798 = tpu.memref_slice %arg10[%add3A_792, %dma_start3A_797] : memref<10000x128xf32, #tpu.memory_space<vmem_shared>> -> memref<8x128xf32, #tpu.memory_space<vmem_shared>>
        tpu.enqueue_dma source(%dma_start3A_798 : memref<8x128xf32, #tpu.memory_space<vmem_shared>>) target(%arg9 : memref<8x128xf32, #tpu.memory_space<vmem>>) target_semaphore(%run_scoped3A_794 : memref<!tpu.dma_semaphore, #tpu.memory_space<semaphore_mem>>)
        %dma_wait3A_799 = arith.constant 0 : i32
        %dma_wait3A_800 = tpu.memref_slice %arg10[%add3A_792, %dma_wait3A_799] : memref<10000x128xf32, #tpu.memory_space<vmem_shared>> -> memref<8x128xf32, #tpu.memory_space<vmem_shared>>
        %dma_wait3A_801 = arith.constant 0 : i32
        %dma_wait3A_802 = tpu.memref_slice %arg10[%add3A_792, %dma_wait3A_801] : memref<10000x128xf32, #tpu.memory_space<vmem_shared>> -> memref<8x128xf32, #tpu.memory_space<vmem_shared>>
        tpu.wait_dma2 semaphore(%run_scoped3A_794 : memref<!tpu.dma_semaphore, #tpu.memory_space<semaphore_mem>>) src(%dma_wait3A_802 : memref<8x128xf32, #tpu.memory_space<vmem_shared>>) dst(%arg9 : memref<8x128xf32, #tpu.memory_space<vmem>>)
        tpu.yield
      }) : () -> ()
      "tpu.region"() ({
        %run_scoped3A_794 = tpu.sem_alloc : memref<!tpu.dma_semaphore, #tpu.memory_space<semaphore_mem>>
        %dma_start3A_795 = arith.constant 0 : i32
        %dma_start3A_796 = tpu.memref_slice %arg5[%arg0, %add3A_792, %dma_start3A_795] : memref<2x10000x128xf32, #tpu.memory_space<hbm>> -> memref<1x8x128xf32, #tpu.memory_space<hbm>>
        %dma_start3A_797 = tpu.memref_squeeze %dma_start3A_796 : memref<1x8x128xf32, #tpu.memory_space<hbm>> -> memref<8x128xf32, #tpu.memory_space<hbm>>
        %dma_start3A_798 = arith.constant 0 : i32
        %dma_start3A_799 = tpu.memref_slice %arg5[%arg0, %add3A_792, %dma_start3A_798] : memref<2x10000x128xf32, #tpu.memory_space<hbm>> -> memref<1x8x128xf32, #tpu.memory_space<hbm>>
        %dma_start3A_800 = tpu.memref_squeeze %dma_start3A_799 : memref<1x8x128xf32, #tpu.memory_space<hbm>> -> memref<8x128xf32, #tpu.memory_space<hbm>>
        tpu.enqueue_dma source(%arg9 : memref<8x128xf32, #tpu.memory_space<vmem>>) target(%dma_start3A_800 : memref<8x128xf32, #tpu.memory_space<hbm>>) target_semaphore(%run_scoped3A_794 : memref<!tpu.dma_semaphore, #tpu.memory_space<semaphore_mem>>)
        %dma_wait3A_801 = arith.constant 0 : i32
        %dma_wait3A_802 = tpu.memref_slice %arg5[%arg0, %add3A_792, %dma_wait3A_801] : memref<2x10000x128xf32, #tpu.memory_space<hbm>> -> memref<1x8x128xf32, #tpu.memory_space<hbm>>
        %dma_wait3A_803 = tpu.memref_squeeze %dma_wait3A_802 : memref<1x8x128xf32, #tpu.memory_space<hbm>> -> memref<8x128xf32, #tpu.memory_space<hbm>>
        %dma_wait3A_804 = arith.constant 0 : i32
        %dma_wait3A_805 = tpu.memref_slice %arg5[%arg0, %add3A_792, %dma_wait3A_804] : memref<2x10000x128xf32, #tpu.memory_space<hbm>> -> memref<1x8x128xf32, #tpu.memory_space<hbm>>
        %dma_wait3A_806 = tpu.memref_squeeze %dma_wait3A_805 : memref<1x8x128xf32, #tpu.memory_space<hbm>> -> memref<8x128xf32, #tpu.memory_space<hbm>>
        tpu.wait_dma2 semaphore(%run_scoped3A_794 : memref<!tpu.dma_semaphore, #tpu.memory_space<semaphore_mem>>) src(%arg9 : memref<8x128xf32, #tpu.memory_space<vmem>>) dst(%dma_wait3A_806 : memref<8x128xf32, #tpu.memory_space<hbm>>)
        tpu.yield
      }) : () -> ()
      %while3A_793 = arith.constant 0 : i32
      scf.yield %while3A_793 : i32
    }
    return
  }
}

#map = affine_map<(d0, d1) -> (0, 0)>
#map1 = affine_map<(d0, d1) -> (0)>
module attributes {stable_mosaic.version = 14 : i64} {
  func.func @_pair_gather(%arg0: i32, %arg1: i32, %arg2: memref<10000x64xf32, #tpu.memory_space<hbm>>, %arg3: memref<16384xi32, #tpu.memory_space<hbm>>, %arg4: memref<16384xi32, #tpu.memory_space<hbm>>, %arg5: memref<16384x64xf32, #tpu.memory_space<hbm>>, %arg6: memref<16384x64xf32, #tpu.memory_space<hbm>>, %arg7: memref<128xi32, #tpu.memory_space<vmem>>, %arg8: memref<128xi32, #tpu.memory_space<vmem>>, %arg9: memref<128x64xf32, #tpu.memory_space<vmem>>, %arg10: memref<128x64xf32, #tpu.memory_space<vmem>>, %arg11: memref<!tpu.dma_semaphore, #tpu.memory_space<semaphore_mem>>, %arg12: memref<!tpu.dma_semaphore, #tpu.memory_space<semaphore_mem>>) attributes {dimension_semantics = [#tpu.dimension_semantics<core_parallel>, #tpu.dimension_semantics<subcore_parallel>], iteration_bounds = array<i64: 2, 16>, scalar_prefetch = 0 : i64, scratch_operands = 6 : i64, tpu.core_type = #tpu.core_type<sc_vector_subcore>, window_params = [{transform_indices = #map}, {transform_indices = #map1}, {transform_indices = #map1}, {transform_indices = #map}, {transform_indices = #map}]} {
    %mul3A = arith.constant 16 : i32
    %mul3A_0 = arith.muli %arg0, %mul3A : i32
    %add3A = arith.addi %mul3A_0, %arg1 : i32
    %mul3A_1 = arith.constant 512 : i32
    %mul3A_2 = arith.muli %add3A, %mul3A_1 : i32
    %scan3A = arith.constant 0 : i32
    %scan3A_3 = arith.constant 0 : i32
    %scan3A_4 = arith.constant 4 : i32
    %scan3A_5 = arith.addi %scan3A_3, %scan3A_4 : i32
    %scan3A_6 = arith.constant 1 : i32
    %scan3A_7 = scf.for %scan3A_9 = %scan3A_3 to %scan3A_5 step %scan3A_6 iter_args(%scan3A_10 = %scan3A) -> (i32)  : i32 {
      %mul3A_11 = arith.constant 128 : i32
      %mul3A_12 = arith.muli %scan3A_9, %mul3A_11 : i32
      %add3A_13 = arith.addi %mul3A_2, %mul3A_12 : i32
      "tpu.region"() ({
        %run_scoped3A = tpu.sem_alloc : memref<!tpu.dma_semaphore, #tpu.memory_space<semaphore_mem>>
        %dma_start3A_25 = tpu.memref_slice %arg3[%add3A_13] : memref<16384xi32, #tpu.memory_space<hbm>> -> memref<128xi32, #tpu.memory_space<hbm>>
        %dma_start3A_26 = tpu.memref_slice %arg3[%add3A_13] : memref<16384xi32, #tpu.memory_space<hbm>> -> memref<128xi32, #tpu.memory_space<hbm>>
        tpu.enqueue_dma source(%dma_start3A_26 : memref<128xi32, #tpu.memory_space<hbm>>) target(%arg7 : memref<128xi32, #tpu.memory_space<vmem>>) target_semaphore(%run_scoped3A : memref<!tpu.dma_semaphore, #tpu.memory_space<semaphore_mem>>)
        %dma_wait3A_27 = tpu.memref_slice %arg3[%add3A_13] : memref<16384xi32, #tpu.memory_space<hbm>> -> memref<128xi32, #tpu.memory_space<hbm>>
        %dma_wait3A_28 = tpu.memref_slice %arg3[%add3A_13] : memref<16384xi32, #tpu.memory_space<hbm>> -> memref<128xi32, #tpu.memory_space<hbm>>
        tpu.wait_dma2 semaphore(%run_scoped3A : memref<!tpu.dma_semaphore, #tpu.memory_space<semaphore_mem>>) src(%dma_wait3A_28 : memref<128xi32, #tpu.memory_space<hbm>>) dst(%arg7 : memref<128xi32, #tpu.memory_space<vmem>>)
        tpu.yield
      }) : () -> ()
      "tpu.region"() ({
        %run_scoped3A = tpu.sem_alloc : memref<!tpu.dma_semaphore, #tpu.memory_space<semaphore_mem>>
        %dma_start3A_25 = tpu.memref_slice %arg4[%add3A_13] : memref<16384xi32, #tpu.memory_space<hbm>> -> memref<128xi32, #tpu.memory_space<hbm>>
        %dma_start3A_26 = tpu.memref_slice %arg4[%add3A_13] : memref<16384xi32, #tpu.memory_space<hbm>> -> memref<128xi32, #tpu.memory_space<hbm>>
        tpu.enqueue_dma source(%dma_start3A_26 : memref<128xi32, #tpu.memory_space<hbm>>) target(%arg8 : memref<128xi32, #tpu.memory_space<vmem>>) target_semaphore(%run_scoped3A : memref<!tpu.dma_semaphore, #tpu.memory_space<semaphore_mem>>)
        %dma_wait3A_27 = tpu.memref_slice %arg4[%add3A_13] : memref<16384xi32, #tpu.memory_space<hbm>> -> memref<128xi32, #tpu.memory_space<hbm>>
        %dma_wait3A_28 = tpu.memref_slice %arg4[%add3A_13] : memref<16384xi32, #tpu.memory_space<hbm>> -> memref<128xi32, #tpu.memory_space<hbm>>
        tpu.wait_dma2 semaphore(%run_scoped3A : memref<!tpu.dma_semaphore, #tpu.memory_space<semaphore_mem>>) src(%dma_wait3A_28 : memref<128xi32, #tpu.memory_space<hbm>>) dst(%arg8 : memref<128xi32, #tpu.memory_space<vmem>>)
        tpu.yield
      }) : () -> ()
      %dma_start3A = arith.constant 0 : i32
      %dma_start3A_14 = arith.constant 0 : i32
      %dma_start3A_15 = tpu.memref_slice %arg2[%dma_start3A, %dma_start3A_14] : memref<10000x64xf32, #tpu.memory_space<hbm>> -> memref<10000x64xf32, #tpu.memory_space<hbm>>
      tpu.enqueue_indirect_dma source(%dma_start3A_15 : memref<10000x64xf32, #tpu.memory_space<hbm>>) target(%arg9 : memref<128x64xf32, #tpu.memory_space<vmem>>) offsets(%arg7 : memref<128xi32, #tpu.memory_space<vmem>>) semaphore(%arg11 : memref<!tpu.dma_semaphore, #tpu.memory_space<semaphore_mem>>)
      %dma_start3A_16 = arith.constant 0 : i32
      %dma_start3A_17 = arith.constant 0 : i32
      %dma_start3A_18 = tpu.memref_slice %arg2[%dma_start3A_16, %dma_start3A_17] : memref<10000x64xf32, #tpu.memory_space<hbm>> -> memref<10000x64xf32, #tpu.memory_space<hbm>>
      tpu.enqueue_indirect_dma source(%dma_start3A_18 : memref<10000x64xf32, #tpu.memory_space<hbm>>) target(%arg10 : memref<128x64xf32, #tpu.memory_space<vmem>>) offsets(%arg8 : memref<128xi32, #tpu.memory_space<vmem>>) semaphore(%arg12 : memref<!tpu.dma_semaphore, #tpu.memory_space<semaphore_mem>>)
      %dma_wait3A = arith.constant 0 : i32
      %dma_wait3A_19 = arith.constant 0 : i32
      %dma_wait3A_20 = tpu.memref_slice %arg2[%dma_wait3A, %dma_wait3A_19] : memref<10000x64xf32, #tpu.memory_space<hbm>> -> memref<10000x64xf32, #tpu.memory_space<hbm>>
      tpu.wait_indirect_dma semaphore(%arg11 : memref<!tpu.dma_semaphore, #tpu.memory_space<semaphore_mem>>) src(%dma_wait3A_20 : memref<10000x64xf32, #tpu.memory_space<hbm>>) dst(%arg9 : memref<128x64xf32, #tpu.memory_space<vmem>>)
      "tpu.region"() ({
        %run_scoped3A = tpu.sem_alloc : memref<!tpu.dma_semaphore, #tpu.memory_space<semaphore_mem>>
        %dma_start3A_25 = arith.constant 0 : i32
        %dma_start3A_26 = tpu.memref_slice %arg5[%add3A_13, %dma_start3A_25] : memref<16384x64xf32, #tpu.memory_space<hbm>> -> memref<128x64xf32, #tpu.memory_space<hbm>>
        %dma_start3A_27 = arith.constant 0 : i32
        %dma_start3A_28 = tpu.memref_slice %arg5[%add3A_13, %dma_start3A_27] : memref<16384x64xf32, #tpu.memory_space<hbm>> -> memref<128x64xf32, #tpu.memory_space<hbm>>
        tpu.enqueue_dma source(%arg9 : memref<128x64xf32, #tpu.memory_space<vmem>>) target(%dma_start3A_28 : memref<128x64xf32, #tpu.memory_space<hbm>>) target_semaphore(%run_scoped3A : memref<!tpu.dma_semaphore, #tpu.memory_space<semaphore_mem>>)
        %dma_wait3A_29 = arith.constant 0 : i32
        %dma_wait3A_30 = tpu.memref_slice %arg5[%add3A_13, %dma_wait3A_29] : memref<16384x64xf32, #tpu.memory_space<hbm>> -> memref<128x64xf32, #tpu.memory_space<hbm>>
        %dma_wait3A_31 = arith.constant 0 : i32
        %dma_wait3A_32 = tpu.memref_slice %arg5[%add3A_13, %dma_wait3A_31] : memref<16384x64xf32, #tpu.memory_space<hbm>> -> memref<128x64xf32, #tpu.memory_space<hbm>>
        tpu.wait_dma2 semaphore(%run_scoped3A : memref<!tpu.dma_semaphore, #tpu.memory_space<semaphore_mem>>) src(%arg9 : memref<128x64xf32, #tpu.memory_space<vmem>>) dst(%dma_wait3A_32 : memref<128x64xf32, #tpu.memory_space<hbm>>)
        tpu.yield
      }) : () -> ()
      %dma_wait3A_21 = arith.constant 0 : i32
      %dma_wait3A_22 = arith.constant 0 : i32
      %dma_wait3A_23 = tpu.memref_slice %arg2[%dma_wait3A_21, %dma_wait3A_22] : memref<10000x64xf32, #tpu.memory_space<hbm>> -> memref<10000x64xf32, #tpu.memory_space<hbm>>
      tpu.wait_indirect_dma semaphore(%arg12 : memref<!tpu.dma_semaphore, #tpu.memory_space<semaphore_mem>>) src(%dma_wait3A_23 : memref<10000x64xf32, #tpu.memory_space<hbm>>) dst(%arg10 : memref<128x64xf32, #tpu.memory_space<vmem>>)
      "tpu.region"() ({
        %run_scoped3A = tpu.sem_alloc : memref<!tpu.dma_semaphore, #tpu.memory_space<semaphore_mem>>
        %dma_start3A_25 = arith.constant 0 : i32
        %dma_start3A_26 = tpu.memref_slice %arg6[%add3A_13, %dma_start3A_25] : memref<16384x64xf32, #tpu.memory_space<hbm>> -> memref<128x64xf32, #tpu.memory_space<hbm>>
        %dma_start3A_27 = arith.constant 0 : i32
        %dma_start3A_28 = tpu.memref_slice %arg6[%add3A_13, %dma_start3A_27] : memref<16384x64xf32, #tpu.memory_space<hbm>> -> memref<128x64xf32, #tpu.memory_space<hbm>>
        tpu.enqueue_dma source(%arg10 : memref<128x64xf32, #tpu.memory_space<vmem>>) target(%dma_start3A_28 : memref<128x64xf32, #tpu.memory_space<hbm>>) target_semaphore(%run_scoped3A : memref<!tpu.dma_semaphore, #tpu.memory_space<semaphore_mem>>)
        %dma_wait3A_29 = arith.constant 0 : i32
        %dma_wait3A_30 = tpu.memref_slice %arg6[%add3A_13, %dma_wait3A_29] : memref<16384x64xf32, #tpu.memory_space<hbm>> -> memref<128x64xf32, #tpu.memory_space<hbm>>
        %dma_wait3A_31 = arith.constant 0 : i32
        %dma_wait3A_32 = tpu.memref_slice %arg6[%add3A_13, %dma_wait3A_31] : memref<16384x64xf32, #tpu.memory_space<hbm>> -> memref<128x64xf32, #tpu.memory_space<hbm>>
        tpu.wait_dma2 semaphore(%run_scoped3A : memref<!tpu.dma_semaphore, #tpu.memory_space<semaphore_mem>>) src(%arg10 : memref<128x64xf32, #tpu.memory_space<vmem>>) dst(%dma_wait3A_32 : memref<128x64xf32, #tpu.memory_space<hbm>>)
        tpu.yield
      }) : () -> ()
      %scan3A_24 = arith.constant 0 : i32
      scf.yield %scan3A_24 : i32
    }
    %scan3A_8 = arith.constant 4 : i32
    return
  }
}

module attributes {stable_mosaic.version = 14 : i64} {
  func.func @body(%arg0: memref<2x10000xf32, #tpu.memory_space<vmem>>, %arg1: memref<10000xf32, #tpu.memory_space<vmem>>) attributes {dimension_semantics = [], scalar_prefetch = 0 : i64, scratch_operands = 0 : i64, tpu.core_type = #tpu.core_type<tc>} {
    %get3A = arith.constant 0 : index
    %get3A_0 = arith.constant 0 : index
    %get3A_1 = vector.load %arg0[%get3A, %get3A_0] : memref<2x10000xf32, #tpu.memory_space<vmem>>, vector<1x10000xf32>
    %get3A_2 = vector.shape_cast %get3A_1 : vector<1x10000xf32> to vector<10000xf32>
    %get3A_3 = arith.constant 1 : index
    %get3A_4 = arith.constant 0 : index
    %get3A_5 = vector.load %arg0[%get3A_3, %get3A_4] : memref<2x10000xf32, #tpu.memory_space<vmem>>, vector<1x10000xf32>
    %get3A_6 = vector.shape_cast %get3A_5 : vector<1x10000xf32> to vector<10000xf32>
    %add3A = arith.addf %get3A_2, %get3A_6 : vector<10000xf32>
    %max3A = arith.constant 1.000000e+00 : f32
    %max3A_7 = vector.broadcast %max3A : f32 to vector<10000xf32>
    %max3A_8 = arith.maximumf %add3A, %max3A_7 : vector<10000xf32>
    %gt3A = arith.constant 0.000000e+00 : f32
    %gt3A_9 = vector.broadcast %gt3A : f32 to vector<10000xf32>
    %gt3A_10 = arith.cmpf ogt, %add3A, %gt3A_9 : vector<10000xf32>
    %sqrt3A = math.sqrt %max3A_8 : vector<10000xf32>
    %div3A = arith.constant 1.000000e+00 : f32
    %div3A_11 = vector.broadcast %div3A : f32 to vector<10000xf32>
    %div3A_12 = arith.divf %div3A_11, %sqrt3A : vector<10000xf32>
    %jit3A = arith.constant 0.000000e+00 : f32
    %broadcast_in_dim3A = vector.broadcast %jit3A : f32 to vector<10000xf32>
    %select_n3A = arith.select %gt3A_10, %div3A_12, %broadcast_in_dim3A : vector<10000xi1>, vector<10000xf32>
    %swap3A = arith.constant 0 : index
    %swap3A_13 = vector.load %arg1[%swap3A] : memref<10000xf32, #tpu.memory_space<vmem>>, vector<10000xf32>
    tpu.vector_store %arg1[%swap3A], %select_n3A {strides = array<i32>} : memref<10000xf32, #tpu.memory_space<vmem>>, vector<10000xf32>,
    return
  }
}

module attributes {stable_mosaic.version = 14 : i64} {
  func.func @body(%arg0: i32, %arg1: memref<1000x128xf32, #tpu.memory_space<vmem>>, %arg2: memref<128x128xf32, #tpu.memory_space<vmem>>, %arg3: memref<1000x1xf32, #tpu.memory_space<vmem>>, %arg4: memref<1000x128xf32, #tpu.memory_space<vmem>>) attributes {dimension_semantics = [#tpu.dimension_semantics<arbitrary>], iteration_bounds = array<i64: 10>, scalar_prefetch = 0 : i64, scratch_operands = 0 : i64, tpu.core_type = #tpu.core_type<tc>, window_params = [{transform_indices = @transform_0, window_bounds = array<i64: 1000, 128>}, {pipeline_mode = #tpu.pipeline_mode<synchronous>, transform_indices = @transform_1, window_bounds = array<i64: 128, 128>}, {transform_indices = @transform_2, window_bounds = array<i64: 1000, 1>}, {transform_indices = @transform_3, window_bounds = array<i64: 1000, 128>}]} {
    %get3A = arith.constant 0 : index
    %get3A_0 = arith.constant 0 : index
    %get3A_1 = vector.load %arg3[%get3A, %get3A_0] : memref<1000x1xf32, #tpu.memory_space<vmem>>, vector<1000x1xf32>
    %get3A_2 = arith.constant 0 : index
    %get3A_3 = arith.constant 0 : index
    %get3A_4 = vector.load %arg1[%get3A_2, %get3A_3] : memref<1000x128xf32, #tpu.memory_space<vmem>>, vector<1000x128xf32>
    %get3A_5 = arith.constant 0 : index
    %get3A_6 = arith.constant 0 : index
    %get3A_7 = vector.load %arg2[%get3A_5, %get3A_6] : memref<128x128xf32, #tpu.memory_space<vmem>>, vector<128x128xf32>
    %dot_general3A = arith.constant dense<0.000000e+00> : vector<1000x128xf32>
    %dot_general3A_8 = tpu.matmul %get3A_4, %get3A_7, %dot_general3A {dimension_numbers = #tpu.dot_dimension_numbers<[1], [0], [0], [1], [0, 0, 1, 1], [], []>, transpose_lhs_hint = false} : vector<1000x128xf32>, vector<128x128xf32>, vector<1000x128xf32> -> vector<1000x128xf32>
    %mul3A = vector.broadcast %get3A_1 : vector<1000x1xf32> to vector<1000x128xf32>
    %mul3A_9 = arith.mulf %mul3A, %dot_general3A_8 : vector<1000x128xf32>
    %swap3A = arith.constant 0 : index
    %swap3A_10 = arith.constant 0 : index
    %swap3A_11 = vector.load %arg4[%swap3A, %swap3A_10] : memref<1000x128xf32, #tpu.memory_space<vmem>>, vector<1000x128xf32>
    tpu.vector_store %arg4[%swap3A, %swap3A_10], %mul3A_9 {strides = array<i32>} : memref<1000x128xf32, #tpu.memory_space<vmem>>, vector<1000x128xf32>,
    return
  }
  func.func @transform_0(%arg0: i32) -> (i32, i32) {
    %c0_i32 = arith.constant 0 : i32
    %c0_i32_0 = arith.constant 0 : i32
    return %arg0, %c0_i32 : i32, i32
  }
  func.func @transform_1(%arg0: i32) -> (i32, i32) {
    %c0_i32 = arith.constant 0 : i32
    %c0_i32_0 = arith.constant 0 : i32
    %c0_i32_1 = arith.constant 0 : i32
    return %c0_i32, %c0_i32_0 : i32, i32
  }
  func.func @transform_2(%arg0: i32) -> (i32, i32) {
    %c0_i32 = arith.constant 0 : i32
    %c0_i32_0 = arith.constant 0 : i32
    return %arg0, %c0_i32 : i32, i32
  }
  func.func @transform_3(%arg0: i32) -> (i32, i32) {
    %c0_i32 = arith.constant 0 : i32
    %c0_i32_0 = arith.constant 0 : i32
    return %arg0, %c0_i32 : i32, i32
  }
}

module attributes {stable_mosaic.version = 14 : i64} {
  func.func @body(%arg0: i32, %arg1: memref<2x1000x128xf32, #tpu.memory_space<vmem>>, %arg2: memref<1000x1xf32, #tpu.memory_space<vmem>>, %arg3: memref<128xf32, #tpu.memory_space<vmem>>, %arg4: memref<128x64xf32, #tpu.memory_space<vmem>>, %arg5: memref<1000x64xf32, #tpu.memory_space<vmem>>) attributes {dimension_semantics = [#tpu.dimension_semantics<arbitrary>], iteration_bounds = array<i64: 10>, scalar_prefetch = 0 : i64, scratch_operands = 0 : i64, tpu.core_type = #tpu.core_type<tc>, window_params = [{transform_indices = @transform_0, window_bounds = array<i64: 2, 1000, 128>}, {transform_indices = @transform_1, window_bounds = array<i64: 1000, 1>}, {pipeline_mode = #tpu.pipeline_mode<synchronous>, transform_indices = @transform_2, window_bounds = array<i64: 128>}, {pipeline_mode = #tpu.pipeline_mode<synchronous>, transform_indices = @transform_3, window_bounds = array<i64: 128, 64>}, {transform_indices = @transform_4, window_bounds = array<i64: 1000, 64>}]} {
    %get3A = arith.constant 0 : index
    %get3A_0 = arith.constant 0 : index
    %get3A_1 = vector.load %arg2[%get3A, %get3A_0] : memref<1000x1xf32, #tpu.memory_space<vmem>>, vector<1000x1xf32>
    %get3A_2 = arith.constant 0 : index
    %get3A_3 = arith.constant 0 : index
    %get3A_4 = arith.constant 0 : index
    %get3A_5 = vector.load %arg1[%get3A_2, %get3A_3, %get3A_4] : memref<2x1000x128xf32, #tpu.memory_space<vmem>>, vector<1x1000x128xf32>
    %get3A_6 = vector.shape_cast %get3A_5 : vector<1x1000x128xf32> to vector<1000x128xf32>
    %get3A_7 = arith.constant 1 : index
    %get3A_8 = arith.constant 0 : index
    %get3A_9 = arith.constant 0 : index
    %get3A_10 = vector.load %arg1[%get3A_7, %get3A_8, %get3A_9] : memref<2x1000x128xf32, #tpu.memory_space<vmem>>, vector<1x1000x128xf32>
    %get3A_11 = vector.shape_cast %get3A_10 : vector<1x1000x128xf32> to vector<1000x128xf32>
    %add3A = arith.addf %get3A_6, %get3A_11 : vector<1000x128xf32>
    %mul3A = vector.broadcast %get3A_1 : vector<1000x1xf32> to vector<1000x128xf32>
    %mul3A_12 = arith.mulf %mul3A, %add3A : vector<1000x128xf32>
    %get3A_13 = arith.constant 0 : index
    %get3A_14 = vector.load %arg3[%get3A_13] : memref<128xf32, #tpu.memory_space<vmem>>, vector<128xf32>
    %broadcast_in_dim3A = vector.shape_cast %get3A_14 : vector<128xf32> to vector<1x128xf32>
    %add3A_15 = vector.broadcast %broadcast_in_dim3A : vector<1x128xf32> to vector<1000x128xf32>
    %add3A_16 = arith.addf %mul3A_12, %add3A_15 : vector<1000x128xf32>
    %max3A = arith.constant 0.000000e+00 : f32
    %max3A_17 = vector.broadcast %max3A : f32 to vector<1000x128xf32>
    %max3A_18 = arith.maximumf %add3A_16, %max3A_17 : vector<1000x128xf32>
    %get3A_19 = arith.constant 0 : index
    %get3A_20 = arith.constant 0 : index
    %get3A_21 = vector.load %arg2[%get3A_19, %get3A_20] : memref<1000x1xf32, #tpu.memory_space<vmem>>, vector<1000x1xf32>
    %get3A_22 = arith.constant 0 : index
    %get3A_23 = arith.constant 0 : index
    %get3A_24 = vector.load %arg4[%get3A_22, %get3A_23] : memref<128x64xf32, #tpu.memory_space<vmem>>, vector<128x64xf32>
    %dot_general3A = arith.constant dense<0.000000e+00> : vector<1000x64xf32>
    %dot_general3A_25 = tpu.matmul %max3A_18, %get3A_24, %dot_general3A {dimension_numbers = #tpu.dot_dimension_numbers<[1], [0], [0], [1], [0, 0, 1, 1], [], []>, transpose_lhs_hint = false} : vector<1000x128xf32>, vector<128x64xf32>, vector<1000x64xf32> -> vector<1000x64xf32>
    %mul3A_26 = vector.broadcast %get3A_21 : vector<1000x1xf32> to vector<1000x64xf32>
    %mul3A_27 = arith.mulf %mul3A_26, %dot_general3A_25 : vector<1000x64xf32>
    %swap3A = arith.constant 0 : index
    %swap3A_28 = arith.constant 0 : index
    %swap3A_29 = vector.load %arg5[%swap3A, %swap3A_28] : memref<1000x64xf32, #tpu.memory_space<vmem>>, vector<1000x64xf32>
    tpu.vector_store %arg5[%swap3A, %swap3A_28], %mul3A_27 {strides = array<i32>} : memref<1000x64xf32, #tpu.memory_space<vmem>>, vector<1000x64xf32>,
    return
  }
  func.func @transform_0(%arg0: i32) -> (i32, i32, i32) {
    %c0_i32 = arith.constant 0 : i32
    %c0_i32_0 = arith.constant 0 : i32
    %c0_i32_1 = arith.constant 0 : i32
    return %c0_i32, %arg0, %c0_i32_0 : i32, i32, i32
  }
  func.func @transform_1(%arg0: i32) -> (i32, i32) {
    %c0_i32 = arith.constant 0 : i32
    %c0_i32_0 = arith.constant 0 : i32
    return %arg0, %c0_i32 : i32, i32
  }
  func.func @transform_2(%arg0: i32) -> i32 {
    %c0_i32 = arith.constant 0 : i32
    %c0_i32_0 = arith.constant 0 : i32
    return %c0_i32 : i32
  }
  func.func @transform_3(%arg0: i32) -> (i32, i32) {
    %c0_i32 = arith.constant 0 : i32
    %c0_i32_0 = arith.constant 0 : i32
    %c0_i32_1 = arith.constant 0 : i32
    return %c0_i32, %c0_i32_0 : i32, i32
  }
  func.func @transform_4(%arg0: i32) -> (i32, i32) {
    %c0_i32 = arith.constant 0 : i32
    %c0_i32_0 = arith.constant 0 : i32
    return %arg0, %c0_i32 : i32, i32
  }
}

module attributes {stable_mosaic.version = 14 : i64} {
  func.func @body(%arg0: i32, %arg1: memref<2x1000x64xf32, #tpu.memory_space<vmem>>, %arg2: memref<1000x1xf32, #tpu.memory_space<vmem>>, %arg3: memref<64xf32, #tpu.memory_space<vmem>>, %arg4: memref<1000x64xf32, #tpu.memory_space<vmem>>) attributes {dimension_semantics = [#tpu.dimension_semantics<arbitrary>], iteration_bounds = array<i64: 10>, scalar_prefetch = 0 : i64, scratch_operands = 0 : i64, tpu.core_type = #tpu.core_type<tc>, window_params = [{transform_indices = @transform_0, window_bounds = array<i64: 2, 1000, 64>}, {transform_indices = @transform_1, window_bounds = array<i64: 1000, 1>}, {pipeline_mode = #tpu.pipeline_mode<synchronous>, transform_indices = @transform_2, window_bounds = array<i64: 64>}, {transform_indices = @transform_3, window_bounds = array<i64: 1000, 64>}]} {
    %get3A = arith.constant 0 : index
    %get3A_0 = arith.constant 0 : index
    %get3A_1 = vector.load %arg2[%get3A, %get3A_0] : memref<1000x1xf32, #tpu.memory_space<vmem>>, vector<1000x1xf32>
    %get3A_2 = arith.constant 0 : index
    %get3A_3 = arith.constant 0 : index
    %get3A_4 = arith.constant 0 : index
    %get3A_5 = vector.load %arg1[%get3A_2, %get3A_3, %get3A_4] : memref<2x1000x64xf32, #tpu.memory_space<vmem>>, vector<1x1000x64xf32>
    %get3A_6 = vector.shape_cast %get3A_5 : vector<1x1000x64xf32> to vector<1000x64xf32>
    %get3A_7 = arith.constant 1 : index
    %get3A_8 = arith.constant 0 : index
    %get3A_9 = arith.constant 0 : index
    %get3A_10 = vector.load %arg1[%get3A_7, %get3A_8, %get3A_9] : memref<2x1000x64xf32, #tpu.memory_space<vmem>>, vector<1x1000x64xf32>
    %get3A_11 = vector.shape_cast %get3A_10 : vector<1x1000x64xf32> to vector<1000x64xf32>
    %add3A = arith.addf %get3A_6, %get3A_11 : vector<1000x64xf32>
    %mul3A = vector.broadcast %get3A_1 : vector<1000x1xf32> to vector<1000x64xf32>
    %mul3A_12 = arith.mulf %mul3A, %add3A : vector<1000x64xf32>
    %get3A_13 = arith.constant 0 : index
    %get3A_14 = vector.load %arg3[%get3A_13] : memref<64xf32, #tpu.memory_space<vmem>>, vector<64xf32>
    %broadcast_in_dim3A = vector.shape_cast %get3A_14 : vector<64xf32> to vector<1x64xf32>
    %add3A_15 = vector.broadcast %broadcast_in_dim3A : vector<1x64xf32> to vector<1000x64xf32>
    %add3A_16 = arith.addf %mul3A_12, %add3A_15 : vector<1000x64xf32>
    %max3A = arith.constant 0.000000e+00 : f32
    %max3A_17 = vector.broadcast %max3A : f32 to vector<1000x64xf32>
    %max3A_18 = arith.maximumf %add3A_16, %max3A_17 : vector<1000x64xf32>
    %swap3A = arith.constant 0 : index
    %swap3A_19 = arith.constant 0 : index
    %swap3A_20 = vector.load %arg4[%swap3A, %swap3A_19] : memref<1000x64xf32, #tpu.memory_space<vmem>>, vector<1000x64xf32>
    tpu.vector_store %arg4[%swap3A, %swap3A_19], %max3A_18 {strides = array<i32>} : memref<1000x64xf32, #tpu.memory_space<vmem>>, vector<1000x64xf32>,
    return
  }
  func.func @transform_0(%arg0: i32) -> (i32, i32, i32) {
    %c0_i32 = arith.constant 0 : i32
    %c0_i32_0 = arith.constant 0 : i32
    %c0_i32_1 = arith.constant 0 : i32
    return %c0_i32, %arg0, %c0_i32_0 : i32, i32, i32
  }
  func.func @transform_1(%arg0: i32) -> (i32, i32) {
    %c0_i32 = arith.constant 0 : i32
    %c0_i32_0 = arith.constant 0 : i32
    return %arg0, %c0_i32 : i32, i32
  }
  func.func @transform_2(%arg0: i32) -> i32 {
    %c0_i32 = arith.constant 0 : i32
    %c0_i32_0 = arith.constant 0 : i32
    return %c0_i32 : i32
  }
  func.func @transform_3(%arg0: i32) -> (i32, i32) {
    %c0_i32 = arith.constant 0 : i32
    %c0_i32_0 = arith.constant 0 : i32
    return %arg0, %c0_i32 : i32, i32
  }
}

module attributes {stable_mosaic.version = 14 : i64} {
  func.func @body(%arg0: i32, %arg1: memref<2048x64xf32, #tpu.memory_space<vmem>>, %arg2: memref<2048x64xf32, #tpu.memory_space<vmem>>, %arg3: memref<2048x7xf32, #tpu.memory_space<vmem>>, %arg4: memref<64x7xf32, #tpu.memory_space<vmem>>, %arg5: memref<7xf32, #tpu.memory_space<vmem>>, %arg6: memref<7x32xf32, #tpu.memory_space<vmem>>, %arg7: memref<32xf32, #tpu.memory_space<vmem>>, %arg8: memref<32x16xf32, #tpu.memory_space<vmem>>, %arg9: memref<16xf32, #tpu.memory_space<vmem>>, %arg10: memref<16x7xf32, #tpu.memory_space<vmem>>, %arg11: memref<7xf32, #tpu.memory_space<vmem>>, %arg12: memref<2048x7xf32, #tpu.memory_space<vmem>>, %arg13: memref<2048x32xf32, #tpu.memory_space<vmem>>, %arg14: memref<2048x7xf32, #tpu.memory_space<vmem>>) attributes {dimension_semantics = [#tpu.dimension_semantics<arbitrary>], iteration_bounds = array<i64: 8>, scalar_prefetch = 0 : i64, scratch_operands = 0 : i64, tpu.core_type = #tpu.core_type<tc>, window_params = [{transform_indices = @transform_0, window_bounds = array<i64: 2048, 64>}, {transform_indices = @transform_1, window_bounds = array<i64: 2048, 64>}, {transform_indices = @transform_2, window_bounds = array<i64: 2048, 7>}, {pipeline_mode = #tpu.pipeline_mode<synchronous>, transform_indices = @transform_3, window_bounds = array<i64: 64, 7>}, {pipeline_mode = #tpu.pipeline_mode<synchronous>, transform_indices = @transform_4, window_bounds = array<i64: 7>}, {pipeline_mode = #tpu.pipeline_mode<synchronous>, transform_indices = @transform_5, window_bounds = array<i64: 7, 32>}, {pipeline_mode = #tpu.pipeline_mode<synchronous>, transform_indices = @transform_6, window_bounds = array<i64: 32>}, {pipeline_mode = #tpu.pipeline_mode<synchronous>, transform_indices = @transform_7, window_bounds = array<i64: 32, 16>}, {pipeline_mode = #tpu.pipeline_mode<synchronous>, transform_indices = @transform_8, window_bounds = array<i64: 16>}, {pipeline_mode = #tpu.pipeline_mode<synchronous>, transform_indices = @transform_9, window_bounds = array<i64: 16, 7>}, {pipeline_mode = #tpu.pipeline_mode<synchronous>, transform_indices = @transform_10, window_bounds = array<i64: 7>}, {transform_indices = @transform_11, window_bounds = array<i64: 2048, 7>}, {transform_indices = @transform_12, window_bounds = array<i64: 2048, 32>}, {transform_indices = @transform_13, window_bounds = array<i64: 2048, 7>}]} {
    %get3A = arith.constant 0 : index
    %get3A_0 = arith.constant 0 : index
    %get3A_1 = vector.load %arg1[%get3A, %get3A_0] : memref<2048x64xf32, #tpu.memory_space<vmem>>, vector<2048x64xf32>
    %get3A_2 = arith.constant 0 : index
    %get3A_3 = arith.constant 0 : index
    %get3A_4 = vector.load %arg2[%get3A_2, %get3A_3] : memref<2048x64xf32, #tpu.memory_space<vmem>>, vector<2048x64xf32>
    %add3A = arith.addf %get3A_1, %get3A_4 : vector<2048x64xf32>
    %get3A_5 = arith.constant 0 : index
    %get3A_6 = arith.constant 0 : index
    %get3A_7 = vector.load %arg4[%get3A_5, %get3A_6] : memref<64x7xf32, #tpu.memory_space<vmem>>, vector<64x7xf32>
    %dot_general3A = arith.constant dense<0.000000e+00> : vector<2048x7xf32>
    %dot_general3A_8 = tpu.matmul %add3A, %get3A_7, %dot_general3A {dimension_numbers = #tpu.dot_dimension_numbers<[1], [0], [0], [1], [0, 0, 1, 1], [], []>, transpose_lhs_hint = false} : vector<2048x64xf32>, vector<64x7xf32>, vector<2048x7xf32> -> vector<2048x7xf32>
    %get3A_9 = arith.constant 0 : index
    %get3A_10 = vector.load %arg5[%get3A_9] : memref<7xf32, #tpu.memory_space<vmem>>, vector<7xf32>
    %broadcast_in_dim3A = vector.shape_cast %get3A_10 : vector<7xf32> to vector<1x7xf32>
    %add3A_11 = vector.broadcast %broadcast_in_dim3A : vector<1x7xf32> to vector<2048x7xf32>
    %add3A_12 = arith.addf %dot_general3A_8, %add3A_11 : vector<2048x7xf32>
    %get3A_13 = arith.constant 0 : index
    %get3A_14 = arith.constant 0 : index
    %get3A_15 = vector.load %arg3[%get3A_13, %get3A_14] : memref<2048x7xf32, #tpu.memory_space<vmem>>, vector<2048x7xf32>
    %add3A_16 = arith.addf %add3A_12, %get3A_15 : vector<2048x7xf32>
    %mul3A = arith.constant 2.000000e+00 : f32
    %mul3A_17 = vector.broadcast %mul3A : f32 to vector<2048x7xf32>
    %mul3A_18 = arith.mulf %add3A_16, %mul3A_17 : vector<2048x7xf32>
    %reduce_max3A = arith.constant dense<0xFF800000> : vector<2048xf32>
    %reduce_max3A_19 = vector.multi_reduction <maximumf>, %mul3A_18, %reduce_max3A [1] : vector<2048x7xf32> to vector<2048xf32>
    %broadcast_in_dim3A_20 = vector.shape_cast %reduce_max3A_19 : vector<2048xf32> to vector<2048x1xf32>
    %sub3A = vector.broadcast %broadcast_in_dim3A_20 : vector<2048x1xf32> to vector<2048x7xf32>
    %sub3A_21 = arith.subf %mul3A_18, %sub3A : vector<2048x7xf32>
    %exp3A = math.exp %sub3A_21 : vector<2048x7xf32>
    %reduce_sum3A = arith.constant dense<0.000000e+00> : vector<2048xf32>
    %reduce_sum3A_22 = vector.multi_reduction <add>, %exp3A, %reduce_sum3A [1] : vector<2048x7xf32> to vector<2048xf32>
    %broadcast_in_dim3A_23 = vector.shape_cast %reduce_sum3A_22 : vector<2048xf32> to vector<2048x1xf32>
    %div3A = vector.broadcast %broadcast_in_dim3A_23 : vector<2048x1xf32> to vector<2048x7xf32>
    %div3A_24 = arith.divf %exp3A, %div3A : vector<2048x7xf32>
    %get3A_25 = arith.constant 0 : index
    %get3A_26 = arith.constant 0 : index
    %get3A_27 = vector.load %arg6[%get3A_25, %get3A_26] : memref<7x32xf32, #tpu.memory_space<vmem>>, vector<7x32xf32>
    %dot_general3A_28 = arith.constant dense<0.000000e+00> : vector<2048x32xf32>
    %dot_general3A_29 = tpu.matmul %div3A_24, %get3A_27, %dot_general3A_28 {dimension_numbers = #tpu.dot_dimension_numbers<[1], [0], [0], [1], [0, 0, 1, 1], [], []>, transpose_lhs_hint = false} : vector<2048x7xf32>, vector<7x32xf32>, vector<2048x32xf32> -> vector<2048x32xf32>
    %get3A_30 = arith.constant 0 : index
    %get3A_31 = vector.load %arg7[%get3A_30] : memref<32xf32, #tpu.memory_space<vmem>>, vector<32xf32>
    %broadcast_in_dim3A_32 = vector.shape_cast %get3A_31 : vector<32xf32> to vector<1x32xf32>
    %add3A_33 = vector.broadcast %broadcast_in_dim3A_32 : vector<1x32xf32> to vector<2048x32xf32>
    %add3A_34 = arith.addf %dot_general3A_29, %add3A_33 : vector<2048x32xf32>
    %get3A_35 = arith.constant 0 : index
    %get3A_36 = arith.constant 0 : index
    %get3A_37 = vector.load %arg8[%get3A_35, %get3A_36] : memref<32x16xf32, #tpu.memory_space<vmem>>, vector<32x16xf32>
    %dot_general3A_38 = arith.constant dense<0.000000e+00> : vector<2048x16xf32>
    %dot_general3A_39 = tpu.matmul %add3A_34, %get3A_37, %dot_general3A_38 {dimension_numbers = #tpu.dot_dimension_numbers<[1], [0], [0], [1], [0, 0, 1, 1], [], []>, transpose_lhs_hint = false} : vector<2048x32xf32>, vector<32x16xf32>, vector<2048x16xf32> -> vector<2048x16xf32>
    %get3A_40 = arith.constant 0 : index
    %get3A_41 = vector.load %arg9[%get3A_40] : memref<16xf32, #tpu.memory_space<vmem>>, vector<16xf32>
    %broadcast_in_dim3A_42 = vector.shape_cast %get3A_41 : vector<16xf32> to vector<1x16xf32>
    %add3A_43 = vector.broadcast %broadcast_in_dim3A_42 : vector<1x16xf32> to vector<2048x16xf32>
    %add3A_44 = arith.addf %dot_general3A_39, %add3A_43 : vector<2048x16xf32>
    %max3A = arith.constant 0.000000e+00 : f32
    %max3A_45 = vector.broadcast %max3A : f32 to vector<2048x16xf32>
    %max3A_46 = arith.maximumf %add3A_44, %max3A_45 : vector<2048x16xf32>
    %get3A_47 = arith.constant 0 : index
    %get3A_48 = arith.constant 0 : index
    %get3A_49 = vector.load %arg10[%get3A_47, %get3A_48] : memref<16x7xf32, #tpu.memory_space<vmem>>, vector<16x7xf32>
    %dot_general3A_50 = arith.constant dense<0.000000e+00> : vector<2048x7xf32>
    %dot_general3A_51 = tpu.matmul %max3A_46, %get3A_49, %dot_general3A_50 {dimension_numbers = #tpu.dot_dimension_numbers<[1], [0], [0], [1], [0, 0, 1, 1], [], []>, transpose_lhs_hint = false} : vector<2048x16xf32>, vector<16x7xf32>, vector<2048x7xf32> -> vector<2048x7xf32>
    %get3A_52 = arith.constant 0 : index
    %get3A_53 = vector.load %arg11[%get3A_52] : memref<7xf32, #tpu.memory_space<vmem>>, vector<7xf32>
    %broadcast_in_dim3A_54 = vector.shape_cast %get3A_53 : vector<7xf32> to vector<1x7xf32>
    %add3A_55 = vector.broadcast %broadcast_in_dim3A_54 : vector<1x7xf32> to vector<2048x7xf32>
    %add3A_56 = arith.addf %dot_general3A_51, %add3A_55 : vector<2048x7xf32>
    %swap3A = arith.constant 0 : index
    %swap3A_57 = arith.constant 0 : index
    %swap3A_58 = vector.load %arg12[%swap3A, %swap3A_57] : memref<2048x7xf32, #tpu.memory_space<vmem>>, vector<2048x7xf32>
    tpu.vector_store %arg12[%swap3A, %swap3A_57], %add3A_56 {strides = array<i32>} : memref<2048x7xf32, #tpu.memory_space<vmem>>, vector<2048x7xf32>,
    %swap3A_59 = arith.constant 0 : index
    %swap3A_60 = arith.constant 0 : index
    %swap3A_61 = vector.load %arg13[%swap3A_59, %swap3A_60] : memref<2048x32xf32, #tpu.memory_space<vmem>>, vector<2048x32xf32>
    tpu.vector_store %arg13[%swap3A_59, %swap3A_60], %add3A_34 {strides = array<i32>} : memref<2048x32xf32, #tpu.memory_space<vmem>>, vector<2048x32xf32>,
    %swap3A_62 = arith.constant 0 : index
    %swap3A_63 = arith.constant 0 : index
    %swap3A_64 = vector.load %arg14[%swap3A_62, %swap3A_63] : memref<2048x7xf32, #tpu.memory_space<vmem>>, vector<2048x7xf32>
    tpu.vector_store %arg14[%swap3A_62, %swap3A_63], %div3A_24 {strides = array<i32>} : memref<2048x7xf32, #tpu.memory_space<vmem>>, vector<2048x7xf32>,
    return
  }
  func.func @transform_0(%arg0: i32) -> (i32, i32) {
    %c0_i32 = arith.constant 0 : i32
    %c0_i32_0 = arith.constant 0 : i32
    return %arg0, %c0_i32 : i32, i32
  }
  func.func @transform_1(%arg0: i32) -> (i32, i32) {
    %c0_i32 = arith.constant 0 : i32
    %c0_i32_0 = arith.constant 0 : i32
    return %arg0, %c0_i32 : i32, i32
  }
  func.func @transform_2(%arg0: i32) -> (i32, i32) {
    %c0_i32 = arith.constant 0 : i32
    %c0_i32_0 = arith.constant 0 : i32
    return %arg0, %c0_i32 : i32, i32
  }
  func.func @transform_3(%arg0: i32) -> (i32, i32) {
    %c0_i32 = arith.constant 0 : i32
    %c0_i32_0 = arith.constant 0 : i32
    %c0_i32_1 = arith.constant 0 : i32
    return %c0_i32, %c0_i32_0 : i32, i32
  }
  func.func @transform_4(%arg0: i32) -> i32 {
    %c0_i32 = arith.constant 0 : i32
    %c0_i32_0 = arith.constant 0 : i32
    return %c0_i32 : i32
  }
  func.func @transform_5(%arg0: i32) -> (i32, i32) {
    %c0_i32 = arith.constant 0 : i32
    %c0_i32_0 = arith.constant 0 : i32
    %c0_i32_1 = arith.constant 0 : i32
    return %c0_i32, %c0_i32_0 : i32, i32
  }
  func.func @transform_6(%arg0: i32) -> i32 {
    %c0_i32 = arith.constant 0 : i32
    %c0_i32_0 = arith.constant 0 : i32
    return %c0_i32 : i32
  }
  func.func @transform_7(%arg0: i32) -> (i32, i32) {
    %c0_i32 = arith.constant 0 : i32
    %c0_i32_0 = arith.constant 0 : i32
    %c0_i32_1 = arith.constant 0 : i32
    return %c0_i32, %c0_i32_0 : i32, i32
  }
  func.func @transform_8(%arg0: i32) -> i32 {
    %c0_i32 = arith.constant 0 : i32
    %c0_i32_0 = arith.constant 0 : i32
    return %c0_i32 : i32
  }
  func.func @transform_9(%arg0: i32) -> (i32, i32) {
    %c0_i32 = arith.constant 0 : i32
    %c0_i32_0 = arith.constant 0 : i32
    %c0_i32_1 = arith.constant 0 : i32
    return %c0_i32, %c0_i32_0 : i32, i32
  }
  func.func @transform_10(%arg0: i32) -> i32 {
    %c0_i32 = arith.constant 0 : i32
    %c0_i32_0 = arith.constant 0 : i32
    return %c0_i32 : i32
  }
  func.func @transform_11(%arg0: i32) -> (i32, i32) {
    %c0_i32 = arith.constant 0 : i32
    %c0_i32_0 = arith.constant 0 : i32
    return %arg0, %c0_i32 : i32, i32
  }
  func.func @transform_12(%arg0: i32) -> (i32, i32) {
    %c0_i32 = arith.constant 0 : i32
    %c0_i32_0 = arith.constant 0 : i32
    return %arg0, %c0_i32 : i32, i32
  }
  func.func @transform_13(%arg0: i32) -> (i32, i32) {
    %c0_i32 = arith.constant 0 : i32
    %c0_i32_0 = arith.constant 0 : i32
    return %arg0, %c0_i32 : i32, i32
  }
}

</mosaic_0001>

<sc_bundles>
// kernel: kernel.11.cloned.1.call-start
scs
__scs_entry_jumppad:
0x0: {  	(pc) =	sbr.rel $0x88, $3  }
0x1: {  	(tag) =	ssettag $0x0;
	lr =	simm.s32 $0x1  }
0x2: {  	[smem:$0x3F92] =	sst lr;
	_ =	strace $0xD0000000  }
0x3: {  	_ = 	snop  }
0x4: {  	_ = 	snop  }
0x5: {  	_ = 	snop  }
0x6: {  	_ = 	snop  }
0x7: {  	_ = 	snop  }
__scs_overlays_trampoline_lowered:
0x8: {  	[smem:$0x3FA1] =	sst s0  }
0x9: {  	[smem:$0x3FA2] =	sst s1  }
0xa: {  	[smem:$0x3FA3] =	sst s2  }
0xb: {  	[smem:$0x3FA4] =	sst s3  }
0xc: {  	[smem:$0x3FA5] =	sst s4  }
0xd: {  	[smem:$0x3FA6] =	sst s5  }
0xe: {  	[smem:$0x3FA7] =	sst s6  }
0xf: {  	[smem:$0x3FA8] =	sst s7  }
0x10: {  	[smem:$0x3FA9] =	sst s8  }
0x11: {  	[smem:$0x3FAA] =	sst s9;
	s0 =	simm.s32 @!p0 $0x0  }
0x12: {  	s1 =	sld [smem:$0x3F90];
	s0 =	simm.s32 @p0 $0x1  }
0x13: {  	[smem:$0x3FAB] =	sst s0;
	s0 =	simm.s32 @!p1 $0x0  }
0x14: {  	s2 =	sld [smem:$0x3F8F];
	s0 =	simm.s32 @p1 $0x1  }
0x15: {  	[smem:$0x3FAC] =	sst s0;
	s0 =	simm.s32 @!p2 $0x0  }
0x16: {  	s3 =	sld [smem:$0x3FDB];
	s0 =	simm.s32 @p2 $0x1  }
0x17: {  	s4 =	simm.s32 $0x1BF5;
	[smem:$0x3FAE] =	sst s0  }
0x18: {  	s0 =	sld [smem:$0x3F91];
	_ =	swait.ge [sflag:s4], $0x0  }
0x19: {  	s7 =	sld [smem:$0x3F92]  }
0x1a: {  	s8 =	sadd.s32 $0xFFFFE003, lr  }
0x1b: {  	s9 =	sadd.s32 $0xFFFFFEF7, lr;
	s5 =	simm.s32 $0xFFFFFFFF;
	p2 =	slt.u32 s8, $0xFFFFF086  }
0x1c: {  	p1 =	slt.u32 s9, $0xF7A;
	s5 =	simm.s32 @!p2 $0x0  }
0x1d: {  	s5 =	simm.s32 @p1 $0x1;
	p0 =	seq.s32 s7, s2  }
0x1e: {  	s7 =	smul.u32 @!p0 $0xF7A, s2;
	p2 =	seq.s32 @!p0 s5, $0x0  }
0x1f: {  	s9 =	smul.u32 $0xF7A, s1;
	s8 =	simm.s32 @!p0 $0x1BF5;
	p2 =	por !p2, p0  }
0x20: {  	[sflag:s8] =	ssyncset.s32 @!p0 $0xFFFFF086;
	s6 =	sadd.s32 @!p0 s3, s7;
	s7 =	simm.s32 @!p0 $0x108  }
0x21: {  	s3 =	sadd.s32 s3, s9;
	s6 =	sadd.s32 @!p0 $0x88, s6;
	s7 =	simm.s32 @p2 $0x1082  }
0x22: {  	[simem:s7], [sflag:s8] =	dma.local @!p0 [hbm:s6], $0xF7A  }
0x23: {  	s9 =	sor.u32 $0xD0000000, s2;
	s6 =	simm.s32 $0x108;
	_ =	swait.ge @!p0 [sflag:s8], $0x0  }
0x24: {  	s3 =	sadd.s32 $0x88, s3;
	s6 =	simm.s32 @!p1 $0x1082;
	[sflag:s4] =	ssyncset.s32 $0xFFFFF086  }
0x25: {  	[simem:s6], [sflag:s4] =	dma.local [hbm:s3], $0xF7A  }
0x26: {  	[smem:$0x3F92] =	sst s1;
	(tag) =	ssettag s2;
	_ =	strace s9  }
0x27: {  	s1 =	sld [smem:$0x3FA2]  }
0x28: {  	s2 =	sld [smem:$0x3FA3]  }
0x29: {  	s4 =	sld [smem:$0x3FA5]  }
0x2a: {  	p0 =	seq.s32 s5, $0x0;
	s5 =	sld [smem:$0x3FA6]  }
0x2b: {  	s6 =	sld [smem:$0x3FA7]  }
0x2c: {  	s7 =	sld [smem:$0x3FA8]  }
0x2d: {  	s3 =	simm.s32 $0x108;
	s8 =	sld [smem:$0x3FA9]  }
0x2e: {  	s3 =	simm.s32 @!p0 $0x1082;
	s9 =	sld [smem:$0x3FAA]  }
0x2f: {  	lr =	sadd.s32 s0, s3;
	s0 =	sld [smem:$0x3FA1]  }
0x30: {  	s3 =	sld [smem:$0x3FA4]  }
0x31: {  	[smem:$0x3FAD] =	sst s10  }
0x32: {  	s10 =	sld [smem:$0x3FAB];
	_ =	sdelay $0x3  }
0x33: {  	p0 =	seq.s32 s10, $0x1;
	s10 =	sld [smem:$0x3FAD];
	_ =	sdelay $0x3  }
0x34: {  	[smem:$0x3FAD] =	sst s10  }
0x35: {  	s10 =	sld [smem:$0x3FAC];
	_ =	sdelay $0x3  }
0x36: {  	p1 =	seq.s32 s10, $0x1;
	s10 =	sld [smem:$0x3FAD];
	_ =	sdelay $0x3  }
0x37: {  	[smem:$0x3FAD] =	sst s10  }
0x38: {  	s10 =	sld [smem:$0x3FAE]  }
0x39: {  	_ = 	snop;
	(pc) =	sbr.ind lr, $3  }
0x3a: {  	_ = 	snop  }
0x3b: {  	_ = 	snop  }
0x3c: {  	p2 =	seq.s32 s10, $0x1;
	s10 =	sld [smem:$0x3FAD]  }
0x3d: {  	_ =	shalt  }
0x3e: {  	_ =	shalt  }
0x3f: {  	_ =	shalt  }
0x40: {  	_ =	shalt  }
0x41: {  	_ =	shalt  }
0x42: {  	_ =	shalt  }
0x43: {  	_ =	shalt  }
0x44: {  	_ =	shalt  }
0x45: {  	_ =	shalt  }
0x46: {  	_ =	shalt  }
0x47: {  	_ =	shalt  }
0x48: {  	_ =	shalt  }
0x49: {  	_ =	shalt  }
0x4a: {  	_ =	shalt  }
0x4b: {  	_ =	shalt  }
0x4c: {  	_ =	shalt  }
0x4d: {  	_ =	shalt  }
0x4e: {  	_ =	shalt  }
0x4f: {  	_ =	shalt  }
0x50: {  	_ =	shalt  }
0x51: {  	_ =	shalt  }
0x52: {  	_ =	shalt  }
0x53: {  	_ =	shalt  }
0x54: {  	_ =	shalt  }
0x55: {  	_ =	shalt  }
0x56: {  	_ =	shalt  }
0x57: {  	_ =	shalt  }
0x58: {  	_ =	shalt  }
0x59: {  	_ =	shalt  }
0x5a: {  	_ =	shalt  }
0x5b: {  	_ =	shalt  }
0x5c: {  	_ =	shalt  }
0x5d: {  	_ =	shalt  }
0x5e: {  	_ =	shalt  }
0x5f: {  	_ =	shalt  }
0x60: {  	_ =	shalt  }
0x61: {  	_ =	shalt  }
0x62: {  	_ =	shalt  }
0x63: {  	_ =	shalt  }
0x64: {  	_ =	shalt  }
0x65: {  	_ =	shalt  }
0x66: {  	_ =	shalt  }
0x67: {  	_ =	shalt  }
0x68: {  	_ =	shalt  }
0x69: {  	_ =	shalt  }
0x6a: {  	_ =	shalt  }
0x6b: {  	_ =	shalt  }
0x6c: {  	_ =	shalt  }
0x6d: {  	_ =	shalt  }
0x6e: {  	_ =	shalt  }
0x6f: {  	_ =	shalt  }
0x70: {  	_ =	shalt  }
0x71: {  	_ =	shalt  }
0x72: {  	_ =	shalt  }
0x73: {  	_ =	shalt  }
0x74: {  	_ =	shalt  }
0x75: {  	_ =	shalt  }
0x76: {  	_ =	shalt  }
0x77: {  	_ =	shalt  }
0x78: {  	_ =	shalt  }
0x79: {  	_ =	shalt  }
0x7a: {  	_ =	shalt  }
0x7b: {  	_ =	shalt  }
0x7c: {  	_ =	shalt  }
0x7d: {  	_ =	shalt  }
0x7e: {  	_ =	shalt  }
0x7f: {  	_ =	shalt  }
0x80: {  	_ =	shalt  }
0x81: {  	_ =	shalt  }
0x82: {  	_ =	shalt  }
0x83: {  	_ =	shalt  }
0x84: {  	_ =	shalt  }
0x85: {  	_ =	shalt  }
0x86: {  	_ =	shalt  }
0x87: {  	_ =	shalt  }
.Lfunc_end0:
.L_simem_size_0:
called_computation_lowered:
.L_overlay_start_0:
0x88: {  	s2 =	sld [smem:$0x3FD9]  }
0x89: {  	s3 =	sld [smem:$0x3FFE];
	_ =	sdelay $0x1  }
0x8a: {  	s1 =	srdreg.scid  }
0x8b: {  	s0 =	sand.u32 $0x1, s1  }
0x8c: {  	s15 =	sshll.u32 s0, $0xA;
	s2 =	sadd.s32 s3, s2  }
0x8d: {  	s2 =	sadd.s32 s2, s15  }
0x8e: {  	[smem:$0x3FB9] =	sst s2  }
0x8f: {  	_ = 	snop  }
0x90: {  	s2 =	sld [smem:$0x3FD0];
	_ =	sdelay $0x2  }
0x91: {  	s16 =	simm.s32 $0xA;
	s4 =	simm.s32 $0x10  }
0x92: {  	[smem:s4], [sflag:s16] =	dma.local [hbm:s2], $0x1  }
0x93: {  	_ =	swait.eq [sflag:s16], $0x1  }
0x94: {  	[sflag:s16] =	ssyncset.done $0x0  }
0x95: {  	s17 =	sld [smem:$0x11];
	[sflag:s16] =	ssyncadd.s32 $0xFFFFFFFF  }
0x96: {  	s18 =	sld [smem:$0x12];
	(tm) =	ssettm $0x1  }
0x97: {  	s19 =	sld [smem:$0x3FFB];
	_ =	sdelay $0x3  }
0x98: {  	_ =	strace s19  }
0x99: {  	s4 =	sld [smem:$0x3FFC];
	_ =	sdelay $0x3  }
0x9a: {  	_ =	strace s4  }
0x9b: {  	s4 =	sld [smem:$0x3FFD];
	_ =	sdelay $0x3  }
0x9c: {  	_ =	strace s4  }
0x9d: {  	_ =	strace $0x8FFFFFFF  }
0x9e: {  	s20 =	sld [smem:$0x3FDB];
	_ =	sdelay $0x1  }
0x9f: {  	s5 =	simm.s32 $_scs_section_size  }
0xa0: {  	s6 =	simm.s32 $_size__tile_overlayer_lowered;
	s7 =	simm.s32 $_tile_overlayer_lowered  }
0xa1: {  	s23 =	simm.s32 $0x1BFF;
	s22 =	sshll.u32 s7, $0x1;
	s4 =	sadd.s32 s5, s20  }
0xa2: {  	s8 =	simm.s32 $0x0;
	s21 =	sshll.u32 s6, $0x1;
	s6 =	sadd.s32 s22, s4  }
0xa3: {  	[timem:s8], [sflag:s23] =	dma.local [hbm:s6], s21  }
0xa4: {  	_ =	swait.ge [sflag:s23], s21  }
0xa5: {  	s5 =	ssub.s32 $0x0, s21;
	[sflag:s23] =	ssyncset.done $0x0  }
0xa6: {  	[sflag:s23] =	ssyncadd.s32 s5;
	_ =	sdelay $0x1  }
0xa7: {  	s24 =	simm.s32 $0x1B8B  }
0xa8: {  	_ =	swait.ge [sflag:s24], $0x1  }
0xa9: {  	[sflag:s24] =	ssyncset.done $0x0  }
0xaa: {  	s25 =	simm.s32 $0x1B8E;
	[sflag:s24] =	ssyncadd.s32 $0xFFFFFFFF  }
0xab: {  	s26 =	simm.s32 $execute0_lowered;
	[smem:$0x3FD2] =	sst s25  }
0xac: {  	s5 =	sshll.u32 s26, $0x1;
	_ =	strace $0x80000046;
	[dreg:$0x1] =	wrdreg $0xFFFFFFFF  }
0xad: {  	s28 =	simm.s32 $_size_execute0_lowered;
	s4 =	sadd.s32 s4, s5;
	[dreg:$0x0] =	wrdreg $0x0  }
0xae: {  	s5 =	sshll.u32 s28, $0x1;
	[dreg:$0x2] =	wrdreg s4  }
0xaf: {  	[dreg:$0x3] =	wrdreg s5  }
0xb0: {  	[dreg:$0x4] =	wrdreg $0xC0  }
0xb1: {  	_ =	task [dreg:s8], $0x5FFFF  }
0xb2: {  	[dreg:$0x1] =	wrdreg $0xFFFFFFFF  }
0xb3: {  	[dreg:$0x0] =	wrdreg $0x60  }
0xb4: {  	[dreg:$0x2] =	wrdreg s17  }
0xb5: {  	[dreg:$0x3] =	wrdreg s18  }
0xb6: {  	[dreg:$0x4] =	wrdreg $0x41000  }
0xb7: {  	[dreg:$0x5] =	wrdreg $0x9  }
0xb8: {  	_ =	task.clear_ibuf [dreg:s8], $0x6FFFF;
	_ =	strace $0x90000046  }
0xb9: {  	s29 =	simm.s32 $0x9;
	_ =	strace $0x80000048  }
0xba: {  	_ =	swait.ge [sflag:s29], $0x1  }
0xbb: {  	[sflag:s29] =	ssyncadd.s32 $0xFFFFFFFF  }
0xbc: {  	_ =	strace $0x90000048  }
0xbd: {  	_ =	sfence  }
0xbe: {  	s30 =	sld [smem:$0x0];
	_ =	sdelay $0x2  }
0xbf: {  	s31 =	sshll.u32 s1, $0xD;
	s1 =	sshrl.u32 s1, $0x2  }
0xc0: {  	s3 =	sand.u32 $0x4000, s31;
	s1 =	sadd.s32 s1, s30  }
0xc1: {  	s0 =	sor.u32 s3, s0;
	s1 =	sshll.u32 s1, $0x11  }
0xc2: {  	s0 =	sor.u32 s1, s0  }
0xc3: {  	s0 =	sadd.s32 $0x8F2B, s0  }
0xc4: {  	[sflag:s0] =	ssyncadd.remote.s32 $0x1  }
0xc5: {  	_ =	sfence.sel $0xFFFF  }
0xc6: {  	[dreg:$0x0] =	wrdreg $0xFFFFFFFF;
	(pc) =	sbr.abs _section_cstart, $3  }
0xc7: {  	[dreg:$0x1] =	wrdreg $0xFFFFFFFF  }
0xc8: {  	_ =	task.clear_ibuf [dreg:s8], $0x2FFFF;
	_ =	strace $0x9FFFFFFF  }
0xc9: {  	(tm) =	ssettm $0x7FFFFFFF  }
tec
execute0_lowered:
.L_overlay_start_1:
0x0: {  	(tag) =	ssettag $0x1  }
0x1: {  	s7 =	rddreg [dreg:$0x0]  }
0x2: {  	s1 =	rddreg [dreg:$0x1]  }
0x3: {  	s0 =	srdreg.scid;
	s2 =	rddreg [dreg:$0x2];
	s4 =	simm.s32 $0x0  }
0x4: {  	s3 =	stileid.u32;
	s12 =	simm.s32 $0x4080;
	s13 =	simm.s32 $0x6  }
0x5: {  	s14 =	simm.s32 $0x50;
	s15 =	simm.s32 $0x4000;
	s16 =	simm.s32 $0x1  }
0x6: {  	s17 =	simm.s32 $0x2;
	s18 =	simm.s32 $0x3;
	s19 =	simm.s32 $0x4  }
0x7: {  	s20 =	simm.s32 $0x5;
	s9 =	sand.u32 $0x1, s0;
	s0 =	rddreg [dreg:$0x3]  }
0x8: {  	s21 =	simm.s32 $0x0;
	[smem:$0x7FF] =	sst s4;
	p0 =	seq.s32 s3, $0xF  }
0x9: {  	s8 =	sshll.u32 s3, $0xB;
	s5 =	ssub.s32 $0x2, s9;
	_ =	strace $0x80000047  }
0xa: {  	s11 =	sshll.u32 s9, $0xF;
	s8 =	sadd.s32 s7, s8;
	s6 =	sshrl.u32 s5, $0x1  }
0xb: {  	s9 =	sshll.u32 s9, $0x7;
	s10 =	ssub.s32 s5, s6;
	s5 =	smul.u32 $0x270, s3  }
0xc: {  	s8 =	sadd.s32 s11, s8;
	s11 =	smul.u32 $0x4E0, s3;
	s6 =	simm.s32 $0x28  }
0xd: {  	v0 =	vimm.f32 $1.000000000e+00;
	v1 =	vimm.f32 $0.0e+00;
	s6 =	simm.s32 @!p0 $0x27;
	s10 =	smax.u32 s10, $0x1;
	s7 =	sadd.s32 s5, s2  }
.LBB2_1:
0xe: {  	[tilespmem:$0x4000] =	vst v0  }
0xf: {  	[tilespmem:$0x4010] =	vst v0  }
0x10: {  	[tilespmem:$0x4020] =	vst v0  }
0x11: {  	[tilespmem:$0x4030] =	vst v0;
	p0 =	sne.s32 s6, $0x1  }
.Ltmp0:
0x12: {  	[tilespmem:$0x4040] =	vst v0;
	(pc) =	sbr.rel @!p0 .LBB2_3-.Ltmp0, $4  }
0x13: {  	[tilespmem:$0x4080] =	vst v1  }
0x14: {  	[spmem:s7] =	stream.linear.scatter [tilespmem:s12], [sflag:$0x6], $0x10, $0x38;
	[tilespmem:$0x4378] =	vst v63  }
0x15: {  	_ =	swait.ge [sflag:s13], $0x10  }
0x16: {  	s22 =	sadd.s32 $0xFFFFFFFF, s6;
	s23 =	smov.u32 s7;
	[sflag:s13] =	ssyncset.done $0x0  }
.LBB2_2:
0x17: {  	p1 =	sne.s32 s22, $0x1;
	[sflag:s13] =	ssyncadd.s32 $0xFFFFFFF0;
	s23 =	sadd.s32 $0x10, s23  }
.Ltmp1:
0x18: {  	s22 =	sadd.s32 $0xFFFFFFFF, s22;
	(pc) =	sbr.rel @p1 .LBB2_2-.Ltmp1, $4  }
0x19: {  	_ = 	snop  }
0x1a: {  	[spmem:s23] =	stream.linear.scatter [tilespmem:s12], [sflag:$0x6], $0x10, $0x38;
	[tilespmem:$0x4378] =	vst v63  }
0x1b: {  	_ =	swait.ge [sflag:s13], $0x10  }
0x1c: {  	[sflag:s13] =	ssyncset.done $0x0  }
.LBB2_3:
0x1d: {  	[sflag:s13] =	ssyncadd.s32 $0xFFFFFFF0;
	s22 =	simm.s32 $0x0  }
0x1e: {  	[tilespmem:s22], [sflag:$0x6] =	stream.linear.gather [hbm4b:s8+s22], $0x3E80, $0x38;
	[tilespmem:$0x4378] =	vst v63  }
0x1f: {  	_ =	swait.ge [sflag:s13], $0x3E80  }
0x20: {  	[sflag:s13] =	ssyncset.done $0x0  }
0x21: {  	[sflag:s13] =	ssyncadd.s32 $0xFFFFC180  }
0x22: {  	s26 =	simm.s32 $0x0;
	[bflag:$0x0] =	sbarrier.arrive $0xFFFF  }
0x23: {  	[spmem:s2] =	stream.indirect.scatter.add.f32 [tilespmem:s15], [sflag:$0x1], $0x1, s26, s14, $0xb8;
	[tilespmem:$0x4378] =	vst v63  }
0x24: {  	s28 =	simm.s32 $0x80  }
0x25: {  	[spmem:s2] =	stream.indirect.scatter.add.f32 [tilespmem:s15], [sflag:$0x2], $0x1, s28, s14, $0xb8;
	[tilespmem:$0x4378] =	vst v63  }
0x26: {  	s29 =	simm.s32 $0x100  }
0x27: {  	[spmem:s2] =	stream.indirect.scatter.add.f32 [tilespmem:s15], [sflag:$0x3], $0x1, s29, s14, $0xb8;
	[tilespmem:$0x4378] =	vst v63  }
0x28: {  	s30 =	simm.s32 $0x180  }
0x29: {  	[spmem:s2] =	stream.indirect.scatter.add.f32 [tilespmem:s15], [sflag:$0x4], $0x1, s30, s14, $0xb8;
	[tilespmem:$0x4378] =	vst v63  }
0x2a: {  	s31 =	simm.s32 $0x200  }
0x2b: {  	[spmem:s2] =	stream.indirect.scatter.add.f32 [tilespmem:s15], [sflag:$0x5], $0x1, s31, s14, $0xb8;
	[tilespmem:$0x4378] =	vst v63  }
0x2c: {  	_ =	swait.ge [sflag:s16], $0x50  }
0x2d: {  	[sflag:s16] =	ssyncset.done $0x0  }
0x2e: {  	[sflag:s16] =	ssyncadd.s32 $0xFFFFFFB0  }
0x2f: {  	_ =	swait.ge [sflag:s17], $0x50  }
0x30: {  	[sflag:s17] =	ssyncset.done $0x0  }
0x31: {  	[sflag:s17] =	ssyncadd.s32 $0xFFFFFFB0  }
0x32: {  	_ =	swait.ge [sflag:s18], $0x50  }
0x33: {  	[sflag:s18] =	ssyncset.done $0x0  }
0x34: {  	[sflag:s18] =	ssyncadd.s32 $0xFFFFFFB0  }
0x35: {  	_ =	swait.ge [sflag:s19], $0x50  }
0x36: {  	[sflag:s19] =	ssyncset.done $0x0  }
0x37: {  	[sflag:s19] =	ssyncadd.s32 $0xFFFFFFB0  }
0x38: {  	_ =	swait.ge [sflag:s20], $0x50  }
0x39: {  	s23 =	simm.s32 $0x1400;
	s22 =	simm.s32 $0xA00;
	[sflag:s20] =	ssyncset.done $0x0  }
.LBB2_4:
0x3a: {  	s24 =	sshra.s32 s22, $0x2  }
0x3b: {  	[sflag:s20] =	ssyncadd.s32 $0xFFFFFFB0;
	s22 =	smov.u32 s23;
	s25 =	sadd.s32 $0xA00, s23  }
0x3c: {  	[spmem:s2] =	stream.indirect.scatter.add.f32 [tilespmem:s15], [sflag:$0x1], $0x1, s24, s14, $0xb8;
	[tilespmem:$0x4378] =	vst v63  }
0x3d: {  	p1 =	sne.s32 s23, $0xF000;
	s23 =	sadd.s32 $0x80, s24  }
0x3e: {  	[spmem:s2] =	stream.indirect.scatter.add.f32 [tilespmem:s15], [sflag:$0x2], $0x1, s23, s14, $0xb8;
	[tilespmem:$0x4378] =	vst v63  }
0x3f: {  	s23 =	sadd.s32 $0x100, s24  }
0x40: {  	[spmem:s2] =	stream.indirect.scatter.add.f32 [tilespmem:s15], [sflag:$0x3], $0x1, s23, s14, $0xb8;
	[tilespmem:$0x4378] =	vst v63  }
0x41: {  	s23 =	sadd.s32 $0x180, s24  }
0x42: {  	[spmem:s2] =	stream.indirect.scatter.add.f32 [tilespmem:s15], [sflag:$0x4], $0x1, s23, s14, $0xb8;
	[tilespmem:$0x4378] =	vst v63  }
0x43: {  	s23 =	sadd.s32 $0x200, s24  }
0x44: {  	[spmem:s2] =	stream.indirect.scatter.add.f32 [tilespmem:s15], [sflag:$0x5], $0x1, s23, s14, $0xb8;
	[tilespmem:$0x4378] =	vst v63  }
0x45: {  	_ =	swait.ge [sflag:s16], $0x50  }
0x46: {  	[sflag:s16] =	ssyncset.done $0x0  }
0x47: {  	[sflag:s16] =	ssyncadd.s32 $0xFFFFFFB0  }
0x48: {  	_ =	swait.ge [sflag:s17], $0x50  }
0x49: {  	[sflag:s17] =	ssyncset.done $0x0  }
0x4a: {  	[sflag:s17] =	ssyncadd.s32 $0xFFFFFFB0  }
0x4b: {  	_ =	swait.ge [sflag:s18], $0x50  }
0x4c: {  	[sflag:s18] =	ssyncset.done $0x0  }
0x4d: {  	[sflag:s18] =	ssyncadd.s32 $0xFFFFFFB0  }
.Ltmp2:
0x4e: {  	_ =	swait.ge [sflag:s19], $0x50;
	(pc) =	sbr.rel @p1 .LBB2_4-.Ltmp2, $4  }
0x4f: {  	[sflag:s19] =	ssyncset.done $0x0  }
0x50: {  	[sflag:s19] =	ssyncadd.s32 $0xFFFFFFB0  }
0x51: {  	_ =	swait.ge [sflag:s20], $0x50  }
0x52: {  	s23 =	smov.u32 s25;
	[sflag:s20] =	ssyncset.done $0x0  }
0x53: {  	s22 =	sshra.s32 s22, $0x2;
	[sflag:s20] =	ssyncadd.s32 $0xFFFFFFB0  }
0x54: {  	[spmem:s2] =	stream.indirect.scatter.add.f32 [tilespmem:s15], [sflag:$0x1], $0x1, s22, s14, $0xb8;
	[tilespmem:$0x4378] =	vst v63  }
0x55: {  	s23 =	sadd.s32 $0x80, s22  }
0x56: {  	[spmem:s2] =	stream.indirect.scatter.add.f32 [tilespmem:s15], [sflag:$0x2], $0x1, s23, s14, $0xb8;
	[tilespmem:$0x4378] =	vst v63  }
0x57: {  	s28 =	sadd.s32 $0x100, s22  }
0x58: {  	[spmem:s2] =	stream.indirect.scatter.add.f32 [tilespmem:s15], [sflag:$0x3], $0x1, s28, s14, $0xb8;
	[tilespmem:$0x4378] =	vst v63  }
0x59: {  	s29 =	sadd.s32 $0x180, s22  }
0x5a: {  	[spmem:s2] =	stream.indirect.scatter.add.f32 [tilespmem:s15], [sflag:$0x4], $0x1, s29, s14, $0xb8;
	[tilespmem:$0x4378] =	vst v63  }
0x5b: {  	s22 =	sadd.s32 $0x200, s22  }
0x5c: {  	[spmem:s2] =	stream.indirect.scatter.add.f32 [tilespmem:s15], [sflag:$0x5], $0x1, s22, s14, $0xb8;
	[tilespmem:$0x4378] =	vst v63  }
0x5d: {  	_ =	swait.ge [sflag:s16], $0x50  }
0x5e: {  	[sflag:s16] =	ssyncset.done $0x0  }
0x5f: {  	[sflag:s16] =	ssyncadd.s32 $0xFFFFFFB0  }
0x60: {  	_ =	swait.ge [sflag:s17], $0x50  }
0x61: {  	[sflag:s17] =	ssyncset.done $0x0  }
0x62: {  	[sflag:s17] =	ssyncadd.s32 $0xFFFFFFB0  }
0x63: {  	_ =	swait.ge [sflag:s18], $0x50  }
0x64: {  	[sflag:s18] =	ssyncset.done $0x0  }
0x65: {  	[sflag:s18] =	ssyncadd.s32 $0xFFFFFFB0  }
0x66: {  	_ =	swait.ge [sflag:s19], $0x50  }
0x67: {  	[sflag:s19] =	ssyncset.done $0x0  }
0x68: {  	[sflag:s19] =	ssyncadd.s32 $0xFFFFFFB0  }
0x69: {  	_ =	swait.ge [sflag:s20], $0x50  }
0x6a: {  	[sflag:s20] =	ssyncset.done $0x0  }
0x6b: {  	s30 =	sand.u32 $0xFFFFFF00, s11;
	[sflag:s20] =	ssyncadd.s32 $0xFFFFFFB0  }
0x6c: {  	s31 =	sand.u32 $0x70, s5;
	s22 =	sor.u32 s9, s30;
	[bflag:$0x0] =	sbarrier.arrive $0xFFFF  }
0x6d: {  	[tilespmem:s12], [sflag:$0x6] =	stream.linear.gather [spmem:s7], $0x10, $0x38;
	[tilespmem:$0x4378] =	vst v63  }
0x6e: {  	s22 =	sor.u32 s31, s22;
	_ =	swait.ge [sflag:s13], $0x10  }
.Ltmp3:
0x6f: {  	s22 =	sshrl.u32 s22, $0x3;
	[sflag:s13] =	ssyncset.done $0x0;
	(pc) =	sbr.rel @!p0 .LBB2_7-.Ltmp3, $4  }
0x70: {  	s22 =	sadd.s32 s1, s22;
	[sflag:s13] =	ssyncadd.s32 $0xFFFFFFF0  }
0x71: {  	[hbm4b:s22+s4] =	stream.linear.scatter [tilespmem:s12], [sflag:$0x6], $0x10, $0x38;
	[tilespmem:$0x4378] =	vst v63  }
0x72: {  	s24 =	sadd.s32 $0x10, s7;
	s25 =	smov.u32 s5;
	_ =	swait.ge [sflag:s13], $0x10  }
0x73: {  	s23 =	sadd.s32 $0x20, s11;
	s22 =	sadd.s32 $0xFFFFFFFF, s6;
	[sflag:s13] =	ssyncset.done $0x0  }
.LBB2_6:
0x74: {  	s26 =	sand.u32 $0xFFFFFF00, s23;
	[sflag:s13] =	ssyncadd.s32 $0xFFFFFFF0;
	s25 =	sadd.s32 $0x10, s25  }
0x75: {  	[tilespmem:s12], [sflag:$0x6] =	stream.linear.gather [spmem:s24], $0x10, $0x38;
	[tilespmem:$0x4378] =	vst v63  }
0x76: {  	p0 =	sne.s32 s22, $0x1;
	s26 =	sor.u32 s9, s26;
	s28 =	sand.u32 $0x70, s25  }
0x77: {  	s22 =	sadd.s32 $0xFFFFFFFF, s22;
	s26 =	sor.u32 s28, s26;
	_ =	swait.ge [sflag:s13], $0x10  }
.Ltmp4:
0x78: {  	s26 =	sshrl.u32 s26, $0x3;
	[sflag:s13] =	ssyncset.done $0x0;
	(pc) =	sbr.rel @p0 .LBB2_6-.Ltmp4, $4  }
0x79: {  	s26 =	sadd.s32 s1, s26;
	[sflag:s13] =	ssyncadd.s32 $0xFFFFFFF0  }
0x7a: {  	[hbm4b:s26+s4] =	stream.linear.scatter [tilespmem:s12], [sflag:$0x6], $0x10, $0x38;
	[tilespmem:$0x4378] =	vst v63  }
0x7b: {  	_ =	swait.ge [sflag:s13], $0x10  }
0x7c: {  	s23 =	sadd.s32 $0x20, s23;
	s24 =	sadd.s32 $0x10, s24;
	[sflag:s13] =	ssyncset.done $0x0  }
.LBB2_7:
0x7d: {  	s21 =	sadd.s32 $0x1, s21  }
0x7e: {  	p0 =	sne.s32 s21, s10  }
.Ltmp5:
0x7f: {  	_ = 	snop;
	(pc) =	sbr.rel @p0 .LBB2_1-.Ltmp5, $2  }
0x80: {  	_ =	sdelay $0x2  }
0x81: {  	[sflag:s13] =	ssyncadd.s32 $0xFFFFFFF0  }
0x82: {  	_ =	sfence.sel $0x180000  }
0x83: {  	[bflag:$0x0] =	sbarrier.arrive $0xFFFF  }
0x84: {  	p0 =	sne.s32 s3, $0x0;
	_ =	strace $0x90000047  }
0x85: {  	s0 =	sadd.s32 @!p0 $0x100000, s0;
	[bflag:$0x2] =	sbarrier.arrive $0xFFFF  }
0x86: {  	[sflag:s0] =	ssyncadd.tile.s32 @!p0 $0x1;
	_ =	shalt  }
.Lfunc_end2:
_tile_overlayer_lowered:
.L_overlay_start_2:
0x87: {  	(tag) =	ssettag $0x2  }
0x88: {  	s0 =	rddreg [dreg:$0x0];
	s2 =	stileid.u32  }
0x89: {  	s1 =	rddreg [dreg:$0x1];
	p0 =	sne.s32 s2, $0x0  }
0x8a: {  	s3 =	rddreg [dreg:$0x2];
	[bflag:$0x3] =	sbarrier.arrive $0xFFFF;
	s2 =	simm.s32 @!p0 $0x1C06  }
0x8b: {  	[timem:s3], [sflag:s2] =	dma.local @!p0 [hbm:s0], s1  }
0x8c: {  	s0 =	simm.s32 @!p0 $0x6  }
0x8d: {  	_ =	swait.ge @!p0 [sflag:s0], s1  }
0x8e: {  	s1 =	ssub.s32 @!p0 $0x0, s1;
	[sflag:s0] =	ssyncset.done @!p0 $0x0  }
0x8f: {  	[sflag:s0] =	ssyncadd.s32 @!p0 s1  }
0x90: {  	[bflag:$0x3] =	sbarrier.arrive $0xFFFF  }
0x91: {  	_ =	shalt  }

// kernel: kernel.14.cloned.1.call-start
scs
__scs_entry_jumppad:
0x0: {  	(pc) =	sbr.rel $0x88, $3  }
0x1: {  	(tag) =	ssettag $0x0;
	lr =	simm.s32 $0x1  }
0x2: {  	[smem:$0x3F92] =	sst lr;
	_ =	strace $0xD0000000  }
0x3: {  	_ = 	snop  }
0x4: {  	_ = 	snop  }
0x5: {  	_ = 	snop  }
0x6: {  	_ = 	snop  }
0x7: {  	_ = 	snop  }
__scs_overlays_trampoline_lowered:
0x8: {  	[smem:$0x3FA1] =	sst s0  }
0x9: {  	[smem:$0x3FA2] =	sst s1  }
0xa: {  	[smem:$0x3FA3] =	sst s2  }
0xb: {  	[smem:$0x3FA4] =	sst s3  }
0xc: {  	[smem:$0x3FA5] =	sst s4  }
0xd: {  	[smem:$0x3FA6] =	sst s5  }
0xe: {  	[smem:$0x3FA7] =	sst s6  }
0xf: {  	[smem:$0x3FA8] =	sst s7  }
0x10: {  	[smem:$0x3FA9] =	sst s8  }
0x11: {  	[smem:$0x3FAA] =	sst s9;
	s0 =	simm.s32 @!p0 $0x0  }
0x12: {  	s1 =	sld [smem:$0x3F90];
	s0 =	simm.s32 @p0 $0x1  }
0x13: {  	[smem:$0x3FAB] =	sst s0;
	s0 =	simm.s32 @!p1 $0x0  }
0x14: {  	s2 =	sld [smem:$0x3F8F];
	s0 =	simm.s32 @p1 $0x1  }
0x15: {  	[smem:$0x3FAC] =	sst s0;
	s0 =	simm.s32 @!p2 $0x0  }
0x16: {  	s3 =	sld [smem:$0x3FDB];
	s0 =	simm.s32 @p2 $0x1  }
0x17: {  	s4 =	simm.s32 $0x1BF5;
	[smem:$0x3FAE] =	sst s0  }
0x18: {  	s0 =	sld [smem:$0x3F91];
	_ =	swait.ge [sflag:s4], $0x0  }
0x19: {  	s7 =	sld [smem:$0x3F92]  }
0x1a: {  	s8 =	sadd.s32 $0xFFFFE003, lr  }
0x1b: {  	s9 =	sadd.s32 $0xFFFFFEF7, lr;
	s5 =	simm.s32 $0xFFFFFFFF;
	p2 =	slt.u32 s8, $0xFFFFF086  }
0x1c: {  	p1 =	slt.u32 s9, $0xF7A;
	s5 =	simm.s32 @!p2 $0x0  }
0x1d: {  	s5 =	simm.s32 @p1 $0x1;
	p0 =	seq.s32 s7, s2  }
0x1e: {  	s7 =	smul.u32 @!p0 $0xF7A, s2;
	p2 =	seq.s32 @!p0 s5, $0x0  }
0x1f: {  	s9 =	smul.u32 $0xF7A, s1;
	s8 =	simm.s32 @!p0 $0x1BF5;
	p2 =	por !p2, p0  }
0x20: {  	[sflag:s8] =	ssyncset.s32 @!p0 $0xFFFFF086;
	s6 =	sadd.s32 @!p0 s3, s7;
	s7 =	simm.s32 @!p0 $0x108  }
0x21: {  	s3 =	sadd.s32 s3, s9;
	s6 =	sadd.s32 @!p0 $0x88, s6;
	s7 =	simm.s32 @p2 $0x1082  }
0x22: {  	[simem:s7], [sflag:s8] =	dma.local @!p0 [hbm:s6], $0xF7A  }
0x23: {  	s9 =	sor.u32 $0xD0000000, s2;
	s6 =	simm.s32 $0x108;
	_ =	swait.ge @!p0 [sflag:s8], $0x0  }
0x24: {  	s3 =	sadd.s32 $0x88, s3;
	s6 =	simm.s32 @!p1 $0x1082;
	[sflag:s4] =	ssyncset.s32 $0xFFFFF086  }
0x25: {  	[simem:s6], [sflag:s4] =	dma.local [hbm:s3], $0xF7A  }
0x26: {  	[smem:$0x3F92] =	sst s1;
	(tag) =	ssettag s2;
	_ =	strace s9  }
0x27: {  	s1 =	sld [smem:$0x3FA2]  }
0x28: {  	s2 =	sld [smem:$0x3FA3]  }
0x29: {  	s4 =	sld [smem:$0x3FA5]  }
0x2a: {  	p0 =	seq.s32 s5, $0x0;
	s5 =	sld [smem:$0x3FA6]  }
0x2b: {  	s6 =	sld [smem:$0x3FA7]  }
0x2c: {  	s7 =	sld [smem:$0x3FA8]  }
0x2d: {  	s3 =	simm.s32 $0x108;
	s8 =	sld [smem:$0x3FA9]  }
0x2e: {  	s3 =	simm.s32 @!p0 $0x1082;
	s9 =	sld [smem:$0x3FAA]  }
0x2f: {  	lr =	sadd.s32 s0, s3;
	s0 =	sld [smem:$0x3FA1]  }
0x30: {  	s3 =	sld [smem:$0x3FA4]  }
0x31: {  	[smem:$0x3FAD] =	sst s10  }
0x32: {  	s10 =	sld [smem:$0x3FAB];
	_ =	sdelay $0x3  }
0x33: {  	p0 =	seq.s32 s10, $0x1;
	s10 =	sld [smem:$0x3FAD];
	_ =	sdelay $0x3  }
0x34: {  	[smem:$0x3FAD] =	sst s10  }
0x35: {  	s10 =	sld [smem:$0x3FAC];
	_ =	sdelay $0x3  }
0x36: {  	p1 =	seq.s32 s10, $0x1;
	s10 =	sld [smem:$0x3FAD];
	_ =	sdelay $0x3  }
0x37: {  	[smem:$0x3FAD] =	sst s10  }
0x38: {  	s10 =	sld [smem:$0x3FAE]  }
0x39: {  	_ = 	snop;
	(pc) =	sbr.ind lr, $3  }
0x3a: {  	_ = 	snop  }
0x3b: {  	_ = 	snop  }
0x3c: {  	p2 =	seq.s32 s10, $0x1;
	s10 =	sld [smem:$0x3FAD]  }
0x3d: {  	_ =	shalt  }
0x3e: {  	_ =	shalt  }
0x3f: {  	_ =	shalt  }
0x40: {  	_ =	shalt  }
0x41: {  	_ =	shalt  }
0x42: {  	_ =	shalt  }
0x43: {  	_ =	shalt  }
0x44: {  	_ =	shalt  }
0x45: {  	_ =	shalt  }
0x46: {  	_ =	shalt  }
0x47: {  	_ =	shalt  }
0x48: {  	_ =	shalt  }
0x49: {  	_ =	shalt  }
0x4a: {  	_ =	shalt  }
0x4b: {  	_ =	shalt  }
0x4c: {  	_ =	shalt  }
0x4d: {  	_ =	shalt  }
0x4e: {  	_ =	shalt  }
0x4f: {  	_ =	shalt  }
0x50: {  	_ =	shalt  }
0x51: {  	_ =	shalt  }
0x52: {  	_ =	shalt  }
0x53: {  	_ =	shalt  }
0x54: {  	_ =	shalt  }
0x55: {  	_ =	shalt  }
0x56: {  	_ =	shalt  }
0x57: {  	_ =	shalt  }
0x58: {  	_ =	shalt  }
0x59: {  	_ =	shalt  }
0x5a: {  	_ =	shalt  }
0x5b: {  	_ =	shalt  }
0x5c: {  	_ =	shalt  }
0x5d: {  	_ =	shalt  }
0x5e: {  	_ =	shalt  }
0x5f: {  	_ =	shalt  }
0x60: {  	_ =	shalt  }
0x61: {  	_ =	shalt  }
0x62: {  	_ =	shalt  }
0x63: {  	_ =	shalt  }
0x64: {  	_ =	shalt  }
0x65: {  	_ =	shalt  }
0x66: {  	_ =	shalt  }
0x67: {  	_ =	shalt  }
0x68: {  	_ =	shalt  }
0x69: {  	_ =	shalt  }
0x6a: {  	_ =	shalt  }
0x6b: {  	_ =	shalt  }
0x6c: {  	_ =	shalt  }
0x6d: {  	_ =	shalt  }
0x6e: {  	_ =	shalt  }
0x6f: {  	_ =	shalt  }
0x70: {  	_ =	shalt  }
0x71: {  	_ =	shalt  }
0x72: {  	_ =	shalt  }
0x73: {  	_ =	shalt  }
0x74: {  	_ =	shalt  }
0x75: {  	_ =	shalt  }
0x76: {  	_ =	shalt  }
0x77: {  	_ =	shalt  }
0x78: {  	_ =	shalt  }
0x79: {  	_ =	shalt  }
0x7a: {  	_ =	shalt  }
0x7b: {  	_ =	shalt  }
0x7c: {  	_ =	shalt  }
0x7d: {  	_ =	shalt  }
0x7e: {  	_ =	shalt  }
0x7f: {  	_ =	shalt  }
0x80: {  	_ =	shalt  }
0x81: {  	_ =	shalt  }
0x82: {  	_ =	shalt  }
0x83: {  	_ =	shalt  }
0x84: {  	_ =	shalt  }
0x85: {  	_ =	shalt  }
0x86: {  	_ =	shalt  }
0x87: {  	_ =	shalt  }
.Lfunc_end0:
.L_simem_size_0:
called_computation.1_lowered:
.L_overlay_start_0:
0x88: {  	s2 =	sld [smem:$0x3FD9]  }
0x89: {  	s3 =	sld [smem:$0x3FFE];
	_ =	sdelay $0x1  }
0x8a: {  	s1 =	srdreg.scid  }
0x8b: {  	s0 =	sand.u32 $0x1, s1  }
0x8c: {  	s14 =	sshll.u32 s0, $0xA;
	s2 =	sadd.s32 s3, s2  }
0x8d: {  	s2 =	sadd.s32 s2, s14  }
0x8e: {  	[smem:$0x3FB9] =	sst s2  }
0x8f: {  	_ = 	snop  }
0x90: {  	s2 =	sld [smem:$0x3FD0];
	_ =	sdelay $0x2  }
0x91: {  	s15 =	simm.s32 $0xA;
	s4 =	simm.s32 $0x10  }
0x92: {  	[smem:s4], [sflag:s15] =	dma.local [hbm:s2], $0x1  }
0x93: {  	_ =	swait.eq [sflag:s15], $0x1  }
0x94: {  	[sflag:s15] =	ssyncset.done $0x0  }
0x95: {  	[sflag:s15] =	ssyncadd.s32 $0xFFFFFFFF  }
0x96: {  	s16 =	sld [smem:$0x11];
	(tm) =	ssettm $0x1  }
0x97: {  	s17 =	sld [smem:$0x3FFB];
	_ =	sdelay $0x3  }
0x98: {  	_ =	strace s17  }
0x99: {  	s3 =	sld [smem:$0x3FFC];
	_ =	sdelay $0x3  }
0x9a: {  	_ =	strace s3  }
0x9b: {  	s3 =	sld [smem:$0x3FFD];
	_ =	sdelay $0x3  }
0x9c: {  	_ =	strace s3  }
0x9d: {  	_ =	strace $0x8FFFFFFF  }
0x9e: {  	s18 =	sld [smem:$0x3FDB];
	_ =	sdelay $0x1  }
0x9f: {  	s19 =	simm.s32 $_scs_section_size  }
0xa0: {  	s5 =	simm.s32 $_size__tile_overlayer_lowered;
	s6 =	simm.s32 $_tile_overlayer_lowered  }
0xa1: {  	s22 =	simm.s32 $0x1BFF;
	s21 =	sshll.u32 s6, $0x1;
	s3 =	sadd.s32 s19, s18  }
0xa2: {  	s7 =	simm.s32 $0x0;
	s20 =	sshll.u32 s5, $0x1;
	s5 =	sadd.s32 s21, s3  }
0xa3: {  	[timem:s7], [sflag:s22] =	dma.local [hbm:s5], s20  }
0xa4: {  	_ =	swait.ge [sflag:s22], s20  }
0xa5: {  	s4 =	ssub.s32 $0x0, s20;
	[sflag:s22] =	ssyncset.done $0x0  }
0xa6: {  	[sflag:s22] =	ssyncadd.s32 s4;
	_ =	sdelay $0x1  }
0xa7: {  	s23 =	simm.s32 $0x1B8B  }
0xa8: {  	_ =	swait.ge [sflag:s23], $0x1  }
0xa9: {  	[sflag:s23] =	ssyncset.done $0x0  }
0xaa: {  	s25 =	simm.s32 $0x1B8E;
	s24 =	sld [smem:$0x3FFE];
	[sflag:s23] =	ssyncadd.s32 $0xFFFFFFFF  }
0xab: {  	s26 =	simm.s32 $execute0_lowered;
	[smem:$0x3FD2] =	sst s25  }
0xac: {  	s5 =	sshll.u32 s26, $0x1;
	_ =	strace $0x80000049;
	[dreg:$0x1] =	wrdreg $0xFFFFFFFF  }
0xad: {  	s28 =	simm.s32 $_size_execute0_lowered;
	s3 =	sadd.s32 s3, s5;
	[dreg:$0x0] =	wrdreg $0x0  }
0xae: {  	s5 =	sshll.u32 s28, $0x1;
	[dreg:$0x2] =	wrdreg s3  }
0xaf: {  	[dreg:$0x3] =	wrdreg s5  }
0xb0: {  	[dreg:$0x4] =	wrdreg $0xC0  }
0xb1: {  	_ =	task [dreg:s7], $0x5FFFF  }
0xb2: {  	[dreg:$0x1] =	wrdreg $0xFFFFFFFF  }
0xb3: {  	[dreg:$0x0] =	wrdreg $0x60  }
0xb4: {  	[dreg:$0x2] =	wrdreg s24  }
0xb5: {  	[dreg:$0x3] =	wrdreg s16  }
0xb6: {  	[dreg:$0x4] =	wrdreg $0xA8000  }
0xb7: {  	[dreg:$0x5] =	wrdreg $0x9  }
0xb8: {  	_ =	task.clear_ibuf [dreg:s7], $0x6FFFF;
	_ =	strace $0x90000049  }
0xb9: {  	s29 =	simm.s32 $0x9;
	_ =	strace $0x8000004B  }
0xba: {  	_ =	swait.ge [sflag:s29], $0x1  }
0xbb: {  	[sflag:s29] =	ssyncadd.s32 $0xFFFFFFFF  }
0xbc: {  	_ =	strace $0x9000004B  }
0xbd: {  	_ =	sfence  }
0xbe: {  	s30 =	sld [smem:$0x0];
	_ =	sdelay $0x2  }
0xbf: {  	s31 =	sshll.u32 s1, $0xD;
	s1 =	sshrl.u32 s1, $0x2  }
0xc0: {  	s3 =	sand.u32 $0x4000, s31;
	s1 =	sadd.s32 s1, s30  }
0xc1: {  	s0 =	sor.u32 s3, s0;
	s1 =	sshll.u32 s1, $0x11  }
0xc2: {  	s0 =	sor.u32 s1, s0  }
0xc3: {  	s0 =	sadd.s32 $0x8F2B, s0  }
0xc4: {  	[sflag:s0] =	ssyncadd.remote.s32 $0x1  }
0xc5: {  	_ =	sfence.sel $0xFFFF  }
0xc6: {  	[dreg:$0x0] =	wrdreg $0xFFFFFFFF;
	(pc) =	sbr.abs _section_cstart, $3  }
0xc7: {  	[dreg:$0x1] =	wrdreg $0xFFFFFFFF  }
0xc8: {  	_ =	task.clear_ibuf [dreg:s7], $0x2FFFF;
	_ =	strace $0x9FFFFFFF  }
0xc9: {  	(tm) =	ssettm $0x7FFFFFFF  }
tec
execute0_lowered:
.L_overlay_start_1:
0x0: {  	(tag) =	ssettag $0x1  }
0x1: {  	s0 =	rddreg [dreg:$0x0]  }
0x2: {  	s1 =	rddreg [dreg:$0x1]  }
0x3: {  	s2 =	rddreg [dreg:$0x2]  }
0x4: {  	s3 =	srdreg.scid;
	s4 =	simm.s32 $0x0;
	s11 =	stileid.u32  }
0x5: {  	s24 =	simm.s32 $0x50;
	s28 =	simm.s32 $0x300;
	s29 =	simm.s32 $0x180  }
0x6: {  	s30 =	simm.s32 $0x5;
	s31 =	simm.s32 $0x400;
	s3 =	sand.u32 $0x1, s3  }
0x7: {  	[smem:$0x7FF] =	sst s4;
	s7 =	smul.u32 $0x13800, s11;
	s5 =	sadd.s32 $0x27E00, s0  }
0x8: {  	p0 =	seq.s32 s11, $0xF;
	s10 =	smul.u32 $0x4E000, s11;
	s12 =	sshll.u32 s11, $0xE  }
0x9: {  	s11 =	simm.s32 $0x7;
	s6 =	smul.u32 $0x138800, s3;
	_ =	strace $0x8000004A  }
0xa: {  	s8 =	ssub.s32 $0x2, s3;
	s3 =	sshll.u32 s3, $0x12;
	s24 =	simm.s32 @!p0 $0x4E  }
0xb: {  	s9 =	sshrl.u32 s8, $0x1;
	s13 =	sshrl.u32 s10, $0x2;
	s10 =	simm.s32 $0x0  }
0xc: {  	[dreg:$0x4] =	wrdreg s24;
	s7 =	sadd.s32 s7, s6;
	s6 =	sadd.s32 $0x17E00, s0  }
0xd: {  	s8 =	ssub.s32 s8, s9;
	s9 =	sor.u32 s12, s3;
	s25 =	sadd.s32 s13, s2  }
0xe: {  	s12 =	simm.s32 $0x5400;
	s13 =	simm.s32 $0x1;
	s7 =	sshrl.u32 s7, $0x3  }
0xf: {  	s14 =	sshrl.u32 s9, $0x3;
	s26 =	smax.u32 s8, $0x1;
	[dreg:$0x5] =	wrdreg s25  }
0x10: {  	s0 =	sadd.s32 s7, s0;
	s7 =	simm.s32 $0x50;
	s15 =	sadd.s32 s6, s14  }
0x11: {  	s16 =	sor.u32 $0x10, s14;
	s17 =	sadd.s32 s1, s14;
	[dreg:$0xe] =	wrdreg s26  }
0x12: {  	s19 =	sor.u32 $0x20, s14;
	s21 =	sor.u32 $0x30, s14;
	[dreg:$0x6] =	wrdreg s15  }
0x13: {  	s14 =	simm.s32 $0x8;
	[dreg:$0x7] =	wrdreg s17;
	s18 =	sadd.s32 s6, s16  }
0x14: {  	s26 =	simm.s32 $0x80;
	s3 =	sadd.s32 s1, s16;
	[dreg:$0x8] =	wrdreg s18  }
0x15: {  	s20 =	sadd.s32 s6, s19;
	s22 =	sadd.s32 s1, s19;
	[dreg:$0x9] =	wrdreg s3  }
0x16: {  	s23 =	sadd.s32 s6, s21;
	s0 =	sadd.s32 $0x4F000, s0;
	[dreg:$0xa] =	wrdreg s20  }
0x17: {  	s15 =	simm.s32 $0x7C00;
	s16 =	simm.s32 $0x2;
	[dreg:$0xb] =	wrdreg s22  }
0x18: {  	s17 =	simm.s32 $0x3;
	s19 =	simm.s32 $0x380;
	[dreg:$0xc] =	wrdreg s23  }
0x19: {  	s3 =	sadd.s32 s1, s21;
	[dreg:$0xf] =	wrdreg s0;
	s21 =	simm.s32 $0xA400  }
0x1a: {  	s22 =	simm.s32 $0x9;
	s23 =	simm.s32 $0x200;
	s0 =	simm.s32 $0x6  }
0x1b: {  	v0 =	vimm.f32 $0.0e+00;
	s18 =	simm.s32 $0x4;
	[dreg:$0xd] =	wrdreg s3;
	s3 =	simm.s32 $0x2C00  }
.LBB2_1:
0x1c: {  	[tilespmem:$0xA400] =	vst v0  }
0x1d: {  	[tilespmem:$0xA410] =	vst v0  }
0x1e: {  	[tilespmem:$0xA420] =	vst v0  }
0x1f: {  	[tilespmem:$0xA430] =	vst v0  }
0x20: {  	[tilespmem:$0xA440] =	vst v0  }
0x21: {  	[tilespmem:$0xA450] =	vst v0  }
0x22: {  	[tilespmem:$0xA460] =	vst v0  }
0x23: {  	[tilespmem:$0xA470] =	vst v0  }
0x24: {  	[tilespmem:$0xA480] =	vst v0  }
0x25: {  	[tilespmem:$0xA490] =	vst v0  }
0x26: {  	[tilespmem:$0xA4A0] =	vst v0  }
0x27: {  	[tilespmem:$0xA4B0] =	vst v0  }
0x28: {  	[tilespmem:$0xA4C0] =	vst v0  }
0x29: {  	[tilespmem:$0xA4D0] =	vst v0  }
0x2a: {  	[tilespmem:$0xA4E0] =	vst v0  }
0x2b: {  	[tilespmem:$0xA4F0] =	vst v0  }
0x2c: {  	[tilespmem:$0xA500] =	vst v0  }
0x2d: {  	[tilespmem:$0xA510] =	vst v0  }
0x2e: {  	[tilespmem:$0xA520] =	vst v0  }
0x2f: {  	[tilespmem:$0xA530] =	vst v0  }
0x30: {  	[tilespmem:$0xA540] =	vst v0  }
0x31: {  	[tilespmem:$0xA550] =	vst v0  }
0x32: {  	[tilespmem:$0xA560] =	vst v0  }
0x33: {  	[tilespmem:$0xA570] =	vst v0  }
0x34: {  	[tilespmem:$0xA580] =	vst v0  }
0x35: {  	[tilespmem:$0xA590] =	vst v0  }
0x36: {  	[tilespmem:$0xA5A0] =	vst v0  }
0x37: {  	[tilespmem:$0xA5B0] =	vst v0  }
0x38: {  	[tilespmem:$0xA5C0] =	vst v0  }
0x39: {  	[tilespmem:$0xA5D0] =	vst v0  }
0x3a: {  	[tilespmem:$0xA5E0] =	vst v0  }
0x3b: {  	[tilespmem:$0xA5F0] =	vst v0  }
0x3c: {  	[tilespmem:$0xA600] =	vst v0  }
0x3d: {  	[tilespmem:$0xA610] =	vst v0  }
0x3e: {  	[tilespmem:$0xA620] =	vst v0  }
0x3f: {  	[tilespmem:$0xA630] =	vst v0  }
0x40: {  	[tilespmem:$0xA640] =	vst v0  }
0x41: {  	[tilespmem:$0xA650] =	vst v0  }
0x42: {  	[tilespmem:$0xA660] =	vst v0  }
0x43: {  	[tilespmem:$0xA670] =	vst v0  }
0x44: {  	[tilespmem:$0xA680] =	vst v0  }
0x45: {  	[tilespmem:$0xA690] =	vst v0  }
0x46: {  	[tilespmem:$0xA6A0] =	vst v0  }
0x47: {  	[tilespmem:$0xA6B0] =	vst v0  }
0x48: {  	[tilespmem:$0xA6C0] =	vst v0  }
0x49: {  	[tilespmem:$0xA6D0] =	vst v0  }
0x4a: {  	[tilespmem:$0xA6E0] =	vst v0  }
0x4b: {  	[tilespmem:$0xA6F0] =	vst v0  }
0x4c: {  	[tilespmem:$0xA700] =	vst v0  }
0x4d: {  	[tilespmem:$0xA710] =	vst v0  }
0x4e: {  	[tilespmem:$0xA720] =	vst v0  }
0x4f: {  	[tilespmem:$0xA730] =	vst v0  }
0x50: {  	[tilespmem:$0xA740] =	vst v0  }
0x51: {  	[tilespmem:$0xA750] =	vst v0  }
0x52: {  	[tilespmem:$0xA760] =	vst v0  }
0x53: {  	[tilespmem:$0xA770] =	vst v0  }
0x54: {  	[tilespmem:$0xA780] =	vst v0  }
0x55: {  	[tilespmem:$0xA790] =	vst v0  }
0x56: {  	[tilespmem:$0xA7A0] =	vst v0  }
0x57: {  	[tilespmem:$0xA7B0] =	vst v0  }
0x58: {  	[tilespmem:$0xA7C0] =	vst v0  }
0x59: {  	[tilespmem:$0xA7D0] =	vst v0;
	p0 =	sne.s32 s24, $0x1  }
.Ltmp0:
0x5a: {  	[tilespmem:$0xA7E0] =	vst v0;
	(pc) =	sbr.rel @!p0 .LBB2_3-.Ltmp0, $4  }
0x5b: {  	[dreg:$0x10] =	wrdreg s10;
	[tilespmem:$0xA7F0] =	vst v0  }
0x5c: {  	[spmem:s25] =	stream.linear.scatter [tilespmem:s21], [sflag:$0x9], $0x400, $0x38;
	[tilespmem:$0x1E080] =	vst v63  }
0x5d: {  	_ =	swait.ge [sflag:s22], $0x400  }
0x5e: {  	s8 =	sadd.s32 $0xFFFFFFFF, s24;
	s10 =	smov.u32 s25;
	[sflag:s22] =	ssyncset.done $0x0  }
.LBB2_2:
0x5f: {  	p1 =	sne.s32 s8, $0x1;
	[sflag:s22] =	ssyncadd.s32 $0xFFFFFC00;
	s10 =	sadd.s32 $0x400, s10  }
.Ltmp1:
0x60: {  	s8 =	sadd.s32 $0xFFFFFFFF, s8;
	(pc) =	sbr.rel @p1 .LBB2_2-.Ltmp1, $4  }
0x61: {  	_ = 	snop  }
0x62: {  	[spmem:s10] =	stream.linear.scatter [tilespmem:s21], [sflag:$0x9], $0x400, $0x38;
	[tilespmem:$0x1E080] =	vst v63  }
0x63: {  	_ =	swait.ge [sflag:s22], $0x400  }
0x64: {  	[sflag:s22] =	ssyncset.done $0x0  }
.LBB2_3:
0x65: {  	[sflag:s22] =	ssyncadd.s32 $0xFFFFFC00  }
0x66: {  	[bflag:$0x0] =	sbarrier.arrive $0xFFFF  }
0x67: {  	s8 =	rddreg [dreg:$0x6]  }
0x68: {  	[tilespmem:s4], [sflag:$0x5] =	stream.linear.gather [hbm4b:s8+s4], $0x80, $0x38;
	[tilespmem:$0x1E080] =	vst v63  }
0x69: {  	s20 =	rddreg [dreg:$0x7]  }
0x6a: {  	[tilespmem:s23], [sflag:$0x5] =	stream.linear.gather [hbm4b:s20+s4], $0x80, $0x38;
	[tilespmem:$0x1E080] =	vst v63  }
0x6b: {  	s24 =	rddreg [dreg:$0x8];
	s20 =	simm.s32 $0x80  }
0x6c: {  	[tilespmem:s20], [sflag:$0x6] =	stream.linear.gather [hbm4b:s24+s4], $0x80, $0x38;
	[tilespmem:$0x1E080] =	vst v63  }
0x6d: {  	s10 =	simm.s32 $0x280;
	s25 =	rddreg [dreg:$0x9]  }
0x6e: {  	[tilespmem:s10], [sflag:$0x6] =	stream.linear.gather [hbm4b:s25+s4], $0x80, $0x38;
	[tilespmem:$0x1E080] =	vst v63  }
0x6f: {  	s24 =	simm.s32 $0x100;
	s10 =	rddreg [dreg:$0xa]  }
0x70: {  	[tilespmem:s24], [sflag:$0x7] =	stream.linear.gather [hbm4b:s10+s4], $0x80, $0x38;
	[tilespmem:$0x1E080] =	vst v63  }
0x71: {  	s25 =	rddreg [dreg:$0xb]  }
0x72: {  	[tilespmem:s28], [sflag:$0x7] =	stream.linear.gather [hbm4b:s25+s4], $0x80, $0x38;
	[tilespmem:$0x1E080] =	vst v63  }
0x73: {  	s10 =	rddreg [dreg:$0xc]  }
0x74: {  	[tilespmem:s29], [sflag:$0x8] =	stream.linear.gather [hbm4b:s10+s4], $0x80, $0x38;
	[tilespmem:$0x1E080] =	vst v63  }
0x75: {  	s8 =	simm.s32 $0x380;
	s25 =	rddreg [dreg:$0xd]  }
0x76: {  	[tilespmem:s8], [sflag:$0x8] =	stream.linear.gather [hbm4b:s25+s4], $0x80, $0x38;
	[tilespmem:$0x1E080] =	vst v63  }
0x77: {  	_ =	swait.ge [sflag:s30], $0x80  }
0x78: {  	[sflag:s30] =	ssyncset.done $0x0  }
0x79: {  	[sflag:s30] =	ssyncadd.s32 $0xFFFFFF80  }
0x7a: {  	_ =	swait.ge [sflag:s30], $0x80  }
0x7b: {  	[sflag:s30] =	ssyncset.done $0x0  }
0x7c: {  	[sflag:s30] =	ssyncadd.s32 $0xFFFFFF80  }
0x7d: {  	[tilespmem:s31], [sflag:$0x1] =	stream.indirect.gather [hbm4b:s5+s7], $0x80, s4, s7, $0xb8;
	[tilespmem:$0x1E080] =	vst v63  }
0x7e: {  	_ =	swait.ge [sflag:s0], $0x80  }
0x7f: {  	[sflag:s0] =	ssyncset.done $0x0  }
0x80: {  	[sflag:s0] =	ssyncadd.s32 $0xFFFFFF80  }
0x81: {  	_ =	swait.ge [sflag:s0], $0x80  }
0x82: {  	[sflag:s0] =	ssyncset.done $0x0  }
0x83: {  	[sflag:s0] =	ssyncadd.s32 $0xFFFFFF80  }
0x84: {  	[tilespmem:s3], [sflag:$0x2] =	stream.indirect.gather [hbm4b:s5+s7], $0x80, s20, s7, $0xb8;
	[tilespmem:$0x1E080] =	vst v63  }
0x85: {  	_ =	swait.ge [sflag:s11], $0x80  }
0x86: {  	[sflag:s11] =	ssyncset.done $0x0  }
0x87: {  	[sflag:s11] =	ssyncadd.s32 $0xFFFFFF80  }
0x88: {  	_ =	swait.ge [sflag:s11], $0x80  }
0x89: {  	[sflag:s11] =	ssyncset.done $0x0  }
0x8a: {  	[sflag:s11] =	ssyncadd.s32 $0xFFFFFF80  }
0x8b: {  	[tilespmem:s12], [sflag:$0x3] =	stream.indirect.gather [hbm4b:s5+s7], $0x80, s24, s7, $0xb8;
	[tilespmem:$0x1E080] =	vst v63  }
.LBB2_4:
0x8c: {  	_ =	swait.ge [sflag:s13], $0x2800;
	s10 =	sadd.s32 $0xFFFFFE80, s8  }
0x8d: {  	[sflag:s13] =	ssyncset.done $0x0;
	s20 =	sand.u32 $0x7C00, s10  }
0x8e: {  	s10 =	sand.u32 $0x200, s10;
	[sflag:s13] =	ssyncadd.s32 $0xFFFFD800;
	s20 =	sadd.s32 s9, s20  }
0x8f: {  	[spmem:s2] =	stream.indirect.scatter.add.f32 [tilespmem:s31], [sflag:$0x9], $0x80, s23, s7, $0xb8;
	[tilespmem:$0x1E080] =	vst v63  }
0x90: {  	s10 =	sor.u32 s10, s20;
	_ =	swait.ge [sflag:s22], $0x2800  }
0x91: {  	s10 =	sshrl.u32 s10, $0x3;
	[sflag:s22] =	ssyncset.done $0x0  }
0x92: {  	s24 =	sadd.s32 s6, s10;
	[sflag:s22] =	ssyncadd.s32 $0xFFFFD800  }
0x93: {  	[tilespmem:s4], [sflag:$0x5] =	stream.linear.gather [hbm4b:s24+s4], $0x80, $0x38;
	[tilespmem:$0x1E080] =	vst v63  }
0x94: {  	s10 =	sadd.s32 s1, s10  }
0x95: {  	[tilespmem:s23], [sflag:$0x5] =	stream.linear.gather [hbm4b:s10+s4], $0x80, $0x38;
	[tilespmem:$0x1E080] =	vst v63  }
0x96: {  	_ =	swait.ge [sflag:s14], $0x80  }
0x97: {  	[sflag:s14] =	ssyncset.done $0x0  }
0x98: {  	[sflag:s14] =	ssyncadd.s32 $0xFFFFFF80  }
0x99: {  	_ =	swait.ge [sflag:s14], $0x80  }
0x9a: {  	[sflag:s14] =	ssyncset.done $0x0  }
0x9b: {  	p1 =	seq.s32 s8, $0x3F80;
	[sflag:s14] =	ssyncadd.s32 $0xFFFFFF80  }
0x9c: {  	[tilespmem:s15], [sflag:$0x4] =	stream.indirect.gather [hbm4b:s5+s7], $0x80, s29, s7, $0xb8;
	[tilespmem:$0x1E080] =	vst v63  }
0x9d: {  	s10 =	sadd.s32 @!p1 $0xFFFFFF00, s8;
	_ =	swait.ge [sflag:s16], $0x2800  }
0x9e: {  	s25 =	simm.s32 $0x280;
	s20 =	sand.u32 @!p1 $0x7C00, s10;
	[sflag:s16] =	ssyncset.done $0x0  }
0x9f: {  	s10 =	sand.u32 @!p1 $0x280, s10;
	s20 =	sadd.s32 @!p1 s9, s20;
	[sflag:s16] =	ssyncadd.s32 $0xFFFFD800  }
0xa0: {  	[spmem:s2] =	stream.indirect.scatter.add.f32 [tilespmem:s3], [sflag:$0x9], $0x80, s25, s7, $0xb8;
	[tilespmem:$0x1E080] =	vst v63  }
0xa1: {  	s10 =	sor.u32 @!p1 s10, s20;
	_ =	swait.ge [sflag:s22], $0x2800  }
0xa2: {  	s24 =	simm.s32 @!p1 $0x0;
	s10 =	sshrl.u32 @!p1 s10, $0x3;
	[sflag:s22] =	ssyncset.done $0x0  }
0xa3: {  	s20 =	sadd.s32 @!p1 s6, s10;
	s25 =	simm.s32 @!p1 $0x80;
	[sflag:s22] =	ssyncadd.s32 $0xFFFFD800  }
0xa4: {  	[tilespmem:s25], [sflag:$0x6] =	stream.linear.gather @!p1 [hbm4b:s20+s24], $0x80, $0x38;
	[tilespmem:$0x1E080] =	vst v63  }
0xa5: {  	s10 =	sadd.s32 @!p1 s1, s10;
	s20 =	simm.s32 @!p1 $0x280  }
0xa6: {  	[tilespmem:s20], [sflag:$0x6] =	stream.linear.gather @!p1 [hbm4b:s10+s24], $0x80, $0x38;
	[tilespmem:$0x1E080] =	vst v63  }
0xa7: {  	_ =	swait.ge [sflag:s30], $0x80  }
0xa8: {  	[sflag:s30] =	ssyncset.done $0x0  }
0xa9: {  	[sflag:s30] =	ssyncadd.s32 $0xFFFFFF80  }
0xaa: {  	_ =	swait.ge [sflag:s30], $0x80  }
0xab: {  	[sflag:s30] =	ssyncset.done $0x0  }
0xac: {  	[sflag:s30] =	ssyncadd.s32 $0xFFFFFF80  }
0xad: {  	[tilespmem:s31], [sflag:$0x1] =	stream.indirect.gather [hbm4b:s5+s7], $0x80, s4, s7, $0xb8;
	[tilespmem:$0x1E080] =	vst v63  }
0xae: {  	_ =	swait.ge [sflag:s17], $0x2800  }
0xaf: {  	[sflag:s17] =	ssyncset.done $0x0  }
.Ltmp2:
0xb0: {  	[sflag:s17] =	ssyncadd.s32 $0xFFFFD800;
	(pc) =	sbr.rel @p1 .LBB2_6-.Ltmp2, $4  }
0xb1: {  	[spmem:s2] =	stream.indirect.scatter.add.f32 [tilespmem:s12], [sflag:$0x9], $0x80, s28, s7, $0xb8;
	[tilespmem:$0x1E080] =	vst v63  }
0xb2: {  	_ =	swait.ge [sflag:s22], $0x2800  }
0xb3: {  	[sflag:s22] =	ssyncset.done $0x0  }
0xb4: {  	[sflag:s22] =	ssyncadd.s32 $0xFFFFD800  }
0xb5: {  	s10 =	sadd.s32 $0xFFFFFF80, s8  }
0xb6: {  	s20 =	sand.u32 $0x7C00, s10  }
0xb7: {  	s10 =	sand.u32 $0x300, s10;
	s20 =	sadd.s32 s9, s20  }
0xb8: {  	s10 =	sor.u32 s10, s20  }
0xb9: {  	s10 =	sshrl.u32 s10, $0x3  }
0xba: {  	s24 =	simm.s32 $0x100;
	s25 =	sadd.s32 s6, s10  }
0xbb: {  	[tilespmem:s24], [sflag:$0x7] =	stream.linear.gather [hbm4b:s25+s4], $0x80, $0x38;
	[tilespmem:$0x1E080] =	vst v63  }
0xbc: {  	s10 =	sadd.s32 s1, s10  }
0xbd: {  	[tilespmem:s28], [sflag:$0x7] =	stream.linear.gather [hbm4b:s10+s4], $0x80, $0x38;
	[tilespmem:$0x1E080] =	vst v63  }
0xbe: {  	_ =	swait.ge [sflag:s0], $0x80  }
0xbf: {  	[sflag:s0] =	ssyncset.done $0x0  }
0xc0: {  	[sflag:s0] =	ssyncadd.s32 $0xFFFFFF80  }
0xc1: {  	_ =	swait.ge [sflag:s0], $0x80  }
0xc2: {  	[sflag:s0] =	ssyncset.done $0x0  }
0xc3: {  	[sflag:s0] =	ssyncadd.s32 $0xFFFFFF80  }
0xc4: {  	[tilespmem:s3], [sflag:$0x2] =	stream.indirect.gather [hbm4b:s5+s7], $0x80, s26, s7, $0xb8;
	[tilespmem:$0x1E080] =	vst v63  }
0xc5: {  	_ =	swait.ge [sflag:s18], $0x2800  }
0xc6: {  	s20 =	sand.u32 $0x7C00, s8;
	[sflag:s18] =	ssyncset.done $0x0  }
0xc7: {  	s25 =	sand.u32 $0x380, s8;
	s10 =	sadd.s32 s9, s20;
	[sflag:s18] =	ssyncadd.s32 $0xFFFFD800  }
0xc8: {  	[spmem:s2] =	stream.indirect.scatter.add.f32 [tilespmem:s15], [sflag:$0x9], $0x80, s19, s7, $0xb8;
	[tilespmem:$0x1E080] =	vst v63  }
0xc9: {  	s10 =	sor.u32 s25, s10;
	_ =	swait.ge [sflag:s22], $0x2800  }
0xca: {  	s10 =	sshrl.u32 s10, $0x3;
	[sflag:s22] =	ssyncset.done $0x0  }
0xcb: {  	s25 =	sadd.s32 s6, s10;
	[sflag:s22] =	ssyncadd.s32 $0xFFFFD800  }
0xcc: {  	[tilespmem:s29], [sflag:$0x8] =	stream.linear.gather [hbm4b:s25+s4], $0x80, $0x38;
	[tilespmem:$0x1E080] =	vst v63  }
0xcd: {  	s10 =	sadd.s32 s1, s10  }
0xce: {  	[tilespmem:s19], [sflag:$0x8] =	stream.linear.gather [hbm4b:s10+s4], $0x80, $0x38;
	[tilespmem:$0x1E080] =	vst v63  }
0xcf: {  	_ =	swait.ge [sflag:s11], $0x80  }
0xd0: {  	[sflag:s11] =	ssyncset.done $0x0  }
.Ltmp3:
0xd1: {  	[sflag:s11] =	ssyncadd.s32 $0xFFFFFF80;
	(pc) =	sbr.rel .LBB2_4-.Ltmp3, $4  }
0xd2: {  	_ =	swait.ge [sflag:s11], $0x80  }
0xd3: {  	[sflag:s11] =	ssyncset.done $0x0  }
0xd4: {  	s8 =	sadd.s32 $0x200, s8;
	[sflag:s11] =	ssyncadd.s32 $0xFFFFFF80  }
0xd5: {  	[tilespmem:s12], [sflag:$0x3] =	stream.indirect.gather [hbm4b:s5+s7], $0x80, s24, s7, $0xb8;
	[tilespmem:$0x1E080] =	vst v63  }
.LBB2_6:
0xd6: {  	_ =	swait.ge [sflag:s18], $0x2800  }
0xd7: {  	[sflag:s18] =	ssyncset.done $0x0  }
0xd8: {  	[sflag:s18] =	ssyncadd.s32 $0xFFFFD800  }
0xd9: {  	[spmem:s2] =	stream.indirect.scatter.add.f32 [tilespmem:s15], [sflag:$0x9], $0x80, s19, s7, $0xb8;
	[tilespmem:$0x1E080] =	vst v63  }
0xda: {  	_ =	swait.ge [sflag:s22], $0x2800  }
0xdb: {  	[sflag:s22] =	ssyncset.done $0x0  }
0xdc: {  	[sflag:s22] =	ssyncadd.s32 $0xFFFFD800  }
0xdd: {  	_ =	swait.ge [sflag:s13], $0x2800  }
0xde: {  	[sflag:s13] =	ssyncset.done $0x0  }
0xdf: {  	[sflag:s13] =	ssyncadd.s32 $0xFFFFD800  }
0xe0: {  	[spmem:s2] =	stream.indirect.scatter.add.f32 [tilespmem:s31], [sflag:$0x9], $0x80, s23, s7, $0xb8;
	[tilespmem:$0x1E080] =	vst v63  }
0xe1: {  	_ =	swait.ge [sflag:s22], $0x2800  }
0xe2: {  	[sflag:s22] =	ssyncset.done $0x0  }
0xe3: {  	[sflag:s22] =	ssyncadd.s32 $0xFFFFD800  }
0xe4: {  	[bflag:$0x0] =	sbarrier.arrive $0xFFFF  }
0xe5: {  	s25 =	rddreg [dreg:$0x5]  }
0xe6: {  	[tilespmem:s21], [sflag:$0x9] =	stream.linear.gather [spmem:s25], $0x400, $0x38;
	[tilespmem:$0x1E080] =	vst v63  }
0xe7: {  	_ =	swait.ge [sflag:s22], $0x400  }
0xe8: {  	[sflag:s22] =	ssyncset.done $0x0  }
.Ltmp4:
0xe9: {  	s10 =	rddreg [dreg:$0xf];
	[sflag:s22] =	ssyncadd.s32 $0xFFFFFC00;
	(pc) =	sbr.rel @!p0 .LBB2_8-.Ltmp4, $4  }
0xea: {  	[hbm4b:s10+s4] =	stream.linear.scatter [tilespmem:s21], [sflag:$0x9], $0x400, $0x38;
	[tilespmem:$0x1E080] =	vst v63  }
0xeb: {  	_ =	swait.ge [sflag:s22], $0x400  }
0xec: {  	s24 =	rddreg [dreg:$0x4]  }
0xed: {  	s20 =	smov.u32 s25;
	[sflag:s22] =	ssyncset.done $0x0;
	s8 =	sadd.s32 $0xFFFFFFFF, s24  }
.LBB2_7:
0xee: {  	[sflag:s22] =	ssyncadd.s32 $0xFFFFFC00;
	s10 =	sadd.s32 $0x80, s10;
	s20 =	sadd.s32 $0x400, s20  }
0xef: {  	[tilespmem:s21], [sflag:$0x9] =	stream.linear.gather [spmem:s20], $0x400, $0x38;
	[tilespmem:$0x1E080] =	vst v63  }
0xf0: {  	p0 =	sne.s32 s8, $0x1;
	s8 =	sadd.s32 $0xFFFFFFFF, s8;
	_ =	swait.ge [sflag:s22], $0x400  }
.Ltmp5:
0xf1: {  	[sflag:s22] =	ssyncset.done $0x0;
	(pc) =	sbr.rel @p0 .LBB2_7-.Ltmp5, $4  }
0xf2: {  	[sflag:s22] =	ssyncadd.s32 $0xFFFFFC00  }
0xf3: {  	[hbm4b:s10+s4] =	stream.linear.scatter [tilespmem:s21], [sflag:$0x9], $0x400, $0x38;
	[tilespmem:$0x1E080] =	vst v63  }
0xf4: {  	_ =	swait.ge [sflag:s22], $0x400  }
0xf5: {  	[sflag:s22] =	ssyncset.done $0x0  }
.LBB2_8:
0xf6: {  	s10 =	rddreg [dreg:$0x10]  }
0xf7: {  	s8 =	rddreg [dreg:$0xe];
	s10 =	sadd.s32 $0x1, s10  }
0xf8: {  	p0 =	sne.s32 s10, s8  }
.Ltmp6:
0xf9: {  	_ = 	snop;
	(pc) =	sbr.rel @p0 .LBB2_1-.Ltmp6, $2  }
0xfa: {  	_ =	sdelay $0x2  }
0xfb: {  	[sflag:s22] =	ssyncadd.s32 $0xFFFFFC00  }
0xfc: {  	_ =	sfence.sel $0x180000  }
0xfd: {  	[bflag:$0x0] =	sbarrier.arrive $0xFFFF  }
0xfe: {  	_ =	strace $0x9000004A  }
0xff: {  	s0 =	stileid.u32;
	[bflag:$0x2] =	sbarrier.arrive $0xFFFF  }
0x100: {  	p0 =	sne.s32 s0, $0x0;
	s0 =	rddreg [dreg:$0x3]  }
0x101: {  	s0 =	sadd.s32 @!p0 $0x100000, s0  }
0x102: {  	[sflag:s0] =	ssyncadd.tile.s32 @!p0 $0x1;
	_ =	shalt  }
.Lfunc_end2:
_tile_overlayer_lowered:
.L_overlay_start_2:
0x103: {  	(tag) =	ssettag $0x2  }
0x104: {  	s0 =	rddreg [dreg:$0x0];
	s2 =	stileid.u32  }
0x105: {  	s1 =	rddreg [dreg:$0x1];
	p0 =	sne.s32 s2, $0x0  }
0x106: {  	s3 =	rddreg [dreg:$0x2];
	[bflag:$0x3] =	sbarrier.arrive $0xFFFF;
	s2 =	simm.s32 @!p0 $0x1C09  }
0x107: {  	[timem:s3], [sflag:s2] =	dma.local @!p0 [hbm:s0], s1  }
0x108: {  	s0 =	simm.s32 @!p0 $0x9  }
0x109: {  	_ =	swait.ge @!p0 [sflag:s0], s1  }
0x10a: {  	s1 =	ssub.s32 @!p0 $0x0, s1;
	[sflag:s0] =	ssyncset.done @!p0 $0x0  }
0x10b: {  	[sflag:s0] =	ssyncadd.s32 @!p0 s1  }
0x10c: {  	[bflag:$0x3] =	sbarrier.arrive $0xFFFF  }
0x10d: {  	_ =	shalt  }

// kernel: kernel.17.cloned.1.call-start
scs
__scs_entry_jumppad:
0x0: {  	(pc) =	sbr.rel $0x88, $3  }
0x1: {  	(tag) =	ssettag $0x0;
	lr =	simm.s32 $0x1  }
0x2: {  	[smem:$0x3F92] =	sst lr;
	_ =	strace $0xD0000000  }
0x3: {  	_ = 	snop  }
0x4: {  	_ = 	snop  }
0x5: {  	_ = 	snop  }
0x6: {  	_ = 	snop  }
0x7: {  	_ = 	snop  }
__scs_overlays_trampoline_lowered:
0x8: {  	[smem:$0x3FA1] =	sst s0  }
0x9: {  	[smem:$0x3FA2] =	sst s1  }
0xa: {  	[smem:$0x3FA3] =	sst s2  }
0xb: {  	[smem:$0x3FA4] =	sst s3  }
0xc: {  	[smem:$0x3FA5] =	sst s4  }
0xd: {  	[smem:$0x3FA6] =	sst s5  }
0xe: {  	[smem:$0x3FA7] =	sst s6  }
0xf: {  	[smem:$0x3FA8] =	sst s7  }
0x10: {  	[smem:$0x3FA9] =	sst s8  }
0x11: {  	[smem:$0x3FAA] =	sst s9;
	s0 =	simm.s32 @!p0 $0x0  }
0x12: {  	s1 =	sld [smem:$0x3F90];
	s0 =	simm.s32 @p0 $0x1  }
0x13: {  	[smem:$0x3FAB] =	sst s0;
	s0 =	simm.s32 @!p1 $0x0  }
0x14: {  	s2 =	sld [smem:$0x3F8F];
	s0 =	simm.s32 @p1 $0x1  }
0x15: {  	[smem:$0x3FAC] =	sst s0;
	s0 =	simm.s32 @!p2 $0x0  }
0x16: {  	s3 =	sld [smem:$0x3FDB];
	s0 =	simm.s32 @p2 $0x1  }
0x17: {  	s4 =	simm.s32 $0x1BF5;
	[smem:$0x3FAE] =	sst s0  }
0x18: {  	s0 =	sld [smem:$0x3F91];
	_ =	swait.ge [sflag:s4], $0x0  }
0x19: {  	s7 =	sld [smem:$0x3F92]  }
0x1a: {  	s8 =	sadd.s32 $0xFFFFE003, lr  }
0x1b: {  	s9 =	sadd.s32 $0xFFFFFEF7, lr;
	s5 =	simm.s32 $0xFFFFFFFF;
	p2 =	slt.u32 s8, $0xFFFFF086  }
0x1c: {  	p1 =	slt.u32 s9, $0xF7A;
	s5 =	simm.s32 @!p2 $0x0  }
0x1d: {  	s5 =	simm.s32 @p1 $0x1;
	p0 =	seq.s32 s7, s2  }
0x1e: {  	s7 =	smul.u32 @!p0 $0xF7A, s2;
	p2 =	seq.s32 @!p0 s5, $0x0  }
0x1f: {  	s9 =	smul.u32 $0xF7A, s1;
	s8 =	simm.s32 @!p0 $0x1BF5;
	p2 =	por !p2, p0  }
0x20: {  	[sflag:s8] =	ssyncset.s32 @!p0 $0xFFFFF086;
	s6 =	sadd.s32 @!p0 s3, s7;
	s7 =	simm.s32 @!p0 $0x108  }
0x21: {  	s3 =	sadd.s32 s3, s9;
	s6 =	sadd.s32 @!p0 $0x88, s6;
	s7 =	simm.s32 @p2 $0x1082  }
0x22: {  	[simem:s7], [sflag:s8] =	dma.local @!p0 [hbm:s6], $0xF7A  }
0x23: {  	s9 =	sor.u32 $0xD0000000, s2;
	s6 =	simm.s32 $0x108;
	_ =	swait.ge @!p0 [sflag:s8], $0x0  }
0x24: {  	s3 =	sadd.s32 $0x88, s3;
	s6 =	simm.s32 @!p1 $0x1082;
	[sflag:s4] =	ssyncset.s32 $0xFFFFF086  }
0x25: {  	[simem:s6], [sflag:s4] =	dma.local [hbm:s3], $0xF7A  }
0x26: {  	[smem:$0x3F92] =	sst s1;
	(tag) =	ssettag s2;
	_ =	strace s9  }
0x27: {  	s1 =	sld [smem:$0x3FA2]  }
0x28: {  	s2 =	sld [smem:$0x3FA3]  }
0x29: {  	s4 =	sld [smem:$0x3FA5]  }
0x2a: {  	p0 =	seq.s32 s5, $0x0;
	s5 =	sld [smem:$0x3FA6]  }
0x2b: {  	s6 =	sld [smem:$0x3FA7]  }
0x2c: {  	s7 =	sld [smem:$0x3FA8]  }
0x2d: {  	s3 =	simm.s32 $0x108;
	s8 =	sld [smem:$0x3FA9]  }
0x2e: {  	s3 =	simm.s32 @!p0 $0x1082;
	s9 =	sld [smem:$0x3FAA]  }
0x2f: {  	lr =	sadd.s32 s0, s3;
	s0 =	sld [smem:$0x3FA1]  }
0x30: {  	s3 =	sld [smem:$0x3FA4]  }
0x31: {  	[smem:$0x3FAD] =	sst s10  }
0x32: {  	s10 =	sld [smem:$0x3FAB];
	_ =	sdelay $0x3  }
0x33: {  	p0 =	seq.s32 s10, $0x1;
	s10 =	sld [smem:$0x3FAD];
	_ =	sdelay $0x3  }
0x34: {  	[smem:$0x3FAD] =	sst s10  }
0x35: {  	s10 =	sld [smem:$0x3FAC];
	_ =	sdelay $0x3  }
0x36: {  	p1 =	seq.s32 s10, $0x1;
	s10 =	sld [smem:$0x3FAD];
	_ =	sdelay $0x3  }
0x37: {  	[smem:$0x3FAD] =	sst s10  }
0x38: {  	s10 =	sld [smem:$0x3FAE]  }
0x39: {  	_ = 	snop;
	(pc) =	sbr.ind lr, $3  }
0x3a: {  	_ = 	snop  }
0x3b: {  	_ = 	snop  }
0x3c: {  	p2 =	seq.s32 s10, $0x1;
	s10 =	sld [smem:$0x3FAD]  }
0x3d: {  	_ =	shalt  }
0x3e: {  	_ =	shalt  }
0x3f: {  	_ =	shalt  }
0x40: {  	_ =	shalt  }
0x41: {  	_ =	shalt  }
0x42: {  	_ =	shalt  }
0x43: {  	_ =	shalt  }
0x44: {  	_ =	shalt  }
0x45: {  	_ =	shalt  }
0x46: {  	_ =	shalt  }
0x47: {  	_ =	shalt  }
0x48: {  	_ =	shalt  }
0x49: {  	_ =	shalt  }
0x4a: {  	_ =	shalt  }
0x4b: {  	_ =	shalt  }
0x4c: {  	_ =	shalt  }
0x4d: {  	_ =	shalt  }
0x4e: {  	_ =	shalt  }
0x4f: {  	_ =	shalt  }
0x50: {  	_ =	shalt  }
0x51: {  	_ =	shalt  }
0x52: {  	_ =	shalt  }
0x53: {  	_ =	shalt  }
0x54: {  	_ =	shalt  }
0x55: {  	_ =	shalt  }
0x56: {  	_ =	shalt  }
0x57: {  	_ =	shalt  }
0x58: {  	_ =	shalt  }
0x59: {  	_ =	shalt  }
0x5a: {  	_ =	shalt  }
0x5b: {  	_ =	shalt  }
0x5c: {  	_ =	shalt  }
0x5d: {  	_ =	shalt  }
0x5e: {  	_ =	shalt  }
0x5f: {  	_ =	shalt  }
0x60: {  	_ =	shalt  }
0x61: {  	_ =	shalt  }
0x62: {  	_ =	shalt  }
0x63: {  	_ =	shalt  }
0x64: {  	_ =	shalt  }
0x65: {  	_ =	shalt  }
0x66: {  	_ =	shalt  }
0x67: {  	_ =	shalt  }
0x68: {  	_ =	shalt  }
0x69: {  	_ =	shalt  }
0x6a: {  	_ =	shalt  }
0x6b: {  	_ =	shalt  }
0x6c: {  	_ =	shalt  }
0x6d: {  	_ =	shalt  }
0x6e: {  	_ =	shalt  }
0x6f: {  	_ =	shalt  }
0x70: {  	_ =	shalt  }
0x71: {  	_ =	shalt  }
0x72: {  	_ =	shalt  }
0x73: {  	_ =	shalt  }
0x74: {  	_ =	shalt  }
0x75: {  	_ =	shalt  }
0x76: {  	_ =	shalt  }
0x77: {  	_ =	shalt  }
0x78: {  	_ =	shalt  }
0x79: {  	_ =	shalt  }
0x7a: {  	_ =	shalt  }
0x7b: {  	_ =	shalt  }
0x7c: {  	_ =	shalt  }
0x7d: {  	_ =	shalt  }
0x7e: {  	_ =	shalt  }
0x7f: {  	_ =	shalt  }
0x80: {  	_ =	shalt  }
0x81: {  	_ =	shalt  }
0x82: {  	_ =	shalt  }
0x83: {  	_ =	shalt  }
0x84: {  	_ =	shalt  }
0x85: {  	_ =	shalt  }
0x86: {  	_ =	shalt  }
0x87: {  	_ =	shalt  }
.Lfunc_end0:
.L_simem_size_0:
called_computation.2_lowered:
.L_overlay_start_0:
0x88: {  	s2 =	sld [smem:$0x3FD9]  }
0x89: {  	s3 =	sld [smem:$0x3FFE];
	_ =	sdelay $0x1  }
0x8a: {  	s1 =	srdreg.scid  }
0x8b: {  	s0 =	sand.u32 $0x1, s1  }
0x8c: {  	s16 =	sshll.u32 s0, $0xA;
	s2 =	sadd.s32 s3, s2  }
0x8d: {  	s2 =	sadd.s32 s2, s16  }
0x8e: {  	[smem:$0x3FB9] =	sst s2  }
0x8f: {  	_ = 	snop  }
0x90: {  	(tm) =	ssettm $0x1  }
0x91: {  	s17 =	sld [smem:$0x3FFB];
	_ =	sdelay $0x3  }
0x92: {  	_ =	strace s17  }
0x93: {  	s2 =	sld [smem:$0x3FFC];
	_ =	sdelay $0x3  }
0x94: {  	_ =	strace s2  }
0x95: {  	s2 =	sld [smem:$0x3FFD];
	_ =	sdelay $0x3  }
0x96: {  	_ =	strace s2  }
0x97: {  	_ =	strace $0x8FFFFFFF  }
0x98: {  	s18 =	sld [smem:$0x3FDB];
	_ =	sdelay $0x1  }
0x99: {  	s19 =	simm.s32 $_scs_section_size  }
0x9a: {  	s4 =	simm.s32 $_size__tile_overlayer_lowered;
	s5 =	simm.s32 $_tile_overlayer_lowered  }
0x9b: {  	s22 =	simm.s32 $0x1BFF;
	s21 =	sshll.u32 s5, $0x1;
	s2 =	sadd.s32 s19, s18  }
0x9c: {  	s6 =	simm.s32 $0x0;
	s20 =	sshll.u32 s4, $0x1;
	s4 =	sadd.s32 s21, s2  }
0x9d: {  	[timem:s6], [sflag:s22] =	dma.local [hbm:s4], s20  }
0x9e: {  	_ =	swait.ge [sflag:s22], s20  }
0x9f: {  	s3 =	ssub.s32 $0x0, s20;
	[sflag:s22] =	ssyncset.done $0x0  }
0xa0: {  	[sflag:s22] =	ssyncadd.s32 s3;
	_ =	sdelay $0x1  }
0xa1: {  	s23 =	simm.s32 $0x1B8B  }
0xa2: {  	_ =	swait.ge [sflag:s23], $0x1  }
0xa3: {  	[sflag:s23] =	ssyncset.done $0x0  }
0xa4: {  	s25 =	simm.s32 $0x1B8E;
	s24 =	sld [smem:$0x3FFE];
	[sflag:s23] =	ssyncadd.s32 $0xFFFFFFFF  }
0xa5: {  	s26 =	simm.s32 $execute0_lowered;
	[smem:$0x3FD2] =	sst s25  }
0xa6: {  	s4 =	sshll.u32 s26, $0x1;
	_ =	strace $0x8000004C;
	[dreg:$0x1] =	wrdreg $0xFFFFFFFF  }
0xa7: {  	s28 =	simm.s32 $_size_execute0_lowered;
	s2 =	sadd.s32 s2, s4;
	[dreg:$0x0] =	wrdreg $0x0  }
0xa8: {  	s4 =	sshll.u32 s28, $0x1;
	[dreg:$0x2] =	wrdreg s2  }
0xa9: {  	[dreg:$0x3] =	wrdreg s4  }
0xaa: {  	[dreg:$0x4] =	wrdreg $0xC0  }
0xab: {  	_ =	task [dreg:s6], $0x5FFFF  }
0xac: {  	[dreg:$0x1] =	wrdreg $0xFFFFFFFF  }
0xad: {  	[dreg:$0x0] =	wrdreg $0x60  }
0xae: {  	[dreg:$0x2] =	wrdreg s24  }
0xaf: {  	[dreg:$0x3] =	wrdreg $0x54800  }
0xb0: {  	[dreg:$0x4] =	wrdreg $0x9  }
0xb1: {  	_ =	task.clear_ibuf [dreg:s6], $0x5FFFF;
	_ =	strace $0x9000004C  }
0xb2: {  	s29 =	simm.s32 $0x9;
	_ =	strace $0x8000004E  }
0xb3: {  	_ =	swait.ge [sflag:s29], $0x1  }
0xb4: {  	[sflag:s29] =	ssyncadd.s32 $0xFFFFFFFF  }
0xb5: {  	_ =	strace $0x9000004E  }
0xb6: {  	_ =	sfence  }
0xb7: {  	s30 =	sld [smem:$0x0];
	_ =	sdelay $0x2  }
0xb8: {  	s31 =	sshll.u32 s1, $0xD;
	s1 =	sshrl.u32 s1, $0x2  }
0xb9: {  	s3 =	sand.u32 $0x4000, s31;
	s1 =	sadd.s32 s1, s30  }
0xba: {  	s0 =	sor.u32 s3, s0;
	s1 =	sshll.u32 s1, $0x11  }
0xbb: {  	s0 =	sor.u32 s1, s0  }
0xbc: {  	s0 =	sadd.s32 $0x8F2B, s0  }
0xbd: {  	[sflag:s0] =	ssyncadd.remote.s32 $0x1  }
0xbe: {  	_ =	sfence.sel $0xFFFF  }
0xbf: {  	[dreg:$0x0] =	wrdreg $0xFFFFFFFF;
	(pc) =	sbr.abs _section_cstart, $3  }
0xc0: {  	[dreg:$0x1] =	wrdreg $0xFFFFFFFF  }
0xc1: {  	_ =	task.clear_ibuf [dreg:s6], $0x2FFFF;
	_ =	strace $0x9FFFFFFF  }
0xc2: {  	(tm) =	ssettm $0x7FFFFFFF  }
0xc3: {  	_ =	shalt  }
tec
execute0_lowered:
.L_overlay_start_1:
0x0: {  	(tag) =	ssettag $0x1  }
0x1: {  	s0 =	rddreg [dreg:$0x0]  }
0x2: {  	s2 =	rddreg [dreg:$0x1];
	s1 =	srdreg.scid  }
0x3: {  	s10 =	stileid.u32;
	s3 =	simm.s32 $0x0;
	s19 =	simm.s32 $0x50  }
0x4: {  	s28 =	simm.s32 $0x5280;
	s29 =	simm.s32 $0x9;
	s30 =	simm.s32 $0x140  }
0x5: {  	s31 =	simm.s32 $0x4;
	s1 =	sand.u32 $0x1, s1;
	s5 =	smul.u32 $0x9C00, s10  }
0x6: {  	[smem:$0x7FF] =	sst s3;
	s4 =	sadd.s32 $0x17E00, s0;
	s9 =	smul.u32 $0x27000, s10  }
0x7: {  	s11 =	sadd.s32 $0x4200, s0;
	s12 =	sadd.s32 $0xE000, s0;
	s26 =	smul.u32 $0x2710, s10  }
0x8: {  	p0 =	seq.s32 s10, $0xF;
	s6 =	smul.u32 $0x9C400, s1;
	_ =	strace $0x8000004D  }
0x9: {  	s17 =	ssub.s32 $0x2, s1;
	s7 =	sshll.u32 s1, $0x4;
	s19 =	simm.s32 @!p0 $0x4E  }
0xa: {  	s1 =	smul.u32 $0x27100, s1;
	s8 =	sshrl.u32 s17, $0x1;
	s7 =	sor.u32 s10, s7  }
0xb: {  	s21 =	sshrl.u32 s9, $0x2;
	s9 =	simm.s32 $0xF0;
	s10 =	simm.s32 $0x230  }
0xc: {  	[dreg:$0x3] =	wrdreg s19;
	s5 =	sadd.s32 s5, s6;
	s18 =	smul.u32 $0x2710, s7  }
0xd: {  	s20 =	sadd.s32 s21, s2;
	s1 =	sadd.s32 s26, s1;
	s5 =	sshrl.u32 s5, $0x3  }
0xe: {  	s21 =	sadd.s32 $0x1E0, s1;
	[dreg:$0x4] =	wrdreg s20;
	s6 =	sshrl.u32 s18, $0x3  }
0xf: {  	s0 =	sadd.s32 s5, s0;
	s5 =	ssub.s32 s17, s8;
	s22 =	sadd.s32 s11, s6  }
0x10: {  	s17 =	sadd.s32 $0x230, s1;
	s23 =	sadd.s32 s12, s6;
	[dreg:$0x5] =	wrdreg s22  }
0x11: {  	s8 =	simm.s32 $0x3;
	s5 =	smax.u32 s5, $0x1;
	[dreg:$0x6] =	wrdreg s23  }
0x12: {  	s24 =	sadd.s32 $0xA, s6;
	s0 =	sadd.s32 $0x2B800, s0;
	[dreg:$0xd] =	wrdreg s5  }
0x13: {  	s25 =	sadd.s32 $0x14, s6;
	s13 =	sadd.s32 s11, s24;
	[dreg:$0x14] =	wrdreg s0  }
0x14: {  	s6 =	sadd.s32 $0x1E, s6;
	s7 =	sadd.s32 s12, s24;
	[dreg:$0x7] =	wrdreg s13  }
0x15: {  	s18 =	sshrl.u32 s17, $0x3;
	s14 =	sadd.s32 s11, s25;
	[dreg:$0x8] =	wrdreg s7  }
0x16: {  	s17 =	simm.s32 $0x1;
	s15 =	sadd.s32 s12, s25;
	[dreg:$0x9] =	wrdreg s14  }
0x17: {  	s16 =	sadd.s32 s11, s6;
	s6 =	sadd.s32 s12, s6;
	[dreg:$0xa] =	wrdreg s15  }
0x18: {  	s22 =	sadd.s32 s18, s12;
	s23 =	sadd.s32 $0x190, s1;
	[dreg:$0xb] =	wrdreg s16  }
0x19: {  	s5 =	sadd.s32 s18, s11;
	s1 =	sadd.s32 $0x140, s1;
	[dreg:$0xc] =	wrdreg s6  }
0x1a: {  	s0 =	simm.s32 $0xA0;
	[dreg:$0xe] =	wrdreg s22;
	s6 =	sshrl.u32 s21, $0x3  }
0x1b: {  	[dreg:$0xf] =	wrdreg s5;
	s25 =	sshrl.u32 s23, $0x3;
	s22 =	smov.u32 s12  }
0x1c: {  	s21 =	smov.u32 s11;
	[dreg:$0x13] =	wrdreg s1;
	s1 =	simm.s32 $0x1E0  }
0x1d: {  	s13 =	simm.s32 $0x6;
	s14 =	simm.s32 $0x1680;
	s15 =	simm.s32 $0x7  }
0x1e: {  	s16 =	simm.s32 $0x2A80;
	s7 =	simm.s32 $0x2;
	s24 =	sadd.s32 s6, s12  }
0x1f: {  	s6 =	sadd.s32 s6, s11;
	s26 =	sadd.s32 s25, s12;
	[dreg:$0x10] =	wrdreg s24  }
0x20: {  	s23 =	sadd.s32 s25, s11;
	s11 =	simm.s32 $0x5;
	[dreg:$0x11] =	wrdreg s6  }
0x21: {  	s12 =	simm.s32 $0x280;
	s25 =	simm.s32 $0x3E80;
	[dreg:$0x12] =	wrdreg s26  }
0x22: {  	v0 =	vimm.f32 $0.0e+00;
	s26 =	simm.s32 $0x50;
	s24 =	simm.s32 $0x8;
	s6 =	simm.s32 $0x0  }
.LBB2_1:
0x23: {  	[tilespmem:$0x5280] =	vst v0  }
0x24: {  	[tilespmem:$0x5290] =	vst v0  }
0x25: {  	[tilespmem:$0x52A0] =	vst v0  }
0x26: {  	[tilespmem:$0x52B0] =	vst v0  }
0x27: {  	[tilespmem:$0x52C0] =	vst v0  }
0x28: {  	[tilespmem:$0x52D0] =	vst v0  }
0x29: {  	[tilespmem:$0x52E0] =	vst v0  }
0x2a: {  	[tilespmem:$0x52F0] =	vst v0  }
0x2b: {  	[tilespmem:$0x5300] =	vst v0  }
0x2c: {  	[tilespmem:$0x5310] =	vst v0  }
0x2d: {  	[tilespmem:$0x5320] =	vst v0  }
0x2e: {  	[tilespmem:$0x5330] =	vst v0  }
0x2f: {  	[tilespmem:$0x5340] =	vst v0  }
0x30: {  	[tilespmem:$0x5350] =	vst v0  }
0x31: {  	[tilespmem:$0x5360] =	vst v0  }
0x32: {  	[tilespmem:$0x5370] =	vst v0  }
0x33: {  	[tilespmem:$0x5380] =	vst v0  }
0x34: {  	[tilespmem:$0x5390] =	vst v0  }
0x35: {  	[tilespmem:$0x53A0] =	vst v0  }
0x36: {  	[tilespmem:$0x53B0] =	vst v0  }
0x37: {  	[tilespmem:$0x53C0] =	vst v0  }
0x38: {  	[tilespmem:$0x53D0] =	vst v0  }
0x39: {  	[tilespmem:$0x53E0] =	vst v0  }
0x3a: {  	[tilespmem:$0x53F0] =	vst v0  }
0x3b: {  	[tilespmem:$0x5400] =	vst v0  }
0x3c: {  	[tilespmem:$0x5410] =	vst v0  }
0x3d: {  	[tilespmem:$0x5420] =	vst v0  }
0x3e: {  	[tilespmem:$0x5430] =	vst v0  }
0x3f: {  	[tilespmem:$0x5440] =	vst v0  }
0x40: {  	[tilespmem:$0x5450] =	vst v0;
	p0 =	sne.s32 s19, $0x1  }
.Ltmp0:
0x41: {  	[tilespmem:$0x5460] =	vst v0;
	(pc) =	sbr.rel @!p0 .LBB2_3-.Ltmp0, $4  }
0x42: {  	[dreg:$0x15] =	wrdreg s6;
	[tilespmem:$0x5470] =	vst v0  }
0x43: {  	[spmem:s20] =	stream.linear.scatter [tilespmem:s28], [sflag:$0x9], $0x200, $0x38;
	[tilespmem:$0xF0C0] =	vst v63  }
0x44: {  	_ =	swait.ge [sflag:s29], $0x200  }
0x45: {  	s5 =	sadd.s32 $0xFFFFFFFF, s19;
	s6 =	smov.u32 s20;
	[sflag:s29] =	ssyncset.done $0x0  }
.LBB2_2:
0x46: {  	p1 =	sne.s32 s5, $0x1;
	[sflag:s29] =	ssyncadd.s32 $0xFFFFFE00;
	s6 =	sadd.s32 $0x200, s6  }
.Ltmp1:
0x47: {  	s5 =	sadd.s32 $0xFFFFFFFF, s5;
	(pc) =	sbr.rel @p1 .LBB2_2-.Ltmp1, $4  }
0x48: {  	_ = 	snop  }
0x49: {  	[spmem:s6] =	stream.linear.scatter [tilespmem:s28], [sflag:$0x9], $0x200, $0x38;
	[tilespmem:$0xF0C0] =	vst v63  }
0x4a: {  	_ =	swait.ge [sflag:s29], $0x200  }
0x4b: {  	[sflag:s29] =	ssyncset.done $0x0  }
.LBB2_3:
0x4c: {  	[sflag:s29] =	ssyncadd.s32 $0xFFFFFE00  }
0x4d: {  	[bflag:$0x0] =	sbarrier.arrive $0xFFFF  }
0x4e: {  	s5 =	simm.s32 $0x0;
	s6 =	rddreg [dreg:$0x5]  }
0x4f: {  	[tilespmem:s5], [sflag:$0x5] =	stream.linear.gather [hbm4b:s6+s5], $0x50, $0x38;
	[tilespmem:$0xF0C0] =	vst v63  }
0x50: {  	s20 =	rddreg [dreg:$0x6]  }
0x51: {  	[tilespmem:s30], [sflag:$0x5] =	stream.linear.gather [hbm4b:s20+s5], $0x50, $0x38;
	[tilespmem:$0xF0C0] =	vst v63  }
0x52: {  	s18 =	rddreg [dreg:$0x7]  }
0x53: {  	[tilespmem:s26], [sflag:$0x6] =	stream.linear.gather [hbm4b:s18+s5], $0x50, $0x38;
	[tilespmem:$0xF0C0] =	vst v63  }
0x54: {  	s19 =	rddreg [dreg:$0x8];
	s18 =	simm.s32 $0x190  }
0x55: {  	[tilespmem:s18], [sflag:$0x6] =	stream.linear.gather [hbm4b:s19+s5], $0x50, $0x38;
	[tilespmem:$0xF0C0] =	vst v63  }
0x56: {  	s20 =	rddreg [dreg:$0x9]  }
0x57: {  	[tilespmem:s0], [sflag:$0x7] =	stream.linear.gather [hbm4b:s20+s5], $0x50, $0x38;
	[tilespmem:$0xF0C0] =	vst v63  }
0x58: {  	s18 =	rddreg [dreg:$0xa]  }
0x59: {  	[tilespmem:s1], [sflag:$0x7] =	stream.linear.gather [hbm4b:s18+s5], $0x50, $0x38;
	[tilespmem:$0xF0C0] =	vst v63  }
0x5a: {  	s19 =	rddreg [dreg:$0xb]  }
0x5b: {  	[tilespmem:s9], [sflag:$0x8] =	stream.linear.gather [hbm4b:s19+s5], $0x50, $0x38;
	[tilespmem:$0xF0C0] =	vst v63  }
0x5c: {  	s20 =	rddreg [dreg:$0xc]  }
0x5d: {  	[tilespmem:s10], [sflag:$0x8] =	stream.linear.gather [hbm4b:s20+s5], $0x50, $0x38;
	[tilespmem:$0xF0C0] =	vst v63  }
0x5e: {  	_ =	swait.ge [sflag:s11], $0x50  }
0x5f: {  	[sflag:s11] =	ssyncset.done $0x0  }
0x60: {  	[sflag:s11] =	ssyncadd.s32 $0xFFFFFFB0  }
0x61: {  	_ =	swait.ge [sflag:s11], $0x50  }
0x62: {  	[sflag:s11] =	ssyncset.done $0x0  }
0x63: {  	[sflag:s11] =	ssyncadd.s32 $0xFFFFFFB0  }
0x64: {  	[tilespmem:s12], [sflag:$0x1] =	stream.indirect.gather [hbm4b:s4+s26], $0x40, s5, s26, $0xb8;
	[tilespmem:$0xF0C0] =	vst v63  }
0x65: {  	_ =	swait.ge [sflag:s13], $0x50  }
0x66: {  	[sflag:s13] =	ssyncset.done $0x0  }
0x67: {  	[sflag:s13] =	ssyncadd.s32 $0xFFFFFFB0  }
0x68: {  	_ =	swait.ge [sflag:s13], $0x50  }
0x69: {  	[sflag:s13] =	ssyncset.done $0x0  }
0x6a: {  	[sflag:s13] =	ssyncadd.s32 $0xFFFFFFB0  }
0x6b: {  	[tilespmem:s14], [sflag:$0x2] =	stream.indirect.gather [hbm4b:s4+s26], $0x40, s26, s26, $0xb8;
	[tilespmem:$0xF0C0] =	vst v63  }
0x6c: {  	_ =	swait.ge [sflag:s15], $0x50  }
0x6d: {  	[sflag:s15] =	ssyncset.done $0x0  }
0x6e: {  	[sflag:s15] =	ssyncadd.s32 $0xFFFFFFB0  }
0x6f: {  	_ =	swait.ge [sflag:s15], $0x50  }
0x70: {  	[sflag:s15] =	ssyncset.done $0x0  }
0x71: {  	s6 =	rddreg [dreg:$0x13];
	[sflag:s15] =	ssyncadd.s32 $0xFFFFFFB0  }
0x72: {  	[tilespmem:s16], [sflag:$0x3] =	stream.indirect.gather [hbm4b:s4+s26], $0x40, s0, s26, $0xb8;
	[tilespmem:$0xF0C0] =	vst v63  }
.LBB2_4:
0x73: {  	_ =	swait.ge [sflag:s17], $0x1400  }
0x74: {  	[sflag:s17] =	ssyncset.done $0x0  }
0x75: {  	[sflag:s17] =	ssyncadd.s32 $0xFFFFEC00  }
0x76: {  	[spmem:s2] =	stream.indirect.scatter.add.f32 [tilespmem:s12], [sflag:$0x9], $0x40, s30, s26, $0xb8;
	[tilespmem:$0xF0C0] =	vst v63  }
0x77: {  	_ =	swait.ge [sflag:s29], $0x1400  }
0x78: {  	s18 =	sshrl.u32 s6, $0x3;
	[sflag:s29] =	ssyncset.done $0x0  }
0x79: {  	s19 =	sadd.s32 s21, s18;
	[sflag:s29] =	ssyncadd.s32 $0xFFFFEC00  }
0x7a: {  	[tilespmem:s3], [sflag:$0x5] =	stream.linear.gather [hbm4b:s19+s3], $0x50, $0x38;
	[tilespmem:$0xF0C0] =	vst v63  }
0x7b: {  	s18 =	sadd.s32 s22, s18  }
0x7c: {  	[tilespmem:s30], [sflag:$0x5] =	stream.linear.gather [hbm4b:s18+s3], $0x50, $0x38;
	[tilespmem:$0xF0C0] =	vst v63  }
0x7d: {  	_ =	swait.ge [sflag:s24], $0x50  }
0x7e: {  	[sflag:s24] =	ssyncset.done $0x0  }
0x7f: {  	[sflag:s24] =	ssyncadd.s32 $0xFFFFFFB0  }
0x80: {  	_ =	swait.ge [sflag:s24], $0x50  }
0x81: {  	[sflag:s24] =	ssyncset.done $0x0  }
0x82: {  	[sflag:s24] =	ssyncadd.s32 $0xFFFFFFB0  }
0x83: {  	[tilespmem:s25], [sflag:$0x4] =	stream.indirect.gather [hbm4b:s4+s26], $0x40, s9, s26, $0xb8;
	[tilespmem:$0xF0C0] =	vst v63  }
0x84: {  	_ =	swait.ge [sflag:s7], $0x1400  }
0x85: {  	[sflag:s7] =	ssyncset.done $0x0  }
0x86: {  	s20 =	simm.s32 $0x190;
	[sflag:s7] =	ssyncadd.s32 $0xFFFFEC00  }
0x87: {  	[spmem:s2] =	stream.indirect.scatter.add.f32 [tilespmem:s14], [sflag:$0x9], $0x40, s20, s26, $0xb8;
	[tilespmem:$0xF0C0] =	vst v63  }
0x88: {  	p1 =	seq.s32 s5, $0x4B0;
	_ =	swait.ge [sflag:s29], $0x1400  }
0x89: {  	s19 =	simm.s32 @!p1 $0x0;
	[sflag:s29] =	ssyncset.done $0x0  }
0x8a: {  	s18 =	sadd.s32 @!p1 s5, s23;
	s20 =	simm.s32 @!p1 $0x50;
	[sflag:s29] =	ssyncadd.s32 $0xFFFFEC00  }
0x8b: {  	[tilespmem:s20], [sflag:$0x6] =	stream.linear.gather @!p1 [hbm4b:s18+s19], $0x50, $0x38;
	[tilespmem:$0xF0C0] =	vst v63  }
0x8c: {  	s18 =	rddreg [dreg:$0x12]  }
0x8d: {  	s20 =	simm.s32 @!p1 $0x190;
	s18 =	sadd.s32 @!p1 s5, s18  }
0x8e: {  	[tilespmem:s20], [sflag:$0x6] =	stream.linear.gather @!p1 [hbm4b:s18+s19], $0x50, $0x38;
	[tilespmem:$0xF0C0] =	vst v63  }
0x8f: {  	_ =	swait.ge [sflag:s11], $0x50  }
0x90: {  	[sflag:s11] =	ssyncset.done $0x0  }
0x91: {  	[sflag:s11] =	ssyncadd.s32 $0xFFFFFFB0  }
0x92: {  	_ =	swait.ge [sflag:s11], $0x50  }
0x93: {  	[sflag:s11] =	ssyncset.done $0x0  }
0x94: {  	[sflag:s11] =	ssyncadd.s32 $0xFFFFFFB0  }
0x95: {  	[tilespmem:s12], [sflag:$0x1] =	stream.indirect.gather [hbm4b:s4+s26], $0x40, s3, s26, $0xb8;
	[tilespmem:$0xF0C0] =	vst v63  }
0x96: {  	_ =	swait.ge [sflag:s8], $0x1400  }
0x97: {  	[sflag:s8] =	ssyncset.done $0x0  }
.Ltmp2:
0x98: {  	[sflag:s8] =	ssyncadd.s32 $0xFFFFEC00;
	(pc) =	sbr.rel @p1 .LBB2_6-.Ltmp2, $4  }
0x99: {  	[spmem:s2] =	stream.indirect.scatter.add.f32 [tilespmem:s16], [sflag:$0x9], $0x40, s1, s26, $0xb8;
	[tilespmem:$0xF0C0] =	vst v63  }
0x9a: {  	_ =	swait.ge [sflag:s29], $0x1400  }
0x9b: {  	[sflag:s29] =	ssyncset.done $0x0  }
0x9c: {  	[sflag:s29] =	ssyncadd.s32 $0xFFFFEC00  }
0x9d: {  	s18 =	rddreg [dreg:$0x11]  }
0x9e: {  	s20 =	rddreg [dreg:$0x10];
	s18 =	sadd.s32 s5, s18  }
0x9f: {  	[tilespmem:s0], [sflag:$0x7] =	stream.linear.gather [hbm4b:s18+s3], $0x50, $0x38;
	[tilespmem:$0xF0C0] =	vst v63  }
0xa0: {  	s18 =	sadd.s32 s5, s20  }
0xa1: {  	[tilespmem:s1], [sflag:$0x7] =	stream.linear.gather [hbm4b:s18+s3], $0x50, $0x38;
	[tilespmem:$0xF0C0] =	vst v63  }
0xa2: {  	_ =	swait.ge [sflag:s13], $0x50  }
0xa3: {  	[sflag:s13] =	ssyncset.done $0x0  }
0xa4: {  	[sflag:s13] =	ssyncadd.s32 $0xFFFFFFB0  }
0xa5: {  	_ =	swait.ge [sflag:s13], $0x50  }
0xa6: {  	[sflag:s13] =	ssyncset.done $0x0  }
0xa7: {  	[sflag:s13] =	ssyncadd.s32 $0xFFFFFFB0  }
0xa8: {  	[tilespmem:s14], [sflag:$0x2] =	stream.indirect.gather [hbm4b:s4+s26], $0x40, s26, s26, $0xb8;
	[tilespmem:$0xF0C0] =	vst v63  }
0xa9: {  	_ =	swait.ge [sflag:s31], $0x1400  }
0xaa: {  	[sflag:s31] =	ssyncset.done $0x0  }
0xab: {  	[sflag:s31] =	ssyncadd.s32 $0xFFFFEC00  }
0xac: {  	[spmem:s2] =	stream.indirect.scatter.add.f32 [tilespmem:s25], [sflag:$0x9], $0x40, s10, s26, $0xb8;
	[tilespmem:$0xF0C0] =	vst v63  }
0xad: {  	_ =	swait.ge [sflag:s29], $0x1400  }
0xae: {  	[sflag:s29] =	ssyncset.done $0x0;
	s19 =	rddreg [dreg:$0xf]  }
0xaf: {  	s20 =	rddreg [dreg:$0xe];
	[sflag:s29] =	ssyncadd.s32 $0xFFFFEC00;
	s18 =	sadd.s32 s5, s19  }
0xb0: {  	[tilespmem:s9], [sflag:$0x8] =	stream.linear.gather [hbm4b:s18+s3], $0x50, $0x38;
	[tilespmem:$0xF0C0] =	vst v63  }
0xb1: {  	s18 =	sadd.s32 s5, s20  }
0xb2: {  	[tilespmem:s10], [sflag:$0x8] =	stream.linear.gather [hbm4b:s18+s3], $0x50, $0x38;
	[tilespmem:$0xF0C0] =	vst v63  }
0xb3: {  	_ =	swait.ge [sflag:s15], $0x50  }
0xb4: {  	[sflag:s15] =	ssyncset.done $0x0  }
.Ltmp3:
0xb5: {  	[sflag:s15] =	ssyncadd.s32 $0xFFFFFFB0;
	(pc) =	sbr.rel .LBB2_4-.Ltmp3, $4  }
0xb6: {  	_ =	swait.ge [sflag:s15], $0x50  }
0xb7: {  	[sflag:s15] =	ssyncset.done $0x0  }
0xb8: {  	s6 =	sadd.s32 $0x140, s6;
	s5 =	sadd.s32 $0x28, s5;
	[sflag:s15] =	ssyncadd.s32 $0xFFFFFFB0  }
0xb9: {  	[tilespmem:s16], [sflag:$0x3] =	stream.indirect.gather [hbm4b:s4+s26], $0x40, s0, s26, $0xb8;
	[tilespmem:$0xF0C0] =	vst v63  }
.LBB2_6:
0xba: {  	_ =	swait.ge [sflag:s31], $0x1400  }
0xbb: {  	[sflag:s31] =	ssyncset.done $0x0  }
0xbc: {  	[sflag:s31] =	ssyncadd.s32 $0xFFFFEC00  }
0xbd: {  	[spmem:s2] =	stream.indirect.scatter.add.f32 [tilespmem:s25], [sflag:$0x9], $0x40, s10, s26, $0xb8;
	[tilespmem:$0xF0C0] =	vst v63  }
0xbe: {  	_ =	swait.ge [sflag:s29], $0x1400  }
0xbf: {  	[sflag:s29] =	ssyncset.done $0x0  }
0xc0: {  	[sflag:s29] =	ssyncadd.s32 $0xFFFFEC00  }
0xc1: {  	_ =	swait.ge [sflag:s17], $0x1400  }
0xc2: {  	[sflag:s17] =	ssyncset.done $0x0  }
0xc3: {  	[sflag:s17] =	ssyncadd.s32 $0xFFFFEC00  }
0xc4: {  	[spmem:s2] =	stream.indirect.scatter.add.f32 [tilespmem:s12], [sflag:$0x9], $0x40, s30, s26, $0xb8;
	[tilespmem:$0xF0C0] =	vst v63  }
0xc5: {  	_ =	swait.ge [sflag:s29], $0x1400  }
0xc6: {  	[sflag:s29] =	ssyncset.done $0x0  }
0xc7: {  	[sflag:s29] =	ssyncadd.s32 $0xFFFFEC00  }
0xc8: {  	[bflag:$0x0] =	sbarrier.arrive $0xFFFF  }
0xc9: {  	s20 =	rddreg [dreg:$0x4]  }
0xca: {  	[tilespmem:s28], [sflag:$0x9] =	stream.linear.gather [spmem:s20], $0x200, $0x38;
	[tilespmem:$0xF0C0] =	vst v63  }
0xcb: {  	_ =	swait.ge [sflag:s29], $0x200  }
0xcc: {  	[sflag:s29] =	ssyncset.done $0x0  }
.Ltmp4:
0xcd: {  	s6 =	rddreg [dreg:$0x14];
	[sflag:s29] =	ssyncadd.s32 $0xFFFFFE00;
	(pc) =	sbr.rel @!p0 .LBB2_8-.Ltmp4, $4  }
0xce: {  	[hbm4b:s6+s3] =	stream.linear.scatter [tilespmem:s28], [sflag:$0x9], $0x200, $0x38;
	[tilespmem:$0xF0C0] =	vst v63  }
0xcf: {  	_ =	swait.ge [sflag:s29], $0x200  }
0xd0: {  	s19 =	rddreg [dreg:$0x3]  }
0xd1: {  	s18 =	smov.u32 s20;
	[sflag:s29] =	ssyncset.done $0x0;
	s5 =	sadd.s32 $0xFFFFFFFF, s19  }
.LBB2_7:
0xd2: {  	[sflag:s29] =	ssyncadd.s32 $0xFFFFFE00;
	s6 =	sadd.s32 $0x40, s6;
	s18 =	sadd.s32 $0x200, s18  }
0xd3: {  	[tilespmem:s28], [sflag:$0x9] =	stream.linear.gather [spmem:s18], $0x200, $0x38;
	[tilespmem:$0xF0C0] =	vst v63  }
0xd4: {  	p0 =	sne.s32 s5, $0x1;
	s5 =	sadd.s32 $0xFFFFFFFF, s5;
	_ =	swait.ge [sflag:s29], $0x200  }
.Ltmp5:
0xd5: {  	[sflag:s29] =	ssyncset.done $0x0;
	(pc) =	sbr.rel @p0 .LBB2_7-.Ltmp5, $4  }
0xd6: {  	[sflag:s29] =	ssyncadd.s32 $0xFFFFFE00  }
0xd7: {  	[hbm4b:s6+s3] =	stream.linear.scatter [tilespmem:s28], [sflag:$0x9], $0x200, $0x38;
	[tilespmem:$0xF0C0] =	vst v63  }
0xd8: {  	_ =	swait.ge [sflag:s29], $0x200  }
0xd9: {  	[sflag:s29] =	ssyncset.done $0x0  }
.LBB2_8:
0xda: {  	s6 =	rddreg [dreg:$0x15]  }
0xdb: {  	s5 =	rddreg [dreg:$0xd];
	s6 =	sadd.s32 $0x1, s6  }
0xdc: {  	p0 =	sne.s32 s6, s5  }
.Ltmp6:
0xdd: {  	_ = 	snop;
	(pc) =	sbr.rel @p0 .LBB2_1-.Ltmp6, $2  }
0xde: {  	_ =	sdelay $0x2  }
0xdf: {  	[sflag:s29] =	ssyncadd.s32 $0xFFFFFE00  }
0xe0: {  	_ =	sfence.sel $0x180000  }
0xe1: {  	[bflag:$0x0] =	sbarrier.arrive $0xFFFF  }
0xe2: {  	_ =	strace $0x9000004D  }
0xe3: {  	s0 =	stileid.u32;
	[bflag:$0x2] =	sbarrier.arrive $0xFFFF  }
0xe4: {  	p0 =	sne.s32 s0, $0x0;
	s0 =	rddreg [dreg:$0x2]  }
0xe5: {  	s0 =	sadd.s32 @!p0 $0x100000, s0  }
0xe6: {  	[sflag:s0] =	ssyncadd.tile.s32 @!p0 $0x1;
	_ =	shalt  }
.Lfunc_end2:
_tile_overlayer_lowered:
.L_overlay_start_2:
0xe7: {  	(tag) =	ssettag $0x2  }
0xe8: {  	s0 =	rddreg [dreg:$0x0];
	s2 =	stileid.u32  }
0xe9: {  	s1 =	rddreg [dreg:$0x1];
	p0 =	sne.s32 s2, $0x0  }
0xea: {  	s3 =	rddreg [dreg:$0x2];
	[bflag:$0x3] =	sbarrier.arrive $0xFFFF;
	s2 =	simm.s32 @!p0 $0x1C09  }
0xeb: {  	[timem:s3], [sflag:s2] =	dma.local @!p0 [hbm:s0], s1  }
0xec: {  	s0 =	simm.s32 @!p0 $0x9  }
0xed: {  	_ =	swait.ge @!p0 [sflag:s0], s1  }
0xee: {  	s1 =	ssub.s32 @!p0 $0x0, s1;
	[sflag:s0] =	ssyncset.done @!p0 $0x0  }
0xef: {  	[sflag:s0] =	ssyncadd.s32 @!p0 s1  }
0xf0: {  	[bflag:$0x3] =	sbarrier.arrive $0xFFFF  }
0xf1: {  	_ =	shalt  }

// kernel: kernel.20.cloned.1.call-start
scs
__scs_entry_jumppad:
0x0: {  	(pc) =	sbr.rel $0x88, $3  }
0x1: {  	(tag) =	ssettag $0x0;
	lr =	simm.s32 $0x1  }
0x2: {  	[smem:$0x3F92] =	sst lr;
	_ =	strace $0xD0000000  }
0x3: {  	_ = 	snop  }
0x4: {  	_ = 	snop  }
0x5: {  	_ = 	snop  }
0x6: {  	_ = 	snop  }
0x7: {  	_ = 	snop  }
__scs_overlays_trampoline_lowered:
0x8: {  	[smem:$0x3FA1] =	sst s0  }
0x9: {  	[smem:$0x3FA2] =	sst s1  }
0xa: {  	[smem:$0x3FA3] =	sst s2  }
0xb: {  	[smem:$0x3FA4] =	sst s3  }
0xc: {  	[smem:$0x3FA5] =	sst s4  }
0xd: {  	[smem:$0x3FA6] =	sst s5  }
0xe: {  	[smem:$0x3FA7] =	sst s6  }
0xf: {  	[smem:$0x3FA8] =	sst s7  }
0x10: {  	[smem:$0x3FA9] =	sst s8  }
0x11: {  	[smem:$0x3FAA] =	sst s9;
	s0 =	simm.s32 @!p0 $0x0  }
0x12: {  	s1 =	sld [smem:$0x3F90];
	s0 =	simm.s32 @p0 $0x1  }
0x13: {  	[smem:$0x3FAB] =	sst s0;
	s0 =	simm.s32 @!p1 $0x0  }
0x14: {  	s2 =	sld [smem:$0x3F8F];
	s0 =	simm.s32 @p1 $0x1  }
0x15: {  	[smem:$0x3FAC] =	sst s0;
	s0 =	simm.s32 @!p2 $0x0  }
0x16: {  	s3 =	sld [smem:$0x3FDB];
	s0 =	simm.s32 @p2 $0x1  }
0x17: {  	s4 =	simm.s32 $0x1BF5;
	[smem:$0x3FAE] =	sst s0  }
0x18: {  	s0 =	sld [smem:$0x3F91];
	_ =	swait.ge [sflag:s4], $0x0  }
0x19: {  	s7 =	sld [smem:$0x3F92]  }
0x1a: {  	s8 =	sadd.s32 $0xFFFFE003, lr  }
0x1b: {  	s9 =	sadd.s32 $0xFFFFFEF7, lr;
	s5 =	simm.s32 $0xFFFFFFFF;
	p2 =	slt.u32 s8, $0xFFFFF086  }
0x1c: {  	p1 =	slt.u32 s9, $0xF7A;
	s5 =	simm.s32 @!p2 $0x0  }
0x1d: {  	s5 =	simm.s32 @p1 $0x1;
	p0 =	seq.s32 s7, s2  }
0x1e: {  	s7 =	smul.u32 @!p0 $0xF7A, s2;
	p2 =	seq.s32 @!p0 s5, $0x0  }
0x1f: {  	s9 =	smul.u32 $0xF7A, s1;
	s8 =	simm.s32 @!p0 $0x1BF5;
	p2 =	por !p2, p0  }
0x20: {  	[sflag:s8] =	ssyncset.s32 @!p0 $0xFFFFF086;
	s6 =	sadd.s32 @!p0 s3, s7;
	s7 =	simm.s32 @!p0 $0x108  }
0x21: {  	s3 =	sadd.s32 s3, s9;
	s6 =	sadd.s32 @!p0 $0x88, s6;
	s7 =	simm.s32 @p2 $0x1082  }
0x22: {  	[simem:s7], [sflag:s8] =	dma.local @!p0 [hbm:s6], $0xF7A  }
0x23: {  	s9 =	sor.u32 $0xD0000000, s2;
	s6 =	simm.s32 $0x108;
	_ =	swait.ge @!p0 [sflag:s8], $0x0  }
0x24: {  	s3 =	sadd.s32 $0x88, s3;
	s6 =	simm.s32 @!p1 $0x1082;
	[sflag:s4] =	ssyncset.s32 $0xFFFFF086  }
0x25: {  	[simem:s6], [sflag:s4] =	dma.local [hbm:s3], $0xF7A  }
0x26: {  	[smem:$0x3F92] =	sst s1;
	(tag) =	ssettag s2;
	_ =	strace s9  }
0x27: {  	s1 =	sld [smem:$0x3FA2]  }
0x28: {  	s2 =	sld [smem:$0x3FA3]  }
0x29: {  	s4 =	sld [smem:$0x3FA5]  }
0x2a: {  	p0 =	seq.s32 s5, $0x0;
	s5 =	sld [smem:$0x3FA6]  }
0x2b: {  	s6 =	sld [smem:$0x3FA7]  }
0x2c: {  	s7 =	sld [smem:$0x3FA8]  }
0x2d: {  	s3 =	simm.s32 $0x108;
	s8 =	sld [smem:$0x3FA9]  }
0x2e: {  	s3 =	simm.s32 @!p0 $0x1082;
	s9 =	sld [smem:$0x3FAA]  }
0x2f: {  	lr =	sadd.s32 s0, s3;
	s0 =	sld [smem:$0x3FA1]  }
0x30: {  	s3 =	sld [smem:$0x3FA4]  }
0x31: {  	[smem:$0x3FAD] =	sst s10  }
0x32: {  	s10 =	sld [smem:$0x3FAB];
	_ =	sdelay $0x3  }
0x33: {  	p0 =	seq.s32 s10, $0x1;
	s10 =	sld [smem:$0x3FAD];
	_ =	sdelay $0x3  }
0x34: {  	[smem:$0x3FAD] =	sst s10  }
0x35: {  	s10 =	sld [smem:$0x3FAC];
	_ =	sdelay $0x3  }
0x36: {  	p1 =	seq.s32 s10, $0x1;
	s10 =	sld [smem:$0x3FAD];
	_ =	sdelay $0x3  }
0x37: {  	[smem:$0x3FAD] =	sst s10  }
0x38: {  	s10 =	sld [smem:$0x3FAE]  }
0x39: {  	_ = 	snop;
	(pc) =	sbr.ind lr, $3  }
0x3a: {  	_ = 	snop  }
0x3b: {  	_ = 	snop  }
0x3c: {  	p2 =	seq.s32 s10, $0x1;
	s10 =	sld [smem:$0x3FAD]  }
0x3d: {  	_ =	shalt  }
0x3e: {  	_ =	shalt  }
0x3f: {  	_ =	shalt  }
0x40: {  	_ =	shalt  }
0x41: {  	_ =	shalt  }
0x42: {  	_ =	shalt  }
0x43: {  	_ =	shalt  }
0x44: {  	_ =	shalt  }
0x45: {  	_ =	shalt  }
0x46: {  	_ =	shalt  }
0x47: {  	_ =	shalt  }
0x48: {  	_ =	shalt  }
0x49: {  	_ =	shalt  }
0x4a: {  	_ =	shalt  }
0x4b: {  	_ =	shalt  }
0x4c: {  	_ =	shalt  }
0x4d: {  	_ =	shalt  }
0x4e: {  	_ =	shalt  }
0x4f: {  	_ =	shalt  }
0x50: {  	_ =	shalt  }
0x51: {  	_ =	shalt  }
0x52: {  	_ =	shalt  }
0x53: {  	_ =	shalt  }
0x54: {  	_ =	shalt  }
0x55: {  	_ =	shalt  }
0x56: {  	_ =	shalt  }
0x57: {  	_ =	shalt  }
0x58: {  	_ =	shalt  }
0x59: {  	_ =	shalt  }
0x5a: {  	_ =	shalt  }
0x5b: {  	_ =	shalt  }
0x5c: {  	_ =	shalt  }
0x5d: {  	_ =	shalt  }
0x5e: {  	_ =	shalt  }
0x5f: {  	_ =	shalt  }
0x60: {  	_ =	shalt  }
0x61: {  	_ =	shalt  }
0x62: {  	_ =	shalt  }
0x63: {  	_ =	shalt  }
0x64: {  	_ =	shalt  }
0x65: {  	_ =	shalt  }
0x66: {  	_ =	shalt  }
0x67: {  	_ =	shalt  }
0x68: {  	_ =	shalt  }
0x69: {  	_ =	shalt  }
0x6a: {  	_ =	shalt  }
0x6b: {  	_ =	shalt  }
0x6c: {  	_ =	shalt  }
0x6d: {  	_ =	shalt  }
0x6e: {  	_ =	shalt  }
0x6f: {  	_ =	shalt  }
0x70: {  	_ =	shalt  }
0x71: {  	_ =	shalt  }
0x72: {  	_ =	shalt  }
0x73: {  	_ =	shalt  }
0x74: {  	_ =	shalt  }
0x75: {  	_ =	shalt  }
0x76: {  	_ =	shalt  }
0x77: {  	_ =	shalt  }
0x78: {  	_ =	shalt  }
0x79: {  	_ =	shalt  }
0x7a: {  	_ =	shalt  }
0x7b: {  	_ =	shalt  }
0x7c: {  	_ =	shalt  }
0x7d: {  	_ =	shalt  }
0x7e: {  	_ =	shalt  }
0x7f: {  	_ =	shalt  }
0x80: {  	_ =	shalt  }
0x81: {  	_ =	shalt  }
0x82: {  	_ =	shalt  }
0x83: {  	_ =	shalt  }
0x84: {  	_ =	shalt  }
0x85: {  	_ =	shalt  }
0x86: {  	_ =	shalt  }
0x87: {  	_ =	shalt  }
.Lfunc_end0:
.L_simem_size_0:
called_computation.3_lowered:
.L_overlay_start_0:
0x88: {  	s2 =	sld [smem:$0x3FD9]  }
0x89: {  	s3 =	sld [smem:$0x3FFE];
	_ =	sdelay $0x1  }
0x8a: {  	s1 =	srdreg.scid  }
0x8b: {  	s0 =	sand.u32 $0x1, s1  }
0x8c: {  	s14 =	sshll.u32 s0, $0xA;
	s2 =	sadd.s32 s3, s2  }
0x8d: {  	s2 =	sadd.s32 s2, s14  }
0x8e: {  	[smem:$0x3FB9] =	sst s2  }
0x8f: {  	_ = 	snop  }
0x90: {  	s2 =	sld [smem:$0x3FD0];
	_ =	sdelay $0x2  }
0x91: {  	s15 =	simm.s32 $0xA;
	s4 =	simm.s32 $0x10  }
0x92: {  	[smem:s4], [sflag:s15] =	dma.local [hbm:s2], $0x1  }
0x93: {  	_ =	swait.eq [sflag:s15], $0x1  }
0x94: {  	[sflag:s15] =	ssyncset.done $0x0  }
0x95: {  	s16 =	sld [smem:$0x10];
	[sflag:s15] =	ssyncadd.s32 $0xFFFFFFFF  }
0x96: {  	s17 =	sld [smem:$0x12];
	(tm) =	ssettm $0x1  }
0x97: {  	s18 =	sld [smem:$0x3FFB];
	_ =	sdelay $0x3  }
0x98: {  	_ =	strace s18  }
0x99: {  	s4 =	sld [smem:$0x3FFC];
	_ =	sdelay $0x3  }
0x9a: {  	_ =	strace s4  }
0x9b: {  	s4 =	sld [smem:$0x3FFD];
	_ =	sdelay $0x3  }
0x9c: {  	_ =	strace s4  }
0x9d: {  	_ =	strace $0x8FFFFFFF  }
0x9e: {  	s19 =	sld [smem:$0x3FDB];
	_ =	sdelay $0x1  }
0x9f: {  	s5 =	simm.s32 $_scs_section_size  }
0xa0: {  	s6 =	simm.s32 $_size__tile_overlayer_lowered;
	s7 =	simm.s32 $_tile_overlayer_lowered  }
0xa1: {  	s22 =	simm.s32 $0x1BFF;
	s21 =	sshll.u32 s7, $0x1;
	s4 =	sadd.s32 s5, s19  }
0xa2: {  	s8 =	simm.s32 $0x0;
	s20 =	sshll.u32 s6, $0x1;
	s6 =	sadd.s32 s21, s4  }
0xa3: {  	[timem:s8], [sflag:s22] =	dma.local [hbm:s6], s20  }
0xa4: {  	_ =	swait.ge [sflag:s22], s20  }
0xa5: {  	s5 =	ssub.s32 $0x0, s20;
	[sflag:s22] =	ssyncset.done $0x0  }
0xa6: {  	[sflag:s22] =	ssyncadd.s32 s5;
	_ =	sdelay $0x1  }
0xa7: {  	s23 =	simm.s32 $0x1B8B  }
0xa8: {  	_ =	swait.ge [sflag:s23], $0x1  }
0xa9: {  	[sflag:s23] =	ssyncset.done $0x0  }
0xaa: {  	s25 =	simm.s32 $0x1B8E;
	s24 =	sld [smem:$0x3FFE];
	[sflag:s23] =	ssyncadd.s32 $0xFFFFFFFF  }
0xab: {  	s26 =	simm.s32 $execute0_lowered;
	[smem:$0x3FD2] =	sst s25  }
0xac: {  	s6 =	sshll.u32 s26, $0x1;
	_ =	strace $0x8000004F;
	[dreg:$0x1] =	wrdreg $0xFFFFFFFF  }
0xad: {  	s28 =	simm.s32 $_size_execute0_lowered;
	s4 =	sadd.s32 s4, s6;
	[dreg:$0x0] =	wrdreg $0x0  }
0xae: {  	s6 =	sshll.u32 s28, $0x1;
	[dreg:$0x2] =	wrdreg s4  }
0xaf: {  	[dreg:$0x3] =	wrdreg s6  }
0xb0: {  	[dreg:$0x4] =	wrdreg $0xC0  }
0xb1: {  	_ =	task [dreg:s8], $0x5FFFF  }
0xb2: {  	[dreg:$0x1] =	wrdreg $0xFFFFFFFF  }
0xb3: {  	[dreg:$0x0] =	wrdreg $0x60  }
0xb4: {  	[dreg:$0x2] =	wrdreg s24  }
0xb5: {  	[dreg:$0x3] =	wrdreg s16  }
0xb6: {  	[dreg:$0x4] =	wrdreg s17  }
0xb7: {  	[dreg:$0x5] =	wrdreg $0x9  }
0xb8: {  	_ =	task.clear_ibuf [dreg:s8], $0x6FFFF;
	_ =	strace $0x9000004F  }
0xb9: {  	s29 =	simm.s32 $0x9;
	_ =	strace $0x80000051  }
0xba: {  	_ =	swait.ge [sflag:s29], $0x1  }
0xbb: {  	[sflag:s29] =	ssyncadd.s32 $0xFFFFFFFF  }
0xbc: {  	_ =	strace $0x90000051  }
0xbd: {  	_ =	sfence  }
0xbe: {  	s30 =	sld [smem:$0x0];
	_ =	sdelay $0x2  }
0xbf: {  	s31 =	sshll.u32 s1, $0xD;
	s1 =	sshrl.u32 s1, $0x2  }
0xc0: {  	s3 =	sand.u32 $0x4000, s31;
	s1 =	sadd.s32 s1, s30  }
0xc1: {  	s0 =	sor.u32 s3, s0;
	s1 =	sshll.u32 s1, $0x11  }
0xc2: {  	s0 =	sor.u32 s1, s0  }
0xc3: {  	s0 =	sadd.s32 $0x8F2B, s0  }
0xc4: {  	[sflag:s0] =	ssyncadd.remote.s32 $0x1  }
0xc5: {  	_ =	sfence.sel $0xFFFF  }
0xc6: {  	[dreg:$0x0] =	wrdreg $0xFFFFFFFF;
	(pc) =	sbr.abs _section_cstart, $3  }
0xc7: {  	[dreg:$0x1] =	wrdreg $0xFFFFFFFF  }
0xc8: {  	_ =	task.clear_ibuf [dreg:s8], $0x2FFFF;
	_ =	strace $0x9FFFFFFF  }
0xc9: {  	(tm) =	ssettm $0x7FFFFFFF  }
tec
execute0_lowered:
.L_overlay_start_1:
0x0: {  	(tag) =	ssettag $0x1  }
0x1: {  	s2 =	rddreg [dreg:$0x0]  }
0x2: {  	s8 =	rddreg [dreg:$0x1]  }
0x3: {  	s7 =	rddreg [dreg:$0x2]  }
0x4: {  	s0 =	rddreg [dreg:$0x3]  }
0x5: {  	s1 =	simm.s32 $0x0;
	s3 =	srdreg.scid;
	s12 =	simm.s32 $0x2100  }
0x6: {  	s13 =	simm.s32 $0x1;
	s14 =	simm.s32 $0x2;
	s15 =	simm.s32 $0x0  }
0x7: {  	[smem:$0x7FF] =	sst s1;
	s4 =	sand.u32 $0x1, s3;
	s3 =	sadd.s32 $0x4200, s2  }
0x8: {  	_ =	strace $0x80000050;
	s5 =	ssub.s32 $0x2, s4;
	s6 =	sshll.u32 s4, $0x10  }
0x9: {  	s9 =	sshrl.u32 s5, $0x1;
	s6 =	sadd.s32 s6, s2;
	s2 =	stileid.u32  }
0xa: {  	s31 =	sshll.u32 s4, $0xD;
	s5 =	ssub.s32 s5, s9;
	s11 =	sshll.u32 s2, $0xC  }
0xb: {  	s10 =	sshll.u32 s2, $0x9;
	s4 =	smax.u32 s5, $0x1;
	s6 =	sadd.s32 s11, s6  }
0xc: {  	s9 =	sor.u32 s10, s31;
	s10 =	simm.s32 $0x80;
	s11 =	simm.s32 $0x100  }
0xd: {  	s5 =	sadd.s32 $0x17C00, s6;
	s6 =	sadd.s32 $0x37C00, s6;
	s9 =	sshrl.u32 s9, $0x3  }
0xe: {  	s7 =	sadd.s32 s9, s7;
	s8 =	sadd.s32 s9, s8;
	s9 =	simm.s32 $0x3  }
.LBB2_1:
0xf: {  	s16 =	sadd.s32 $0x0, s8  }
0x10: {  	[tilespmem:s1], [sflag:$0x3] =	stream.linear.gather [hbm4b:s16+s1], $0x80, $0x38;
	[tilespmem:$0x4100] =	vst v63  }
0x11: {  	_ =	swait.ge [sflag:s9], $0x80  }
0x12: {  	[sflag:s9] =	ssyncset.done $0x0  }
0x13: {  	s31 =	sadd.s32 $0x0, s7;
	[sflag:s9] =	ssyncadd.s32 $0xFFFFFF80  }
0x14: {  	[tilespmem:s10], [sflag:$0x3] =	stream.linear.gather [hbm4b:s31+s1], $0x80, $0x38;
	[tilespmem:$0x4100] =	vst v63  }
0x15: {  	_ =	swait.ge [sflag:s9], $0x80  }
0x16: {  	[sflag:s9] =	ssyncset.done $0x0  }
0x17: {  	[sflag:s9] =	ssyncadd.s32 $0xFFFFFF80  }
0x18: {  	[tilespmem:s11], [sflag:$0x1] =	stream.indirect.gather [hbm4b:s3+s10], $0x40, s1, s10, $0xb8;
	[tilespmem:$0x4100] =	vst v63  }
0x19: {  	_ = 	snop  }
0x1a: {  	[tilespmem:s12], [sflag:$0x2] =	stream.indirect.gather [hbm4b:s3+s10], $0x40, s10, s10, $0xb8;
	[tilespmem:$0x4100] =	vst v63  }
0x1b: {  	_ =	swait.ge [sflag:s13], $0x2000  }
0x1c: {  	[sflag:s13] =	ssyncset.done $0x0  }
0x1d: {  	[sflag:s13] =	ssyncadd.s32 $0xFFFFE000  }
0x1e: {  	[hbm4b:s6+s1] =	stream.linear.scatter [tilespmem:s11], [sflag:$0x3], $0x2000, $0x38;
	[tilespmem:$0x4100] =	vst v63  }
0x1f: {  	_ =	swait.ge [sflag:s9], $0x2000  }
0x20: {  	[sflag:s9] =	ssyncset.done $0x0  }
0x21: {  	[sflag:s9] =	ssyncadd.s32 $0xFFFFE000  }
0x22: {  	_ =	swait.ge [sflag:s14], $0x2000  }
0x23: {  	[sflag:s14] =	ssyncset.done $0x0  }
0x24: {  	[sflag:s14] =	ssyncadd.s32 $0xFFFFE000  }
0x25: {  	[hbm4b:s5+s1] =	stream.linear.scatter [tilespmem:s12], [sflag:$0x3], $0x2000, $0x38;
	[tilespmem:$0x4100] =	vst v63  }
0x26: {  	s18 =	simm.s32 $0x10;
	s19 =	simm.s32 $0x20;
	_ =	swait.ge [sflag:s9], $0x2000  }
0x27: {  	s17 =	sadd.s32 $0x400, s6;
	s16 =	sadd.s32 $0x400, s5;
	[sflag:s9] =	ssyncset.done $0x0  }
.LBB2_2:
0x28: {  	s20 =	sadd.s32 s18, s8  }
0x29: {  	[sflag:s9] =	ssyncadd.s32 $0xFFFFE000;
	s21 =	smov.u32 s19;
	s22 =	sadd.s32 $0x10, s19  }
0x2a: {  	[tilespmem:s1], [sflag:$0x3] =	stream.linear.gather [hbm4b:s20+s1], $0x80, $0x38;
	[tilespmem:$0x4100] =	vst v63  }
0x2b: {  	p0 =	sne.s32 s19, $0x30;
	_ =	swait.ge [sflag:s9], $0x80  }
0x2c: {  	[sflag:s9] =	ssyncset.done $0x0  }
0x2d: {  	s19 =	sadd.s32 s18, s7;
	s18 =	smov.u32 s21;
	[sflag:s9] =	ssyncadd.s32 $0xFFFFFF80  }
0x2e: {  	[tilespmem:s10], [sflag:$0x3] =	stream.linear.gather [hbm4b:s19+s1], $0x80, $0x38;
	[tilespmem:$0x4100] =	vst v63  }
0x2f: {  	_ =	swait.ge [sflag:s9], $0x80  }
0x30: {  	[sflag:s9] =	ssyncset.done $0x0  }
0x31: {  	[sflag:s9] =	ssyncadd.s32 $0xFFFFFF80  }
0x32: {  	[tilespmem:s11], [sflag:$0x1] =	stream.indirect.gather [hbm4b:s3+s10], $0x40, s1, s10, $0xb8;
	[tilespmem:$0x4100] =	vst v63  }
0x33: {  	_ = 	snop  }
0x34: {  	[tilespmem:s12], [sflag:$0x2] =	stream.indirect.gather [hbm4b:s3+s10], $0x40, s10, s10, $0xb8;
	[tilespmem:$0x4100] =	vst v63  }
0x35: {  	_ =	swait.ge [sflag:s13], $0x2000  }
0x36: {  	[sflag:s13] =	ssyncset.done $0x0  }
0x37: {  	[sflag:s13] =	ssyncadd.s32 $0xFFFFE000  }
0x38: {  	[hbm4b:s17+s1] =	stream.linear.scatter [tilespmem:s11], [sflag:$0x3], $0x2000, $0x38;
	[tilespmem:$0x4100] =	vst v63  }
0x39: {  	_ =	swait.ge [sflag:s9], $0x2000  }
0x3a: {  	[sflag:s9] =	ssyncset.done $0x0  }
0x3b: {  	[sflag:s9] =	ssyncadd.s32 $0xFFFFE000  }
0x3c: {  	_ =	swait.ge [sflag:s14], $0x2000  }
.Ltmp0:
0x3d: {  	[sflag:s14] =	ssyncset.done $0x0;
	(pc) =	sbr.rel @p0 .LBB2_2-.Ltmp0, $4  }
0x3e: {  	[sflag:s14] =	ssyncadd.s32 $0xFFFFE000  }
0x3f: {  	[hbm4b:s16+s1] =	stream.linear.scatter [tilespmem:s12], [sflag:$0x3], $0x2000, $0x38;
	[tilespmem:$0x4100] =	vst v63  }
0x40: {  	s19 =	smov.u32 s22;
	_ =	swait.ge [sflag:s9], $0x2000  }
0x41: {  	s17 =	sadd.s32 $0x400, s17;
	s16 =	sadd.s32 $0x400, s16;
	[sflag:s9] =	ssyncset.done $0x0  }
0x42: {  	s19 =	sadd.s32 s18, s8;
	[sflag:s9] =	ssyncadd.s32 $0xFFFFE000  }
0x43: {  	[tilespmem:s1], [sflag:$0x3] =	stream.linear.gather [hbm4b:s19+s1], $0x80, $0x38;
	[tilespmem:$0x4100] =	vst v63  }
0x44: {  	_ =	swait.ge [sflag:s9], $0x80  }
0x45: {  	[sflag:s9] =	ssyncset.done $0x0  }
0x46: {  	s31 =	sadd.s32 s18, s7;
	[sflag:s9] =	ssyncadd.s32 $0xFFFFFF80  }
0x47: {  	[tilespmem:s10], [sflag:$0x3] =	stream.linear.gather [hbm4b:s31+s1], $0x80, $0x38;
	[tilespmem:$0x4100] =	vst v63  }
0x48: {  	_ =	swait.ge [sflag:s9], $0x80  }
0x49: {  	[sflag:s9] =	ssyncset.done $0x0  }
0x4a: {  	[sflag:s9] =	ssyncadd.s32 $0xFFFFFF80  }
0x4b: {  	[tilespmem:s11], [sflag:$0x1] =	stream.indirect.gather [hbm4b:s3+s10], $0x40, s1, s10, $0xb8;
	[tilespmem:$0x4100] =	vst v63  }
0x4c: {  	_ = 	snop  }
0x4d: {  	[tilespmem:s12], [sflag:$0x2] =	stream.indirect.gather [hbm4b:s3+s10], $0x40, s10, s10, $0xb8;
	[tilespmem:$0x4100] =	vst v63  }
0x4e: {  	_ =	swait.ge [sflag:s13], $0x2000  }
0x4f: {  	[sflag:s13] =	ssyncset.done $0x0  }
0x50: {  	[sflag:s13] =	ssyncadd.s32 $0xFFFFE000  }
0x51: {  	[hbm4b:s17+s1] =	stream.linear.scatter [tilespmem:s11], [sflag:$0x3], $0x2000, $0x38;
	[tilespmem:$0x4100] =	vst v63  }
0x52: {  	_ =	swait.ge [sflag:s9], $0x2000  }
0x53: {  	[sflag:s9] =	ssyncset.done $0x0  }
0x54: {  	[sflag:s9] =	ssyncadd.s32 $0xFFFFE000  }
0x55: {  	s15 =	sadd.s32 $0x1, s15;
	_ =	swait.ge [sflag:s14], $0x2000  }
0x56: {  	p0 =	sne.s32 s15, s4;
	[sflag:s14] =	ssyncset.done $0x0  }
.Ltmp1:
0x57: {  	[sflag:s14] =	ssyncadd.s32 $0xFFFFE000;
	(pc) =	sbr.rel @p0 .LBB2_1-.Ltmp1, $4  }
0x58: {  	[hbm4b:s16+s1] =	stream.linear.scatter [tilespmem:s12], [sflag:$0x3], $0x2000, $0x38;
	[tilespmem:$0x4100] =	vst v63  }
0x59: {  	_ =	swait.ge [sflag:s9], $0x2000  }
0x5a: {  	[sflag:s9] =	ssyncset.done $0x0  }
0x5b: {  	[sflag:s9] =	ssyncadd.s32 $0xFFFFE000  }
0x5c: {  	_ =	sfence.sel $0x180000  }
0x5d: {  	[bflag:$0x0] =	sbarrier.arrive $0xFFFF  }
0x5e: {  	p0 =	sne.s32 s2, $0x0;
	_ =	strace $0x90000050  }
0x5f: {  	s0 =	sadd.s32 @!p0 $0x100000, s0;
	[bflag:$0x2] =	sbarrier.arrive $0xFFFF  }
0x60: {  	[sflag:s0] =	ssyncadd.tile.s32 @!p0 $0x1;
	_ =	shalt  }
.Lfunc_end2:
_tile_overlayer_lowered:
.L_overlay_start_2:
0x61: {  	(tag) =	ssettag $0x2  }
0x62: {  	s0 =	rddreg [dreg:$0x0];
	s2 =	stileid.u32  }
0x63: {  	s1 =	rddreg [dreg:$0x1];
	p0 =	sne.s32 s2, $0x0  }
0x64: {  	s3 =	rddreg [dreg:$0x2];
	[bflag:$0x3] =	sbarrier.arrive $0xFFFF;
	s2 =	simm.s32 @!p0 $0x1C03  }
0x65: {  	[timem:s3], [sflag:s2] =	dma.local @!p0 [hbm:s0], s1  }
0x66: {  	s0 =	simm.s32 @!p0 $0x3  }
0x67: {  	_ =	swait.ge @!p0 [sflag:s0], s1  }
0x68: {  	s1 =	ssub.s32 @!p0 $0x0, s1;
	[sflag:s0] =	ssyncset.done @!p0 $0x0  }
0x69: {  	[sflag:s0] =	ssyncadd.s32 @!p0 s1  }
0x6a: {  	[bflag:$0x3] =	sbarrier.arrive $0xFFFF  }
0x6b: {  	_ =	shalt  }

</sc_bundles>
